<compile_context>
chip_gen: v7x
topology: tpu7x:2x2x1
jax: 0.10.2.dev20260603
libtpu: 0.0.44.dev20260713+nightly
codegen_flags: <defaults>
</compile_context>

<pallas_src>
import functools

import jax
import jax.numpy as jnp
from jax import lax
from jax.experimental import pallas as pl
from jax.experimental.pallas import tpu as pltpu
from jax.experimental.pallas import tpu_sc as plsc

NUM_FIELDS = 26
VOCAB = 100000
DIM = 32
BATCH = 16384

N = BATCH * NUM_FIELDS
NW = 32
BPW = BATCH // NW
BCH = 32
CPW = BPW // BCH
CH = BCH * NUM_FIELDS
SUB = 128
NFULL = CH // SUB
TAIL = CH - NFULL * SUB
SUMW = 128
FPS = BATCH // SUMW


def _body(idxrm, idxt, fixed, tab2, out,
          sumbuf, idxbuf, gidxbuf, rows, fixv, nzv, nzall, shared, sem, sem2):
    nc = plsc.get_sparse_core_info().num_cores
    sid = lax.axis_index("s")
    wid = sid * nc + lax.axis_index("c")

    pltpu.sync_copy(fixed, fixv)
    fix_lo = fixv[pl.ds(0, 16)]
    fix_hi = fixv[pl.ds(16, 16)]

    def field_nz(f):
        pltpu.sync_copy(
            idxt.at[pl.ds(pl.multiple_of(f * FPS, FPS), FPS)], sumbuf)

        def sbody(i, acc):
            return acc + sumbuf[i // 8, pl.ds((i % 8) * 16, 16)]

        acc = lax.fori_loop(0, BATCH // 16, sbody,
                            jnp.zeros((16,), jnp.int32))
        t = acc[0]
        for i in range(1, 16):
            t = t | acc[i]
        return t

    def publish(f, slot):
        nzbit = field_nz(f)
        nzv[pl.ds(0, 16)] = jnp.full((16,), 1, jnp.int32) * nzbit
        pltpu.sync_copy(nzv, shared.at[pl.ds(slot * 16, 16)])

    publish(sid, sid)

    @pl.when(sid < NUM_FIELDS - 16)
    def _():
        publish(sid + 16, sid + 16)

    plsc.subcore_barrier()
    pltpu.sync_copy(shared, nzall)

    m = nzall[pl.ds(0, 16)]
    for f in range(1, NUM_FIELDS):
        m = jnp.minimum(m, jnp.abs(nzall[pl.ds(f * 16, 16)]))
    any_masked = m[0] == 0

    def unit(j, carry):
        bbase = wid * BPW + j * BCH
        base = pl.multiple_of(bbase * NUM_FIELDS, 16)
        pltpu.sync_copy(idxrm.at[pl.ds(base, CH)], idxbuf)
        for g in range(CH // 16):
            pos = lax.iota(jnp.int32, 16) + (base + g * 16)
            offs = lax.rem(pos, NUM_FIELDS) * VOCAB
            gidxbuf[pl.ds(g * 16, 16)] = idxbuf[pl.ds(g * 16, 16)] + offs
        copies = [
            pltpu.async_copy(tab2.at[gidxbuf.at[pl.ds(p * SUB, SUB)]],
                             rows.at[pl.ds(p * SUB, SUB)], sem)
            for p in range(NFULL)
        ]
        copies.append(
            pltpu.async_copy(tab2.at[gidxbuf.at[pl.ds(NFULL * SUB, TAIL)]],
                             rows.at[pl.ds(NFULL * SUB, TAIL)], sem))
        for cp in copies:
            cp.wait()

        @pl.when(any_masked)
        def _():
            def fix(r, cy):
                fr = lax.rem(base + r, NUM_FIELDS)
                v = nzall[pl.ds(fr * 16, 16)]
                msk = v[0] == 0
                lo = rows[r, pl.ds(0, 16)]
                hi = rows[r, pl.ds(16, 16)]
                rows[r, pl.ds(0, 16)] = jnp.where(msk, fix_lo, lo)
                rows[r, pl.ds(16, 16)] = jnp.where(msk, fix_hi, hi)
                return cy
            lax.fori_loop(0, CH, fix, 0)

        outcps = [
            pltpu.async_copy(rows.at[pl.ds(bl * NUM_FIELDS, NUM_FIELDS)],
                             out.at[bbase + bl], sem2)
            for bl in range(BCH)
        ]
        for cp in outcps:
            cp.wait()
        return carry

    lax.fori_loop(0, CPW, unit, 0)


@jax.jit
def _run(idxrm, idxt, fixed, tab2):
    mesh = plsc.VectorSubcoreMesh(core_axis_name="c", subcore_axis_name="s")
    kern = functools.partial(
        pl.kernel,
        out_type=jax.ShapeDtypeStruct((BATCH, NUM_FIELDS, DIM), jnp.float32),
        mesh=mesh,
        scratch_types=[
            pltpu.VMEM((FPS, SUMW), jnp.int32),
            pltpu.VMEM((CH,), jnp.int32),
            pltpu.VMEM((CH,), jnp.int32),
            pltpu.VMEM((CH, DIM), jnp.float32),
            pltpu.VMEM((DIM,), jnp.float32),
            pltpu.VMEM((16,), jnp.int32),
            pltpu.VMEM((32 * 16,), jnp.int32),
            pltpu.VMEM_SHARED((32 * 16,), jnp.int32),
            pltpu.SemaphoreType.DMA,
            pltpu.SemaphoreType.DMA,
        ],
        compiler_params=pltpu.CompilerParams(use_tc_tiling_on_sc=False),
    )(_body)
    return kern(idxrm, idxt, fixed, tab2)


def kernel(sparse_inputs, tables, fixed_vector):
    si = sparse_inputs.astype(jnp.int32)
    idxrm = si.reshape(N)
    idxt = si.T.reshape(NUM_FIELDS * FPS, SUMW)
    tab2 = tables.reshape(NUM_FIELDS * VOCAB, DIM)
    return _run(idxrm, idxt, fixed_vector, tab2)

# --- scband reference (transcript-rebuilt; emitter-appended) ---
"""Pipeline reference for scband-sparse-embedding-7859790151784 (READ-ONLY COPY).

The authoritative reference and input builder live on the scoring server;
editing this copy changes nothing except your own understanding.
"""

import jax, jax.numpy as jnp
import numpy as np

NUM_FIELDS = 26
VOCAB = 100000
DIM = 32
BATCH = 16384


def setup_inputs(seed: int = 0) -> dict:
    key = jax.random.key(seed)
    k1, k2 = jax.random.split(key)
    sparse_inputs = jax.random.randint(k1, (BATCH, NUM_FIELDS), 0, VOCAB)
    tables = jax.random.normal(k2, (NUM_FIELDS, VOCAB, DIM), dtype=jnp.float32) * 0.05
    fixed_vector = jnp.zeros((DIM,), dtype=jnp.float32)
    return {"sparse_inputs": sparse_inputs, "tables": tables, "fixed_vector": fixed_vector}


def reference(sparse_inputs, tables, fixed_vector):
    sparse_outputs = []
    for i in range(NUM_FIELDS):
        col_input = sparse_inputs[:, i]
        lookup_emb = jnp.take(tables[i], jnp.abs(col_input), axis=0)
        # mask = (col==0 | col==-2) & (col>100000 | sum(col,0,keepdims)==0)
        cond_a = jnp.equal(col_input, 0) | jnp.equal(col_input, -2)
        cond_b = jnp.greater(col_input, 100000) | jnp.equal(jnp.sum(col_input, axis=0, keepdims=True), 0)
        mask = cond_a & cond_b
        mask_casted = mask.astype(jnp.float32)
        mask_casted_e = jnp.expand_dims(mask_casted, axis=-1)
        dummy_concat = jnp.concatenate([mask_casted_e, mask_casted_e], axis=1)
        # SplitV into [1,1] along axis 1; take the first split
        split_noise = dummy_concat[:, 0:1] * 0.0
        neg_noise = -split_noise
        lookup_emb = lookup_emb + neg_noise
        dummy_noise = jnp.expand_dims(mask.astype(jnp.float32) * 0.0, axis=-1)
        lookup_emb = lookup_emb + dummy_noise
        mask_expanded = jnp.expand_dims(mask, -1)
        output_v2 = jnp.where(mask_expanded, fixed_vector, lookup_emb)
        mask_neg = jnp.expand_dims(jnp.equal(col_input, -1), -1)
        mask_neg_tiled = jnp.tile(mask_neg, (1, DIM))
        ones_target = jnp.ones_like(output_v2)
        final_output = jnp.where(mask_neg_tiled, ones_target, output_v2)
        sparse_outputs.append(final_output)
    result = jnp.stack(sparse_outputs, axis=1)
    return result

if __name__ == "__main__":
    import jax
    _d = setup_inputs()
    print(jax.jit(kernel)(*tuple(_d.values())))

</pallas_src>

<mosaic_0001>
#map = affine_map<(d0, d1) -> (0)>
#map1 = affine_map<(d0, d1) -> (0, 0)>
#map2 = affine_map<(d0, d1) -> (0, 0, 0)>
module attributes {stable_mosaic.version = 14 : i64} {
  func.func @_body(%arg0: i32, %arg1: i32, %arg2: memref<425984xi32, #tpu.memory_space<hbm>>, %arg3: memref<3328x128xi32, #tpu.memory_space<hbm>>, %arg4: memref<32xf32, #tpu.memory_space<hbm>>, %arg5: memref<2600000x32xf32, #tpu.memory_space<hbm>>, %arg6: memref<16384x26x32xf32, #tpu.memory_space<hbm>>, %arg7: memref<128x128xi32, #tpu.memory_space<vmem>>, %arg8: memref<832xi32, #tpu.memory_space<vmem>>, %arg9: memref<832xi32, #tpu.memory_space<vmem>>, %arg10: memref<832x32xf32, #tpu.memory_space<vmem>>, %arg11: memref<32xf32, #tpu.memory_space<vmem>>, %arg12: memref<16xi32, #tpu.memory_space<vmem>>, %arg13: memref<512xi32, #tpu.memory_space<vmem>>, %arg14: memref<512xi32, #tpu.memory_space<vmem_shared>>, %arg15: memref<!tpu.dma_semaphore, #tpu.memory_space<semaphore_mem>>, %arg16: memref<!tpu.dma_semaphore, #tpu.memory_space<semaphore_mem>>) attributes {dimension_semantics = [#tpu.dimension_semantics<core_parallel>, #tpu.dimension_semantics<subcore_parallel>], iteration_bounds = array<i64: 2, 16>, scalar_prefetch = 0 : i64, scratch_operands = 10 : i64, tpu.core_type = #tpu.core_type<sc_vector_subcore>, window_params = [{transform_indices = #map}, {transform_indices = #map1}, {transform_indices = #map}, {transform_indices = #map1}, {transform_indices = #map2}]} {
    %mul3A = arith.constant 2 : i32
    %mul3A_0 = arith.muli %arg1, %mul3A : i32
    %add3A = arith.addi %mul3A_0, %arg0 : i32
    "tpu.region"() ({
      %run_scoped3A = tpu.sem_alloc : memref<!tpu.dma_semaphore, #tpu.memory_space<semaphore_mem>>
      tpu.enqueue_dma source(%arg4 : memref<32xf32, #tpu.memory_space<hbm>>) target(%arg11 : memref<32xf32, #tpu.memory_space<vmem>>) target_semaphore(%run_scoped3A : memref<!tpu.dma_semaphore, #tpu.memory_space<semaphore_mem>>)
      tpu.wait_dma2 semaphore(%run_scoped3A : memref<!tpu.dma_semaphore, #tpu.memory_space<semaphore_mem>>) src(%arg4 : memref<32xf32, #tpu.memory_space<hbm>>) dst(%arg11 : memref<32xf32, #tpu.memory_space<vmem>>)
      tpu.yield
    }) : () -> ()
    %get3A = arith.constant 0 : index
    %get3A_1 = tpu.vector_load %arg11[%get3A] {strides = array<i32>} : memref<32xf32, #tpu.memory_space<vmem>>, vector<16xf32>,
    %get3A_2 = vector.shape_cast %get3A_1 : vector<16xf32> to vector<16xf32>
    %get3A_3 = arith.constant 16 : index
    %get3A_4 = tpu.vector_load %arg11[%get3A_3] {strides = array<i32>} : memref<32xf32, #tpu.memory_space<vmem>>, vector<16xf32>,
    %get3A_5 = vector.shape_cast %get3A_4 : vector<16xf32> to vector<16xf32>
    %mul3A_6 = arith.constant 128 : i32
    %mul3A_7 = arith.muli %arg1, %mul3A_6 : i32
    %multiple_of3A = tpu.assume_multiple %mul3A_7, 128 : i32
    "tpu.region"() ({
      %run_scoped3A = tpu.sem_alloc : memref<!tpu.dma_semaphore, #tpu.memory_space<semaphore_mem>>
      %dma_start3A = arith.constant 0 : i32
      %dma_start3A_204 = tpu.memref_slice %arg3[%multiple_of3A, %dma_start3A] : memref<3328x128xi32, #tpu.memory_space<hbm>> -> memref<128x128xi32, #tpu.memory_space<hbm>>
      %dma_start3A_205 = arith.constant 0 : i32
      %dma_start3A_206 = tpu.memref_slice %arg3[%multiple_of3A, %dma_start3A_205] : memref<3328x128xi32, #tpu.memory_space<hbm>> -> memref<128x128xi32, #tpu.memory_space<hbm>>
      tpu.enqueue_dma source(%dma_start3A_206 : memref<128x128xi32, #tpu.memory_space<hbm>>) target(%arg7 : memref<128x128xi32, #tpu.memory_space<vmem>>) target_semaphore(%run_scoped3A : memref<!tpu.dma_semaphore, #tpu.memory_space<semaphore_mem>>)
      %dma_wait3A = arith.constant 0 : i32
      %dma_wait3A_207 = tpu.memref_slice %arg3[%multiple_of3A, %dma_wait3A] : memref<3328x128xi32, #tpu.memory_space<hbm>> -> memref<128x128xi32, #tpu.memory_space<hbm>>
      %dma_wait3A_208 = arith.constant 0 : i32
      %dma_wait3A_209 = tpu.memref_slice %arg3[%multiple_of3A, %dma_wait3A_208] : memref<3328x128xi32, #tpu.memory_space<hbm>> -> memref<128x128xi32, #tpu.memory_space<hbm>>
      tpu.wait_dma2 semaphore(%run_scoped3A : memref<!tpu.dma_semaphore, #tpu.memory_space<semaphore_mem>>) src(%dma_wait3A_209 : memref<128x128xi32, #tpu.memory_space<hbm>>) dst(%arg7 : memref<128x128xi32, #tpu.memory_space<vmem>>)
      tpu.yield
    }) : () -> ()
    %broadcast_in_dim3A = arith.constant 0 : i32
    %broadcast_in_dim3A_8 = vector.broadcast %broadcast_in_dim3A : i32 to vector<16xi32>
    %scan3A = arith.constant 0 : i32
    %scan3A_9 = arith.constant 1024 : i32
    %scan3A_10 = arith.addi %scan3A, %scan3A_9 : i32
    %scan3A_11 = arith.constant 1 : i32
    %scan3A_12 = scf.for %scan3A_204 = %scan3A to %scan3A_10 step %scan3A_11 iter_args(%scan3A_205 = %broadcast_in_dim3A_8) -> (vector<16xi32>)  : i32 {
      %jit3A = arith.constant 8 : i32
      %div3A = arith.divsi %scan3A_204, %jit3A : i32
      %sign3A = arith.constant 0 : i32
      %sign3A_206 = arith.cmpi sgt, %scan3A_204, %sign3A : i32
      %sign3A_207 = arith.extui %sign3A_206 : i1 to i32
      %sign3A_208 = arith.constant 0 : i32
      %sign3A_209 = arith.cmpi slt, %scan3A_204, %sign3A_208 : i32
      %sign3A_210 = arith.extui %sign3A_209 : i1 to i32
      %sign3A_211 = arith.subi %sign3A_207, %sign3A_210 : i32
      %sign3A_212 = arith.constant 0 : i32
      %sign3A_213 = arith.cmpi sgt, %jit3A, %sign3A_212 : i32
      %sign3A_214 = arith.extui %sign3A_213 : i1 to i32
      %sign3A_215 = arith.constant 0 : i32
      %sign3A_216 = arith.cmpi slt, %jit3A, %sign3A_215 : i32
      %sign3A_217 = arith.extui %sign3A_216 : i1 to i32
      %sign3A_218 = arith.subi %sign3A_214, %sign3A_217 : i32
      %ne3A = arith.cmpi ne, %sign3A_211, %sign3A_218 : i32
      %rem3A = arith.remsi %scan3A_204, %jit3A : i32
      %ne3A_219 = arith.constant 0 : i32
      %ne3A_220 = arith.cmpi ne, %rem3A, %ne3A_219 : i32
      %and3A = arith.andi %ne3A, %ne3A_220 : i1
      %sub3A = arith.constant 1 : i32
      %sub3A_221 = arith.subi %div3A, %sub3A : i32
      %select_n3A = arith.select %and3A, %sub3A_221, %div3A : i32
      %jit3A_222 = arith.constant 8 : i32
      %eq3A_223 = arith.constant 0 : i32
      %eq3A_224 = arith.cmpi eq, %jit3A_222, %eq3A_223 : i32
      %jit3A_225 = arith.constant 1 : i32
      %select_n3A_226 = arith.select %eq3A_224, %jit3A_225, %jit3A_222 : i32
      %rem3A_227 = arith.remsi %scan3A_204, %select_n3A_226 : i32
      %ne3A_228 = arith.constant 0 : i32
      %ne3A_229 = arith.cmpi ne, %rem3A_227, %ne3A_228 : i32
      %lt3A_230 = arith.constant 0 : i32
      %lt3A_231 = arith.cmpi slt, %rem3A_227, %lt3A_230 : i32
      %lt3A_232 = arith.constant 0 : i32
      %lt3A_233 = arith.cmpi slt, %select_n3A_226, %lt3A_232 : i32
      %ne3A_234 = arith.xori %lt3A_231, %lt3A_233 : i1
      %and3A_235 = arith.andi %ne3A_234, %ne3A_229 : i1
      %add3A_236 = arith.addi %rem3A_227, %select_n3A_226 : i32
      %select_n3A_237 = arith.select %and3A_235, %add3A_236, %rem3A_227 : i32
      %mul3A_238 = arith.constant 16 : i32
      %mul3A_239 = arith.muli %select_n3A_237, %mul3A_238 : i32
      %get3A_240 = arith.index_cast %select_n3A : i32 to index
      %get3A_241 = arith.index_cast %mul3A_239 : i32 to index
      %get3A_242 = tpu.vector_load %arg7[%get3A_240, %get3A_241] {strides = array<i32>} : memref<128x128xi32, #tpu.memory_space<vmem>>, vector<1x16xi32>,
      %get3A_243 = vector.shape_cast %get3A_242 : vector<1x16xi32> to vector<16xi32>
      %add3A_244 = arith.addi %scan3A_205, %get3A_243 : vector<16xi32>
      scf.yield %add3A_244 : vector<16xi32>
    }
    %scan3A_13 = arith.constant 1024 : i32
    %slice3A = vector.extract_strided_slice %scan3A_12 {offsets = [0], sizes = [1], strides = [1]} : vector<16xi32> to vector<1xi32>
    %squeeze3A = vector.extract %slice3A[0] : i32 from vector<1xi32>
    %slice3A_14 = vector.extract_strided_slice %scan3A_12 {offsets = [1], sizes = [1], strides = [1]} : vector<16xi32> to vector<1xi32>
    %squeeze3A_15 = vector.extract %slice3A_14[0] : i32 from vector<1xi32>
    %or3A = arith.ori %squeeze3A, %squeeze3A_15 : i32
    %slice3A_16 = vector.extract_strided_slice %scan3A_12 {offsets = [2], sizes = [1], strides = [1]} : vector<16xi32> to vector<1xi32>
    %squeeze3A_17 = vector.extract %slice3A_16[0] : i32 from vector<1xi32>
    %or3A_18 = arith.ori %or3A, %squeeze3A_17 : i32
    %slice3A_19 = vector.extract_strided_slice %scan3A_12 {offsets = [3], sizes = [1], strides = [1]} : vector<16xi32> to vector<1xi32>
    %squeeze3A_20 = vector.extract %slice3A_19[0] : i32 from vector<1xi32>
    %or3A_21 = arith.ori %or3A_18, %squeeze3A_20 : i32
    %slice3A_22 = vector.extract_strided_slice %scan3A_12 {offsets = [4], sizes = [1], strides = [1]} : vector<16xi32> to vector<1xi32>
    %squeeze3A_23 = vector.extract %slice3A_22[0] : i32 from vector<1xi32>
    %or3A_24 = arith.ori %or3A_21, %squeeze3A_23 : i32
    %slice3A_25 = vector.extract_strided_slice %scan3A_12 {offsets = [5], sizes = [1], strides = [1]} : vector<16xi32> to vector<1xi32>
    %squeeze3A_26 = vector.extract %slice3A_25[0] : i32 from vector<1xi32>
    %or3A_27 = arith.ori %or3A_24, %squeeze3A_26 : i32
    %slice3A_28 = vector.extract_strided_slice %scan3A_12 {offsets = [6], sizes = [1], strides = [1]} : vector<16xi32> to vector<1xi32>
    %squeeze3A_29 = vector.extract %slice3A_28[0] : i32 from vector<1xi32>
    %or3A_30 = arith.ori %or3A_27, %squeeze3A_29 : i32
    %slice3A_31 = vector.extract_strided_slice %scan3A_12 {offsets = [7], sizes = [1], strides = [1]} : vector<16xi32> to vector<1xi32>
    %squeeze3A_32 = vector.extract %slice3A_31[0] : i32 from vector<1xi32>
    %or3A_33 = arith.ori %or3A_30, %squeeze3A_32 : i32
    %slice3A_34 = vector.extract_strided_slice %scan3A_12 {offsets = [8], sizes = [1], strides = [1]} : vector<16xi32> to vector<1xi32>
    %squeeze3A_35 = vector.extract %slice3A_34[0] : i32 from vector<1xi32>
    %or3A_36 = arith.ori %or3A_33, %squeeze3A_35 : i32
    %slice3A_37 = vector.extract_strided_slice %scan3A_12 {offsets = [9], sizes = [1], strides = [1]} : vector<16xi32> to vector<1xi32>
    %squeeze3A_38 = vector.extract %slice3A_37[0] : i32 from vector<1xi32>
    %or3A_39 = arith.ori %or3A_36, %squeeze3A_38 : i32
    %slice3A_40 = vector.extract_strided_slice %scan3A_12 {offsets = [10], sizes = [1], strides = [1]} : vector<16xi32> to vector<1xi32>
    %squeeze3A_41 = vector.extract %slice3A_40[0] : i32 from vector<1xi32>
    %or3A_42 = arith.ori %or3A_39, %squeeze3A_41 : i32
    %slice3A_43 = vector.extract_strided_slice %scan3A_12 {offsets = [11], sizes = [1], strides = [1]} : vector<16xi32> to vector<1xi32>
    %squeeze3A_44 = vector.extract %slice3A_43[0] : i32 from vector<1xi32>
    %or3A_45 = arith.ori %or3A_42, %squeeze3A_44 : i32
    %slice3A_46 = vector.extract_strided_slice %scan3A_12 {offsets = [12], sizes = [1], strides = [1]} : vector<16xi32> to vector<1xi32>
    %squeeze3A_47 = vector.extract %slice3A_46[0] : i32 from vector<1xi32>
    %or3A_48 = arith.ori %or3A_45, %squeeze3A_47 : i32
    %slice3A_49 = vector.extract_strided_slice %scan3A_12 {offsets = [13], sizes = [1], strides = [1]} : vector<16xi32> to vector<1xi32>
    %squeeze3A_50 = vector.extract %slice3A_49[0] : i32 from vector<1xi32>
    %or3A_51 = arith.ori %or3A_48, %squeeze3A_50 : i32
    %slice3A_52 = vector.extract_strided_slice %scan3A_12 {offsets = [14], sizes = [1], strides = [1]} : vector<16xi32> to vector<1xi32>
    %squeeze3A_53 = vector.extract %slice3A_52[0] : i32 from vector<1xi32>
    %or3A_54 = arith.ori %or3A_51, %squeeze3A_53 : i32
    %slice3A_55 = vector.extract_strided_slice %scan3A_12 {offsets = [15], sizes = [1], strides = [1]} : vector<16xi32> to vector<1xi32>
    %squeeze3A_56 = vector.extract %slice3A_55[0] : i32 from vector<1xi32>
    %or3A_57 = arith.ori %or3A_54, %squeeze3A_56 : i32
    %broadcast_in_dim3A_58 = arith.constant 1 : i32
    %broadcast_in_dim3A_59 = vector.broadcast %broadcast_in_dim3A_58 : i32 to vector<16xi32>
    %mul3A_60 = vector.broadcast %or3A_57 : i32 to vector<16xi32>
    %mul3A_61 = arith.muli %broadcast_in_dim3A_59, %mul3A_60 : vector<16xi32>
    %swap3A = arith.constant 0 : index
    %swap3A_62 = tpu.vector_load %arg12[%swap3A] {strides = array<i32>} : memref<16xi32, #tpu.memory_space<vmem>>, vector<16xi32>,
    %swap3A_63 = vector.shape_cast %swap3A_62 : vector<16xi32> to vector<16xi32>
    %swap3A_64 = vector.shape_cast %mul3A_61 : vector<16xi32> to vector<16xi32>
    tpu.vector_store %arg12[%swap3A], %swap3A_64 {strides = array<i32>} : memref<16xi32, #tpu.memory_space<vmem>>, vector<16xi32>,
    %mul3A_65 = arith.constant 16 : i32
    %mul3A_66 = arith.muli %arg1, %mul3A_65 : i32
    "tpu.region"() ({
      %run_scoped3A = tpu.sem_alloc : memref<!tpu.dma_semaphore, #tpu.memory_space<semaphore_mem>>
      %dma_start3A = tpu.memref_slice %arg14[%mul3A_66] : memref<512xi32, #tpu.memory_space<vmem_shared>> -> memref<16xi32, #tpu.memory_space<vmem_shared>>
      %dma_start3A_204 = tpu.memref_slice %arg14[%mul3A_66] : memref<512xi32, #tpu.memory_space<vmem_shared>> -> memref<16xi32, #tpu.memory_space<vmem_shared>>
      tpu.enqueue_dma source(%arg12 : memref<16xi32, #tpu.memory_space<vmem>>) target(%dma_start3A_204 : memref<16xi32, #tpu.memory_space<vmem_shared>>) target_semaphore(%run_scoped3A : memref<!tpu.dma_semaphore, #tpu.memory_space<semaphore_mem>>)
      %dma_wait3A = tpu.memref_slice %arg14[%mul3A_66] : memref<512xi32, #tpu.memory_space<vmem_shared>> -> memref<16xi32, #tpu.memory_space<vmem_shared>>
      %dma_wait3A_205 = tpu.memref_slice %arg14[%mul3A_66] : memref<512xi32, #tpu.memory_space<vmem_shared>> -> memref<16xi32, #tpu.memory_space<vmem_shared>>
      tpu.wait_dma2 semaphore(%run_scoped3A : memref<!tpu.dma_semaphore, #tpu.memory_space<semaphore_mem>>) src(%arg12 : memref<16xi32, #tpu.memory_space<vmem>>) dst(%dma_wait3A_205 : memref<16xi32, #tpu.memory_space<vmem_shared>>)
      tpu.yield
    }) : () -> ()
    %lt3A = arith.constant 10 : i32
    %lt3A_67 = arith.cmpi slt, %arg1, %lt3A : i32
    %convert_element_type3A = arith.extui %lt3A_67 : i1 to i32
    %cond3A = arith.constant 0 : i32
    %cond3A_68 = arith.cmpi ne, %convert_element_type3A, %cond3A : i32
    scf.if %cond3A_68 {
      %add3A_204 = arith.constant 16 : i32
      %add3A_205 = arith.addi %arg1, %add3A_204 : i32
      %add3A_206 = arith.constant 16 : i32
      %add3A_207 = arith.addi %arg1, %add3A_206 : i32
      %mul3A_208 = arith.constant 128 : i32
      %mul3A_209 = arith.muli %add3A_205, %mul3A_208 : i32
      %multiple_of3A_210 = tpu.assume_multiple %mul3A_209, 128 : i32
      "tpu.region"() ({
        %run_scoped3A = tpu.sem_alloc : memref<!tpu.dma_semaphore, #tpu.memory_space<semaphore_mem>>
        %dma_start3A = arith.constant 0 : i32
        %dma_start3A_276 = tpu.memref_slice %arg3[%multiple_of3A_210, %dma_start3A] : memref<3328x128xi32, #tpu.memory_space<hbm>> -> memref<128x128xi32, #tpu.memory_space<hbm>>
        %dma_start3A_277 = arith.constant 0 : i32
        %dma_start3A_278 = tpu.memref_slice %arg3[%multiple_of3A_210, %dma_start3A_277] : memref<3328x128xi32, #tpu.memory_space<hbm>> -> memref<128x128xi32, #tpu.memory_space<hbm>>
        tpu.enqueue_dma source(%dma_start3A_278 : memref<128x128xi32, #tpu.memory_space<hbm>>) target(%arg7 : memref<128x128xi32, #tpu.memory_space<vmem>>) target_semaphore(%run_scoped3A : memref<!tpu.dma_semaphore, #tpu.memory_space<semaphore_mem>>)
        %dma_wait3A = arith.constant 0 : i32
        %dma_wait3A_279 = tpu.memref_slice %arg3[%multiple_of3A_210, %dma_wait3A] : memref<3328x128xi32, #tpu.memory_space<hbm>> -> memref<128x128xi32, #tpu.memory_space<hbm>>
        %dma_wait3A_280 = arith.constant 0 : i32
        %dma_wait3A_281 = tpu.memref_slice %arg3[%multiple_of3A_210, %dma_wait3A_280] : memref<3328x128xi32, #tpu.memory_space<hbm>> -> memref<128x128xi32, #tpu.memory_space<hbm>>
        tpu.wait_dma2 semaphore(%run_scoped3A : memref<!tpu.dma_semaphore, #tpu.memory_space<semaphore_mem>>) src(%dma_wait3A_281 : memref<128x128xi32, #tpu.memory_space<hbm>>) dst(%arg7 : memref<128x128xi32, #tpu.memory_space<vmem>>)
        tpu.yield
      }) : () -> ()
      %broadcast_in_dim3A_211 = arith.constant 0 : i32
      %broadcast_in_dim3A_212 = vector.broadcast %broadcast_in_dim3A_211 : i32 to vector<16xi32>
      %scan3A_213 = arith.constant 0 : i32
      %scan3A_214 = arith.constant 1024 : i32
      %scan3A_215 = arith.addi %scan3A_213, %scan3A_214 : i32
      %scan3A_216 = arith.constant 1 : i32
      %scan3A_217 = scf.for %scan3A_276 = %scan3A_213 to %scan3A_215 step %scan3A_216 iter_args(%scan3A_277 = %broadcast_in_dim3A_212) -> (vector<16xi32>)  : i32 {
        %jit3A = arith.constant 8 : i32
        %div3A = arith.divsi %scan3A_276, %jit3A : i32
        %sign3A = arith.constant 0 : i32
        %sign3A_278 = arith.cmpi sgt, %scan3A_276, %sign3A : i32
        %sign3A_279 = arith.extui %sign3A_278 : i1 to i32
        %sign3A_280 = arith.constant 0 : i32
        %sign3A_281 = arith.cmpi slt, %scan3A_276, %sign3A_280 : i32
        %sign3A_282 = arith.extui %sign3A_281 : i1 to i32
        %sign3A_283 = arith.subi %sign3A_279, %sign3A_282 : i32
        %sign3A_284 = arith.constant 0 : i32
        %sign3A_285 = arith.cmpi sgt, %jit3A, %sign3A_284 : i32
        %sign3A_286 = arith.extui %sign3A_285 : i1 to i32
        %sign3A_287 = arith.constant 0 : i32
        %sign3A_288 = arith.cmpi slt, %jit3A, %sign3A_287 : i32
        %sign3A_289 = arith.extui %sign3A_288 : i1 to i32
        %sign3A_290 = arith.subi %sign3A_286, %sign3A_289 : i32
        %ne3A = arith.cmpi ne, %sign3A_283, %sign3A_290 : i32
        %rem3A = arith.remsi %scan3A_276, %jit3A : i32
        %ne3A_291 = arith.constant 0 : i32
        %ne3A_292 = arith.cmpi ne, %rem3A, %ne3A_291 : i32
        %and3A = arith.andi %ne3A, %ne3A_292 : i1
        %sub3A = arith.constant 1 : i32
        %sub3A_293 = arith.subi %div3A, %sub3A : i32
        %select_n3A = arith.select %and3A, %sub3A_293, %div3A : i32
        %jit3A_294 = arith.constant 8 : i32
        %eq3A_295 = arith.constant 0 : i32
        %eq3A_296 = arith.cmpi eq, %jit3A_294, %eq3A_295 : i32
        %jit3A_297 = arith.constant 1 : i32
        %select_n3A_298 = arith.select %eq3A_296, %jit3A_297, %jit3A_294 : i32
        %rem3A_299 = arith.remsi %scan3A_276, %select_n3A_298 : i32
        %ne3A_300 = arith.constant 0 : i32
        %ne3A_301 = arith.cmpi ne, %rem3A_299, %ne3A_300 : i32
        %lt3A_302 = arith.constant 0 : i32
        %lt3A_303 = arith.cmpi slt, %rem3A_299, %lt3A_302 : i32
        %lt3A_304 = arith.constant 0 : i32
        %lt3A_305 = arith.cmpi slt, %select_n3A_298, %lt3A_304 : i32
        %ne3A_306 = arith.xori %lt3A_303, %lt3A_305 : i1
        %and3A_307 = arith.andi %ne3A_306, %ne3A_301 : i1
        %add3A_308 = arith.addi %rem3A_299, %select_n3A_298 : i32
        %select_n3A_309 = arith.select %and3A_307, %add3A_308, %rem3A_299 : i32
        %mul3A_310 = arith.constant 16 : i32
        %mul3A_311 = arith.muli %select_n3A_309, %mul3A_310 : i32
        %get3A_312 = arith.index_cast %select_n3A : i32 to index
        %get3A_313 = arith.index_cast %mul3A_311 : i32 to index
        %get3A_314 = tpu.vector_load %arg7[%get3A_312, %get3A_313] {strides = array<i32>} : memref<128x128xi32, #tpu.memory_space<vmem>>, vector<1x16xi32>,
        %get3A_315 = vector.shape_cast %get3A_314 : vector<1x16xi32> to vector<16xi32>
        %add3A_316 = arith.addi %scan3A_277, %get3A_315 : vector<16xi32>
        scf.yield %add3A_316 : vector<16xi32>
      }
      %scan3A_218 = arith.constant 1024 : i32
      %slice3A_219 = vector.extract_strided_slice %scan3A_217 {offsets = [0], sizes = [1], strides = [1]} : vector<16xi32> to vector<1xi32>
      %squeeze3A_220 = vector.extract %slice3A_219[0] : i32 from vector<1xi32>
      %slice3A_221 = vector.extract_strided_slice %scan3A_217 {offsets = [1], sizes = [1], strides = [1]} : vector<16xi32> to vector<1xi32>
      %squeeze3A_222 = vector.extract %slice3A_221[0] : i32 from vector<1xi32>
      %or3A_223 = arith.ori %squeeze3A_220, %squeeze3A_222 : i32
      %slice3A_224 = vector.extract_strided_slice %scan3A_217 {offsets = [2], sizes = [1], strides = [1]} : vector<16xi32> to vector<1xi32>
      %squeeze3A_225 = vector.extract %slice3A_224[0] : i32 from vector<1xi32>
      %or3A_226 = arith.ori %or3A_223, %squeeze3A_225 : i32
      %slice3A_227 = vector.extract_strided_slice %scan3A_217 {offsets = [3], sizes = [1], strides = [1]} : vector<16xi32> to vector<1xi32>
      %squeeze3A_228 = vector.extract %slice3A_227[0] : i32 from vector<1xi32>
      %or3A_229 = arith.ori %or3A_226, %squeeze3A_228 : i32
      %slice3A_230 = vector.extract_strided_slice %scan3A_217 {offsets = [4], sizes = [1], strides = [1]} : vector<16xi32> to vector<1xi32>
      %squeeze3A_231 = vector.extract %slice3A_230[0] : i32 from vector<1xi32>
      %or3A_232 = arith.ori %or3A_229, %squeeze3A_231 : i32
      %slice3A_233 = vector.extract_strided_slice %scan3A_217 {offsets = [5], sizes = [1], strides = [1]} : vector<16xi32> to vector<1xi32>
      %squeeze3A_234 = vector.extract %slice3A_233[0] : i32 from vector<1xi32>
      %or3A_235 = arith.ori %or3A_232, %squeeze3A_234 : i32
      %slice3A_236 = vector.extract_strided_slice %scan3A_217 {offsets = [6], sizes = [1], strides = [1]} : vector<16xi32> to vector<1xi32>
      %squeeze3A_237 = vector.extract %slice3A_236[0] : i32 from vector<1xi32>
      %or3A_238 = arith.ori %or3A_235, %squeeze3A_237 : i32
      %slice3A_239 = vector.extract_strided_slice %scan3A_217 {offsets = [7], sizes = [1], strides = [1]} : vector<16xi32> to vector<1xi32>
      %squeeze3A_240 = vector.extract %slice3A_239[0] : i32 from vector<1xi32>
      %or3A_241 = arith.ori %or3A_238, %squeeze3A_240 : i32
      %slice3A_242 = vector.extract_strided_slice %scan3A_217 {offsets = [8], sizes = [1], strides = [1]} : vector<16xi32> to vector<1xi32>
      %squeeze3A_243 = vector.extract %slice3A_242[0] : i32 from vector<1xi32>
      %or3A_244 = arith.ori %or3A_241, %squeeze3A_243 : i32
      %slice3A_245 = vector.extract_strided_slice %scan3A_217 {offsets = [9], sizes = [1], strides = [1]} : vector<16xi32> to vector<1xi32>
      %squeeze3A_246 = vector.extract %slice3A_245[0] : i32 from vector<1xi32>
      %or3A_247 = arith.ori %or3A_244, %squeeze3A_246 : i32
      %slice3A_248 = vector.extract_strided_slice %scan3A_217 {offsets = [10], sizes = [1], strides = [1]} : vector<16xi32> to vector<1xi32>
      %squeeze3A_249 = vector.extract %slice3A_248[0] : i32 from vector<1xi32>
      %or3A_250 = arith.ori %or3A_247, %squeeze3A_249 : i32
      %slice3A_251 = vector.extract_strided_slice %scan3A_217 {offsets = [11], sizes = [1], strides = [1]} : vector<16xi32> to vector<1xi32>
      %squeeze3A_252 = vector.extract %slice3A_251[0] : i32 from vector<1xi32>
      %or3A_253 = arith.ori %or3A_250, %squeeze3A_252 : i32
      %slice3A_254 = vector.extract_strided_slice %scan3A_217 {offsets = [12], sizes = [1], strides = [1]} : vector<16xi32> to vector<1xi32>
      %squeeze3A_255 = vector.extract %slice3A_254[0] : i32 from vector<1xi32>
      %or3A_256 = arith.ori %or3A_253, %squeeze3A_255 : i32
      %slice3A_257 = vector.extract_strided_slice %scan3A_217 {offsets = [13], sizes = [1], strides = [1]} : vector<16xi32> to vector<1xi32>
      %squeeze3A_258 = vector.extract %slice3A_257[0] : i32 from vector<1xi32>
      %or3A_259 = arith.ori %or3A_256, %squeeze3A_258 : i32
      %slice3A_260 = vector.extract_strided_slice %scan3A_217 {offsets = [14], sizes = [1], strides = [1]} : vector<16xi32> to vector<1xi32>
      %squeeze3A_261 = vector.extract %slice3A_260[0] : i32 from vector<1xi32>
      %or3A_262 = arith.ori %or3A_259, %squeeze3A_261 : i32
      %slice3A_263 = vector.extract_strided_slice %scan3A_217 {offsets = [15], sizes = [1], strides = [1]} : vector<16xi32> to vector<1xi32>
      %squeeze3A_264 = vector.extract %slice3A_263[0] : i32 from vector<1xi32>
      %or3A_265 = arith.ori %or3A_262, %squeeze3A_264 : i32
      %broadcast_in_dim3A_266 = arith.constant 1 : i32
      %broadcast_in_dim3A_267 = vector.broadcast %broadcast_in_dim3A_266 : i32 to vector<16xi32>
      %mul3A_268 = vector.broadcast %or3A_265 : i32 to vector<16xi32>
      %mul3A_269 = arith.muli %broadcast_in_dim3A_267, %mul3A_268 : vector<16xi32>
      %swap3A_270 = arith.constant 0 : index
      %swap3A_271 = tpu.vector_load %arg12[%swap3A_270] {strides = array<i32>} : memref<16xi32, #tpu.memory_space<vmem>>, vector<16xi32>,
      %swap3A_272 = vector.shape_cast %swap3A_271 : vector<16xi32> to vector<16xi32>
      %swap3A_273 = vector.shape_cast %mul3A_269 : vector<16xi32> to vector<16xi32>
      tpu.vector_store %arg12[%swap3A_270], %swap3A_273 {strides = array<i32>} : memref<16xi32, #tpu.memory_space<vmem>>, vector<16xi32>,
      %mul3A_274 = arith.constant 16 : i32
      %mul3A_275 = arith.muli %add3A_207, %mul3A_274 : i32
      "tpu.region"() ({
        %run_scoped3A = tpu.sem_alloc : memref<!tpu.dma_semaphore, #tpu.memory_space<semaphore_mem>>
        %dma_start3A = tpu.memref_slice %arg14[%mul3A_275] : memref<512xi32, #tpu.memory_space<vmem_shared>> -> memref<16xi32, #tpu.memory_space<vmem_shared>>
        %dma_start3A_276 = tpu.memref_slice %arg14[%mul3A_275] : memref<512xi32, #tpu.memory_space<vmem_shared>> -> memref<16xi32, #tpu.memory_space<vmem_shared>>
        tpu.enqueue_dma source(%arg12 : memref<16xi32, #tpu.memory_space<vmem>>) target(%dma_start3A_276 : memref<16xi32, #tpu.memory_space<vmem_shared>>) target_semaphore(%run_scoped3A : memref<!tpu.dma_semaphore, #tpu.memory_space<semaphore_mem>>)
        %dma_wait3A = tpu.memref_slice %arg14[%mul3A_275] : memref<512xi32, #tpu.memory_space<vmem_shared>> -> memref<16xi32, #tpu.memory_space<vmem_shared>>
        %dma_wait3A_277 = tpu.memref_slice %arg14[%mul3A_275] : memref<512xi32, #tpu.memory_space<vmem_shared>> -> memref<16xi32, #tpu.memory_space<vmem_shared>>
        tpu.wait_dma2 semaphore(%run_scoped3A : memref<!tpu.dma_semaphore, #tpu.memory_space<semaphore_mem>>) src(%arg12 : memref<16xi32, #tpu.memory_space<vmem>>) dst(%dma_wait3A_277 : memref<16xi32, #tpu.memory_space<vmem_shared>>)
        tpu.yield
      }) : () -> ()
    } else {
    }
    %barrier3A = arith.constant 0 : index
    tpu.barrier barrier_id(%barrier3A)
    "tpu.region"() ({
      %run_scoped3A = tpu.sem_alloc : memref<!tpu.dma_semaphore, #tpu.memory_space<semaphore_mem>>
      tpu.enqueue_dma source(%arg14 : memref<512xi32, #tpu.memory_space<vmem_shared>>) target(%arg13 : memref<512xi32, #tpu.memory_space<vmem>>) target_semaphore(%run_scoped3A : memref<!tpu.dma_semaphore, #tpu.memory_space<semaphore_mem>>)
      tpu.wait_dma2 semaphore(%run_scoped3A : memref<!tpu.dma_semaphore, #tpu.memory_space<semaphore_mem>>) src(%arg14 : memref<512xi32, #tpu.memory_space<vmem_shared>>) dst(%arg13 : memref<512xi32, #tpu.memory_space<vmem>>)
      tpu.yield
    }) : () -> ()
    %get3A_69 = arith.constant 0 : index
    %get3A_70 = tpu.vector_load %arg13[%get3A_69] {strides = array<i32>} : memref<512xi32, #tpu.memory_space<vmem>>, vector<16xi32>,
    %get3A_71 = vector.shape_cast %get3A_70 : vector<16xi32> to vector<16xi32>
    %get3A_72 = arith.constant 16 : index
    %get3A_73 = tpu.vector_load %arg13[%get3A_72] {strides = array<i32>} : memref<512xi32, #tpu.memory_space<vmem>>, vector<16xi32>,
    %get3A_74 = vector.shape_cast %get3A_73 : vector<16xi32> to vector<16xi32>
    %abs3A = math.absi %get3A_74 : vector<16xi32>
    %min3A = arith.minsi %get3A_71, %abs3A : vector<16xi32>
    %get3A_75 = arith.constant 32 : index
    %get3A_76 = tpu.vector_load %arg13[%get3A_75] {strides = array<i32>} : memref<512xi32, #tpu.memory_space<vmem>>, vector<16xi32>,
    %get3A_77 = vector.shape_cast %get3A_76 : vector<16xi32> to vector<16xi32>
    %abs3A_78 = math.absi %get3A_77 : vector<16xi32>
    %min3A_79 = arith.minsi %min3A, %abs3A_78 : vector<16xi32>
    %get3A_80 = arith.constant 48 : index
    %get3A_81 = tpu.vector_load %arg13[%get3A_80] {strides = array<i32>} : memref<512xi32, #tpu.memory_space<vmem>>, vector<16xi32>,
    %get3A_82 = vector.shape_cast %get3A_81 : vector<16xi32> to vector<16xi32>
    %abs3A_83 = math.absi %get3A_82 : vector<16xi32>
    %min3A_84 = arith.minsi %min3A_79, %abs3A_83 : vector<16xi32>
    %get3A_85 = arith.constant 64 : index
    %get3A_86 = tpu.vector_load %arg13[%get3A_85] {strides = array<i32>} : memref<512xi32, #tpu.memory_space<vmem>>, vector<16xi32>,
    %get3A_87 = vector.shape_cast %get3A_86 : vector<16xi32> to vector<16xi32>
    %abs3A_88 = math.absi %get3A_87 : vector<16xi32>
    %min3A_89 = arith.minsi %min3A_84, %abs3A_88 : vector<16xi32>
    %get3A_90 = arith.constant 80 : index
    %get3A_91 = tpu.vector_load %arg13[%get3A_90] {strides = array<i32>} : memref<512xi32, #tpu.memory_space<vmem>>, vector<16xi32>,
    %get3A_92 = vector.shape_cast %get3A_91 : vector<16xi32> to vector<16xi32>
    %abs3A_93 = math.absi %get3A_92 : vector<16xi32>
    %min3A_94 = arith.minsi %min3A_89, %abs3A_93 : vector<16xi32>
    %get3A_95 = arith.constant 96 : index
    %get3A_96 = tpu.vector_load %arg13[%get3A_95] {strides = array<i32>} : memref<512xi32, #tpu.memory_space<vmem>>, vector<16xi32>,
    %get3A_97 = vector.shape_cast %get3A_96 : vector<16xi32> to vector<16xi32>
    %abs3A_98 = math.absi %get3A_97 : vector<16xi32>
    %min3A_99 = arith.minsi %min3A_94, %abs3A_98 : vector<16xi32>
    %get3A_100 = arith.constant 112 : index
    %get3A_101 = tpu.vector_load %arg13[%get3A_100] {strides = array<i32>} : memref<512xi32, #tpu.memory_space<vmem>>, vector<16xi32>,
    %get3A_102 = vector.shape_cast %get3A_101 : vector<16xi32> to vector<16xi32>
    %abs3A_103 = math.absi %get3A_102 : vector<16xi32>
    %min3A_104 = arith.minsi %min3A_99, %abs3A_103 : vector<16xi32>
    %get3A_105 = arith.constant 128 : index
    %get3A_106 = tpu.vector_load %arg13[%get3A_105] {strides = array<i32>} : memref<512xi32, #tpu.memory_space<vmem>>, vector<16xi32>,
    %get3A_107 = vector.shape_cast %get3A_106 : vector<16xi32> to vector<16xi32>
    %abs3A_108 = math.absi %get3A_107 : vector<16xi32>
    %min3A_109 = arith.minsi %min3A_104, %abs3A_108 : vector<16xi32>
    %get3A_110 = arith.constant 144 : index
    %get3A_111 = tpu.vector_load %arg13[%get3A_110] {strides = array<i32>} : memref<512xi32, #tpu.memory_space<vmem>>, vector<16xi32>,
    %get3A_112 = vector.shape_cast %get3A_111 : vector<16xi32> to vector<16xi32>
    %abs3A_113 = math.absi %get3A_112 : vector<16xi32>
    %min3A_114 = arith.minsi %min3A_109, %abs3A_113 : vector<16xi32>
    %get3A_115 = arith.constant 160 : index
    %get3A_116 = tpu.vector_load %arg13[%get3A_115] {strides = array<i32>} : memref<512xi32, #tpu.memory_space<vmem>>, vector<16xi32>,
    %get3A_117 = vector.shape_cast %get3A_116 : vector<16xi32> to vector<16xi32>
    %abs3A_118 = math.absi %get3A_117 : vector<16xi32>
    %min3A_119 = arith.minsi %min3A_114, %abs3A_118 : vector<16xi32>
    %get3A_120 = arith.constant 176 : index
    %get3A_121 = tpu.vector_load %arg13[%get3A_120] {strides = array<i32>} : memref<512xi32, #tpu.memory_space<vmem>>, vector<16xi32>,
    %get3A_122 = vector.shape_cast %get3A_121 : vector<16xi32> to vector<16xi32>
    %abs3A_123 = math.absi %get3A_122 : vector<16xi32>
    %min3A_124 = arith.minsi %min3A_119, %abs3A_123 : vector<16xi32>
    %get3A_125 = arith.constant 192 : index
    %get3A_126 = tpu.vector_load %arg13[%get3A_125] {strides = array<i32>} : memref<512xi32, #tpu.memory_space<vmem>>, vector<16xi32>,
    %get3A_127 = vector.shape_cast %get3A_126 : vector<16xi32> to vector<16xi32>
    %abs3A_128 = math.absi %get3A_127 : vector<16xi32>
    %min3A_129 = arith.minsi %min3A_124, %abs3A_128 : vector<16xi32>
    %get3A_130 = arith.constant 208 : index
    %get3A_131 = tpu.vector_load %arg13[%get3A_130] {strides = array<i32>} : memref<512xi32, #tpu.memory_space<vmem>>, vector<16xi32>,
    %get3A_132 = vector.shape_cast %get3A_131 : vector<16xi32> to vector<16xi32>
    %abs3A_133 = math.absi %get3A_132 : vector<16xi32>
    %min3A_134 = arith.minsi %min3A_129, %abs3A_133 : vector<16xi32>
    %get3A_135 = arith.constant 224 : index
    %get3A_136 = tpu.vector_load %arg13[%get3A_135] {strides = array<i32>} : memref<512xi32, #tpu.memory_space<vmem>>, vector<16xi32>,
    %get3A_137 = vector.shape_cast %get3A_136 : vector<16xi32> to vector<16xi32>
    %abs3A_138 = math.absi %get3A_137 : vector<16xi32>
    %min3A_139 = arith.minsi %min3A_134, %abs3A_138 : vector<16xi32>
    %get3A_140 = arith.constant 240 : index
    %get3A_141 = tpu.vector_load %arg13[%get3A_140] {strides = array<i32>} : memref<512xi32, #tpu.memory_space<vmem>>, vector<16xi32>,
    %get3A_142 = vector.shape_cast %get3A_141 : vector<16xi32> to vector<16xi32>
    %abs3A_143 = math.absi %get3A_142 : vector<16xi32>
    %min3A_144 = arith.minsi %min3A_139, %abs3A_143 : vector<16xi32>
    %get3A_145 = arith.constant 256 : index
    %get3A_146 = tpu.vector_load %arg13[%get3A_145] {strides = array<i32>} : memref<512xi32, #tpu.memory_space<vmem>>, vector<16xi32>,
    %get3A_147 = vector.shape_cast %get3A_146 : vector<16xi32> to vector<16xi32>
    %abs3A_148 = math.absi %get3A_147 : vector<16xi32>
    %min3A_149 = arith.minsi %min3A_144, %abs3A_148 : vector<16xi32>
    %get3A_150 = arith.constant 272 : index
    %get3A_151 = tpu.vector_load %arg13[%get3A_150] {strides = array<i32>} : memref<512xi32, #tpu.memory_space<vmem>>, vector<16xi32>,
    %get3A_152 = vector.shape_cast %get3A_151 : vector<16xi32> to vector<16xi32>
    %abs3A_153 = math.absi %get3A_152 : vector<16xi32>
    %min3A_154 = arith.minsi %min3A_149, %abs3A_153 : vector<16xi32>
    %get3A_155 = arith.constant 288 : index
    %get3A_156 = tpu.vector_load %arg13[%get3A_155] {strides = array<i32>} : memref<512xi32, #tpu.memory_space<vmem>>, vector<16xi32>,
    %get3A_157 = vector.shape_cast %get3A_156 : vector<16xi32> to vector<16xi32>
    %abs3A_158 = math.absi %get3A_157 : vector<16xi32>
    %min3A_159 = arith.minsi %min3A_154, %abs3A_158 : vector<16xi32>
    %get3A_160 = arith.constant 304 : index
    %get3A_161 = tpu.vector_load %arg13[%get3A_160] {strides = array<i32>} : memref<512xi32, #tpu.memory_space<vmem>>, vector<16xi32>,
    %get3A_162 = vector.shape_cast %get3A_161 : vector<16xi32> to vector<16xi32>
    %abs3A_163 = math.absi %get3A_162 : vector<16xi32>
    %min3A_164 = arith.minsi %min3A_159, %abs3A_163 : vector<16xi32>
    %get3A_165 = arith.constant 320 : index
    %get3A_166 = tpu.vector_load %arg13[%get3A_165] {strides = array<i32>} : memref<512xi32, #tpu.memory_space<vmem>>, vector<16xi32>,
    %get3A_167 = vector.shape_cast %get3A_166 : vector<16xi32> to vector<16xi32>
    %abs3A_168 = math.absi %get3A_167 : vector<16xi32>
    %min3A_169 = arith.minsi %min3A_164, %abs3A_168 : vector<16xi32>
    %get3A_170 = arith.constant 336 : index
    %get3A_171 = tpu.vector_load %arg13[%get3A_170] {strides = array<i32>} : memref<512xi32, #tpu.memory_space<vmem>>, vector<16xi32>,
    %get3A_172 = vector.shape_cast %get3A_171 : vector<16xi32> to vector<16xi32>
    %abs3A_173 = math.absi %get3A_172 : vector<16xi32>
    %min3A_174 = arith.minsi %min3A_169, %abs3A_173 : vector<16xi32>
    %get3A_175 = arith.constant 352 : index
    %get3A_176 = tpu.vector_load %arg13[%get3A_175] {strides = array<i32>} : memref<512xi32, #tpu.memory_space<vmem>>, vector<16xi32>,
    %get3A_177 = vector.shape_cast %get3A_176 : vector<16xi32> to vector<16xi32>
    %abs3A_178 = math.absi %get3A_177 : vector<16xi32>
    %min3A_179 = arith.minsi %min3A_174, %abs3A_178 : vector<16xi32>
    %get3A_180 = arith.constant 368 : index
    %get3A_181 = tpu.vector_load %arg13[%get3A_180] {strides = array<i32>} : memref<512xi32, #tpu.memory_space<vmem>>, vector<16xi32>,
    %get3A_182 = vector.shape_cast %get3A_181 : vector<16xi32> to vector<16xi32>
    %abs3A_183 = math.absi %get3A_182 : vector<16xi32>
    %min3A_184 = arith.minsi %min3A_179, %abs3A_183 : vector<16xi32>
    %get3A_185 = arith.constant 384 : index
    %get3A_186 = tpu.vector_load %arg13[%get3A_185] {strides = array<i32>} : memref<512xi32, #tpu.memory_space<vmem>>, vector<16xi32>,
    %get3A_187 = vector.shape_cast %get3A_186 : vector<16xi32> to vector<16xi32>
    %abs3A_188 = math.absi %get3A_187 : vector<16xi32>
    %min3A_189 = arith.minsi %min3A_184, %abs3A_188 : vector<16xi32>
    %get3A_190 = arith.constant 400 : index
    %get3A_191 = tpu.vector_load %arg13[%get3A_190] {strides = array<i32>} : memref<512xi32, #tpu.memory_space<vmem>>, vector<16xi32>,
    %get3A_192 = vector.shape_cast %get3A_191 : vector<16xi32> to vector<16xi32>
    %abs3A_193 = math.absi %get3A_192 : vector<16xi32>
    %min3A_194 = arith.minsi %min3A_189, %abs3A_193 : vector<16xi32>
    %slice3A_195 = vector.extract_strided_slice %min3A_194 {offsets = [0], sizes = [1], strides = [1]} : vector<16xi32> to vector<1xi32>
    %squeeze3A_196 = vector.extract %slice3A_195[0] : i32 from vector<1xi32>
    %eq3A = arith.constant 0 : i32
    %eq3A_197 = arith.cmpi eq, %squeeze3A_196, %eq3A : i32
    %scan3A_198 = arith.constant 0 : i32
    %scan3A_199 = arith.constant 0 : i32
    %scan3A_200 = arith.constant 16 : i32
    %scan3A_201 = arith.addi %scan3A_199, %scan3A_200 : i32
    %scan3A_202 = arith.constant 1 : i32
    scf.for %scan3A_204 = %scan3A_199 to %scan3A_201 step %scan3A_202  : i32 {
      %mul3A_205 = arith.constant 512 : i32
      %mul3A_206 = arith.muli %add3A, %mul3A_205 : i32
      %mul3A_207 = arith.constant 32 : i32
      %mul3A_208 = arith.muli %scan3A_204, %mul3A_207 : i32
      %add3A_209 = arith.addi %mul3A_206, %mul3A_208 : i32
      %mul3A_210 = arith.constant 26 : i32
      %mul3A_211 = arith.muli %add3A_209, %mul3A_210 : i32
      %multiple_of3A_212 = tpu.assume_multiple %mul3A_211, 16 : i32
      "tpu.region"() ({
        %run_scoped3A = tpu.sem_alloc : memref<!tpu.dma_semaphore, #tpu.memory_space<semaphore_mem>>
        %dma_start3A_2272 = tpu.memref_slice %arg2[%multiple_of3A_212] : memref<425984xi32, #tpu.memory_space<hbm>> -> memref<832xi32, #tpu.memory_space<hbm>>
        %dma_start3A_2273 = tpu.memref_slice %arg2[%multiple_of3A_212] : memref<425984xi32, #tpu.memory_space<hbm>> -> memref<832xi32, #tpu.memory_space<hbm>>
        tpu.enqueue_dma source(%dma_start3A_2273 : memref<832xi32, #tpu.memory_space<hbm>>) target(%arg8 : memref<832xi32, #tpu.memory_space<vmem>>) target_semaphore(%run_scoped3A : memref<!tpu.dma_semaphore, #tpu.memory_space<semaphore_mem>>)
        %dma_wait3A_2274 = tpu.memref_slice %arg2[%multiple_of3A_212] : memref<425984xi32, #tpu.memory_space<hbm>> -> memref<832xi32, #tpu.memory_space<hbm>>
        %dma_wait3A_2275 = tpu.memref_slice %arg2[%multiple_of3A_212] : memref<425984xi32, #tpu.memory_space<hbm>> -> memref<832xi32, #tpu.memory_space<hbm>>
        tpu.wait_dma2 semaphore(%run_scoped3A : memref<!tpu.dma_semaphore, #tpu.memory_space<semaphore_mem>>) src(%dma_wait3A_2275 : memref<832xi32, #tpu.memory_space<hbm>>) dst(%arg8 : memref<832xi32, #tpu.memory_space<vmem>>)
        tpu.yield
      }) : () -> ()
      %iota3A = tpu.iota {dimensions = array<i32: 0>} : vector<16xi32>
      %add3A_213 = arith.constant 0 : i32
      %add3A_214 = arith.addi %multiple_of3A_212, %add3A_213 : i32
      %add3A_215 = vector.broadcast %add3A_214 : i32 to vector<16xi32>
      %add3A_216 = arith.addi %iota3A, %add3A_215 : vector<16xi32>
      %rem3A = arith.constant 26 : i32
      %rem3A_217 = vector.broadcast %rem3A : i32 to vector<16xi32>
      %rem3A_218 = arith.remsi %add3A_216, %rem3A_217 : vector<16xi32>
      %mul3A_219 = arith.constant 100000 : i32
      %mul3A_220 = vector.broadcast %mul3A_219 : i32 to vector<16xi32>
      %mul3A_221 = arith.muli %rem3A_218, %mul3A_220 : vector<16xi32>
      %get3A_222 = arith.constant 0 : index
      %get3A_223 = tpu.vector_load %arg8[%get3A_222] {strides = array<i32>} : memref<832xi32, #tpu.memory_space<vmem>>, vector<16xi32>,
      %get3A_224 = vector.shape_cast %get3A_223 : vector<16xi32> to vector<16xi32>
      %add3A_225 = arith.addi %get3A_224, %mul3A_221 : vector<16xi32>
      %swap3A_226 = arith.constant 0 : index
      %swap3A_227 = tpu.vector_load %arg9[%swap3A_226] {strides = array<i32>} : memref<832xi32, #tpu.memory_space<vmem>>, vector<16xi32>,
      %swap3A_228 = vector.shape_cast %swap3A_227 : vector<16xi32> to vector<16xi32>
      %swap3A_229 = vector.shape_cast %add3A_225 : vector<16xi32> to vector<16xi32>
      tpu.vector_store %arg9[%swap3A_226], %swap3A_229 {strides = array<i32>} : memref<832xi32, #tpu.memory_space<vmem>>, vector<16xi32>,
      %iota3A_230 = tpu.iota {dimensions = array<i32: 0>} : vector<16xi32>
      %add3A_231 = arith.constant 16 : i32
      %add3A_232 = arith.addi %multiple_of3A_212, %add3A_231 : i32
      %add3A_233 = vector.broadcast %add3A_232 : i32 to vector<16xi32>
      %add3A_234 = arith.addi %iota3A_230, %add3A_233 : vector<16xi32>
      %rem3A_235 = arith.constant 26 : i32
      %rem3A_236 = vector.broadcast %rem3A_235 : i32 to vector<16xi32>
      %rem3A_237 = arith.remsi %add3A_234, %rem3A_236 : vector<16xi32>
      %mul3A_238 = arith.constant 100000 : i32
      %mul3A_239 = vector.broadcast %mul3A_238 : i32 to vector<16xi32>
      %mul3A_240 = arith.muli %rem3A_237, %mul3A_239 : vector<16xi32>
      %get3A_241 = arith.constant 16 : index
      %get3A_242 = tpu.vector_load %arg8[%get3A_241] {strides = array<i32>} : memref<832xi32, #tpu.memory_space<vmem>>, vector<16xi32>,
      %get3A_243 = vector.shape_cast %get3A_242 : vector<16xi32> to vector<16xi32>
      %add3A_244 = arith.addi %get3A_243, %mul3A_240 : vector<16xi32>
      %swap3A_245 = arith.constant 16 : index
      %swap3A_246 = tpu.vector_load %arg9[%swap3A_245] {strides = array<i32>} : memref<832xi32, #tpu.memory_space<vmem>>, vector<16xi32>,
      %swap3A_247 = vector.shape_cast %swap3A_246 : vector<16xi32> to vector<16xi32>
      %swap3A_248 = vector.shape_cast %add3A_244 : vector<16xi32> to vector<16xi32>
      tpu.vector_store %arg9[%swap3A_245], %swap3A_248 {strides = array<i32>} : memref<832xi32, #tpu.memory_space<vmem>>, vector<16xi32>,
      %iota3A_249 = tpu.iota {dimensions = array<i32: 0>} : vector<16xi32>
      %add3A_250 = arith.constant 32 : i32
      %add3A_251 = arith.addi %multiple_of3A_212, %add3A_250 : i32
      %add3A_252 = vector.broadcast %add3A_251 : i32 to vector<16xi32>
      %add3A_253 = arith.addi %iota3A_249, %add3A_252 : vector<16xi32>
      %rem3A_254 = arith.constant 26 : i32
      %rem3A_255 = vector.broadcast %rem3A_254 : i32 to vector<16xi32>
      %rem3A_256 = arith.remsi %add3A_253, %rem3A_255 : vector<16xi32>
      %mul3A_257 = arith.constant 100000 : i32
      %mul3A_258 = vector.broadcast %mul3A_257 : i32 to vector<16xi32>
      %mul3A_259 = arith.muli %rem3A_256, %mul3A_258 : vector<16xi32>
      %get3A_260 = arith.constant 32 : index
      %get3A_261 = tpu.vector_load %arg8[%get3A_260] {strides = array<i32>} : memref<832xi32, #tpu.memory_space<vmem>>, vector<16xi32>,
      %get3A_262 = vector.shape_cast %get3A_261 : vector<16xi32> to vector<16xi32>
      %add3A_263 = arith.addi %get3A_262, %mul3A_259 : vector<16xi32>
      %swap3A_264 = arith.constant 32 : index
      %swap3A_265 = tpu.vector_load %arg9[%swap3A_264] {strides = array<i32>} : memref<832xi32, #tpu.memory_space<vmem>>, vector<16xi32>,
      %swap3A_266 = vector.shape_cast %swap3A_265 : vector<16xi32> to vector<16xi32>
      %swap3A_267 = vector.shape_cast %add3A_263 : vector<16xi32> to vector<16xi32>
      tpu.vector_store %arg9[%swap3A_264], %swap3A_267 {strides = array<i32>} : memref<832xi32, #tpu.memory_space<vmem>>, vector<16xi32>,
      %iota3A_268 = tpu.iota {dimensions = array<i32: 0>} : vector<16xi32>
      %add3A_269 = arith.constant 48 : i32
      %add3A_270 = arith.addi %multiple_of3A_212, %add3A_269 : i32
      %add3A_271 = vector.broadcast %add3A_270 : i32 to vector<16xi32>
      %add3A_272 = arith.addi %iota3A_268, %add3A_271 : vector<16xi32>
      %rem3A_273 = arith.constant 26 : i32
      %rem3A_274 = vector.broadcast %rem3A_273 : i32 to vector<16xi32>
      %rem3A_275 = arith.remsi %add3A_272, %rem3A_274 : vector<16xi32>
      %mul3A_276 = arith.constant 100000 : i32
      %mul3A_277 = vector.broadcast %mul3A_276 : i32 to vector<16xi32>
      %mul3A_278 = arith.muli %rem3A_275, %mul3A_277 : vector<16xi32>
      %get3A_279 = arith.constant 48 : index
      %get3A_280 = tpu.vector_load %arg8[%get3A_279] {strides = array<i32>} : memref<832xi32, #tpu.memory_space<vmem>>, vector<16xi32>,
      %get3A_281 = vector.shape_cast %get3A_280 : vector<16xi32> to vector<16xi32>
      %add3A_282 = arith.addi %get3A_281, %mul3A_278 : vector<16xi32>
      %swap3A_283 = arith.constant 48 : index
      %swap3A_284 = tpu.vector_load %arg9[%swap3A_283] {strides = array<i32>} : memref<832xi32, #tpu.memory_space<vmem>>, vector<16xi32>,
      %swap3A_285 = vector.shape_cast %swap3A_284 : vector<16xi32> to vector<16xi32>
      %swap3A_286 = vector.shape_cast %add3A_282 : vector<16xi32> to vector<16xi32>
      tpu.vector_store %arg9[%swap3A_283], %swap3A_286 {strides = array<i32>} : memref<832xi32, #tpu.memory_space<vmem>>, vector<16xi32>,
      %iota3A_287 = tpu.iota {dimensions = array<i32: 0>} : vector<16xi32>
      %add3A_288 = arith.constant 64 : i32
      %add3A_289 = arith.addi %multiple_of3A_212, %add3A_288 : i32
      %add3A_290 = vector.broadcast %add3A_289 : i32 to vector<16xi32>
      %add3A_291 = arith.addi %iota3A_287, %add3A_290 : vector<16xi32>
      %rem3A_292 = arith.constant 26 : i32
      %rem3A_293 = vector.broadcast %rem3A_292 : i32 to vector<16xi32>
      %rem3A_294 = arith.remsi %add3A_291, %rem3A_293 : vector<16xi32>
      %mul3A_295 = arith.constant 100000 : i32
      %mul3A_296 = vector.broadcast %mul3A_295 : i32 to vector<16xi32>
      %mul3A_297 = arith.muli %rem3A_294, %mul3A_296 : vector<16xi32>
      %get3A_298 = arith.constant 64 : index
      %get3A_299 = tpu.vector_load %arg8[%get3A_298] {strides = array<i32>} : memref<832xi32, #tpu.memory_space<vmem>>, vector<16xi32>,
      %get3A_300 = vector.shape_cast %get3A_299 : vector<16xi32> to vector<16xi32>
      %add3A_301 = arith.addi %get3A_300, %mul3A_297 : vector<16xi32>
      %swap3A_302 = arith.constant 64 : index
      %swap3A_303 = tpu.vector_load %arg9[%swap3A_302] {strides = array<i32>} : memref<832xi32, #tpu.memory_space<vmem>>, vector<16xi32>,
      %swap3A_304 = vector.shape_cast %swap3A_303 : vector<16xi32> to vector<16xi32>
      %swap3A_305 = vector.shape_cast %add3A_301 : vector<16xi32> to vector<16xi32>
      tpu.vector_store %arg9[%swap3A_302], %swap3A_305 {strides = array<i32>} : memref<832xi32, #tpu.memory_space<vmem>>, vector<16xi32>,
      %iota3A_306 = tpu.iota {dimensions = array<i32: 0>} : vector<16xi32>
      %add3A_307 = arith.constant 80 : i32
      %add3A_308 = arith.addi %multiple_of3A_212, %add3A_307 : i32
      %add3A_309 = vector.broadcast %add3A_308 : i32 to vector<16xi32>
      %add3A_310 = arith.addi %iota3A_306, %add3A_309 : vector<16xi32>
      %rem3A_311 = arith.constant 26 : i32
      %rem3A_312 = vector.broadcast %rem3A_311 : i32 to vector<16xi32>
      %rem3A_313 = arith.remsi %add3A_310, %rem3A_312 : vector<16xi32>
      %mul3A_314 = arith.constant 100000 : i32
      %mul3A_315 = vector.broadcast %mul3A_314 : i32 to vector<16xi32>
      %mul3A_316 = arith.muli %rem3A_313, %mul3A_315 : vector<16xi32>
      %get3A_317 = arith.constant 80 : index
      %get3A_318 = tpu.vector_load %arg8[%get3A_317] {strides = array<i32>} : memref<832xi32, #tpu.memory_space<vmem>>, vector<16xi32>,
      %get3A_319 = vector.shape_cast %get3A_318 : vector<16xi32> to vector<16xi32>
      %add3A_320 = arith.addi %get3A_319, %mul3A_316 : vector<16xi32>
      %swap3A_321 = arith.constant 80 : index
      %swap3A_322 = tpu.vector_load %arg9[%swap3A_321] {strides = array<i32>} : memref<832xi32, #tpu.memory_space<vmem>>, vector<16xi32>,
      %swap3A_323 = vector.shape_cast %swap3A_322 : vector<16xi32> to vector<16xi32>
      %swap3A_324 = vector.shape_cast %add3A_320 : vector<16xi32> to vector<16xi32>
      tpu.vector_store %arg9[%swap3A_321], %swap3A_324 {strides = array<i32>} : memref<832xi32, #tpu.memory_space<vmem>>, vector<16xi32>,
      %iota3A_325 = tpu.iota {dimensions = array<i32: 0>} : vector<16xi32>
      %add3A_326 = arith.constant 96 : i32
      %add3A_327 = arith.addi %multiple_of3A_212, %add3A_326 : i32
      %add3A_328 = vector.broadcast %add3A_327 : i32 to vector<16xi32>
      %add3A_329 = arith.addi %iota3A_325, %add3A_328 : vector<16xi32>
      %rem3A_330 = arith.constant 26 : i32
      %rem3A_331 = vector.broadcast %rem3A_330 : i32 to vector<16xi32>
      %rem3A_332 = arith.remsi %add3A_329, %rem3A_331 : vector<16xi32>
      %mul3A_333 = arith.constant 100000 : i32
      %mul3A_334 = vector.broadcast %mul3A_333 : i32 to vector<16xi32>
      %mul3A_335 = arith.muli %rem3A_332, %mul3A_334 : vector<16xi32>
      %get3A_336 = arith.constant 96 : index
      %get3A_337 = tpu.vector_load %arg8[%get3A_336] {strides = array<i32>} : memref<832xi32, #tpu.memory_space<vmem>>, vector<16xi32>,
      %get3A_338 = vector.shape_cast %get3A_337 : vector<16xi32> to vector<16xi32>
      %add3A_339 = arith.addi %get3A_338, %mul3A_335 : vector<16xi32>
      %swap3A_340 = arith.constant 96 : index
      %swap3A_341 = tpu.vector_load %arg9[%swap3A_340] {strides = array<i32>} : memref<832xi32, #tpu.memory_space<vmem>>, vector<16xi32>,
      %swap3A_342 = vector.shape_cast %swap3A_341 : vector<16xi32> to vector<16xi32>
      %swap3A_343 = vector.shape_cast %add3A_339 : vector<16xi32> to vector<16xi32>
      tpu.vector_store %arg9[%swap3A_340], %swap3A_343 {strides = array<i32>} : memref<832xi32, #tpu.memory_space<vmem>>, vector<16xi32>,
      %iota3A_344 = tpu.iota {dimensions = array<i32: 0>} : vector<16xi32>
      %add3A_345 = arith.constant 112 : i32
      %add3A_346 = arith.addi %multiple_of3A_212, %add3A_345 : i32
      %add3A_347 = vector.broadcast %add3A_346 : i32 to vector<16xi32>
      %add3A_348 = arith.addi %iota3A_344, %add3A_347 : vector<16xi32>
      %rem3A_349 = arith.constant 26 : i32
      %rem3A_350 = vector.broadcast %rem3A_349 : i32 to vector<16xi32>
      %rem3A_351 = arith.remsi %add3A_348, %rem3A_350 : vector<16xi32>
      %mul3A_352 = arith.constant 100000 : i32
      %mul3A_353 = vector.broadcast %mul3A_352 : i32 to vector<16xi32>
      %mul3A_354 = arith.muli %rem3A_351, %mul3A_353 : vector<16xi32>
      %get3A_355 = arith.constant 112 : index
      %get3A_356 = tpu.vector_load %arg8[%get3A_355] {strides = array<i32>} : memref<832xi32, #tpu.memory_space<vmem>>, vector<16xi32>,
      %get3A_357 = vector.shape_cast %get3A_356 : vector<16xi32> to vector<16xi32>
      %add3A_358 = arith.addi %get3A_357, %mul3A_354 : vector<16xi32>
      %swap3A_359 = arith.constant 112 : index
      %swap3A_360 = tpu.vector_load %arg9[%swap3A_359] {strides = array<i32>} : memref<832xi32, #tpu.memory_space<vmem>>, vector<16xi32>,
      %swap3A_361 = vector.shape_cast %swap3A_360 : vector<16xi32> to vector<16xi32>
      %swap3A_362 = vector.shape_cast %add3A_358 : vector<16xi32> to vector<16xi32>
      tpu.vector_store %arg9[%swap3A_359], %swap3A_362 {strides = array<i32>} : memref<832xi32, #tpu.memory_space<vmem>>, vector<16xi32>,
      %iota3A_363 = tpu.iota {dimensions = array<i32: 0>} : vector<16xi32>
      %add3A_364 = arith.constant 128 : i32
      %add3A_365 = arith.addi %multiple_of3A_212, %add3A_364 : i32
      %add3A_366 = vector.broadcast %add3A_365 : i32 to vector<16xi32>
      %add3A_367 = arith.addi %iota3A_363, %add3A_366 : vector<16xi32>
      %rem3A_368 = arith.constant 26 : i32
      %rem3A_369 = vector.broadcast %rem3A_368 : i32 to vector<16xi32>
      %rem3A_370 = arith.remsi %add3A_367, %rem3A_369 : vector<16xi32>
      %mul3A_371 = arith.constant 100000 : i32
      %mul3A_372 = vector.broadcast %mul3A_371 : i32 to vector<16xi32>
      %mul3A_373 = arith.muli %rem3A_370, %mul3A_372 : vector<16xi32>
      %get3A_374 = arith.constant 128 : index
      %get3A_375 = tpu.vector_load %arg8[%get3A_374] {strides = array<i32>} : memref<832xi32, #tpu.memory_space<vmem>>, vector<16xi32>,
      %get3A_376 = vector.shape_cast %get3A_375 : vector<16xi32> to vector<16xi32>
      %add3A_377 = arith.addi %get3A_376, %mul3A_373 : vector<16xi32>
      %swap3A_378 = arith.constant 128 : index
      %swap3A_379 = tpu.vector_load %arg9[%swap3A_378] {strides = array<i32>} : memref<832xi32, #tpu.memory_space<vmem>>, vector<16xi32>,
      %swap3A_380 = vector.shape_cast %swap3A_379 : vector<16xi32> to vector<16xi32>
      %swap3A_381 = vector.shape_cast %add3A_377 : vector<16xi32> to vector<16xi32>
      tpu.vector_store %arg9[%swap3A_378], %swap3A_381 {strides = array<i32>} : memref<832xi32, #tpu.memory_space<vmem>>, vector<16xi32>,
      %iota3A_382 = tpu.iota {dimensions = array<i32: 0>} : vector<16xi32>
      %add3A_383 = arith.constant 144 : i32
      %add3A_384 = arith.addi %multiple_of3A_212, %add3A_383 : i32
      %add3A_385 = vector.broadcast %add3A_384 : i32 to vector<16xi32>
      %add3A_386 = arith.addi %iota3A_382, %add3A_385 : vector<16xi32>
      %rem3A_387 = arith.constant 26 : i32
      %rem3A_388 = vector.broadcast %rem3A_387 : i32 to vector<16xi32>
      %rem3A_389 = arith.remsi %add3A_386, %rem3A_388 : vector<16xi32>
      %mul3A_390 = arith.constant 100000 : i32
      %mul3A_391 = vector.broadcast %mul3A_390 : i32 to vector<16xi32>
      %mul3A_392 = arith.muli %rem3A_389, %mul3A_391 : vector<16xi32>
      %get3A_393 = arith.constant 144 : index
      %get3A_394 = tpu.vector_load %arg8[%get3A_393] {strides = array<i32>} : memref<832xi32, #tpu.memory_space<vmem>>, vector<16xi32>,
      %get3A_395 = vector.shape_cast %get3A_394 : vector<16xi32> to vector<16xi32>
      %add3A_396 = arith.addi %get3A_395, %mul3A_392 : vector<16xi32>
      %swap3A_397 = arith.constant 144 : index
      %swap3A_398 = tpu.vector_load %arg9[%swap3A_397] {strides = array<i32>} : memref<832xi32, #tpu.memory_space<vmem>>, vector<16xi32>,
      %swap3A_399 = vector.shape_cast %swap3A_398 : vector<16xi32> to vector<16xi32>
      %swap3A_400 = vector.shape_cast %add3A_396 : vector<16xi32> to vector<16xi32>
      tpu.vector_store %arg9[%swap3A_397], %swap3A_400 {strides = array<i32>} : memref<832xi32, #tpu.memory_space<vmem>>, vector<16xi32>,
      %iota3A_401 = tpu.iota {dimensions = array<i32: 0>} : vector<16xi32>
      %add3A_402 = arith.constant 160 : i32
      %add3A_403 = arith.addi %multiple_of3A_212, %add3A_402 : i32
      %add3A_404 = vector.broadcast %add3A_403 : i32 to vector<16xi32>
      %add3A_405 = arith.addi %iota3A_401, %add3A_404 : vector<16xi32>
      %rem3A_406 = arith.constant 26 : i32
      %rem3A_407 = vector.broadcast %rem3A_406 : i32 to vector<16xi32>
      %rem3A_408 = arith.remsi %add3A_405, %rem3A_407 : vector<16xi32>
      %mul3A_409 = arith.constant 100000 : i32
      %mul3A_410 = vector.broadcast %mul3A_409 : i32 to vector<16xi32>
      %mul3A_411 = arith.muli %rem3A_408, %mul3A_410 : vector<16xi32>
      %get3A_412 = arith.constant 160 : index
      %get3A_413 = tpu.vector_load %arg8[%get3A_412] {strides = array<i32>} : memref<832xi32, #tpu.memory_space<vmem>>, vector<16xi32>,
      %get3A_414 = vector.shape_cast %get3A_413 : vector<16xi32> to vector<16xi32>
      %add3A_415 = arith.addi %get3A_414, %mul3A_411 : vector<16xi32>
      %swap3A_416 = arith.constant 160 : index
      %swap3A_417 = tpu.vector_load %arg9[%swap3A_416] {strides = array<i32>} : memref<832xi32, #tpu.memory_space<vmem>>, vector<16xi32>,
      %swap3A_418 = vector.shape_cast %swap3A_417 : vector<16xi32> to vector<16xi32>
      %swap3A_419 = vector.shape_cast %add3A_415 : vector<16xi32> to vector<16xi32>
      tpu.vector_store %arg9[%swap3A_416], %swap3A_419 {strides = array<i32>} : memref<832xi32, #tpu.memory_space<vmem>>, vector<16xi32>,
      %iota3A_420 = tpu.iota {dimensions = array<i32: 0>} : vector<16xi32>
      %add3A_421 = arith.constant 176 : i32
      %add3A_422 = arith.addi %multiple_of3A_212, %add3A_421 : i32
      %add3A_423 = vector.broadcast %add3A_422 : i32 to vector<16xi32>
      %add3A_424 = arith.addi %iota3A_420, %add3A_423 : vector<16xi32>
      %rem3A_425 = arith.constant 26 : i32
      %rem3A_426 = vector.broadcast %rem3A_425 : i32 to vector<16xi32>
      %rem3A_427 = arith.remsi %add3A_424, %rem3A_426 : vector<16xi32>
      %mul3A_428 = arith.constant 100000 : i32
      %mul3A_429 = vector.broadcast %mul3A_428 : i32 to vector<16xi32>
      %mul3A_430 = arith.muli %rem3A_427, %mul3A_429 : vector<16xi32>
      %get3A_431 = arith.constant 176 : index
      %get3A_432 = tpu.vector_load %arg8[%get3A_431] {strides = array<i32>} : memref<832xi32, #tpu.memory_space<vmem>>, vector<16xi32>,
      %get3A_433 = vector.shape_cast %get3A_432 : vector<16xi32> to vector<16xi32>
      %add3A_434 = arith.addi %get3A_433, %mul3A_430 : vector<16xi32>
      %swap3A_435 = arith.constant 176 : index
      %swap3A_436 = tpu.vector_load %arg9[%swap3A_435] {strides = array<i32>} : memref<832xi32, #tpu.memory_space<vmem>>, vector<16xi32>,
      %swap3A_437 = vector.shape_cast %swap3A_436 : vector<16xi32> to vector<16xi32>
      %swap3A_438 = vector.shape_cast %add3A_434 : vector<16xi32> to vector<16xi32>
      tpu.vector_store %arg9[%swap3A_435], %swap3A_438 {strides = array<i32>} : memref<832xi32, #tpu.memory_space<vmem>>, vector<16xi32>,
      %iota3A_439 = tpu.iota {dimensions = array<i32: 0>} : vector<16xi32>
      %add3A_440 = arith.constant 192 : i32
      %add3A_441 = arith.addi %multiple_of3A_212, %add3A_440 : i32
      %add3A_442 = vector.broadcast %add3A_441 : i32 to vector<16xi32>
      %add3A_443 = arith.addi %iota3A_439, %add3A_442 : vector<16xi32>
      %rem3A_444 = arith.constant 26 : i32
      %rem3A_445 = vector.broadcast %rem3A_444 : i32 to vector<16xi32>
      %rem3A_446 = arith.remsi %add3A_443, %rem3A_445 : vector<16xi32>
      %mul3A_447 = arith.constant 100000 : i32
      %mul3A_448 = vector.broadcast %mul3A_447 : i32 to vector<16xi32>
      %mul3A_449 = arith.muli %rem3A_446, %mul3A_448 : vector<16xi32>
      %get3A_450 = arith.constant 192 : index
      %get3A_451 = tpu.vector_load %arg8[%get3A_450] {strides = array<i32>} : memref<832xi32, #tpu.memory_space<vmem>>, vector<16xi32>,
      %get3A_452 = vector.shape_cast %get3A_451 : vector<16xi32> to vector<16xi32>
      %add3A_453 = arith.addi %get3A_452, %mul3A_449 : vector<16xi32>
      %swap3A_454 = arith.constant 192 : index
      %swap3A_455 = tpu.vector_load %arg9[%swap3A_454] {strides = array<i32>} : memref<832xi32, #tpu.memory_space<vmem>>, vector<16xi32>,
      %swap3A_456 = vector.shape_cast %swap3A_455 : vector<16xi32> to vector<16xi32>
      %swap3A_457 = vector.shape_cast %add3A_453 : vector<16xi32> to vector<16xi32>
      tpu.vector_store %arg9[%swap3A_454], %swap3A_457 {strides = array<i32>} : memref<832xi32, #tpu.memory_space<vmem>>, vector<16xi32>,
      %iota3A_458 = tpu.iota {dimensions = array<i32: 0>} : vector<16xi32>
      %add3A_459 = arith.constant 208 : i32
      %add3A_460 = arith.addi %multiple_of3A_212, %add3A_459 : i32
      %add3A_461 = vector.broadcast %add3A_460 : i32 to vector<16xi32>
      %add3A_462 = arith.addi %iota3A_458, %add3A_461 : vector<16xi32>
      %rem3A_463 = arith.constant 26 : i32
      %rem3A_464 = vector.broadcast %rem3A_463 : i32 to vector<16xi32>
      %rem3A_465 = arith.remsi %add3A_462, %rem3A_464 : vector<16xi32>
      %mul3A_466 = arith.constant 100000 : i32
      %mul3A_467 = vector.broadcast %mul3A_466 : i32 to vector<16xi32>
      %mul3A_468 = arith.muli %rem3A_465, %mul3A_467 : vector<16xi32>
      %get3A_469 = arith.constant 208 : index
      %get3A_470 = tpu.vector_load %arg8[%get3A_469] {strides = array<i32>} : memref<832xi32, #tpu.memory_space<vmem>>, vector<16xi32>,
      %get3A_471 = vector.shape_cast %get3A_470 : vector<16xi32> to vector<16xi32>
      %add3A_472 = arith.addi %get3A_471, %mul3A_468 : vector<16xi32>
      %swap3A_473 = arith.constant 208 : index
      %swap3A_474 = tpu.vector_load %arg9[%swap3A_473] {strides = array<i32>} : memref<832xi32, #tpu.memory_space<vmem>>, vector<16xi32>,
      %swap3A_475 = vector.shape_cast %swap3A_474 : vector<16xi32> to vector<16xi32>
      %swap3A_476 = vector.shape_cast %add3A_472 : vector<16xi32> to vector<16xi32>
      tpu.vector_store %arg9[%swap3A_473], %swap3A_476 {strides = array<i32>} : memref<832xi32, #tpu.memory_space<vmem>>, vector<16xi32>,
      %iota3A_477 = tpu.iota {dimensions = array<i32: 0>} : vector<16xi32>
      %add3A_478 = arith.constant 224 : i32
      %add3A_479 = arith.addi %multiple_of3A_212, %add3A_478 : i32
      %add3A_480 = vector.broadcast %add3A_479 : i32 to vector<16xi32>
      %add3A_481 = arith.addi %iota3A_477, %add3A_480 : vector<16xi32>
      %rem3A_482 = arith.constant 26 : i32
      %rem3A_483 = vector.broadcast %rem3A_482 : i32 to vector<16xi32>
      %rem3A_484 = arith.remsi %add3A_481, %rem3A_483 : vector<16xi32>
      %mul3A_485 = arith.constant 100000 : i32
      %mul3A_486 = vector.broadcast %mul3A_485 : i32 to vector<16xi32>
      %mul3A_487 = arith.muli %rem3A_484, %mul3A_486 : vector<16xi32>
      %get3A_488 = arith.constant 224 : index
      %get3A_489 = tpu.vector_load %arg8[%get3A_488] {strides = array<i32>} : memref<832xi32, #tpu.memory_space<vmem>>, vector<16xi32>,
      %get3A_490 = vector.shape_cast %get3A_489 : vector<16xi32> to vector<16xi32>
      %add3A_491 = arith.addi %get3A_490, %mul3A_487 : vector<16xi32>
      %swap3A_492 = arith.constant 224 : index
      %swap3A_493 = tpu.vector_load %arg9[%swap3A_492] {strides = array<i32>} : memref<832xi32, #tpu.memory_space<vmem>>, vector<16xi32>,
      %swap3A_494 = vector.shape_cast %swap3A_493 : vector<16xi32> to vector<16xi32>
      %swap3A_495 = vector.shape_cast %add3A_491 : vector<16xi32> to vector<16xi32>
      tpu.vector_store %arg9[%swap3A_492], %swap3A_495 {strides = array<i32>} : memref<832xi32, #tpu.memory_space<vmem>>, vector<16xi32>,
      %iota3A_496 = tpu.iota {dimensions = array<i32: 0>} : vector<16xi32>
      %add3A_497 = arith.constant 240 : i32
      %add3A_498 = arith.addi %multiple_of3A_212, %add3A_497 : i32
      %add3A_499 = vector.broadcast %add3A_498 : i32 to vector<16xi32>
      %add3A_500 = arith.addi %iota3A_496, %add3A_499 : vector<16xi32>
      %rem3A_501 = arith.constant 26 : i32
      %rem3A_502 = vector.broadcast %rem3A_501 : i32 to vector<16xi32>
      %rem3A_503 = arith.remsi %add3A_500, %rem3A_502 : vector<16xi32>
      %mul3A_504 = arith.constant 100000 : i32
      %mul3A_505 = vector.broadcast %mul3A_504 : i32 to vector<16xi32>
      %mul3A_506 = arith.muli %rem3A_503, %mul3A_505 : vector<16xi32>
      %get3A_507 = arith.constant 240 : index
      %get3A_508 = tpu.vector_load %arg8[%get3A_507] {strides = array<i32>} : memref<832xi32, #tpu.memory_space<vmem>>, vector<16xi32>,
      %get3A_509 = vector.shape_cast %get3A_508 : vector<16xi32> to vector<16xi32>
      %add3A_510 = arith.addi %get3A_509, %mul3A_506 : vector<16xi32>
      %swap3A_511 = arith.constant 240 : index
      %swap3A_512 = tpu.vector_load %arg9[%swap3A_511] {strides = array<i32>} : memref<832xi32, #tpu.memory_space<vmem>>, vector<16xi32>,
      %swap3A_513 = vector.shape_cast %swap3A_512 : vector<16xi32> to vector<16xi32>
      %swap3A_514 = vector.shape_cast %add3A_510 : vector<16xi32> to vector<16xi32>
      tpu.vector_store %arg9[%swap3A_511], %swap3A_514 {strides = array<i32>} : memref<832xi32, #tpu.memory_space<vmem>>, vector<16xi32>,
      %iota3A_515 = tpu.iota {dimensions = array<i32: 0>} : vector<16xi32>
      %add3A_516 = arith.constant 256 : i32
      %add3A_517 = arith.addi %multiple_of3A_212, %add3A_516 : i32
      %add3A_518 = vector.broadcast %add3A_517 : i32 to vector<16xi32>
      %add3A_519 = arith.addi %iota3A_515, %add3A_518 : vector<16xi32>
      %rem3A_520 = arith.constant 26 : i32
      %rem3A_521 = vector.broadcast %rem3A_520 : i32 to vector<16xi32>
      %rem3A_522 = arith.remsi %add3A_519, %rem3A_521 : vector<16xi32>
      %mul3A_523 = arith.constant 100000 : i32
      %mul3A_524 = vector.broadcast %mul3A_523 : i32 to vector<16xi32>
      %mul3A_525 = arith.muli %rem3A_522, %mul3A_524 : vector<16xi32>
      %get3A_526 = arith.constant 256 : index
      %get3A_527 = tpu.vector_load %arg8[%get3A_526] {strides = array<i32>} : memref<832xi32, #tpu.memory_space<vmem>>, vector<16xi32>,
      %get3A_528 = vector.shape_cast %get3A_527 : vector<16xi32> to vector<16xi32>
      %add3A_529 = arith.addi %get3A_528, %mul3A_525 : vector<16xi32>
      %swap3A_530 = arith.constant 256 : index
      %swap3A_531 = tpu.vector_load %arg9[%swap3A_530] {strides = array<i32>} : memref<832xi32, #tpu.memory_space<vmem>>, vector<16xi32>,
      %swap3A_532 = vector.shape_cast %swap3A_531 : vector<16xi32> to vector<16xi32>
      %swap3A_533 = vector.shape_cast %add3A_529 : vector<16xi32> to vector<16xi32>
      tpu.vector_store %arg9[%swap3A_530], %swap3A_533 {strides = array<i32>} : memref<832xi32, #tpu.memory_space<vmem>>, vector<16xi32>,
      %iota3A_534 = tpu.iota {dimensions = array<i32: 0>} : vector<16xi32>
      %add3A_535 = arith.constant 272 : i32
      %add3A_536 = arith.addi %multiple_of3A_212, %add3A_535 : i32
      %add3A_537 = vector.broadcast %add3A_536 : i32 to vector<16xi32>
      %add3A_538 = arith.addi %iota3A_534, %add3A_537 : vector<16xi32>
      %rem3A_539 = arith.constant 26 : i32
      %rem3A_540 = vector.broadcast %rem3A_539 : i32 to vector<16xi32>
      %rem3A_541 = arith.remsi %add3A_538, %rem3A_540 : vector<16xi32>
      %mul3A_542 = arith.constant 100000 : i32
      %mul3A_543 = vector.broadcast %mul3A_542 : i32 to vector<16xi32>
      %mul3A_544 = arith.muli %rem3A_541, %mul3A_543 : vector<16xi32>
      %get3A_545 = arith.constant 272 : index
      %get3A_546 = tpu.vector_load %arg8[%get3A_545] {strides = array<i32>} : memref<832xi32, #tpu.memory_space<vmem>>, vector<16xi32>,
      %get3A_547 = vector.shape_cast %get3A_546 : vector<16xi32> to vector<16xi32>
      %add3A_548 = arith.addi %get3A_547, %mul3A_544 : vector<16xi32>
      %swap3A_549 = arith.constant 272 : index
      %swap3A_550 = tpu.vector_load %arg9[%swap3A_549] {strides = array<i32>} : memref<832xi32, #tpu.memory_space<vmem>>, vector<16xi32>,
      %swap3A_551 = vector.shape_cast %swap3A_550 : vector<16xi32> to vector<16xi32>
      %swap3A_552 = vector.shape_cast %add3A_548 : vector<16xi32> to vector<16xi32>
      tpu.vector_store %arg9[%swap3A_549], %swap3A_552 {strides = array<i32>} : memref<832xi32, #tpu.memory_space<vmem>>, vector<16xi32>,
      %iota3A_553 = tpu.iota {dimensions = array<i32: 0>} : vector<16xi32>
      %add3A_554 = arith.constant 288 : i32
      %add3A_555 = arith.addi %multiple_of3A_212, %add3A_554 : i32
      %add3A_556 = vector.broadcast %add3A_555 : i32 to vector<16xi32>
      %add3A_557 = arith.addi %iota3A_553, %add3A_556 : vector<16xi32>
      %rem3A_558 = arith.constant 26 : i32
      %rem3A_559 = vector.broadcast %rem3A_558 : i32 to vector<16xi32>
      %rem3A_560 = arith.remsi %add3A_557, %rem3A_559 : vector<16xi32>
      %mul3A_561 = arith.constant 100000 : i32
      %mul3A_562 = vector.broadcast %mul3A_561 : i32 to vector<16xi32>
      %mul3A_563 = arith.muli %rem3A_560, %mul3A_562 : vector<16xi32>
      %get3A_564 = arith.constant 288 : index
      %get3A_565 = tpu.vector_load %arg8[%get3A_564] {strides = array<i32>} : memref<832xi32, #tpu.memory_space<vmem>>, vector<16xi32>,
      %get3A_566 = vector.shape_cast %get3A_565 : vector<16xi32> to vector<16xi32>
      %add3A_567 = arith.addi %get3A_566, %mul3A_563 : vector<16xi32>
      %swap3A_568 = arith.constant 288 : index
      %swap3A_569 = tpu.vector_load %arg9[%swap3A_568] {strides = array<i32>} : memref<832xi32, #tpu.memory_space<vmem>>, vector<16xi32>,
      %swap3A_570 = vector.shape_cast %swap3A_569 : vector<16xi32> to vector<16xi32>
      %swap3A_571 = vector.shape_cast %add3A_567 : vector<16xi32> to vector<16xi32>
      tpu.vector_store %arg9[%swap3A_568], %swap3A_571 {strides = array<i32>} : memref<832xi32, #tpu.memory_space<vmem>>, vector<16xi32>,
      %iota3A_572 = tpu.iota {dimensions = array<i32: 0>} : vector<16xi32>
      %add3A_573 = arith.constant 304 : i32
      %add3A_574 = arith.addi %multiple_of3A_212, %add3A_573 : i32
      %add3A_575 = vector.broadcast %add3A_574 : i32 to vector<16xi32>
      %add3A_576 = arith.addi %iota3A_572, %add3A_575 : vector<16xi32>
      %rem3A_577 = arith.constant 26 : i32
      %rem3A_578 = vector.broadcast %rem3A_577 : i32 to vector<16xi32>
      %rem3A_579 = arith.remsi %add3A_576, %rem3A_578 : vector<16xi32>
      %mul3A_580 = arith.constant 100000 : i32
      %mul3A_581 = vector.broadcast %mul3A_580 : i32 to vector<16xi32>
      %mul3A_582 = arith.muli %rem3A_579, %mul3A_581 : vector<16xi32>
      %get3A_583 = arith.constant 304 : index
      %get3A_584 = tpu.vector_load %arg8[%get3A_583] {strides = array<i32>} : memref<832xi32, #tpu.memory_space<vmem>>, vector<16xi32>,
      %get3A_585 = vector.shape_cast %get3A_584 : vector<16xi32> to vector<16xi32>
      %add3A_586 = arith.addi %get3A_585, %mul3A_582 : vector<16xi32>
      %swap3A_587 = arith.constant 304 : index
      %swap3A_588 = tpu.vector_load %arg9[%swap3A_587] {strides = array<i32>} : memref<832xi32, #tpu.memory_space<vmem>>, vector<16xi32>,
      %swap3A_589 = vector.shape_cast %swap3A_588 : vector<16xi32> to vector<16xi32>
      %swap3A_590 = vector.shape_cast %add3A_586 : vector<16xi32> to vector<16xi32>
      tpu.vector_store %arg9[%swap3A_587], %swap3A_590 {strides = array<i32>} : memref<832xi32, #tpu.memory_space<vmem>>, vector<16xi32>,
      %iota3A_591 = tpu.iota {dimensions = array<i32: 0>} : vector<16xi32>
      %add3A_592 = arith.constant 320 : i32
      %add3A_593 = arith.addi %multiple_of3A_212, %add3A_592 : i32
      %add3A_594 = vector.broadcast %add3A_593 : i32 to vector<16xi32>
      %add3A_595 = arith.addi %iota3A_591, %add3A_594 : vector<16xi32>
      %rem3A_596 = arith.constant 26 : i32
      %rem3A_597 = vector.broadcast %rem3A_596 : i32 to vector<16xi32>
      %rem3A_598 = arith.remsi %add3A_595, %rem3A_597 : vector<16xi32>
      %mul3A_599 = arith.constant 100000 : i32
      %mul3A_600 = vector.broadcast %mul3A_599 : i32 to vector<16xi32>
      %mul3A_601 = arith.muli %rem3A_598, %mul3A_600 : vector<16xi32>
      %get3A_602 = arith.constant 320 : index
      %get3A_603 = tpu.vector_load %arg8[%get3A_602] {strides = array<i32>} : memref<832xi32, #tpu.memory_space<vmem>>, vector<16xi32>,
      %get3A_604 = vector.shape_cast %get3A_603 : vector<16xi32> to vector<16xi32>
      %add3A_605 = arith.addi %get3A_604, %mul3A_601 : vector<16xi32>
      %swap3A_606 = arith.constant 320 : index
      %swap3A_607 = tpu.vector_load %arg9[%swap3A_606] {strides = array<i32>} : memref<832xi32, #tpu.memory_space<vmem>>, vector<16xi32>,
      %swap3A_608 = vector.shape_cast %swap3A_607 : vector<16xi32> to vector<16xi32>
      %swap3A_609 = vector.shape_cast %add3A_605 : vector<16xi32> to vector<16xi32>
      tpu.vector_store %arg9[%swap3A_606], %swap3A_609 {strides = array<i32>} : memref<832xi32, #tpu.memory_space<vmem>>, vector<16xi32>,
      %iota3A_610 = tpu.iota {dimensions = array<i32: 0>} : vector<16xi32>
      %add3A_611 = arith.constant 336 : i32
      %add3A_612 = arith.addi %multiple_of3A_212, %add3A_611 : i32
      %add3A_613 = vector.broadcast %add3A_612 : i32 to vector<16xi32>
      %add3A_614 = arith.addi %iota3A_610, %add3A_613 : vector<16xi32>
      %rem3A_615 = arith.constant 26 : i32
      %rem3A_616 = vector.broadcast %rem3A_615 : i32 to vector<16xi32>
      %rem3A_617 = arith.remsi %add3A_614, %rem3A_616 : vector<16xi32>
      %mul3A_618 = arith.constant 100000 : i32
      %mul3A_619 = vector.broadcast %mul3A_618 : i32 to vector<16xi32>
      %mul3A_620 = arith.muli %rem3A_617, %mul3A_619 : vector<16xi32>
      %get3A_621 = arith.constant 336 : index
      %get3A_622 = tpu.vector_load %arg8[%get3A_621] {strides = array<i32>} : memref<832xi32, #tpu.memory_space<vmem>>, vector<16xi32>,
      %get3A_623 = vector.shape_cast %get3A_622 : vector<16xi32> to vector<16xi32>
      %add3A_624 = arith.addi %get3A_623, %mul3A_620 : vector<16xi32>
      %swap3A_625 = arith.constant 336 : index
      %swap3A_626 = tpu.vector_load %arg9[%swap3A_625] {strides = array<i32>} : memref<832xi32, #tpu.memory_space<vmem>>, vector<16xi32>,
      %swap3A_627 = vector.shape_cast %swap3A_626 : vector<16xi32> to vector<16xi32>
      %swap3A_628 = vector.shape_cast %add3A_624 : vector<16xi32> to vector<16xi32>
      tpu.vector_store %arg9[%swap3A_625], %swap3A_628 {strides = array<i32>} : memref<832xi32, #tpu.memory_space<vmem>>, vector<16xi32>,
      %iota3A_629 = tpu.iota {dimensions = array<i32: 0>} : vector<16xi32>
      %add3A_630 = arith.constant 352 : i32
      %add3A_631 = arith.addi %multiple_of3A_212, %add3A_630 : i32
      %add3A_632 = vector.broadcast %add3A_631 : i32 to vector<16xi32>
      %add3A_633 = arith.addi %iota3A_629, %add3A_632 : vector<16xi32>
      %rem3A_634 = arith.constant 26 : i32
      %rem3A_635 = vector.broadcast %rem3A_634 : i32 to vector<16xi32>
      %rem3A_636 = arith.remsi %add3A_633, %rem3A_635 : vector<16xi32>
      %mul3A_637 = arith.constant 100000 : i32
      %mul3A_638 = vector.broadcast %mul3A_637 : i32 to vector<16xi32>
      %mul3A_639 = arith.muli %rem3A_636, %mul3A_638 : vector<16xi32>
      %get3A_640 = arith.constant 352 : index
      %get3A_641 = tpu.vector_load %arg8[%get3A_640] {strides = array<i32>} : memref<832xi32, #tpu.memory_space<vmem>>, vector<16xi32>,
      %get3A_642 = vector.shape_cast %get3A_641 : vector<16xi32> to vector<16xi32>
      %add3A_643 = arith.addi %get3A_642, %mul3A_639 : vector<16xi32>
      %swap3A_644 = arith.constant 352 : index
      %swap3A_645 = tpu.vector_load %arg9[%swap3A_644] {strides = array<i32>} : memref<832xi32, #tpu.memory_space<vmem>>, vector<16xi32>,
      %swap3A_646 = vector.shape_cast %swap3A_645 : vector<16xi32> to vector<16xi32>
      %swap3A_647 = vector.shape_cast %add3A_643 : vector<16xi32> to vector<16xi32>
      tpu.vector_store %arg9[%swap3A_644], %swap3A_647 {strides = array<i32>} : memref<832xi32, #tpu.memory_space<vmem>>, vector<16xi32>,
      %iota3A_648 = tpu.iota {dimensions = array<i32: 0>} : vector<16xi32>
      %add3A_649 = arith.constant 368 : i32
      %add3A_650 = arith.addi %multiple_of3A_212, %add3A_649 : i32
      %add3A_651 = vector.broadcast %add3A_650 : i32 to vector<16xi32>
      %add3A_652 = arith.addi %iota3A_648, %add3A_651 : vector<16xi32>
      %rem3A_653 = arith.constant 26 : i32
      %rem3A_654 = vector.broadcast %rem3A_653 : i32 to vector<16xi32>
      %rem3A_655 = arith.remsi %add3A_652, %rem3A_654 : vector<16xi32>
      %mul3A_656 = arith.constant 100000 : i32
      %mul3A_657 = vector.broadcast %mul3A_656 : i32 to vector<16xi32>
      %mul3A_658 = arith.muli %rem3A_655, %mul3A_657 : vector<16xi32>
      %get3A_659 = arith.constant 368 : index
      %get3A_660 = tpu.vector_load %arg8[%get3A_659] {strides = array<i32>} : memref<832xi32, #tpu.memory_space<vmem>>, vector<16xi32>,
      %get3A_661 = vector.shape_cast %get3A_660 : vector<16xi32> to vector<16xi32>
      %add3A_662 = arith.addi %get3A_661, %mul3A_658 : vector<16xi32>
      %swap3A_663 = arith.constant 368 : index
      %swap3A_664 = tpu.vector_load %arg9[%swap3A_663] {strides = array<i32>} : memref<832xi32, #tpu.memory_space<vmem>>, vector<16xi32>,
      %swap3A_665 = vector.shape_cast %swap3A_664 : vector<16xi32> to vector<16xi32>
      %swap3A_666 = vector.shape_cast %add3A_662 : vector<16xi32> to vector<16xi32>
      tpu.vector_store %arg9[%swap3A_663], %swap3A_666 {strides = array<i32>} : memref<832xi32, #tpu.memory_space<vmem>>, vector<16xi32>,
      %iota3A_667 = tpu.iota {dimensions = array<i32: 0>} : vector<16xi32>
      %add3A_668 = arith.constant 384 : i32
      %add3A_669 = arith.addi %multiple_of3A_212, %add3A_668 : i32
      %add3A_670 = vector.broadcast %add3A_669 : i32 to vector<16xi32>
      %add3A_671 = arith.addi %iota3A_667, %add3A_670 : vector<16xi32>
      %rem3A_672 = arith.constant 26 : i32
      %rem3A_673 = vector.broadcast %rem3A_672 : i32 to vector<16xi32>
      %rem3A_674 = arith.remsi %add3A_671, %rem3A_673 : vector<16xi32>
      %mul3A_675 = arith.constant 100000 : i32
      %mul3A_676 = vector.broadcast %mul3A_675 : i32 to vector<16xi32>
      %mul3A_677 = arith.muli %rem3A_674, %mul3A_676 : vector<16xi32>
      %get3A_678 = arith.constant 384 : index
      %get3A_679 = tpu.vector_load %arg8[%get3A_678] {strides = array<i32>} : memref<832xi32, #tpu.memory_space<vmem>>, vector<16xi32>,
      %get3A_680 = vector.shape_cast %get3A_679 : vector<16xi32> to vector<16xi32>
      %add3A_681 = arith.addi %get3A_680, %mul3A_677 : vector<16xi32>
      %swap3A_682 = arith.constant 384 : index
      %swap3A_683 = tpu.vector_load %arg9[%swap3A_682] {strides = array<i32>} : memref<832xi32, #tpu.memory_space<vmem>>, vector<16xi32>,
      %swap3A_684 = vector.shape_cast %swap3A_683 : vector<16xi32> to vector<16xi32>
      %swap3A_685 = vector.shape_cast %add3A_681 : vector<16xi32> to vector<16xi32>
      tpu.vector_store %arg9[%swap3A_682], %swap3A_685 {strides = array<i32>} : memref<832xi32, #tpu.memory_space<vmem>>, vector<16xi32>,
      %iota3A_686 = tpu.iota {dimensions = array<i32: 0>} : vector<16xi32>
      %add3A_687 = arith.constant 400 : i32
      %add3A_688 = arith.addi %multiple_of3A_212, %add3A_687 : i32
      %add3A_689 = vector.broadcast %add3A_688 : i32 to vector<16xi32>
      %add3A_690 = arith.addi %iota3A_686, %add3A_689 : vector<16xi32>
      %rem3A_691 = arith.constant 26 : i32
      %rem3A_692 = vector.broadcast %rem3A_691 : i32 to vector<16xi32>
      %rem3A_693 = arith.remsi %add3A_690, %rem3A_692 : vector<16xi32>
      %mul3A_694 = arith.constant 100000 : i32
      %mul3A_695 = vector.broadcast %mul3A_694 : i32 to vector<16xi32>
      %mul3A_696 = arith.muli %rem3A_693, %mul3A_695 : vector<16xi32>
      %get3A_697 = arith.constant 400 : index
      %get3A_698 = tpu.vector_load %arg8[%get3A_697] {strides = array<i32>} : memref<832xi32, #tpu.memory_space<vmem>>, vector<16xi32>,
      %get3A_699 = vector.shape_cast %get3A_698 : vector<16xi32> to vector<16xi32>
      %add3A_700 = arith.addi %get3A_699, %mul3A_696 : vector<16xi32>
      %swap3A_701 = arith.constant 400 : index
      %swap3A_702 = tpu.vector_load %arg9[%swap3A_701] {strides = array<i32>} : memref<832xi32, #tpu.memory_space<vmem>>, vector<16xi32>,
      %swap3A_703 = vector.shape_cast %swap3A_702 : vector<16xi32> to vector<16xi32>
      %swap3A_704 = vector.shape_cast %add3A_700 : vector<16xi32> to vector<16xi32>
      tpu.vector_store %arg9[%swap3A_701], %swap3A_704 {strides = array<i32>} : memref<832xi32, #tpu.memory_space<vmem>>, vector<16xi32>,
      %iota3A_705 = tpu.iota {dimensions = array<i32: 0>} : vector<16xi32>
      %add3A_706 = arith.constant 416 : i32
      %add3A_707 = arith.addi %multiple_of3A_212, %add3A_706 : i32
      %add3A_708 = vector.broadcast %add3A_707 : i32 to vector<16xi32>
      %add3A_709 = arith.addi %iota3A_705, %add3A_708 : vector<16xi32>
      %rem3A_710 = arith.constant 26 : i32
      %rem3A_711 = vector.broadcast %rem3A_710 : i32 to vector<16xi32>
      %rem3A_712 = arith.remsi %add3A_709, %rem3A_711 : vector<16xi32>
      %mul3A_713 = arith.constant 100000 : i32
      %mul3A_714 = vector.broadcast %mul3A_713 : i32 to vector<16xi32>
      %mul3A_715 = arith.muli %rem3A_712, %mul3A_714 : vector<16xi32>
      %get3A_716 = arith.constant 416 : index
      %get3A_717 = tpu.vector_load %arg8[%get3A_716] {strides = array<i32>} : memref<832xi32, #tpu.memory_space<vmem>>, vector<16xi32>,
      %get3A_718 = vector.shape_cast %get3A_717 : vector<16xi32> to vector<16xi32>
      %add3A_719 = arith.addi %get3A_718, %mul3A_715 : vector<16xi32>
      %swap3A_720 = arith.constant 416 : index
      %swap3A_721 = tpu.vector_load %arg9[%swap3A_720] {strides = array<i32>} : memref<832xi32, #tpu.memory_space<vmem>>, vector<16xi32>,
      %swap3A_722 = vector.shape_cast %swap3A_721 : vector<16xi32> to vector<16xi32>
      %swap3A_723 = vector.shape_cast %add3A_719 : vector<16xi32> to vector<16xi32>
      tpu.vector_store %arg9[%swap3A_720], %swap3A_723 {strides = array<i32>} : memref<832xi32, #tpu.memory_space<vmem>>, vector<16xi32>,
      %iota3A_724 = tpu.iota {dimensions = array<i32: 0>} : vector<16xi32>
      %add3A_725 = arith.constant 432 : i32
      %add3A_726 = arith.addi %multiple_of3A_212, %add3A_725 : i32
      %add3A_727 = vector.broadcast %add3A_726 : i32 to vector<16xi32>
      %add3A_728 = arith.addi %iota3A_724, %add3A_727 : vector<16xi32>
      %rem3A_729 = arith.constant 26 : i32
      %rem3A_730 = vector.broadcast %rem3A_729 : i32 to vector<16xi32>
      %rem3A_731 = arith.remsi %add3A_728, %rem3A_730 : vector<16xi32>
      %mul3A_732 = arith.constant 100000 : i32
      %mul3A_733 = vector.broadcast %mul3A_732 : i32 to vector<16xi32>
      %mul3A_734 = arith.muli %rem3A_731, %mul3A_733 : vector<16xi32>
      %get3A_735 = arith.constant 432 : index
      %get3A_736 = tpu.vector_load %arg8[%get3A_735] {strides = array<i32>} : memref<832xi32, #tpu.memory_space<vmem>>, vector<16xi32>,
      %get3A_737 = vector.shape_cast %get3A_736 : vector<16xi32> to vector<16xi32>
      %add3A_738 = arith.addi %get3A_737, %mul3A_734 : vector<16xi32>
      %swap3A_739 = arith.constant 432 : index
      %swap3A_740 = tpu.vector_load %arg9[%swap3A_739] {strides = array<i32>} : memref<832xi32, #tpu.memory_space<vmem>>, vector<16xi32>,
      %swap3A_741 = vector.shape_cast %swap3A_740 : vector<16xi32> to vector<16xi32>
      %swap3A_742 = vector.shape_cast %add3A_738 : vector<16xi32> to vector<16xi32>
      tpu.vector_store %arg9[%swap3A_739], %swap3A_742 {strides = array<i32>} : memref<832xi32, #tpu.memory_space<vmem>>, vector<16xi32>,
      %iota3A_743 = tpu.iota {dimensions = array<i32: 0>} : vector<16xi32>
      %add3A_744 = arith.constant 448 : i32
      %add3A_745 = arith.addi %multiple_of3A_212, %add3A_744 : i32
      %add3A_746 = vector.broadcast %add3A_745 : i32 to vector<16xi32>
      %add3A_747 = arith.addi %iota3A_743, %add3A_746 : vector<16xi32>
      %rem3A_748 = arith.constant 26 : i32
      %rem3A_749 = vector.broadcast %rem3A_748 : i32 to vector<16xi32>
      %rem3A_750 = arith.remsi %add3A_747, %rem3A_749 : vector<16xi32>
      %mul3A_751 = arith.constant 100000 : i32
      %mul3A_752 = vector.broadcast %mul3A_751 : i32 to vector<16xi32>
      %mul3A_753 = arith.muli %rem3A_750, %mul3A_752 : vector<16xi32>
      %get3A_754 = arith.constant 448 : index
      %get3A_755 = tpu.vector_load %arg8[%get3A_754] {strides = array<i32>} : memref<832xi32, #tpu.memory_space<vmem>>, vector<16xi32>,
      %get3A_756 = vector.shape_cast %get3A_755 : vector<16xi32> to vector<16xi32>
      %add3A_757 = arith.addi %get3A_756, %mul3A_753 : vector<16xi32>
      %swap3A_758 = arith.constant 448 : index
      %swap3A_759 = tpu.vector_load %arg9[%swap3A_758] {strides = array<i32>} : memref<832xi32, #tpu.memory_space<vmem>>, vector<16xi32>,
      %swap3A_760 = vector.shape_cast %swap3A_759 : vector<16xi32> to vector<16xi32>
      %swap3A_761 = vector.shape_cast %add3A_757 : vector<16xi32> to vector<16xi32>
      tpu.vector_store %arg9[%swap3A_758], %swap3A_761 {strides = array<i32>} : memref<832xi32, #tpu.memory_space<vmem>>, vector<16xi32>,
      %iota3A_762 = tpu.iota {dimensions = array<i32: 0>} : vector<16xi32>
      %add3A_763 = arith.constant 464 : i32
      %add3A_764 = arith.addi %multiple_of3A_212, %add3A_763 : i32
      %add3A_765 = vector.broadcast %add3A_764 : i32 to vector<16xi32>
      %add3A_766 = arith.addi %iota3A_762, %add3A_765 : vector<16xi32>
      %rem3A_767 = arith.constant 26 : i32
      %rem3A_768 = vector.broadcast %rem3A_767 : i32 to vector<16xi32>
      %rem3A_769 = arith.remsi %add3A_766, %rem3A_768 : vector<16xi32>
      %mul3A_770 = arith.constant 100000 : i32
      %mul3A_771 = vector.broadcast %mul3A_770 : i32 to vector<16xi32>
      %mul3A_772 = arith.muli %rem3A_769, %mul3A_771 : vector<16xi32>
      %get3A_773 = arith.constant 464 : index
      %get3A_774 = tpu.vector_load %arg8[%get3A_773] {strides = array<i32>} : memref<832xi32, #tpu.memory_space<vmem>>, vector<16xi32>,
      %get3A_775 = vector.shape_cast %get3A_774 : vector<16xi32> to vector<16xi32>
      %add3A_776 = arith.addi %get3A_775, %mul3A_772 : vector<16xi32>
      %swap3A_777 = arith.constant 464 : index
      %swap3A_778 = tpu.vector_load %arg9[%swap3A_777] {strides = array<i32>} : memref<832xi32, #tpu.memory_space<vmem>>, vector<16xi32>,
      %swap3A_779 = vector.shape_cast %swap3A_778 : vector<16xi32> to vector<16xi32>
      %swap3A_780 = vector.shape_cast %add3A_776 : vector<16xi32> to vector<16xi32>
      tpu.vector_store %arg9[%swap3A_777], %swap3A_780 {strides = array<i32>} : memref<832xi32, #tpu.memory_space<vmem>>, vector<16xi32>,
      %iota3A_781 = tpu.iota {dimensions = array<i32: 0>} : vector<16xi32>
      %add3A_782 = arith.constant 480 : i32
      %add3A_783 = arith.addi %multiple_of3A_212, %add3A_782 : i32
      %add3A_784 = vector.broadcast %add3A_783 : i32 to vector<16xi32>
      %add3A_785 = arith.addi %iota3A_781, %add3A_784 : vector<16xi32>
      %rem3A_786 = arith.constant 26 : i32
      %rem3A_787 = vector.broadcast %rem3A_786 : i32 to vector<16xi32>
      %rem3A_788 = arith.remsi %add3A_785, %rem3A_787 : vector<16xi32>
      %mul3A_789 = arith.constant 100000 : i32
      %mul3A_790 = vector.broadcast %mul3A_789 : i32 to vector<16xi32>
      %mul3A_791 = arith.muli %rem3A_788, %mul3A_790 : vector<16xi32>
      %get3A_792 = arith.constant 480 : index
      %get3A_793 = tpu.vector_load %arg8[%get3A_792] {strides = array<i32>} : memref<832xi32, #tpu.memory_space<vmem>>, vector<16xi32>,
      %get3A_794 = vector.shape_cast %get3A_793 : vector<16xi32> to vector<16xi32>
      %add3A_795 = arith.addi %get3A_794, %mul3A_791 : vector<16xi32>
      %swap3A_796 = arith.constant 480 : index
      %swap3A_797 = tpu.vector_load %arg9[%swap3A_796] {strides = array<i32>} : memref<832xi32, #tpu.memory_space<vmem>>, vector<16xi32>,
      %swap3A_798 = vector.shape_cast %swap3A_797 : vector<16xi32> to vector<16xi32>
      %swap3A_799 = vector.shape_cast %add3A_795 : vector<16xi32> to vector<16xi32>
      tpu.vector_store %arg9[%swap3A_796], %swap3A_799 {strides = array<i32>} : memref<832xi32, #tpu.memory_space<vmem>>, vector<16xi32>,
      %iota3A_800 = tpu.iota {dimensions = array<i32: 0>} : vector<16xi32>
      %add3A_801 = arith.constant 496 : i32
      %add3A_802 = arith.addi %multiple_of3A_212, %add3A_801 : i32
      %add3A_803 = vector.broadcast %add3A_802 : i32 to vector<16xi32>
      %add3A_804 = arith.addi %iota3A_800, %add3A_803 : vector<16xi32>
      %rem3A_805 = arith.constant 26 : i32
      %rem3A_806 = vector.broadcast %rem3A_805 : i32 to vector<16xi32>
      %rem3A_807 = arith.remsi %add3A_804, %rem3A_806 : vector<16xi32>
      %mul3A_808 = arith.constant 100000 : i32
      %mul3A_809 = vector.broadcast %mul3A_808 : i32 to vector<16xi32>
      %mul3A_810 = arith.muli %rem3A_807, %mul3A_809 : vector<16xi32>
      %get3A_811 = arith.constant 496 : index
      %get3A_812 = tpu.vector_load %arg8[%get3A_811] {strides = array<i32>} : memref<832xi32, #tpu.memory_space<vmem>>, vector<16xi32>,
      %get3A_813 = vector.shape_cast %get3A_812 : vector<16xi32> to vector<16xi32>
      %add3A_814 = arith.addi %get3A_813, %mul3A_810 : vector<16xi32>
      %swap3A_815 = arith.constant 496 : index
      %swap3A_816 = tpu.vector_load %arg9[%swap3A_815] {strides = array<i32>} : memref<832xi32, #tpu.memory_space<vmem>>, vector<16xi32>,
      %swap3A_817 = vector.shape_cast %swap3A_816 : vector<16xi32> to vector<16xi32>
      %swap3A_818 = vector.shape_cast %add3A_814 : vector<16xi32> to vector<16xi32>
      tpu.vector_store %arg9[%swap3A_815], %swap3A_818 {strides = array<i32>} : memref<832xi32, #tpu.memory_space<vmem>>, vector<16xi32>,
      %iota3A_819 = tpu.iota {dimensions = array<i32: 0>} : vector<16xi32>
      %add3A_820 = arith.constant 512 : i32
      %add3A_821 = arith.addi %multiple_of3A_212, %add3A_820 : i32
      %add3A_822 = vector.broadcast %add3A_821 : i32 to vector<16xi32>
      %add3A_823 = arith.addi %iota3A_819, %add3A_822 : vector<16xi32>
      %rem3A_824 = arith.constant 26 : i32
      %rem3A_825 = vector.broadcast %rem3A_824 : i32 to vector<16xi32>
      %rem3A_826 = arith.remsi %add3A_823, %rem3A_825 : vector<16xi32>
      %mul3A_827 = arith.constant 100000 : i32
      %mul3A_828 = vector.broadcast %mul3A_827 : i32 to vector<16xi32>
      %mul3A_829 = arith.muli %rem3A_826, %mul3A_828 : vector<16xi32>
      %get3A_830 = arith.constant 512 : index
      %get3A_831 = tpu.vector_load %arg8[%get3A_830] {strides = array<i32>} : memref<832xi32, #tpu.memory_space<vmem>>, vector<16xi32>,
      %get3A_832 = vector.shape_cast %get3A_831 : vector<16xi32> to vector<16xi32>
      %add3A_833 = arith.addi %get3A_832, %mul3A_829 : vector<16xi32>
      %swap3A_834 = arith.constant 512 : index
      %swap3A_835 = tpu.vector_load %arg9[%swap3A_834] {strides = array<i32>} : memref<832xi32, #tpu.memory_space<vmem>>, vector<16xi32>,
      %swap3A_836 = vector.shape_cast %swap3A_835 : vector<16xi32> to vector<16xi32>
      %swap3A_837 = vector.shape_cast %add3A_833 : vector<16xi32> to vector<16xi32>
      tpu.vector_store %arg9[%swap3A_834], %swap3A_837 {strides = array<i32>} : memref<832xi32, #tpu.memory_space<vmem>>, vector<16xi32>,
      %iota3A_838 = tpu.iota {dimensions = array<i32: 0>} : vector<16xi32>
      %add3A_839 = arith.constant 528 : i32
      %add3A_840 = arith.addi %multiple_of3A_212, %add3A_839 : i32
      %add3A_841 = vector.broadcast %add3A_840 : i32 to vector<16xi32>
      %add3A_842 = arith.addi %iota3A_838, %add3A_841 : vector<16xi32>
      %rem3A_843 = arith.constant 26 : i32
      %rem3A_844 = vector.broadcast %rem3A_843 : i32 to vector<16xi32>
      %rem3A_845 = arith.remsi %add3A_842, %rem3A_844 : vector<16xi32>
      %mul3A_846 = arith.constant 100000 : i32
      %mul3A_847 = vector.broadcast %mul3A_846 : i32 to vector<16xi32>
      %mul3A_848 = arith.muli %rem3A_845, %mul3A_847 : vector<16xi32>
      %get3A_849 = arith.constant 528 : index
      %get3A_850 = tpu.vector_load %arg8[%get3A_849] {strides = array<i32>} : memref<832xi32, #tpu.memory_space<vmem>>, vector<16xi32>,
      %get3A_851 = vector.shape_cast %get3A_850 : vector<16xi32> to vector<16xi32>
      %add3A_852 = arith.addi %get3A_851, %mul3A_848 : vector<16xi32>
      %swap3A_853 = arith.constant 528 : index
      %swap3A_854 = tpu.vector_load %arg9[%swap3A_853] {strides = array<i32>} : memref<832xi32, #tpu.memory_space<vmem>>, vector<16xi32>,
      %swap3A_855 = vector.shape_cast %swap3A_854 : vector<16xi32> to vector<16xi32>
      %swap3A_856 = vector.shape_cast %add3A_852 : vector<16xi32> to vector<16xi32>
      tpu.vector_store %arg9[%swap3A_853], %swap3A_856 {strides = array<i32>} : memref<832xi32, #tpu.memory_space<vmem>>, vector<16xi32>,
      %iota3A_857 = tpu.iota {dimensions = array<i32: 0>} : vector<16xi32>
      %add3A_858 = arith.constant 544 : i32
      %add3A_859 = arith.addi %multiple_of3A_212, %add3A_858 : i32
      %add3A_860 = vector.broadcast %add3A_859 : i32 to vector<16xi32>
      %add3A_861 = arith.addi %iota3A_857, %add3A_860 : vector<16xi32>
      %rem3A_862 = arith.constant 26 : i32
      %rem3A_863 = vector.broadcast %rem3A_862 : i32 to vector<16xi32>
      %rem3A_864 = arith.remsi %add3A_861, %rem3A_863 : vector<16xi32>
      %mul3A_865 = arith.constant 100000 : i32
      %mul3A_866 = vector.broadcast %mul3A_865 : i32 to vector<16xi32>
      %mul3A_867 = arith.muli %rem3A_864, %mul3A_866 : vector<16xi32>
      %get3A_868 = arith.constant 544 : index
      %get3A_869 = tpu.vector_load %arg8[%get3A_868] {strides = array<i32>} : memref<832xi32, #tpu.memory_space<vmem>>, vector<16xi32>,
      %get3A_870 = vector.shape_cast %get3A_869 : vector<16xi32> to vector<16xi32>
      %add3A_871 = arith.addi %get3A_870, %mul3A_867 : vector<16xi32>
      %swap3A_872 = arith.constant 544 : index
      %swap3A_873 = tpu.vector_load %arg9[%swap3A_872] {strides = array<i32>} : memref<832xi32, #tpu.memory_space<vmem>>, vector<16xi32>,
      %swap3A_874 = vector.shape_cast %swap3A_873 : vector<16xi32> to vector<16xi32>
      %swap3A_875 = vector.shape_cast %add3A_871 : vector<16xi32> to vector<16xi32>
      tpu.vector_store %arg9[%swap3A_872], %swap3A_875 {strides = array<i32>} : memref<832xi32, #tpu.memory_space<vmem>>, vector<16xi32>,
      %iota3A_876 = tpu.iota {dimensions = array<i32: 0>} : vector<16xi32>
      %add3A_877 = arith.constant 560 : i32
      %add3A_878 = arith.addi %multiple_of3A_212, %add3A_877 : i32
      %add3A_879 = vector.broadcast %add3A_878 : i32 to vector<16xi32>
      %add3A_880 = arith.addi %iota3A_876, %add3A_879 : vector<16xi32>
      %rem3A_881 = arith.constant 26 : i32
      %rem3A_882 = vector.broadcast %rem3A_881 : i32 to vector<16xi32>
      %rem3A_883 = arith.remsi %add3A_880, %rem3A_882 : vector<16xi32>
      %mul3A_884 = arith.constant 100000 : i32
      %mul3A_885 = vector.broadcast %mul3A_884 : i32 to vector<16xi32>
      %mul3A_886 = arith.muli %rem3A_883, %mul3A_885 : vector<16xi32>
      %get3A_887 = arith.constant 560 : index
      %get3A_888 = tpu.vector_load %arg8[%get3A_887] {strides = array<i32>} : memref<832xi32, #tpu.memory_space<vmem>>, vector<16xi32>,
      %get3A_889 = vector.shape_cast %get3A_888 : vector<16xi32> to vector<16xi32>
      %add3A_890 = arith.addi %get3A_889, %mul3A_886 : vector<16xi32>
      %swap3A_891 = arith.constant 560 : index
      %swap3A_892 = tpu.vector_load %arg9[%swap3A_891] {strides = array<i32>} : memref<832xi32, #tpu.memory_space<vmem>>, vector<16xi32>,
      %swap3A_893 = vector.shape_cast %swap3A_892 : vector<16xi32> to vector<16xi32>
      %swap3A_894 = vector.shape_cast %add3A_890 : vector<16xi32> to vector<16xi32>
      tpu.vector_store %arg9[%swap3A_891], %swap3A_894 {strides = array<i32>} : memref<832xi32, #tpu.memory_space<vmem>>, vector<16xi32>,
      %iota3A_895 = tpu.iota {dimensions = array<i32: 0>} : vector<16xi32>
      %add3A_896 = arith.constant 576 : i32
      %add3A_897 = arith.addi %multiple_of3A_212, %add3A_896 : i32
      %add3A_898 = vector.broadcast %add3A_897 : i32 to vector<16xi32>
      %add3A_899 = arith.addi %iota3A_895, %add3A_898 : vector<16xi32>
      %rem3A_900 = arith.constant 26 : i32
      %rem3A_901 = vector.broadcast %rem3A_900 : i32 to vector<16xi32>
      %rem3A_902 = arith.remsi %add3A_899, %rem3A_901 : vector<16xi32>
      %mul3A_903 = arith.constant 100000 : i32
      %mul3A_904 = vector.broadcast %mul3A_903 : i32 to vector<16xi32>
      %mul3A_905 = arith.muli %rem3A_902, %mul3A_904 : vector<16xi32>
      %get3A_906 = arith.constant 576 : index
      %get3A_907 = tpu.vector_load %arg8[%get3A_906] {strides = array<i32>} : memref<832xi32, #tpu.memory_space<vmem>>, vector<16xi32>,
      %get3A_908 = vector.shape_cast %get3A_907 : vector<16xi32> to vector<16xi32>
      %add3A_909 = arith.addi %get3A_908, %mul3A_905 : vector<16xi32>
      %swap3A_910 = arith.constant 576 : index
      %swap3A_911 = tpu.vector_load %arg9[%swap3A_910] {strides = array<i32>} : memref<832xi32, #tpu.memory_space<vmem>>, vector<16xi32>,
      %swap3A_912 = vector.shape_cast %swap3A_911 : vector<16xi32> to vector<16xi32>
      %swap3A_913 = vector.shape_cast %add3A_909 : vector<16xi32> to vector<16xi32>
      tpu.vector_store %arg9[%swap3A_910], %swap3A_913 {strides = array<i32>} : memref<832xi32, #tpu.memory_space<vmem>>, vector<16xi32>,
      %iota3A_914 = tpu.iota {dimensions = array<i32: 0>} : vector<16xi32>
      %add3A_915 = arith.constant 592 : i32
      %add3A_916 = arith.addi %multiple_of3A_212, %add3A_915 : i32
      %add3A_917 = vector.broadcast %add3A_916 : i32 to vector<16xi32>
      %add3A_918 = arith.addi %iota3A_914, %add3A_917 : vector<16xi32>
      %rem3A_919 = arith.constant 26 : i32
      %rem3A_920 = vector.broadcast %rem3A_919 : i32 to vector<16xi32>
      %rem3A_921 = arith.remsi %add3A_918, %rem3A_920 : vector<16xi32>
      %mul3A_922 = arith.constant 100000 : i32
      %mul3A_923 = vector.broadcast %mul3A_922 : i32 to vector<16xi32>
      %mul3A_924 = arith.muli %rem3A_921, %mul3A_923 : vector<16xi32>
      %get3A_925 = arith.constant 592 : index
      %get3A_926 = tpu.vector_load %arg8[%get3A_925] {strides = array<i32>} : memref<832xi32, #tpu.memory_space<vmem>>, vector<16xi32>,
      %get3A_927 = vector.shape_cast %get3A_926 : vector<16xi32> to vector<16xi32>
      %add3A_928 = arith.addi %get3A_927, %mul3A_924 : vector<16xi32>
      %swap3A_929 = arith.constant 592 : index
      %swap3A_930 = tpu.vector_load %arg9[%swap3A_929] {strides = array<i32>} : memref<832xi32, #tpu.memory_space<vmem>>, vector<16xi32>,
      %swap3A_931 = vector.shape_cast %swap3A_930 : vector<16xi32> to vector<16xi32>
      %swap3A_932 = vector.shape_cast %add3A_928 : vector<16xi32> to vector<16xi32>
      tpu.vector_store %arg9[%swap3A_929], %swap3A_932 {strides = array<i32>} : memref<832xi32, #tpu.memory_space<vmem>>, vector<16xi32>,
      %iota3A_933 = tpu.iota {dimensions = array<i32: 0>} : vector<16xi32>
      %add3A_934 = arith.constant 608 : i32
      %add3A_935 = arith.addi %multiple_of3A_212, %add3A_934 : i32
      %add3A_936 = vector.broadcast %add3A_935 : i32 to vector<16xi32>
      %add3A_937 = arith.addi %iota3A_933, %add3A_936 : vector<16xi32>
      %rem3A_938 = arith.constant 26 : i32
      %rem3A_939 = vector.broadcast %rem3A_938 : i32 to vector<16xi32>
      %rem3A_940 = arith.remsi %add3A_937, %rem3A_939 : vector<16xi32>
      %mul3A_941 = arith.constant 100000 : i32
      %mul3A_942 = vector.broadcast %mul3A_941 : i32 to vector<16xi32>
      %mul3A_943 = arith.muli %rem3A_940, %mul3A_942 : vector<16xi32>
      %get3A_944 = arith.constant 608 : index
      %get3A_945 = tpu.vector_load %arg8[%get3A_944] {strides = array<i32>} : memref<832xi32, #tpu.memory_space<vmem>>, vector<16xi32>,
      %get3A_946 = vector.shape_cast %get3A_945 : vector<16xi32> to vector<16xi32>
      %add3A_947 = arith.addi %get3A_946, %mul3A_943 : vector<16xi32>
      %swap3A_948 = arith.constant 608 : index
      %swap3A_949 = tpu.vector_load %arg9[%swap3A_948] {strides = array<i32>} : memref<832xi32, #tpu.memory_space<vmem>>, vector<16xi32>,
      %swap3A_950 = vector.shape_cast %swap3A_949 : vector<16xi32> to vector<16xi32>
      %swap3A_951 = vector.shape_cast %add3A_947 : vector<16xi32> to vector<16xi32>
      tpu.vector_store %arg9[%swap3A_948], %swap3A_951 {strides = array<i32>} : memref<832xi32, #tpu.memory_space<vmem>>, vector<16xi32>,
      %iota3A_952 = tpu.iota {dimensions = array<i32: 0>} : vector<16xi32>
      %add3A_953 = arith.constant 624 : i32
      %add3A_954 = arith.addi %multiple_of3A_212, %add3A_953 : i32
      %add3A_955 = vector.broadcast %add3A_954 : i32 to vector<16xi32>
      %add3A_956 = arith.addi %iota3A_952, %add3A_955 : vector<16xi32>
      %rem3A_957 = arith.constant 26 : i32
      %rem3A_958 = vector.broadcast %rem3A_957 : i32 to vector<16xi32>
      %rem3A_959 = arith.remsi %add3A_956, %rem3A_958 : vector<16xi32>
      %mul3A_960 = arith.constant 100000 : i32
      %mul3A_961 = vector.broadcast %mul3A_960 : i32 to vector<16xi32>
      %mul3A_962 = arith.muli %rem3A_959, %mul3A_961 : vector<16xi32>
      %get3A_963 = arith.constant 624 : index
      %get3A_964 = tpu.vector_load %arg8[%get3A_963] {strides = array<i32>} : memref<832xi32, #tpu.memory_space<vmem>>, vector<16xi32>,
      %get3A_965 = vector.shape_cast %get3A_964 : vector<16xi32> to vector<16xi32>
      %add3A_966 = arith.addi %get3A_965, %mul3A_962 : vector<16xi32>
      %swap3A_967 = arith.constant 624 : index
      %swap3A_968 = tpu.vector_load %arg9[%swap3A_967] {strides = array<i32>} : memref<832xi32, #tpu.memory_space<vmem>>, vector<16xi32>,
      %swap3A_969 = vector.shape_cast %swap3A_968 : vector<16xi32> to vector<16xi32>
      %swap3A_970 = vector.shape_cast %add3A_966 : vector<16xi32> to vector<16xi32>
      tpu.vector_store %arg9[%swap3A_967], %swap3A_970 {strides = array<i32>} : memref<832xi32, #tpu.memory_space<vmem>>, vector<16xi32>,
      %iota3A_971 = tpu.iota {dimensions = array<i32: 0>} : vector<16xi32>
      %add3A_972 = arith.constant 640 : i32
      %add3A_973 = arith.addi %multiple_of3A_212, %add3A_972 : i32
      %add3A_974 = vector.broadcast %add3A_973 : i32 to vector<16xi32>
      %add3A_975 = arith.addi %iota3A_971, %add3A_974 : vector<16xi32>
      %rem3A_976 = arith.constant 26 : i32
      %rem3A_977 = vector.broadcast %rem3A_976 : i32 to vector<16xi32>
      %rem3A_978 = arith.remsi %add3A_975, %rem3A_977 : vector<16xi32>
      %mul3A_979 = arith.constant 100000 : i32
      %mul3A_980 = vector.broadcast %mul3A_979 : i32 to vector<16xi32>
      %mul3A_981 = arith.muli %rem3A_978, %mul3A_980 : vector<16xi32>
      %get3A_982 = arith.constant 640 : index
      %get3A_983 = tpu.vector_load %arg8[%get3A_982] {strides = array<i32>} : memref<832xi32, #tpu.memory_space<vmem>>, vector<16xi32>,
      %get3A_984 = vector.shape_cast %get3A_983 : vector<16xi32> to vector<16xi32>
      %add3A_985 = arith.addi %get3A_984, %mul3A_981 : vector<16xi32>
      %swap3A_986 = arith.constant 640 : index
      %swap3A_987 = tpu.vector_load %arg9[%swap3A_986] {strides = array<i32>} : memref<832xi32, #tpu.memory_space<vmem>>, vector<16xi32>,
      %swap3A_988 = vector.shape_cast %swap3A_987 : vector<16xi32> to vector<16xi32>
      %swap3A_989 = vector.shape_cast %add3A_985 : vector<16xi32> to vector<16xi32>
      tpu.vector_store %arg9[%swap3A_986], %swap3A_989 {strides = array<i32>} : memref<832xi32, #tpu.memory_space<vmem>>, vector<16xi32>,
      %iota3A_990 = tpu.iota {dimensions = array<i32: 0>} : vector<16xi32>
      %add3A_991 = arith.constant 656 : i32
      %add3A_992 = arith.addi %multiple_of3A_212, %add3A_991 : i32
      %add3A_993 = vector.broadcast %add3A_992 : i32 to vector<16xi32>
      %add3A_994 = arith.addi %iota3A_990, %add3A_993 : vector<16xi32>
      %rem3A_995 = arith.constant 26 : i32
      %rem3A_996 = vector.broadcast %rem3A_995 : i32 to vector<16xi32>
      %rem3A_997 = arith.remsi %add3A_994, %rem3A_996 : vector<16xi32>
      %mul3A_998 = arith.constant 100000 : i32
      %mul3A_999 = vector.broadcast %mul3A_998 : i32 to vector<16xi32>
      %mul3A_1000 = arith.muli %rem3A_997, %mul3A_999 : vector<16xi32>
      %get3A_1001 = arith.constant 656 : index
      %get3A_1002 = tpu.vector_load %arg8[%get3A_1001] {strides = array<i32>} : memref<832xi32, #tpu.memory_space<vmem>>, vector<16xi32>,
      %get3A_1003 = vector.shape_cast %get3A_1002 : vector<16xi32> to vector<16xi32>
      %add3A_1004 = arith.addi %get3A_1003, %mul3A_1000 : vector<16xi32>
      %swap3A_1005 = arith.constant 656 : index
      %swap3A_1006 = tpu.vector_load %arg9[%swap3A_1005] {strides = array<i32>} : memref<832xi32, #tpu.memory_space<vmem>>, vector<16xi32>,
      %swap3A_1007 = vector.shape_cast %swap3A_1006 : vector<16xi32> to vector<16xi32>
      %swap3A_1008 = vector.shape_cast %add3A_1004 : vector<16xi32> to vector<16xi32>
      tpu.vector_store %arg9[%swap3A_1005], %swap3A_1008 {strides = array<i32>} : memref<832xi32, #tpu.memory_space<vmem>>, vector<16xi32>,
      %iota3A_1009 = tpu.iota {dimensions = array<i32: 0>} : vector<16xi32>
      %add3A_1010 = arith.constant 672 : i32
      %add3A_1011 = arith.addi %multiple_of3A_212, %add3A_1010 : i32
      %add3A_1012 = vector.broadcast %add3A_1011 : i32 to vector<16xi32>
      %add3A_1013 = arith.addi %iota3A_1009, %add3A_1012 : vector<16xi32>
      %rem3A_1014 = arith.constant 26 : i32
      %rem3A_1015 = vector.broadcast %rem3A_1014 : i32 to vector<16xi32>
      %rem3A_1016 = arith.remsi %add3A_1013, %rem3A_1015 : vector<16xi32>
      %mul3A_1017 = arith.constant 100000 : i32
      %mul3A_1018 = vector.broadcast %mul3A_1017 : i32 to vector<16xi32>
      %mul3A_1019 = arith.muli %rem3A_1016, %mul3A_1018 : vector<16xi32>
      %get3A_1020 = arith.constant 672 : index
      %get3A_1021 = tpu.vector_load %arg8[%get3A_1020] {strides = array<i32>} : memref<832xi32, #tpu.memory_space<vmem>>, vector<16xi32>,
      %get3A_1022 = vector.shape_cast %get3A_1021 : vector<16xi32> to vector<16xi32>
      %add3A_1023 = arith.addi %get3A_1022, %mul3A_1019 : vector<16xi32>
      %swap3A_1024 = arith.constant 672 : index
      %swap3A_1025 = tpu.vector_load %arg9[%swap3A_1024] {strides = array<i32>} : memref<832xi32, #tpu.memory_space<vmem>>, vector<16xi32>,
      %swap3A_1026 = vector.shape_cast %swap3A_1025 : vector<16xi32> to vector<16xi32>
      %swap3A_1027 = vector.shape_cast %add3A_1023 : vector<16xi32> to vector<16xi32>
      tpu.vector_store %arg9[%swap3A_1024], %swap3A_1027 {strides = array<i32>} : memref<832xi32, #tpu.memory_space<vmem>>, vector<16xi32>,
      %iota3A_1028 = tpu.iota {dimensions = array<i32: 0>} : vector<16xi32>
      %add3A_1029 = arith.constant 688 : i32
      %add3A_1030 = arith.addi %multiple_of3A_212, %add3A_1029 : i32
      %add3A_1031 = vector.broadcast %add3A_1030 : i32 to vector<16xi32>
      %add3A_1032 = arith.addi %iota3A_1028, %add3A_1031 : vector<16xi32>
      %rem3A_1033 = arith.constant 26 : i32
      %rem3A_1034 = vector.broadcast %rem3A_1033 : i32 to vector<16xi32>
      %rem3A_1035 = arith.remsi %add3A_1032, %rem3A_1034 : vector<16xi32>
      %mul3A_1036 = arith.constant 100000 : i32
      %mul3A_1037 = vector.broadcast %mul3A_1036 : i32 to vector<16xi32>
      %mul3A_1038 = arith.muli %rem3A_1035, %mul3A_1037 : vector<16xi32>
      %get3A_1039 = arith.constant 688 : index
      %get3A_1040 = tpu.vector_load %arg8[%get3A_1039] {strides = array<i32>} : memref<832xi32, #tpu.memory_space<vmem>>, vector<16xi32>,
      %get3A_1041 = vector.shape_cast %get3A_1040 : vector<16xi32> to vector<16xi32>
      %add3A_1042 = arith.addi %get3A_1041, %mul3A_1038 : vector<16xi32>
      %swap3A_1043 = arith.constant 688 : index
      %swap3A_1044 = tpu.vector_load %arg9[%swap3A_1043] {strides = array<i32>} : memref<832xi32, #tpu.memory_space<vmem>>, vector<16xi32>,
      %swap3A_1045 = vector.shape_cast %swap3A_1044 : vector<16xi32> to vector<16xi32>
      %swap3A_1046 = vector.shape_cast %add3A_1042 : vector<16xi32> to vector<16xi32>
      tpu.vector_store %arg9[%swap3A_1043], %swap3A_1046 {strides = array<i32>} : memref<832xi32, #tpu.memory_space<vmem>>, vector<16xi32>,
      %iota3A_1047 = tpu.iota {dimensions = array<i32: 0>} : vector<16xi32>
      %add3A_1048 = arith.constant 704 : i32
      %add3A_1049 = arith.addi %multiple_of3A_212, %add3A_1048 : i32
      %add3A_1050 = vector.broadcast %add3A_1049 : i32 to vector<16xi32>
      %add3A_1051 = arith.addi %iota3A_1047, %add3A_1050 : vector<16xi32>
      %rem3A_1052 = arith.constant 26 : i32
      %rem3A_1053 = vector.broadcast %rem3A_1052 : i32 to vector<16xi32>
      %rem3A_1054 = arith.remsi %add3A_1051, %rem3A_1053 : vector<16xi32>
      %mul3A_1055 = arith.constant 100000 : i32
      %mul3A_1056 = vector.broadcast %mul3A_1055 : i32 to vector<16xi32>
      %mul3A_1057 = arith.muli %rem3A_1054, %mul3A_1056 : vector<16xi32>
      %get3A_1058 = arith.constant 704 : index
      %get3A_1059 = tpu.vector_load %arg8[%get3A_1058] {strides = array<i32>} : memref<832xi32, #tpu.memory_space<vmem>>, vector<16xi32>,
      %get3A_1060 = vector.shape_cast %get3A_1059 : vector<16xi32> to vector<16xi32>
      %add3A_1061 = arith.addi %get3A_1060, %mul3A_1057 : vector<16xi32>
      %swap3A_1062 = arith.constant 704 : index
      %swap3A_1063 = tpu.vector_load %arg9[%swap3A_1062] {strides = array<i32>} : memref<832xi32, #tpu.memory_space<vmem>>, vector<16xi32>,
      %swap3A_1064 = vector.shape_cast %swap3A_1063 : vector<16xi32> to vector<16xi32>
      %swap3A_1065 = vector.shape_cast %add3A_1061 : vector<16xi32> to vector<16xi32>
      tpu.vector_store %arg9[%swap3A_1062], %swap3A_1065 {strides = array<i32>} : memref<832xi32, #tpu.memory_space<vmem>>, vector<16xi32>,
      %iota3A_1066 = tpu.iota {dimensions = array<i32: 0>} : vector<16xi32>
      %add3A_1067 = arith.constant 720 : i32
      %add3A_1068 = arith.addi %multiple_of3A_212, %add3A_1067 : i32
      %add3A_1069 = vector.broadcast %add3A_1068 : i32 to vector<16xi32>
      %add3A_1070 = arith.addi %iota3A_1066, %add3A_1069 : vector<16xi32>
      %rem3A_1071 = arith.constant 26 : i32
      %rem3A_1072 = vector.broadcast %rem3A_1071 : i32 to vector<16xi32>
      %rem3A_1073 = arith.remsi %add3A_1070, %rem3A_1072 : vector<16xi32>
      %mul3A_1074 = arith.constant 100000 : i32
      %mul3A_1075 = vector.broadcast %mul3A_1074 : i32 to vector<16xi32>
      %mul3A_1076 = arith.muli %rem3A_1073, %mul3A_1075 : vector<16xi32>
      %get3A_1077 = arith.constant 720 : index
      %get3A_1078 = tpu.vector_load %arg8[%get3A_1077] {strides = array<i32>} : memref<832xi32, #tpu.memory_space<vmem>>, vector<16xi32>,
      %get3A_1079 = vector.shape_cast %get3A_1078 : vector<16xi32> to vector<16xi32>
      %add3A_1080 = arith.addi %get3A_1079, %mul3A_1076 : vector<16xi32>
      %swap3A_1081 = arith.constant 720 : index
      %swap3A_1082 = tpu.vector_load %arg9[%swap3A_1081] {strides = array<i32>} : memref<832xi32, #tpu.memory_space<vmem>>, vector<16xi32>,
      %swap3A_1083 = vector.shape_cast %swap3A_1082 : vector<16xi32> to vector<16xi32>
      %swap3A_1084 = vector.shape_cast %add3A_1080 : vector<16xi32> to vector<16xi32>
      tpu.vector_store %arg9[%swap3A_1081], %swap3A_1084 {strides = array<i32>} : memref<832xi32, #tpu.memory_space<vmem>>, vector<16xi32>,
      %iota3A_1085 = tpu.iota {dimensions = array<i32: 0>} : vector<16xi32>
      %add3A_1086 = arith.constant 736 : i32
      %add3A_1087 = arith.addi %multiple_of3A_212, %add3A_1086 : i32
      %add3A_1088 = vector.broadcast %add3A_1087 : i32 to vector<16xi32>
      %add3A_1089 = arith.addi %iota3A_1085, %add3A_1088 : vector<16xi32>
      %rem3A_1090 = arith.constant 26 : i32
      %rem3A_1091 = vector.broadcast %rem3A_1090 : i32 to vector<16xi32>
      %rem3A_1092 = arith.remsi %add3A_1089, %rem3A_1091 : vector<16xi32>
      %mul3A_1093 = arith.constant 100000 : i32
      %mul3A_1094 = vector.broadcast %mul3A_1093 : i32 to vector<16xi32>
      %mul3A_1095 = arith.muli %rem3A_1092, %mul3A_1094 : vector<16xi32>
      %get3A_1096 = arith.constant 736 : index
      %get3A_1097 = tpu.vector_load %arg8[%get3A_1096] {strides = array<i32>} : memref<832xi32, #tpu.memory_space<vmem>>, vector<16xi32>,
      %get3A_1098 = vector.shape_cast %get3A_1097 : vector<16xi32> to vector<16xi32>
      %add3A_1099 = arith.addi %get3A_1098, %mul3A_1095 : vector<16xi32>
      %swap3A_1100 = arith.constant 736 : index
      %swap3A_1101 = tpu.vector_load %arg9[%swap3A_1100] {strides = array<i32>} : memref<832xi32, #tpu.memory_space<vmem>>, vector<16xi32>,
      %swap3A_1102 = vector.shape_cast %swap3A_1101 : vector<16xi32> to vector<16xi32>
      %swap3A_1103 = vector.shape_cast %add3A_1099 : vector<16xi32> to vector<16xi32>
      tpu.vector_store %arg9[%swap3A_1100], %swap3A_1103 {strides = array<i32>} : memref<832xi32, #tpu.memory_space<vmem>>, vector<16xi32>,
      %iota3A_1104 = tpu.iota {dimensions = array<i32: 0>} : vector<16xi32>
      %add3A_1105 = arith.constant 752 : i32
      %add3A_1106 = arith.addi %multiple_of3A_212, %add3A_1105 : i32
      %add3A_1107 = vector.broadcast %add3A_1106 : i32 to vector<16xi32>
      %add3A_1108 = arith.addi %iota3A_1104, %add3A_1107 : vector<16xi32>
      %rem3A_1109 = arith.constant 26 : i32
      %rem3A_1110 = vector.broadcast %rem3A_1109 : i32 to vector<16xi32>
      %rem3A_1111 = arith.remsi %add3A_1108, %rem3A_1110 : vector<16xi32>
      %mul3A_1112 = arith.constant 100000 : i32
      %mul3A_1113 = vector.broadcast %mul3A_1112 : i32 to vector<16xi32>
      %mul3A_1114 = arith.muli %rem3A_1111, %mul3A_1113 : vector<16xi32>
      %get3A_1115 = arith.constant 752 : index
      %get3A_1116 = tpu.vector_load %arg8[%get3A_1115] {strides = array<i32>} : memref<832xi32, #tpu.memory_space<vmem>>, vector<16xi32>,
      %get3A_1117 = vector.shape_cast %get3A_1116 : vector<16xi32> to vector<16xi32>
      %add3A_1118 = arith.addi %get3A_1117, %mul3A_1114 : vector<16xi32>
      %swap3A_1119 = arith.constant 752 : index
      %swap3A_1120 = tpu.vector_load %arg9[%swap3A_1119] {strides = array<i32>} : memref<832xi32, #tpu.memory_space<vmem>>, vector<16xi32>,
      %swap3A_1121 = vector.shape_cast %swap3A_1120 : vector<16xi32> to vector<16xi32>
      %swap3A_1122 = vector.shape_cast %add3A_1118 : vector<16xi32> to vector<16xi32>
      tpu.vector_store %arg9[%swap3A_1119], %swap3A_1122 {strides = array<i32>} : memref<832xi32, #tpu.memory_space<vmem>>, vector<16xi32>,
      %iota3A_1123 = tpu.iota {dimensions = array<i32: 0>} : vector<16xi32>
      %add3A_1124 = arith.constant 768 : i32
      %add3A_1125 = arith.addi %multiple_of3A_212, %add3A_1124 : i32
      %add3A_1126 = vector.broadcast %add3A_1125 : i32 to vector<16xi32>
      %add3A_1127 = arith.addi %iota3A_1123, %add3A_1126 : vector<16xi32>
      %rem3A_1128 = arith.constant 26 : i32
      %rem3A_1129 = vector.broadcast %rem3A_1128 : i32 to vector<16xi32>
      %rem3A_1130 = arith.remsi %add3A_1127, %rem3A_1129 : vector<16xi32>
      %mul3A_1131 = arith.constant 100000 : i32
      %mul3A_1132 = vector.broadcast %mul3A_1131 : i32 to vector<16xi32>
      %mul3A_1133 = arith.muli %rem3A_1130, %mul3A_1132 : vector<16xi32>
      %get3A_1134 = arith.constant 768 : index
      %get3A_1135 = tpu.vector_load %arg8[%get3A_1134] {strides = array<i32>} : memref<832xi32, #tpu.memory_space<vmem>>, vector<16xi32>,
      %get3A_1136 = vector.shape_cast %get3A_1135 : vector<16xi32> to vector<16xi32>
      %add3A_1137 = arith.addi %get3A_1136, %mul3A_1133 : vector<16xi32>
      %swap3A_1138 = arith.constant 768 : index
      %swap3A_1139 = tpu.vector_load %arg9[%swap3A_1138] {strides = array<i32>} : memref<832xi32, #tpu.memory_space<vmem>>, vector<16xi32>,
      %swap3A_1140 = vector.shape_cast %swap3A_1139 : vector<16xi32> to vector<16xi32>
      %swap3A_1141 = vector.shape_cast %add3A_1137 : vector<16xi32> to vector<16xi32>
      tpu.vector_store %arg9[%swap3A_1138], %swap3A_1141 {strides = array<i32>} : memref<832xi32, #tpu.memory_space<vmem>>, vector<16xi32>,
      %iota3A_1142 = tpu.iota {dimensions = array<i32: 0>} : vector<16xi32>
      %add3A_1143 = arith.constant 784 : i32
      %add3A_1144 = arith.addi %multiple_of3A_212, %add3A_1143 : i32
      %add3A_1145 = vector.broadcast %add3A_1144 : i32 to vector<16xi32>
      %add3A_1146 = arith.addi %iota3A_1142, %add3A_1145 : vector<16xi32>
      %rem3A_1147 = arith.constant 26 : i32
      %rem3A_1148 = vector.broadcast %rem3A_1147 : i32 to vector<16xi32>
      %rem3A_1149 = arith.remsi %add3A_1146, %rem3A_1148 : vector<16xi32>
      %mul3A_1150 = arith.constant 100000 : i32
      %mul3A_1151 = vector.broadcast %mul3A_1150 : i32 to vector<16xi32>
      %mul3A_1152 = arith.muli %rem3A_1149, %mul3A_1151 : vector<16xi32>
      %get3A_1153 = arith.constant 784 : index
      %get3A_1154 = tpu.vector_load %arg8[%get3A_1153] {strides = array<i32>} : memref<832xi32, #tpu.memory_space<vmem>>, vector<16xi32>,
      %get3A_1155 = vector.shape_cast %get3A_1154 : vector<16xi32> to vector<16xi32>
      %add3A_1156 = arith.addi %get3A_1155, %mul3A_1152 : vector<16xi32>
      %swap3A_1157 = arith.constant 784 : index
      %swap3A_1158 = tpu.vector_load %arg9[%swap3A_1157] {strides = array<i32>} : memref<832xi32, #tpu.memory_space<vmem>>, vector<16xi32>,
      %swap3A_1159 = vector.shape_cast %swap3A_1158 : vector<16xi32> to vector<16xi32>
      %swap3A_1160 = vector.shape_cast %add3A_1156 : vector<16xi32> to vector<16xi32>
      tpu.vector_store %arg9[%swap3A_1157], %swap3A_1160 {strides = array<i32>} : memref<832xi32, #tpu.memory_space<vmem>>, vector<16xi32>,
      %iota3A_1161 = tpu.iota {dimensions = array<i32: 0>} : vector<16xi32>
      %add3A_1162 = arith.constant 800 : i32
      %add3A_1163 = arith.addi %multiple_of3A_212, %add3A_1162 : i32
      %add3A_1164 = vector.broadcast %add3A_1163 : i32 to vector<16xi32>
      %add3A_1165 = arith.addi %iota3A_1161, %add3A_1164 : vector<16xi32>
      %rem3A_1166 = arith.constant 26 : i32
      %rem3A_1167 = vector.broadcast %rem3A_1166 : i32 to vector<16xi32>
      %rem3A_1168 = arith.remsi %add3A_1165, %rem3A_1167 : vector<16xi32>
      %mul3A_1169 = arith.constant 100000 : i32
      %mul3A_1170 = vector.broadcast %mul3A_1169 : i32 to vector<16xi32>
      %mul3A_1171 = arith.muli %rem3A_1168, %mul3A_1170 : vector<16xi32>
      %get3A_1172 = arith.constant 800 : index
      %get3A_1173 = tpu.vector_load %arg8[%get3A_1172] {strides = array<i32>} : memref<832xi32, #tpu.memory_space<vmem>>, vector<16xi32>,
      %get3A_1174 = vector.shape_cast %get3A_1173 : vector<16xi32> to vector<16xi32>
      %add3A_1175 = arith.addi %get3A_1174, %mul3A_1171 : vector<16xi32>
      %swap3A_1176 = arith.constant 800 : index
      %swap3A_1177 = tpu.vector_load %arg9[%swap3A_1176] {strides = array<i32>} : memref<832xi32, #tpu.memory_space<vmem>>, vector<16xi32>,
      %swap3A_1178 = vector.shape_cast %swap3A_1177 : vector<16xi32> to vector<16xi32>
      %swap3A_1179 = vector.shape_cast %add3A_1175 : vector<16xi32> to vector<16xi32>
      tpu.vector_store %arg9[%swap3A_1176], %swap3A_1179 {strides = array<i32>} : memref<832xi32, #tpu.memory_space<vmem>>, vector<16xi32>,
      %iota3A_1180 = tpu.iota {dimensions = array<i32: 0>} : vector<16xi32>
      %add3A_1181 = arith.constant 816 : i32
      %add3A_1182 = arith.addi %multiple_of3A_212, %add3A_1181 : i32
      %add3A_1183 = vector.broadcast %add3A_1182 : i32 to vector<16xi32>
      %add3A_1184 = arith.addi %iota3A_1180, %add3A_1183 : vector<16xi32>
      %rem3A_1185 = arith.constant 26 : i32
      %rem3A_1186 = vector.broadcast %rem3A_1185 : i32 to vector<16xi32>
      %rem3A_1187 = arith.remsi %add3A_1184, %rem3A_1186 : vector<16xi32>
      %mul3A_1188 = arith.constant 100000 : i32
      %mul3A_1189 = vector.broadcast %mul3A_1188 : i32 to vector<16xi32>
      %mul3A_1190 = arith.muli %rem3A_1187, %mul3A_1189 : vector<16xi32>
      %get3A_1191 = arith.constant 816 : index
      %get3A_1192 = tpu.vector_load %arg8[%get3A_1191] {strides = array<i32>} : memref<832xi32, #tpu.memory_space<vmem>>, vector<16xi32>,
      %get3A_1193 = vector.shape_cast %get3A_1192 : vector<16xi32> to vector<16xi32>
      %add3A_1194 = arith.addi %get3A_1193, %mul3A_1190 : vector<16xi32>
      %swap3A_1195 = arith.constant 816 : index
      %swap3A_1196 = tpu.vector_load %arg9[%swap3A_1195] {strides = array<i32>} : memref<832xi32, #tpu.memory_space<vmem>>, vector<16xi32>,
      %swap3A_1197 = vector.shape_cast %swap3A_1196 : vector<16xi32> to vector<16xi32>
      %swap3A_1198 = vector.shape_cast %add3A_1194 : vector<16xi32> to vector<16xi32>
      tpu.vector_store %arg9[%swap3A_1195], %swap3A_1198 {strides = array<i32>} : memref<832xi32, #tpu.memory_space<vmem>>, vector<16xi32>,
      %dma_start3A = arith.constant 0 : i32
      %dma_start3A_1199 = arith.constant 0 : i32
      %dma_start3A_1200 = tpu.memref_slice %arg10[%dma_start3A, %dma_start3A_1199] : memref<832x32xf32, #tpu.memory_space<vmem>> -> memref<128x32xf32, #tpu.memory_space<vmem>>
      %dma_start3A_1201 = arith.constant 0 : i32
      %dma_start3A_1202 = tpu.memref_slice %arg9[%dma_start3A_1201] : memref<832xi32, #tpu.memory_space<vmem>> -> memref<128xi32, #tpu.memory_space<vmem>>
      %dma_start3A_1203 = arith.constant 0 : i32
      %dma_start3A_1204 = arith.constant 0 : i32
      %dma_start3A_1205 = tpu.memref_slice %arg5[%dma_start3A_1203, %dma_start3A_1204] : memref<2600000x32xf32, #tpu.memory_space<hbm>> -> memref<2600000x32xf32, #tpu.memory_space<hbm>>
      tpu.enqueue_indirect_dma source(%dma_start3A_1205 : memref<2600000x32xf32, #tpu.memory_space<hbm>>) target(%dma_start3A_1200 : memref<128x32xf32, #tpu.memory_space<vmem>>) offsets(%dma_start3A_1202 : memref<128xi32, #tpu.memory_space<vmem>>) semaphore(%arg15 : memref<!tpu.dma_semaphore, #tpu.memory_space<semaphore_mem>>)
      %dma_start3A_1206 = arith.constant 128 : i32
      %dma_start3A_1207 = arith.constant 0 : i32
      %dma_start3A_1208 = tpu.memref_slice %arg10[%dma_start3A_1206, %dma_start3A_1207] : memref<832x32xf32, #tpu.memory_space<vmem>> -> memref<128x32xf32, #tpu.memory_space<vmem>>
      %dma_start3A_1209 = arith.constant 128 : i32
      %dma_start3A_1210 = tpu.memref_slice %arg9[%dma_start3A_1209] : memref<832xi32, #tpu.memory_space<vmem>> -> memref<128xi32, #tpu.memory_space<vmem>>
      %dma_start3A_1211 = arith.constant 0 : i32
      %dma_start3A_1212 = arith.constant 0 : i32
      %dma_start3A_1213 = tpu.memref_slice %arg5[%dma_start3A_1211, %dma_start3A_1212] : memref<2600000x32xf32, #tpu.memory_space<hbm>> -> memref<2600000x32xf32, #tpu.memory_space<hbm>>
      tpu.enqueue_indirect_dma source(%dma_start3A_1213 : memref<2600000x32xf32, #tpu.memory_space<hbm>>) target(%dma_start3A_1208 : memref<128x32xf32, #tpu.memory_space<vmem>>) offsets(%dma_start3A_1210 : memref<128xi32, #tpu.memory_space<vmem>>) semaphore(%arg15 : memref<!tpu.dma_semaphore, #tpu.memory_space<semaphore_mem>>)
      %dma_start3A_1214 = arith.constant 256 : i32
      %dma_start3A_1215 = arith.constant 0 : i32
      %dma_start3A_1216 = tpu.memref_slice %arg10[%dma_start3A_1214, %dma_start3A_1215] : memref<832x32xf32, #tpu.memory_space<vmem>> -> memref<128x32xf32, #tpu.memory_space<vmem>>
      %dma_start3A_1217 = arith.constant 256 : i32
      %dma_start3A_1218 = tpu.memref_slice %arg9[%dma_start3A_1217] : memref<832xi32, #tpu.memory_space<vmem>> -> memref<128xi32, #tpu.memory_space<vmem>>
      %dma_start3A_1219 = arith.constant 0 : i32
      %dma_start3A_1220 = arith.constant 0 : i32
      %dma_start3A_1221 = tpu.memref_slice %arg5[%dma_start3A_1219, %dma_start3A_1220] : memref<2600000x32xf32, #tpu.memory_space<hbm>> -> memref<2600000x32xf32, #tpu.memory_space<hbm>>
      tpu.enqueue_indirect_dma source(%dma_start3A_1221 : memref<2600000x32xf32, #tpu.memory_space<hbm>>) target(%dma_start3A_1216 : memref<128x32xf32, #tpu.memory_space<vmem>>) offsets(%dma_start3A_1218 : memref<128xi32, #tpu.memory_space<vmem>>) semaphore(%arg15 : memref<!tpu.dma_semaphore, #tpu.memory_space<semaphore_mem>>)
      %dma_start3A_1222 = arith.constant 384 : i32
      %dma_start3A_1223 = arith.constant 0 : i32
      %dma_start3A_1224 = tpu.memref_slice %arg10[%dma_start3A_1222, %dma_start3A_1223] : memref<832x32xf32, #tpu.memory_space<vmem>> -> memref<128x32xf32, #tpu.memory_space<vmem>>
      %dma_start3A_1225 = arith.constant 384 : i32
      %dma_start3A_1226 = tpu.memref_slice %arg9[%dma_start3A_1225] : memref<832xi32, #tpu.memory_space<vmem>> -> memref<128xi32, #tpu.memory_space<vmem>>
      %dma_start3A_1227 = arith.constant 0 : i32
      %dma_start3A_1228 = arith.constant 0 : i32
      %dma_start3A_1229 = tpu.memref_slice %arg5[%dma_start3A_1227, %dma_start3A_1228] : memref<2600000x32xf32, #tpu.memory_space<hbm>> -> memref<2600000x32xf32, #tpu.memory_space<hbm>>
      tpu.enqueue_indirect_dma source(%dma_start3A_1229 : memref<2600000x32xf32, #tpu.memory_space<hbm>>) target(%dma_start3A_1224 : memref<128x32xf32, #tpu.memory_space<vmem>>) offsets(%dma_start3A_1226 : memref<128xi32, #tpu.memory_space<vmem>>) semaphore(%arg15 : memref<!tpu.dma_semaphore, #tpu.memory_space<semaphore_mem>>)
      %dma_start3A_1230 = arith.constant 512 : i32
      %dma_start3A_1231 = arith.constant 0 : i32
      %dma_start3A_1232 = tpu.memref_slice %arg10[%dma_start3A_1230, %dma_start3A_1231] : memref<832x32xf32, #tpu.memory_space<vmem>> -> memref<128x32xf32, #tpu.memory_space<vmem>>
      %dma_start3A_1233 = arith.constant 512 : i32
      %dma_start3A_1234 = tpu.memref_slice %arg9[%dma_start3A_1233] : memref<832xi32, #tpu.memory_space<vmem>> -> memref<128xi32, #tpu.memory_space<vmem>>
      %dma_start3A_1235 = arith.constant 0 : i32
      %dma_start3A_1236 = arith.constant 0 : i32
      %dma_start3A_1237 = tpu.memref_slice %arg5[%dma_start3A_1235, %dma_start3A_1236] : memref<2600000x32xf32, #tpu.memory_space<hbm>> -> memref<2600000x32xf32, #tpu.memory_space<hbm>>
      tpu.enqueue_indirect_dma source(%dma_start3A_1237 : memref<2600000x32xf32, #tpu.memory_space<hbm>>) target(%dma_start3A_1232 : memref<128x32xf32, #tpu.memory_space<vmem>>) offsets(%dma_start3A_1234 : memref<128xi32, #tpu.memory_space<vmem>>) semaphore(%arg15 : memref<!tpu.dma_semaphore, #tpu.memory_space<semaphore_mem>>)
      %dma_start3A_1238 = arith.constant 640 : i32
      %dma_start3A_1239 = arith.constant 0 : i32
      %dma_start3A_1240 = tpu.memref_slice %arg10[%dma_start3A_1238, %dma_start3A_1239] : memref<832x32xf32, #tpu.memory_space<vmem>> -> memref<128x32xf32, #tpu.memory_space<vmem>>
      %dma_start3A_1241 = arith.constant 640 : i32
      %dma_start3A_1242 = tpu.memref_slice %arg9[%dma_start3A_1241] : memref<832xi32, #tpu.memory_space<vmem>> -> memref<128xi32, #tpu.memory_space<vmem>>
      %dma_start3A_1243 = arith.constant 0 : i32
      %dma_start3A_1244 = arith.constant 0 : i32
      %dma_start3A_1245 = tpu.memref_slice %arg5[%dma_start3A_1243, %dma_start3A_1244] : memref<2600000x32xf32, #tpu.memory_space<hbm>> -> memref<2600000x32xf32, #tpu.memory_space<hbm>>
      tpu.enqueue_indirect_dma source(%dma_start3A_1245 : memref<2600000x32xf32, #tpu.memory_space<hbm>>) target(%dma_start3A_1240 : memref<128x32xf32, #tpu.memory_space<vmem>>) offsets(%dma_start3A_1242 : memref<128xi32, #tpu.memory_space<vmem>>) semaphore(%arg15 : memref<!tpu.dma_semaphore, #tpu.memory_space<semaphore_mem>>)
      %dma_start3A_1246 = arith.constant 768 : i32
      %dma_start3A_1247 = arith.constant 0 : i32
      %dma_start3A_1248 = tpu.memref_slice %arg10[%dma_start3A_1246, %dma_start3A_1247] : memref<832x32xf32, #tpu.memory_space<vmem>> -> memref<64x32xf32, #tpu.memory_space<vmem>>
      %dma_start3A_1249 = arith.constant 768 : i32
      %dma_start3A_1250 = tpu.memref_slice %arg9[%dma_start3A_1249] : memref<832xi32, #tpu.memory_space<vmem>> -> memref<64xi32, #tpu.memory_space<vmem>>
      %dma_start3A_1251 = arith.constant 0 : i32
      %dma_start3A_1252 = arith.constant 0 : i32
      %dma_start3A_1253 = tpu.memref_slice %arg5[%dma_start3A_1251, %dma_start3A_1252] : memref<2600000x32xf32, #tpu.memory_space<hbm>> -> memref<2600000x32xf32, #tpu.memory_space<hbm>>
      tpu.enqueue_indirect_dma source(%dma_start3A_1253 : memref<2600000x32xf32, #tpu.memory_space<hbm>>) target(%dma_start3A_1248 : memref<64x32xf32, #tpu.memory_space<vmem>>) offsets(%dma_start3A_1250 : memref<64xi32, #tpu.memory_space<vmem>>) semaphore(%arg15 : memref<!tpu.dma_semaphore, #tpu.memory_space<semaphore_mem>>)
      %dma_wait3A = arith.constant 0 : i32
      %dma_wait3A_1254 = arith.constant 0 : i32
      %dma_wait3A_1255 = tpu.memref_slice %arg10[%dma_wait3A, %dma_wait3A_1254] : memref<832x32xf32, #tpu.memory_space<vmem>> -> memref<128x32xf32, #tpu.memory_space<vmem>>
      %dma_wait3A_1256 = arith.constant 0 : i32
      %dma_wait3A_1257 = tpu.memref_slice %arg9[%dma_wait3A_1256] : memref<832xi32, #tpu.memory_space<vmem>> -> memref<128xi32, #tpu.memory_space<vmem>>
      %dma_wait3A_1258 = arith.constant 0 : i32
      %dma_wait3A_1259 = arith.constant 0 : i32
      %dma_wait3A_1260 = tpu.memref_slice %arg5[%dma_wait3A_1258, %dma_wait3A_1259] : memref<2600000x32xf32, #tpu.memory_space<hbm>> -> memref<2600000x32xf32, #tpu.memory_space<hbm>>
      tpu.wait_indirect_dma semaphore(%arg15 : memref<!tpu.dma_semaphore, #tpu.memory_space<semaphore_mem>>) src(%dma_wait3A_1260 : memref<2600000x32xf32, #tpu.memory_space<hbm>>) dst(%dma_wait3A_1255 : memref<128x32xf32, #tpu.memory_space<vmem>>)
      %dma_wait3A_1261 = arith.constant 128 : i32
      %dma_wait3A_1262 = arith.constant 0 : i32
      %dma_wait3A_1263 = tpu.memref_slice %arg10[%dma_wait3A_1261, %dma_wait3A_1262] : memref<832x32xf32, #tpu.memory_space<vmem>> -> memref<128x32xf32, #tpu.memory_space<vmem>>
      %dma_wait3A_1264 = arith.constant 128 : i32
      %dma_wait3A_1265 = tpu.memref_slice %arg9[%dma_wait3A_1264] : memref<832xi32, #tpu.memory_space<vmem>> -> memref<128xi32, #tpu.memory_space<vmem>>
      %dma_wait3A_1266 = arith.constant 0 : i32
      %dma_wait3A_1267 = arith.constant 0 : i32
      %dma_wait3A_1268 = tpu.memref_slice %arg5[%dma_wait3A_1266, %dma_wait3A_1267] : memref<2600000x32xf32, #tpu.memory_space<hbm>> -> memref<2600000x32xf32, #tpu.memory_space<hbm>>
      tpu.wait_indirect_dma semaphore(%arg15 : memref<!tpu.dma_semaphore, #tpu.memory_space<semaphore_mem>>) src(%dma_wait3A_1268 : memref<2600000x32xf32, #tpu.memory_space<hbm>>) dst(%dma_wait3A_1263 : memref<128x32xf32, #tpu.memory_space<vmem>>)
      %dma_wait3A_1269 = arith.constant 256 : i32
      %dma_wait3A_1270 = arith.constant 0 : i32
      %dma_wait3A_1271 = tpu.memref_slice %arg10[%dma_wait3A_1269, %dma_wait3A_1270] : memref<832x32xf32, #tpu.memory_space<vmem>> -> memref<128x32xf32, #tpu.memory_space<vmem>>
      %dma_wait3A_1272 = arith.constant 256 : i32
      %dma_wait3A_1273 = tpu.memref_slice %arg9[%dma_wait3A_1272] : memref<832xi32, #tpu.memory_space<vmem>> -> memref<128xi32, #tpu.memory_space<vmem>>
      %dma_wait3A_1274 = arith.constant 0 : i32
      %dma_wait3A_1275 = arith.constant 0 : i32
      %dma_wait3A_1276 = tpu.memref_slice %arg5[%dma_wait3A_1274, %dma_wait3A_1275] : memref<2600000x32xf32, #tpu.memory_space<hbm>> -> memref<2600000x32xf32, #tpu.memory_space<hbm>>
      tpu.wait_indirect_dma semaphore(%arg15 : memref<!tpu.dma_semaphore, #tpu.memory_space<semaphore_mem>>) src(%dma_wait3A_1276 : memref<2600000x32xf32, #tpu.memory_space<hbm>>) dst(%dma_wait3A_1271 : memref<128x32xf32, #tpu.memory_space<vmem>>)
      %dma_wait3A_1277 = arith.constant 384 : i32
      %dma_wait3A_1278 = arith.constant 0 : i32
      %dma_wait3A_1279 = tpu.memref_slice %arg10[%dma_wait3A_1277, %dma_wait3A_1278] : memref<832x32xf32, #tpu.memory_space<vmem>> -> memref<128x32xf32, #tpu.memory_space<vmem>>
      %dma_wait3A_1280 = arith.constant 384 : i32
      %dma_wait3A_1281 = tpu.memref_slice %arg9[%dma_wait3A_1280] : memref<832xi32, #tpu.memory_space<vmem>> -> memref<128xi32, #tpu.memory_space<vmem>>
      %dma_wait3A_1282 = arith.constant 0 : i32
      %dma_wait3A_1283 = arith.constant 0 : i32
      %dma_wait3A_1284 = tpu.memref_slice %arg5[%dma_wait3A_1282, %dma_wait3A_1283] : memref<2600000x32xf32, #tpu.memory_space<hbm>> -> memref<2600000x32xf32, #tpu.memory_space<hbm>>
      tpu.wait_indirect_dma semaphore(%arg15 : memref<!tpu.dma_semaphore, #tpu.memory_space<semaphore_mem>>) src(%dma_wait3A_1284 : memref<2600000x32xf32, #tpu.memory_space<hbm>>) dst(%dma_wait3A_1279 : memref<128x32xf32, #tpu.memory_space<vmem>>)
      %dma_wait3A_1285 = arith.constant 512 : i32
      %dma_wait3A_1286 = arith.constant 0 : i32
      %dma_wait3A_1287 = tpu.memref_slice %arg10[%dma_wait3A_1285, %dma_wait3A_1286] : memref<832x32xf32, #tpu.memory_space<vmem>> -> memref<128x32xf32, #tpu.memory_space<vmem>>
      %dma_wait3A_1288 = arith.constant 512 : i32
      %dma_wait3A_1289 = tpu.memref_slice %arg9[%dma_wait3A_1288] : memref<832xi32, #tpu.memory_space<vmem>> -> memref<128xi32, #tpu.memory_space<vmem>>
      %dma_wait3A_1290 = arith.constant 0 : i32
      %dma_wait3A_1291 = arith.constant 0 : i32
      %dma_wait3A_1292 = tpu.memref_slice %arg5[%dma_wait3A_1290, %dma_wait3A_1291] : memref<2600000x32xf32, #tpu.memory_space<hbm>> -> memref<2600000x32xf32, #tpu.memory_space<hbm>>
      tpu.wait_indirect_dma semaphore(%arg15 : memref<!tpu.dma_semaphore, #tpu.memory_space<semaphore_mem>>) src(%dma_wait3A_1292 : memref<2600000x32xf32, #tpu.memory_space<hbm>>) dst(%dma_wait3A_1287 : memref<128x32xf32, #tpu.memory_space<vmem>>)
      %dma_wait3A_1293 = arith.constant 640 : i32
      %dma_wait3A_1294 = arith.constant 0 : i32
      %dma_wait3A_1295 = tpu.memref_slice %arg10[%dma_wait3A_1293, %dma_wait3A_1294] : memref<832x32xf32, #tpu.memory_space<vmem>> -> memref<128x32xf32, #tpu.memory_space<vmem>>
      %dma_wait3A_1296 = arith.constant 640 : i32
      %dma_wait3A_1297 = tpu.memref_slice %arg9[%dma_wait3A_1296] : memref<832xi32, #tpu.memory_space<vmem>> -> memref<128xi32, #tpu.memory_space<vmem>>
      %dma_wait3A_1298 = arith.constant 0 : i32
      %dma_wait3A_1299 = arith.constant 0 : i32
      %dma_wait3A_1300 = tpu.memref_slice %arg5[%dma_wait3A_1298, %dma_wait3A_1299] : memref<2600000x32xf32, #tpu.memory_space<hbm>> -> memref<2600000x32xf32, #tpu.memory_space<hbm>>
      tpu.wait_indirect_dma semaphore(%arg15 : memref<!tpu.dma_semaphore, #tpu.memory_space<semaphore_mem>>) src(%dma_wait3A_1300 : memref<2600000x32xf32, #tpu.memory_space<hbm>>) dst(%dma_wait3A_1295 : memref<128x32xf32, #tpu.memory_space<vmem>>)
      %dma_wait3A_1301 = arith.constant 768 : i32
      %dma_wait3A_1302 = arith.constant 0 : i32
      %dma_wait3A_1303 = tpu.memref_slice %arg10[%dma_wait3A_1301, %dma_wait3A_1302] : memref<832x32xf32, #tpu.memory_space<vmem>> -> memref<64x32xf32, #tpu.memory_space<vmem>>
      %dma_wait3A_1304 = arith.constant 768 : i32
      %dma_wait3A_1305 = tpu.memref_slice %arg9[%dma_wait3A_1304] : memref<832xi32, #tpu.memory_space<vmem>> -> memref<64xi32, #tpu.memory_space<vmem>>
      %dma_wait3A_1306 = arith.constant 0 : i32
      %dma_wait3A_1307 = arith.constant 0 : i32
      %dma_wait3A_1308 = tpu.memref_slice %arg5[%dma_wait3A_1306, %dma_wait3A_1307] : memref<2600000x32xf32, #tpu.memory_space<hbm>> -> memref<2600000x32xf32, #tpu.memory_space<hbm>>
      tpu.wait_indirect_dma semaphore(%arg15 : memref<!tpu.dma_semaphore, #tpu.memory_space<semaphore_mem>>) src(%dma_wait3A_1308 : memref<2600000x32xf32, #tpu.memory_space<hbm>>) dst(%dma_wait3A_1303 : memref<64x32xf32, #tpu.memory_space<vmem>>)
      %convert_element_type3A_1309 = arith.extui %eq3A_197 : i1 to i32
      %cond3A_1310 = arith.constant 0 : i32
      %cond3A_1311 = arith.cmpi ne, %convert_element_type3A_1309, %cond3A_1310 : i32
      scf.if %cond3A_1311 {
        %scan3A_2272 = arith.constant 0 : i32
        %scan3A_2273 = arith.constant 0 : i32
        %scan3A_2274 = arith.constant 832 : i32
        %scan3A_2275 = arith.addi %scan3A_2273, %scan3A_2274 : i32
        %scan3A_2276 = arith.constant 1 : i32
        scf.for %scan3A_2278 = %scan3A_2273 to %scan3A_2275 step %scan3A_2276  : i32 {
          %add3A_2279 = arith.addi %multiple_of3A_212, %scan3A_2278 : i32
          %rem3A_2280 = arith.constant 26 : i32
          %rem3A_2281 = arith.remsi %add3A_2279, %rem3A_2280 : i32
          %mul3A_2282 = arith.constant 16 : i32
          %mul3A_2283 = arith.muli %rem3A_2281, %mul3A_2282 : i32
          %get3A_2284 = arith.index_cast %mul3A_2283 : i32 to index
          %get3A_2285 = tpu.vector_load %arg13[%get3A_2284] {strides = array<i32>} : memref<512xi32, #tpu.memory_space<vmem>>, vector<16xi32>,
          %get3A_2286 = vector.shape_cast %get3A_2285 : vector<16xi32> to vector<16xi32>
          %slice3A_2287 = vector.extract_strided_slice %get3A_2286 {offsets = [0], sizes = [1], strides = [1]} : vector<16xi32> to vector<1xi32>
          %squeeze3A_2288 = vector.extract %slice3A_2287[0] : i32 from vector<1xi32>
          %eq3A_2289 = arith.constant 0 : i32
          %eq3A_2290 = arith.cmpi eq, %squeeze3A_2288, %eq3A_2289 : i32
          %get3A_2291 = arith.index_cast %scan3A_2278 : i32 to index
          %get3A_2292 = arith.constant 0 : index
          %get3A_2293 = tpu.vector_load %arg10[%get3A_2291, %get3A_2292] {strides = array<i32>} : memref<832x32xf32, #tpu.memory_space<vmem>>, vector<1x16xf32>,
          %get3A_2294 = vector.shape_cast %get3A_2293 : vector<1x16xf32> to vector<16xf32>
          %get3A_2295 = arith.index_cast %scan3A_2278 : i32 to index
          %get3A_2296 = arith.constant 16 : index
          %get3A_2297 = tpu.vector_load %arg10[%get3A_2295, %get3A_2296] {strides = array<i32>} : memref<832x32xf32, #tpu.memory_space<vmem>>, vector<1x16xf32>,
          %get3A_2298 = vector.shape_cast %get3A_2297 : vector<1x16xf32> to vector<16xf32>
          %select_n3A = arith.select %eq3A_2290, %get3A_2, %get3A_2294 : vector<16xf32>
          %swap3A_2299 = arith.index_cast %scan3A_2278 : i32 to index
          %swap3A_2300 = arith.constant 0 : index
          %swap3A_2301 = tpu.vector_load %arg10[%swap3A_2299, %swap3A_2300] {strides = array<i32>} : memref<832x32xf32, #tpu.memory_space<vmem>>, vector<1x16xf32>,
          %swap3A_2302 = vector.shape_cast %swap3A_2301 : vector<1x16xf32> to vector<16xf32>
          %swap3A_2303 = vector.shape_cast %select_n3A : vector<16xf32> to vector<1x16xf32>
          tpu.vector_store %arg10[%swap3A_2299, %swap3A_2300], %swap3A_2303 {strides = array<i32>} : memref<832x32xf32, #tpu.memory_space<vmem>>, vector<1x16xf32>,
          %select_n3A_2304 = arith.select %eq3A_2290, %get3A_5, %get3A_2298 : vector<16xf32>
          %swap3A_2305 = arith.index_cast %scan3A_2278 : i32 to index
          %swap3A_2306 = arith.constant 16 : index
          %swap3A_2307 = tpu.vector_load %arg10[%swap3A_2305, %swap3A_2306] {strides = array<i32>} : memref<832x32xf32, #tpu.memory_space<vmem>>, vector<1x16xf32>,
          %swap3A_2308 = vector.shape_cast %swap3A_2307 : vector<1x16xf32> to vector<16xf32>
          %swap3A_2309 = vector.shape_cast %select_n3A_2304 : vector<16xf32> to vector<1x16xf32>
          tpu.vector_store %arg10[%swap3A_2305, %swap3A_2306], %swap3A_2309 {strides = array<i32>} : memref<832x32xf32, #tpu.memory_space<vmem>>, vector<1x16xf32>,
        }
        %scan3A_2277 = arith.constant 832 : i32
      } else {
      }
      %add3A_1312 = arith.constant 0 : i32
      %add3A_1313 = arith.addi %add3A_209, %add3A_1312 : i32
      %dma_start3A_1314 = arith.constant 0 : i32
      %dma_start3A_1315 = arith.constant 0 : i32
      %dma_start3A_1316 = tpu.memref_slice %arg10[%dma_start3A_1314, %dma_start3A_1315] : memref<832x32xf32, #tpu.memory_space<vmem>> -> memref<26x32xf32, #tpu.memory_space<vmem>>
      %dma_start3A_1317 = arith.constant 0 : i32
      %dma_start3A_1318 = arith.constant 0 : i32
      %dma_start3A_1319 = tpu.memref_slice %arg6[%add3A_1313, %dma_start3A_1317, %dma_start3A_1318] : memref<16384x26x32xf32, #tpu.memory_space<hbm>> -> memref<1x26x32xf32, #tpu.memory_space<hbm>>
      %dma_start3A_1320 = tpu.memref_squeeze %dma_start3A_1319 : memref<1x26x32xf32, #tpu.memory_space<hbm>> -> memref<26x32xf32, #tpu.memory_space<hbm>>
      %dma_start3A_1321 = arith.constant 0 : i32
      %dma_start3A_1322 = arith.constant 0 : i32
      %dma_start3A_1323 = tpu.memref_slice %arg6[%add3A_1313, %dma_start3A_1321, %dma_start3A_1322] : memref<16384x26x32xf32, #tpu.memory_space<hbm>> -> memref<1x26x32xf32, #tpu.memory_space<hbm>>
      %dma_start3A_1324 = tpu.memref_squeeze %dma_start3A_1323 : memref<1x26x32xf32, #tpu.memory_space<hbm>> -> memref<26x32xf32, #tpu.memory_space<hbm>>
      %dma_start3A_1325 = arith.constant 0 : i32
      %dma_start3A_1326 = arith.constant 0 : i32
      %dma_start3A_1327 = tpu.memref_slice %arg10[%dma_start3A_1325, %dma_start3A_1326] : memref<832x32xf32, #tpu.memory_space<vmem>> -> memref<26x32xf32, #tpu.memory_space<vmem>>
      tpu.enqueue_dma source(%dma_start3A_1327 : memref<26x32xf32, #tpu.memory_space<vmem>>) target(%dma_start3A_1324 : memref<26x32xf32, #tpu.memory_space<hbm>>) target_semaphore(%arg16 : memref<!tpu.dma_semaphore, #tpu.memory_space<semaphore_mem>>)
      %add3A_1328 = arith.constant 1 : i32
      %add3A_1329 = arith.addi %add3A_209, %add3A_1328 : i32
      %dma_start3A_1330 = arith.constant 26 : i32
      %dma_start3A_1331 = arith.constant 0 : i32
      %dma_start3A_1332 = tpu.memref_slice %arg10[%dma_start3A_1330, %dma_start3A_1331] : memref<832x32xf32, #tpu.memory_space<vmem>> -> memref<26x32xf32, #tpu.memory_space<vmem>>
      %dma_start3A_1333 = arith.constant 0 : i32
      %dma_start3A_1334 = arith.constant 0 : i32
      %dma_start3A_1335 = tpu.memref_slice %arg6[%add3A_1329, %dma_start3A_1333, %dma_start3A_1334] : memref<16384x26x32xf32, #tpu.memory_space<hbm>> -> memref<1x26x32xf32, #tpu.memory_space<hbm>>
      %dma_start3A_1336 = tpu.memref_squeeze %dma_start3A_1335 : memref<1x26x32xf32, #tpu.memory_space<hbm>> -> memref<26x32xf32, #tpu.memory_space<hbm>>
      %dma_start3A_1337 = arith.constant 0 : i32
      %dma_start3A_1338 = arith.constant 0 : i32
      %dma_start3A_1339 = tpu.memref_slice %arg6[%add3A_1329, %dma_start3A_1337, %dma_start3A_1338] : memref<16384x26x32xf32, #tpu.memory_space<hbm>> -> memref<1x26x32xf32, #tpu.memory_space<hbm>>
      %dma_start3A_1340 = tpu.memref_squeeze %dma_start3A_1339 : memref<1x26x32xf32, #tpu.memory_space<hbm>> -> memref<26x32xf32, #tpu.memory_space<hbm>>
      %dma_start3A_1341 = arith.constant 26 : i32
      %dma_start3A_1342 = arith.constant 0 : i32
      %dma_start3A_1343 = tpu.memref_slice %arg10[%dma_start3A_1341, %dma_start3A_1342] : memref<832x32xf32, #tpu.memory_space<vmem>> -> memref<26x32xf32, #tpu.memory_space<vmem>>
      tpu.enqueue_dma source(%dma_start3A_1343 : memref<26x32xf32, #tpu.memory_space<vmem>>) target(%dma_start3A_1340 : memref<26x32xf32, #tpu.memory_space<hbm>>) target_semaphore(%arg16 : memref<!tpu.dma_semaphore, #tpu.memory_space<semaphore_mem>>)
      %add3A_1344 = arith.constant 2 : i32
      %add3A_1345 = arith.addi %add3A_209, %add3A_1344 : i32
      %dma_start3A_1346 = arith.constant 52 : i32
      %dma_start3A_1347 = arith.constant 0 : i32
      %dma_start3A_1348 = tpu.memref_slice %arg10[%dma_start3A_1346, %dma_start3A_1347] : memref<832x32xf32, #tpu.memory_space<vmem>> -> memref<26x32xf32, #tpu.memory_space<vmem>>
      %dma_start3A_1349 = arith.constant 0 : i32
      %dma_start3A_1350 = arith.constant 0 : i32
      %dma_start3A_1351 = tpu.memref_slice %arg6[%add3A_1345, %dma_start3A_1349, %dma_start3A_1350] : memref<16384x26x32xf32, #tpu.memory_space<hbm>> -> memref<1x26x32xf32, #tpu.memory_space<hbm>>
      %dma_start3A_1352 = tpu.memref_squeeze %dma_start3A_1351 : memref<1x26x32xf32, #tpu.memory_space<hbm>> -> memref<26x32xf32, #tpu.memory_space<hbm>>
      %dma_start3A_1353 = arith.constant 0 : i32
      %dma_start3A_1354 = arith.constant 0 : i32
      %dma_start3A_1355 = tpu.memref_slice %arg6[%add3A_1345, %dma_start3A_1353, %dma_start3A_1354] : memref<16384x26x32xf32, #tpu.memory_space<hbm>> -> memref<1x26x32xf32, #tpu.memory_space<hbm>>
      %dma_start3A_1356 = tpu.memref_squeeze %dma_start3A_1355 : memref<1x26x32xf32, #tpu.memory_space<hbm>> -> memref<26x32xf32, #tpu.memory_space<hbm>>
      %dma_start3A_1357 = arith.constant 52 : i32
      %dma_start3A_1358 = arith.constant 0 : i32
      %dma_start3A_1359 = tpu.memref_slice %arg10[%dma_start3A_1357, %dma_start3A_1358] : memref<832x32xf32, #tpu.memory_space<vmem>> -> memref<26x32xf32, #tpu.memory_space<vmem>>
      tpu.enqueue_dma source(%dma_start3A_1359 : memref<26x32xf32, #tpu.memory_space<vmem>>) target(%dma_start3A_1356 : memref<26x32xf32, #tpu.memory_space<hbm>>) target_semaphore(%arg16 : memref<!tpu.dma_semaphore, #tpu.memory_space<semaphore_mem>>)
      %add3A_1360 = arith.constant 3 : i32
      %add3A_1361 = arith.addi %add3A_209, %add3A_1360 : i32
      %dma_start3A_1362 = arith.constant 78 : i32
      %dma_start3A_1363 = arith.constant 0 : i32
      %dma_start3A_1364 = tpu.memref_slice %arg10[%dma_start3A_1362, %dma_start3A_1363] : memref<832x32xf32, #tpu.memory_space<vmem>> -> memref<26x32xf32, #tpu.memory_space<vmem>>
      %dma_start3A_1365 = arith.constant 0 : i32
      %dma_start3A_1366 = arith.constant 0 : i32
      %dma_start3A_1367 = tpu.memref_slice %arg6[%add3A_1361, %dma_start3A_1365, %dma_start3A_1366] : memref<16384x26x32xf32, #tpu.memory_space<hbm>> -> memref<1x26x32xf32, #tpu.memory_space<hbm>>
      %dma_start3A_1368 = tpu.memref_squeeze %dma_start3A_1367 : memref<1x26x32xf32, #tpu.memory_space<hbm>> -> memref<26x32xf32, #tpu.memory_space<hbm>>
      %dma_start3A_1369 = arith.constant 0 : i32
      %dma_start3A_1370 = arith.constant 0 : i32
      %dma_start3A_1371 = tpu.memref_slice %arg6[%add3A_1361, %dma_start3A_1369, %dma_start3A_1370] : memref<16384x26x32xf32, #tpu.memory_space<hbm>> -> memref<1x26x32xf32, #tpu.memory_space<hbm>>
      %dma_start3A_1372 = tpu.memref_squeeze %dma_start3A_1371 : memref<1x26x32xf32, #tpu.memory_space<hbm>> -> memref<26x32xf32, #tpu.memory_space<hbm>>
      %dma_start3A_1373 = arith.constant 78 : i32
      %dma_start3A_1374 = arith.constant 0 : i32
      %dma_start3A_1375 = tpu.memref_slice %arg10[%dma_start3A_1373, %dma_start3A_1374] : memref<832x32xf32, #tpu.memory_space<vmem>> -> memref<26x32xf32, #tpu.memory_space<vmem>>
      tpu.enqueue_dma source(%dma_start3A_1375 : memref<26x32xf32, #tpu.memory_space<vmem>>) target(%dma_start3A_1372 : memref<26x32xf32, #tpu.memory_space<hbm>>) target_semaphore(%arg16 : memref<!tpu.dma_semaphore, #tpu.memory_space<semaphore_mem>>)
      %add3A_1376 = arith.constant 4 : i32
      %add3A_1377 = arith.addi %add3A_209, %add3A_1376 : i32
      %dma_start3A_1378 = arith.constant 104 : i32
      %dma_start3A_1379 = arith.constant 0 : i32
      %dma_start3A_1380 = tpu.memref_slice %arg10[%dma_start3A_1378, %dma_start3A_1379] : memref<832x32xf32, #tpu.memory_space<vmem>> -> memref<26x32xf32, #tpu.memory_space<vmem>>
      %dma_start3A_1381 = arith.constant 0 : i32
      %dma_start3A_1382 = arith.constant 0 : i32
      %dma_start3A_1383 = tpu.memref_slice %arg6[%add3A_1377, %dma_start3A_1381, %dma_start3A_1382] : memref<16384x26x32xf32, #tpu.memory_space<hbm>> -> memref<1x26x32xf32, #tpu.memory_space<hbm>>
      %dma_start3A_1384 = tpu.memref_squeeze %dma_start3A_1383 : memref<1x26x32xf32, #tpu.memory_space<hbm>> -> memref<26x32xf32, #tpu.memory_space<hbm>>
      %dma_start3A_1385 = arith.constant 0 : i32
      %dma_start3A_1386 = arith.constant 0 : i32
      %dma_start3A_1387 = tpu.memref_slice %arg6[%add3A_1377, %dma_start3A_1385, %dma_start3A_1386] : memref<16384x26x32xf32, #tpu.memory_space<hbm>> -> memref<1x26x32xf32, #tpu.memory_space<hbm>>
      %dma_start3A_1388 = tpu.memref_squeeze %dma_start3A_1387 : memref<1x26x32xf32, #tpu.memory_space<hbm>> -> memref<26x32xf32, #tpu.memory_space<hbm>>
      %dma_start3A_1389 = arith.constant 104 : i32
      %dma_start3A_1390 = arith.constant 0 : i32
      %dma_start3A_1391 = tpu.memref_slice %arg10[%dma_start3A_1389, %dma_start3A_1390] : memref<832x32xf32, #tpu.memory_space<vmem>> -> memref<26x32xf32, #tpu.memory_space<vmem>>
      tpu.enqueue_dma source(%dma_start3A_1391 : memref<26x32xf32, #tpu.memory_space<vmem>>) target(%dma_start3A_1388 : memref<26x32xf32, #tpu.memory_space<hbm>>) target_semaphore(%arg16 : memref<!tpu.dma_semaphore, #tpu.memory_space<semaphore_mem>>)
      %add3A_1392 = arith.constant 5 : i32
      %add3A_1393 = arith.addi %add3A_209, %add3A_1392 : i32
      %dma_start3A_1394 = arith.constant 130 : i32
      %dma_start3A_1395 = arith.constant 0 : i32
      %dma_start3A_1396 = tpu.memref_slice %arg10[%dma_start3A_1394, %dma_start3A_1395] : memref<832x32xf32, #tpu.memory_space<vmem>> -> memref<26x32xf32, #tpu.memory_space<vmem>>
      %dma_start3A_1397 = arith.constant 0 : i32
      %dma_start3A_1398 = arith.constant 0 : i32
      %dma_start3A_1399 = tpu.memref_slice %arg6[%add3A_1393, %dma_start3A_1397, %dma_start3A_1398] : memref<16384x26x32xf32, #tpu.memory_space<hbm>> -> memref<1x26x32xf32, #tpu.memory_space<hbm>>
      %dma_start3A_1400 = tpu.memref_squeeze %dma_start3A_1399 : memref<1x26x32xf32, #tpu.memory_space<hbm>> -> memref<26x32xf32, #tpu.memory_space<hbm>>
      %dma_start3A_1401 = arith.constant 0 : i32
      %dma_start3A_1402 = arith.constant 0 : i32
      %dma_start3A_1403 = tpu.memref_slice %arg6[%add3A_1393, %dma_start3A_1401, %dma_start3A_1402] : memref<16384x26x32xf32, #tpu.memory_space<hbm>> -> memref<1x26x32xf32, #tpu.memory_space<hbm>>
      %dma_start3A_1404 = tpu.memref_squeeze %dma_start3A_1403 : memref<1x26x32xf32, #tpu.memory_space<hbm>> -> memref<26x32xf32, #tpu.memory_space<hbm>>
      %dma_start3A_1405 = arith.constant 130 : i32
      %dma_start3A_1406 = arith.constant 0 : i32
      %dma_start3A_1407 = tpu.memref_slice %arg10[%dma_start3A_1405, %dma_start3A_1406] : memref<832x32xf32, #tpu.memory_space<vmem>> -> memref<26x32xf32, #tpu.memory_space<vmem>>
      tpu.enqueue_dma source(%dma_start3A_1407 : memref<26x32xf32, #tpu.memory_space<vmem>>) target(%dma_start3A_1404 : memref<26x32xf32, #tpu.memory_space<hbm>>) target_semaphore(%arg16 : memref<!tpu.dma_semaphore, #tpu.memory_space<semaphore_mem>>)
      %add3A_1408 = arith.constant 6 : i32
      %add3A_1409 = arith.addi %add3A_209, %add3A_1408 : i32
      %dma_start3A_1410 = arith.constant 156 : i32
      %dma_start3A_1411 = arith.constant 0 : i32
      %dma_start3A_1412 = tpu.memref_slice %arg10[%dma_start3A_1410, %dma_start3A_1411] : memref<832x32xf32, #tpu.memory_space<vmem>> -> memref<26x32xf32, #tpu.memory_space<vmem>>
      %dma_start3A_1413 = arith.constant 0 : i32
      %dma_start3A_1414 = arith.constant 0 : i32
      %dma_start3A_1415 = tpu.memref_slice %arg6[%add3A_1409, %dma_start3A_1413, %dma_start3A_1414] : memref<16384x26x32xf32, #tpu.memory_space<hbm>> -> memref<1x26x32xf32, #tpu.memory_space<hbm>>
      %dma_start3A_1416 = tpu.memref_squeeze %dma_start3A_1415 : memref<1x26x32xf32, #tpu.memory_space<hbm>> -> memref<26x32xf32, #tpu.memory_space<hbm>>
      %dma_start3A_1417 = arith.constant 0 : i32
      %dma_start3A_1418 = arith.constant 0 : i32
      %dma_start3A_1419 = tpu.memref_slice %arg6[%add3A_1409, %dma_start3A_1417, %dma_start3A_1418] : memref<16384x26x32xf32, #tpu.memory_space<hbm>> -> memref<1x26x32xf32, #tpu.memory_space<hbm>>
      %dma_start3A_1420 = tpu.memref_squeeze %dma_start3A_1419 : memref<1x26x32xf32, #tpu.memory_space<hbm>> -> memref<26x32xf32, #tpu.memory_space<hbm>>
      %dma_start3A_1421 = arith.constant 156 : i32
      %dma_start3A_1422 = arith.constant 0 : i32
      %dma_start3A_1423 = tpu.memref_slice %arg10[%dma_start3A_1421, %dma_start3A_1422] : memref<832x32xf32, #tpu.memory_space<vmem>> -> memref<26x32xf32, #tpu.memory_space<vmem>>
      tpu.enqueue_dma source(%dma_start3A_1423 : memref<26x32xf32, #tpu.memory_space<vmem>>) target(%dma_start3A_1420 : memref<26x32xf32, #tpu.memory_space<hbm>>) target_semaphore(%arg16 : memref<!tpu.dma_semaphore, #tpu.memory_space<semaphore_mem>>)
      %add3A_1424 = arith.constant 7 : i32
      %add3A_1425 = arith.addi %add3A_209, %add3A_1424 : i32
      %dma_start3A_1426 = arith.constant 182 : i32
      %dma_start3A_1427 = arith.constant 0 : i32
      %dma_start3A_1428 = tpu.memref_slice %arg10[%dma_start3A_1426, %dma_start3A_1427] : memref<832x32xf32, #tpu.memory_space<vmem>> -> memref<26x32xf32, #tpu.memory_space<vmem>>
      %dma_start3A_1429 = arith.constant 0 : i32
      %dma_start3A_1430 = arith.constant 0 : i32
      %dma_start3A_1431 = tpu.memref_slice %arg6[%add3A_1425, %dma_start3A_1429, %dma_start3A_1430] : memref<16384x26x32xf32, #tpu.memory_space<hbm>> -> memref<1x26x32xf32, #tpu.memory_space<hbm>>
      %dma_start3A_1432 = tpu.memref_squeeze %dma_start3A_1431 : memref<1x26x32xf32, #tpu.memory_space<hbm>> -> memref<26x32xf32, #tpu.memory_space<hbm>>
      %dma_start3A_1433 = arith.constant 0 : i32
      %dma_start3A_1434 = arith.constant 0 : i32
      %dma_start3A_1435 = tpu.memref_slice %arg6[%add3A_1425, %dma_start3A_1433, %dma_start3A_1434] : memref<16384x26x32xf32, #tpu.memory_space<hbm>> -> memref<1x26x32xf32, #tpu.memory_space<hbm>>
      %dma_start3A_1436 = tpu.memref_squeeze %dma_start3A_1435 : memref<1x26x32xf32, #tpu.memory_space<hbm>> -> memref<26x32xf32, #tpu.memory_space<hbm>>
      %dma_start3A_1437 = arith.constant 182 : i32
      %dma_start3A_1438 = arith.constant 0 : i32
      %dma_start3A_1439 = tpu.memref_slice %arg10[%dma_start3A_1437, %dma_start3A_1438] : memref<832x32xf32, #tpu.memory_space<vmem>> -> memref<26x32xf32, #tpu.memory_space<vmem>>
      tpu.enqueue_dma source(%dma_start3A_1439 : memref<26x32xf32, #tpu.memory_space<vmem>>) target(%dma_start3A_1436 : memref<26x32xf32, #tpu.memory_space<hbm>>) target_semaphore(%arg16 : memref<!tpu.dma_semaphore, #tpu.memory_space<semaphore_mem>>)
      %add3A_1440 = arith.constant 8 : i32
      %add3A_1441 = arith.addi %add3A_209, %add3A_1440 : i32
      %dma_start3A_1442 = arith.constant 208 : i32
      %dma_start3A_1443 = arith.constant 0 : i32
      %dma_start3A_1444 = tpu.memref_slice %arg10[%dma_start3A_1442, %dma_start3A_1443] : memref<832x32xf32, #tpu.memory_space<vmem>> -> memref<26x32xf32, #tpu.memory_space<vmem>>
      %dma_start3A_1445 = arith.constant 0 : i32
      %dma_start3A_1446 = arith.constant 0 : i32
      %dma_start3A_1447 = tpu.memref_slice %arg6[%add3A_1441, %dma_start3A_1445, %dma_start3A_1446] : memref<16384x26x32xf32, #tpu.memory_space<hbm>> -> memref<1x26x32xf32, #tpu.memory_space<hbm>>
      %dma_start3A_1448 = tpu.memref_squeeze %dma_start3A_1447 : memref<1x26x32xf32, #tpu.memory_space<hbm>> -> memref<26x32xf32, #tpu.memory_space<hbm>>
      %dma_start3A_1449 = arith.constant 0 : i32
      %dma_start3A_1450 = arith.constant 0 : i32
      %dma_start3A_1451 = tpu.memref_slice %arg6[%add3A_1441, %dma_start3A_1449, %dma_start3A_1450] : memref<16384x26x32xf32, #tpu.memory_space<hbm>> -> memref<1x26x32xf32, #tpu.memory_space<hbm>>
      %dma_start3A_1452 = tpu.memref_squeeze %dma_start3A_1451 : memref<1x26x32xf32, #tpu.memory_space<hbm>> -> memref<26x32xf32, #tpu.memory_space<hbm>>
      %dma_start3A_1453 = arith.constant 208 : i32
      %dma_start3A_1454 = arith.constant 0 : i32
      %dma_start3A_1455 = tpu.memref_slice %arg10[%dma_start3A_1453, %dma_start3A_1454] : memref<832x32xf32, #tpu.memory_space<vmem>> -> memref<26x32xf32, #tpu.memory_space<vmem>>
      tpu.enqueue_dma source(%dma_start3A_1455 : memref<26x32xf32, #tpu.memory_space<vmem>>) target(%dma_start3A_1452 : memref<26x32xf32, #tpu.memory_space<hbm>>) target_semaphore(%arg16 : memref<!tpu.dma_semaphore, #tpu.memory_space<semaphore_mem>>)
      %add3A_1456 = arith.constant 9 : i32
      %add3A_1457 = arith.addi %add3A_209, %add3A_1456 : i32
      %dma_start3A_1458 = arith.constant 234 : i32
      %dma_start3A_1459 = arith.constant 0 : i32
      %dma_start3A_1460 = tpu.memref_slice %arg10[%dma_start3A_1458, %dma_start3A_1459] : memref<832x32xf32, #tpu.memory_space<vmem>> -> memref<26x32xf32, #tpu.memory_space<vmem>>
      %dma_start3A_1461 = arith.constant 0 : i32
      %dma_start3A_1462 = arith.constant 0 : i32
      %dma_start3A_1463 = tpu.memref_slice %arg6[%add3A_1457, %dma_start3A_1461, %dma_start3A_1462] : memref<16384x26x32xf32, #tpu.memory_space<hbm>> -> memref<1x26x32xf32, #tpu.memory_space<hbm>>
      %dma_start3A_1464 = tpu.memref_squeeze %dma_start3A_1463 : memref<1x26x32xf32, #tpu.memory_space<hbm>> -> memref<26x32xf32, #tpu.memory_space<hbm>>
      %dma_start3A_1465 = arith.constant 0 : i32
      %dma_start3A_1466 = arith.constant 0 : i32
      %dma_start3A_1467 = tpu.memref_slice %arg6[%add3A_1457, %dma_start3A_1465, %dma_start3A_1466] : memref<16384x26x32xf32, #tpu.memory_space<hbm>> -> memref<1x26x32xf32, #tpu.memory_space<hbm>>
      %dma_start3A_1468 = tpu.memref_squeeze %dma_start3A_1467 : memref<1x26x32xf32, #tpu.memory_space<hbm>> -> memref<26x32xf32, #tpu.memory_space<hbm>>
      %dma_start3A_1469 = arith.constant 234 : i32
      %dma_start3A_1470 = arith.constant 0 : i32
      %dma_start3A_1471 = tpu.memref_slice %arg10[%dma_start3A_1469, %dma_start3A_1470] : memref<832x32xf32, #tpu.memory_space<vmem>> -> memref<26x32xf32, #tpu.memory_space<vmem>>
      tpu.enqueue_dma source(%dma_start3A_1471 : memref<26x32xf32, #tpu.memory_space<vmem>>) target(%dma_start3A_1468 : memref<26x32xf32, #tpu.memory_space<hbm>>) target_semaphore(%arg16 : memref<!tpu.dma_semaphore, #tpu.memory_space<semaphore_mem>>)
      %add3A_1472 = arith.constant 10 : i32
      %add3A_1473 = arith.addi %add3A_209, %add3A_1472 : i32
      %dma_start3A_1474 = arith.constant 260 : i32
      %dma_start3A_1475 = arith.constant 0 : i32
      %dma_start3A_1476 = tpu.memref_slice %arg10[%dma_start3A_1474, %dma_start3A_1475] : memref<832x32xf32, #tpu.memory_space<vmem>> -> memref<26x32xf32, #tpu.memory_space<vmem>>
      %dma_start3A_1477 = arith.constant 0 : i32
      %dma_start3A_1478 = arith.constant 0 : i32
      %dma_start3A_1479 = tpu.memref_slice %arg6[%add3A_1473, %dma_start3A_1477, %dma_start3A_1478] : memref<16384x26x32xf32, #tpu.memory_space<hbm>> -> memref<1x26x32xf32, #tpu.memory_space<hbm>>
      %dma_start3A_1480 = tpu.memref_squeeze %dma_start3A_1479 : memref<1x26x32xf32, #tpu.memory_space<hbm>> -> memref<26x32xf32, #tpu.memory_space<hbm>>
      %dma_start3A_1481 = arith.constant 0 : i32
      %dma_start3A_1482 = arith.constant 0 : i32
      %dma_start3A_1483 = tpu.memref_slice %arg6[%add3A_1473, %dma_start3A_1481, %dma_start3A_1482] : memref<16384x26x32xf32, #tpu.memory_space<hbm>> -> memref<1x26x32xf32, #tpu.memory_space<hbm>>
      %dma_start3A_1484 = tpu.memref_squeeze %dma_start3A_1483 : memref<1x26x32xf32, #tpu.memory_space<hbm>> -> memref<26x32xf32, #tpu.memory_space<hbm>>
      %dma_start3A_1485 = arith.constant 260 : i32
      %dma_start3A_1486 = arith.constant 0 : i32
      %dma_start3A_1487 = tpu.memref_slice %arg10[%dma_start3A_1485, %dma_start3A_1486] : memref<832x32xf32, #tpu.memory_space<vmem>> -> memref<26x32xf32, #tpu.memory_space<vmem>>
      tpu.enqueue_dma source(%dma_start3A_1487 : memref<26x32xf32, #tpu.memory_space<vmem>>) target(%dma_start3A_1484 : memref<26x32xf32, #tpu.memory_space<hbm>>) target_semaphore(%arg16 : memref<!tpu.dma_semaphore, #tpu.memory_space<semaphore_mem>>)
      %add3A_1488 = arith.constant 11 : i32
      %add3A_1489 = arith.addi %add3A_209, %add3A_1488 : i32
      %dma_start3A_1490 = arith.constant 286 : i32
      %dma_start3A_1491 = arith.constant 0 : i32
      %dma_start3A_1492 = tpu.memref_slice %arg10[%dma_start3A_1490, %dma_start3A_1491] : memref<832x32xf32, #tpu.memory_space<vmem>> -> memref<26x32xf32, #tpu.memory_space<vmem>>
      %dma_start3A_1493 = arith.constant 0 : i32
      %dma_start3A_1494 = arith.constant 0 : i32
      %dma_start3A_1495 = tpu.memref_slice %arg6[%add3A_1489, %dma_start3A_1493, %dma_start3A_1494] : memref<16384x26x32xf32, #tpu.memory_space<hbm>> -> memref<1x26x32xf32, #tpu.memory_space<hbm>>
      %dma_start3A_1496 = tpu.memref_squeeze %dma_start3A_1495 : memref<1x26x32xf32, #tpu.memory_space<hbm>> -> memref<26x32xf32, #tpu.memory_space<hbm>>
      %dma_start3A_1497 = arith.constant 0 : i32
      %dma_start3A_1498 = arith.constant 0 : i32
      %dma_start3A_1499 = tpu.memref_slice %arg6[%add3A_1489, %dma_start3A_1497, %dma_start3A_1498] : memref<16384x26x32xf32, #tpu.memory_space<hbm>> -> memref<1x26x32xf32, #tpu.memory_space<hbm>>
      %dma_start3A_1500 = tpu.memref_squeeze %dma_start3A_1499 : memref<1x26x32xf32, #tpu.memory_space<hbm>> -> memref<26x32xf32, #tpu.memory_space<hbm>>
      %dma_start3A_1501 = arith.constant 286 : i32
      %dma_start3A_1502 = arith.constant 0 : i32
      %dma_start3A_1503 = tpu.memref_slice %arg10[%dma_start3A_1501, %dma_start3A_1502] : memref<832x32xf32, #tpu.memory_space<vmem>> -> memref<26x32xf32, #tpu.memory_space<vmem>>
      tpu.enqueue_dma source(%dma_start3A_1503 : memref<26x32xf32, #tpu.memory_space<vmem>>) target(%dma_start3A_1500 : memref<26x32xf32, #tpu.memory_space<hbm>>) target_semaphore(%arg16 : memref<!tpu.dma_semaphore, #tpu.memory_space<semaphore_mem>>)
      %add3A_1504 = arith.constant 12 : i32
      %add3A_1505 = arith.addi %add3A_209, %add3A_1504 : i32
      %dma_start3A_1506 = arith.constant 312 : i32
      %dma_start3A_1507 = arith.constant 0 : i32
      %dma_start3A_1508 = tpu.memref_slice %arg10[%dma_start3A_1506, %dma_start3A_1507] : memref<832x32xf32, #tpu.memory_space<vmem>> -> memref<26x32xf32, #tpu.memory_space<vmem>>
      %dma_start3A_1509 = arith.constant 0 : i32
      %dma_start3A_1510 = arith.constant 0 : i32
      %dma_start3A_1511 = tpu.memref_slice %arg6[%add3A_1505, %dma_start3A_1509, %dma_start3A_1510] : memref<16384x26x32xf32, #tpu.memory_space<hbm>> -> memref<1x26x32xf32, #tpu.memory_space<hbm>>
      %dma_start3A_1512 = tpu.memref_squeeze %dma_start3A_1511 : memref<1x26x32xf32, #tpu.memory_space<hbm>> -> memref<26x32xf32, #tpu.memory_space<hbm>>
      %dma_start3A_1513 = arith.constant 0 : i32
      %dma_start3A_1514 = arith.constant 0 : i32
      %dma_start3A_1515 = tpu.memref_slice %arg6[%add3A_1505, %dma_start3A_1513, %dma_start3A_1514] : memref<16384x26x32xf32, #tpu.memory_space<hbm>> -> memref<1x26x32xf32, #tpu.memory_space<hbm>>
      %dma_start3A_1516 = tpu.memref_squeeze %dma_start3A_1515 : memref<1x26x32xf32, #tpu.memory_space<hbm>> -> memref<26x32xf32, #tpu.memory_space<hbm>>
      %dma_start3A_1517 = arith.constant 312 : i32
      %dma_start3A_1518 = arith.constant 0 : i32
      %dma_start3A_1519 = tpu.memref_slice %arg10[%dma_start3A_1517, %dma_start3A_1518] : memref<832x32xf32, #tpu.memory_space<vmem>> -> memref<26x32xf32, #tpu.memory_space<vmem>>
      tpu.enqueue_dma source(%dma_start3A_1519 : memref<26x32xf32, #tpu.memory_space<vmem>>) target(%dma_start3A_1516 : memref<26x32xf32, #tpu.memory_space<hbm>>) target_semaphore(%arg16 : memref<!tpu.dma_semaphore, #tpu.memory_space<semaphore_mem>>)
      %add3A_1520 = arith.constant 13 : i32
      %add3A_1521 = arith.addi %add3A_209, %add3A_1520 : i32
      %dma_start3A_1522 = arith.constant 338 : i32
      %dma_start3A_1523 = arith.constant 0 : i32
      %dma_start3A_1524 = tpu.memref_slice %arg10[%dma_start3A_1522, %dma_start3A_1523] : memref<832x32xf32, #tpu.memory_space<vmem>> -> memref<26x32xf32, #tpu.memory_space<vmem>>
      %dma_start3A_1525 = arith.constant 0 : i32
      %dma_start3A_1526 = arith.constant 0 : i32
      %dma_start3A_1527 = tpu.memref_slice %arg6[%add3A_1521, %dma_start3A_1525, %dma_start3A_1526] : memref<16384x26x32xf32, #tpu.memory_space<hbm>> -> memref<1x26x32xf32, #tpu.memory_space<hbm>>
      %dma_start3A_1528 = tpu.memref_squeeze %dma_start3A_1527 : memref<1x26x32xf32, #tpu.memory_space<hbm>> -> memref<26x32xf32, #tpu.memory_space<hbm>>
      %dma_start3A_1529 = arith.constant 0 : i32
      %dma_start3A_1530 = arith.constant 0 : i32
      %dma_start3A_1531 = tpu.memref_slice %arg6[%add3A_1521, %dma_start3A_1529, %dma_start3A_1530] : memref<16384x26x32xf32, #tpu.memory_space<hbm>> -> memref<1x26x32xf32, #tpu.memory_space<hbm>>
      %dma_start3A_1532 = tpu.memref_squeeze %dma_start3A_1531 : memref<1x26x32xf32, #tpu.memory_space<hbm>> -> memref<26x32xf32, #tpu.memory_space<hbm>>
      %dma_start3A_1533 = arith.constant 338 : i32
      %dma_start3A_1534 = arith.constant 0 : i32
      %dma_start3A_1535 = tpu.memref_slice %arg10[%dma_start3A_1533, %dma_start3A_1534] : memref<832x32xf32, #tpu.memory_space<vmem>> -> memref<26x32xf32, #tpu.memory_space<vmem>>
      tpu.enqueue_dma source(%dma_start3A_1535 : memref<26x32xf32, #tpu.memory_space<vmem>>) target(%dma_start3A_1532 : memref<26x32xf32, #tpu.memory_space<hbm>>) target_semaphore(%arg16 : memref<!tpu.dma_semaphore, #tpu.memory_space<semaphore_mem>>)
      %add3A_1536 = arith.constant 14 : i32
      %add3A_1537 = arith.addi %add3A_209, %add3A_1536 : i32
      %dma_start3A_1538 = arith.constant 364 : i32
      %dma_start3A_1539 = arith.constant 0 : i32
      %dma_start3A_1540 = tpu.memref_slice %arg10[%dma_start3A_1538, %dma_start3A_1539] : memref<832x32xf32, #tpu.memory_space<vmem>> -> memref<26x32xf32, #tpu.memory_space<vmem>>
      %dma_start3A_1541 = arith.constant 0 : i32
      %dma_start3A_1542 = arith.constant 0 : i32
      %dma_start3A_1543 = tpu.memref_slice %arg6[%add3A_1537, %dma_start3A_1541, %dma_start3A_1542] : memref<16384x26x32xf32, #tpu.memory_space<hbm>> -> memref<1x26x32xf32, #tpu.memory_space<hbm>>
      %dma_start3A_1544 = tpu.memref_squeeze %dma_start3A_1543 : memref<1x26x32xf32, #tpu.memory_space<hbm>> -> memref<26x32xf32, #tpu.memory_space<hbm>>
      %dma_start3A_1545 = arith.constant 0 : i32
      %dma_start3A_1546 = arith.constant 0 : i32
      %dma_start3A_1547 = tpu.memref_slice %arg6[%add3A_1537, %dma_start3A_1545, %dma_start3A_1546] : memref<16384x26x32xf32, #tpu.memory_space<hbm>> -> memref<1x26x32xf32, #tpu.memory_space<hbm>>
      %dma_start3A_1548 = tpu.memref_squeeze %dma_start3A_1547 : memref<1x26x32xf32, #tpu.memory_space<hbm>> -> memref<26x32xf32, #tpu.memory_space<hbm>>
      %dma_start3A_1549 = arith.constant 364 : i32
      %dma_start3A_1550 = arith.constant 0 : i32
      %dma_start3A_1551 = tpu.memref_slice %arg10[%dma_start3A_1549, %dma_start3A_1550] : memref<832x32xf32, #tpu.memory_space<vmem>> -> memref<26x32xf32, #tpu.memory_space<vmem>>
      tpu.enqueue_dma source(%dma_start3A_1551 : memref<26x32xf32, #tpu.memory_space<vmem>>) target(%dma_start3A_1548 : memref<26x32xf32, #tpu.memory_space<hbm>>) target_semaphore(%arg16 : memref<!tpu.dma_semaphore, #tpu.memory_space<semaphore_mem>>)
      %add3A_1552 = arith.constant 15 : i32
      %add3A_1553 = arith.addi %add3A_209, %add3A_1552 : i32
      %dma_start3A_1554 = arith.constant 390 : i32
      %dma_start3A_1555 = arith.constant 0 : i32
      %dma_start3A_1556 = tpu.memref_slice %arg10[%dma_start3A_1554, %dma_start3A_1555] : memref<832x32xf32, #tpu.memory_space<vmem>> -> memref<26x32xf32, #tpu.memory_space<vmem>>
      %dma_start3A_1557 = arith.constant 0 : i32
      %dma_start3A_1558 = arith.constant 0 : i32
      %dma_start3A_1559 = tpu.memref_slice %arg6[%add3A_1553, %dma_start3A_1557, %dma_start3A_1558] : memref<16384x26x32xf32, #tpu.memory_space<hbm>> -> memref<1x26x32xf32, #tpu.memory_space<hbm>>
      %dma_start3A_1560 = tpu.memref_squeeze %dma_start3A_1559 : memref<1x26x32xf32, #tpu.memory_space<hbm>> -> memref<26x32xf32, #tpu.memory_space<hbm>>
      %dma_start3A_1561 = arith.constant 0 : i32
      %dma_start3A_1562 = arith.constant 0 : i32
      %dma_start3A_1563 = tpu.memref_slice %arg6[%add3A_1553, %dma_start3A_1561, %dma_start3A_1562] : memref<16384x26x32xf32, #tpu.memory_space<hbm>> -> memref<1x26x32xf32, #tpu.memory_space<hbm>>
      %dma_start3A_1564 = tpu.memref_squeeze %dma_start3A_1563 : memref<1x26x32xf32, #tpu.memory_space<hbm>> -> memref<26x32xf32, #tpu.memory_space<hbm>>
      %dma_start3A_1565 = arith.constant 390 : i32
      %dma_start3A_1566 = arith.constant 0 : i32
      %dma_start3A_1567 = tpu.memref_slice %arg10[%dma_start3A_1565, %dma_start3A_1566] : memref<832x32xf32, #tpu.memory_space<vmem>> -> memref<26x32xf32, #tpu.memory_space<vmem>>
      tpu.enqueue_dma source(%dma_start3A_1567 : memref<26x32xf32, #tpu.memory_space<vmem>>) target(%dma_start3A_1564 : memref<26x32xf32, #tpu.memory_space<hbm>>) target_semaphore(%arg16 : memref<!tpu.dma_semaphore, #tpu.memory_space<semaphore_mem>>)
      %add3A_1568 = arith.constant 16 : i32
      %add3A_1569 = arith.addi %add3A_209, %add3A_1568 : i32
      %dma_start3A_1570 = arith.constant 416 : i32
      %dma_start3A_1571 = arith.constant 0 : i32
      %dma_start3A_1572 = tpu.memref_slice %arg10[%dma_start3A_1570, %dma_start3A_1571] : memref<832x32xf32, #tpu.memory_space<vmem>> -> memref<26x32xf32, #tpu.memory_space<vmem>>
      %dma_start3A_1573 = arith.constant 0 : i32
      %dma_start3A_1574 = arith.constant 0 : i32
      %dma_start3A_1575 = tpu.memref_slice %arg6[%add3A_1569, %dma_start3A_1573, %dma_start3A_1574] : memref<16384x26x32xf32, #tpu.memory_space<hbm>> -> memref<1x26x32xf32, #tpu.memory_space<hbm>>
      %dma_start3A_1576 = tpu.memref_squeeze %dma_start3A_1575 : memref<1x26x32xf32, #tpu.memory_space<hbm>> -> memref<26x32xf32, #tpu.memory_space<hbm>>
      %dma_start3A_1577 = arith.constant 0 : i32
      %dma_start3A_1578 = arith.constant 0 : i32
      %dma_start3A_1579 = tpu.memref_slice %arg6[%add3A_1569, %dma_start3A_1577, %dma_start3A_1578] : memref<16384x26x32xf32, #tpu.memory_space<hbm>> -> memref<1x26x32xf32, #tpu.memory_space<hbm>>
      %dma_start3A_1580 = tpu.memref_squeeze %dma_start3A_1579 : memref<1x26x32xf32, #tpu.memory_space<hbm>> -> memref<26x32xf32, #tpu.memory_space<hbm>>
      %dma_start3A_1581 = arith.constant 416 : i32
      %dma_start3A_1582 = arith.constant 0 : i32
      %dma_start3A_1583 = tpu.memref_slice %arg10[%dma_start3A_1581, %dma_start3A_1582] : memref<832x32xf32, #tpu.memory_space<vmem>> -> memref<26x32xf32, #tpu.memory_space<vmem>>
      tpu.enqueue_dma source(%dma_start3A_1583 : memref<26x32xf32, #tpu.memory_space<vmem>>) target(%dma_start3A_1580 : memref<26x32xf32, #tpu.memory_space<hbm>>) target_semaphore(%arg16 : memref<!tpu.dma_semaphore, #tpu.memory_space<semaphore_mem>>)
      %add3A_1584 = arith.constant 17 : i32
      %add3A_1585 = arith.addi %add3A_209, %add3A_1584 : i32
      %dma_start3A_1586 = arith.constant 442 : i32
      %dma_start3A_1587 = arith.constant 0 : i32
      %dma_start3A_1588 = tpu.memref_slice %arg10[%dma_start3A_1586, %dma_start3A_1587] : memref<832x32xf32, #tpu.memory_space<vmem>> -> memref<26x32xf32, #tpu.memory_space<vmem>>
      %dma_start3A_1589 = arith.constant 0 : i32
      %dma_start3A_1590 = arith.constant 0 : i32
      %dma_start3A_1591 = tpu.memref_slice %arg6[%add3A_1585, %dma_start3A_1589, %dma_start3A_1590] : memref<16384x26x32xf32, #tpu.memory_space<hbm>> -> memref<1x26x32xf32, #tpu.memory_space<hbm>>
      %dma_start3A_1592 = tpu.memref_squeeze %dma_start3A_1591 : memref<1x26x32xf32, #tpu.memory_space<hbm>> -> memref<26x32xf32, #tpu.memory_space<hbm>>
      %dma_start3A_1593 = arith.constant 0 : i32
      %dma_start3A_1594 = arith.constant 0 : i32
      %dma_start3A_1595 = tpu.memref_slice %arg6[%add3A_1585, %dma_start3A_1593, %dma_start3A_1594] : memref<16384x26x32xf32, #tpu.memory_space<hbm>> -> memref<1x26x32xf32, #tpu.memory_space<hbm>>
      %dma_start3A_1596 = tpu.memref_squeeze %dma_start3A_1595 : memref<1x26x32xf32, #tpu.memory_space<hbm>> -> memref<26x32xf32, #tpu.memory_space<hbm>>
      %dma_start3A_1597 = arith.constant 442 : i32
      %dma_start3A_1598 = arith.constant 0 : i32
      %dma_start3A_1599 = tpu.memref_slice %arg10[%dma_start3A_1597, %dma_start3A_1598] : memref<832x32xf32, #tpu.memory_space<vmem>> -> memref<26x32xf32, #tpu.memory_space<vmem>>
      tpu.enqueue_dma source(%dma_start3A_1599 : memref<26x32xf32, #tpu.memory_space<vmem>>) target(%dma_start3A_1596 : memref<26x32xf32, #tpu.memory_space<hbm>>) target_semaphore(%arg16 : memref<!tpu.dma_semaphore, #tpu.memory_space<semaphore_mem>>)
      %add3A_1600 = arith.constant 18 : i32
      %add3A_1601 = arith.addi %add3A_209, %add3A_1600 : i32
      %dma_start3A_1602 = arith.constant 468 : i32
      %dma_start3A_1603 = arith.constant 0 : i32
      %dma_start3A_1604 = tpu.memref_slice %arg10[%dma_start3A_1602, %dma_start3A_1603] : memref<832x32xf32, #tpu.memory_space<vmem>> -> memref<26x32xf32, #tpu.memory_space<vmem>>
      %dma_start3A_1605 = arith.constant 0 : i32
      %dma_start3A_1606 = arith.constant 0 : i32
      %dma_start3A_1607 = tpu.memref_slice %arg6[%add3A_1601, %dma_start3A_1605, %dma_start3A_1606] : memref<16384x26x32xf32, #tpu.memory_space<hbm>> -> memref<1x26x32xf32, #tpu.memory_space<hbm>>
      %dma_start3A_1608 = tpu.memref_squeeze %dma_start3A_1607 : memref<1x26x32xf32, #tpu.memory_space<hbm>> -> memref<26x32xf32, #tpu.memory_space<hbm>>
      %dma_start3A_1609 = arith.constant 0 : i32
      %dma_start3A_1610 = arith.constant 0 : i32
      %dma_start3A_1611 = tpu.memref_slice %arg6[%add3A_1601, %dma_start3A_1609, %dma_start3A_1610] : memref<16384x26x32xf32, #tpu.memory_space<hbm>> -> memref<1x26x32xf32, #tpu.memory_space<hbm>>
      %dma_start3A_1612 = tpu.memref_squeeze %dma_start3A_1611 : memref<1x26x32xf32, #tpu.memory_space<hbm>> -> memref<26x32xf32, #tpu.memory_space<hbm>>
      %dma_start3A_1613 = arith.constant 468 : i32
      %dma_start3A_1614 = arith.constant 0 : i32
      %dma_start3A_1615 = tpu.memref_slice %arg10[%dma_start3A_1613, %dma_start3A_1614] : memref<832x32xf32, #tpu.memory_space<vmem>> -> memref<26x32xf32, #tpu.memory_space<vmem>>
      tpu.enqueue_dma source(%dma_start3A_1615 : memref<26x32xf32, #tpu.memory_space<vmem>>) target(%dma_start3A_1612 : memref<26x32xf32, #tpu.memory_space<hbm>>) target_semaphore(%arg16 : memref<!tpu.dma_semaphore, #tpu.memory_space<semaphore_mem>>)
      %add3A_1616 = arith.constant 19 : i32
      %add3A_1617 = arith.addi %add3A_209, %add3A_1616 : i32
      %dma_start3A_1618 = arith.constant 494 : i32
      %dma_start3A_1619 = arith.constant 0 : i32
      %dma_start3A_1620 = tpu.memref_slice %arg10[%dma_start3A_1618, %dma_start3A_1619] : memref<832x32xf32, #tpu.memory_space<vmem>> -> memref<26x32xf32, #tpu.memory_space<vmem>>
      %dma_start3A_1621 = arith.constant 0 : i32
      %dma_start3A_1622 = arith.constant 0 : i32
      %dma_start3A_1623 = tpu.memref_slice %arg6[%add3A_1617, %dma_start3A_1621, %dma_start3A_1622] : memref<16384x26x32xf32, #tpu.memory_space<hbm>> -> memref<1x26x32xf32, #tpu.memory_space<hbm>>
      %dma_start3A_1624 = tpu.memref_squeeze %dma_start3A_1623 : memref<1x26x32xf32, #tpu.memory_space<hbm>> -> memref<26x32xf32, #tpu.memory_space<hbm>>
      %dma_start3A_1625 = arith.constant 0 : i32
      %dma_start3A_1626 = arith.constant 0 : i32
      %dma_start3A_1627 = tpu.memref_slice %arg6[%add3A_1617, %dma_start3A_1625, %dma_start3A_1626] : memref<16384x26x32xf32, #tpu.memory_space<hbm>> -> memref<1x26x32xf32, #tpu.memory_space<hbm>>
      %dma_start3A_1628 = tpu.memref_squeeze %dma_start3A_1627 : memref<1x26x32xf32, #tpu.memory_space<hbm>> -> memref<26x32xf32, #tpu.memory_space<hbm>>
      %dma_start3A_1629 = arith.constant 494 : i32
      %dma_start3A_1630 = arith.constant 0 : i32
      %dma_start3A_1631 = tpu.memref_slice %arg10[%dma_start3A_1629, %dma_start3A_1630] : memref<832x32xf32, #tpu.memory_space<vmem>> -> memref<26x32xf32, #tpu.memory_space<vmem>>
      tpu.enqueue_dma source(%dma_start3A_1631 : memref<26x32xf32, #tpu.memory_space<vmem>>) target(%dma_start3A_1628 : memref<26x32xf32, #tpu.memory_space<hbm>>) target_semaphore(%arg16 : memref<!tpu.dma_semaphore, #tpu.memory_space<semaphore_mem>>)
      %add3A_1632 = arith.constant 20 : i32
      %add3A_1633 = arith.addi %add3A_209, %add3A_1632 : i32
      %dma_start3A_1634 = arith.constant 520 : i32
      %dma_start3A_1635 = arith.constant 0 : i32
      %dma_start3A_1636 = tpu.memref_slice %arg10[%dma_start3A_1634, %dma_start3A_1635] : memref<832x32xf32, #tpu.memory_space<vmem>> -> memref<26x32xf32, #tpu.memory_space<vmem>>
      %dma_start3A_1637 = arith.constant 0 : i32
      %dma_start3A_1638 = arith.constant 0 : i32
      %dma_start3A_1639 = tpu.memref_slice %arg6[%add3A_1633, %dma_start3A_1637, %dma_start3A_1638] : memref<16384x26x32xf32, #tpu.memory_space<hbm>> -> memref<1x26x32xf32, #tpu.memory_space<hbm>>
      %dma_start3A_1640 = tpu.memref_squeeze %dma_start3A_1639 : memref<1x26x32xf32, #tpu.memory_space<hbm>> -> memref<26x32xf32, #tpu.memory_space<hbm>>
      %dma_start3A_1641 = arith.constant 0 : i32
      %dma_start3A_1642 = arith.constant 0 : i32
      %dma_start3A_1643 = tpu.memref_slice %arg6[%add3A_1633, %dma_start3A_1641, %dma_start3A_1642] : memref<16384x26x32xf32, #tpu.memory_space<hbm>> -> memref<1x26x32xf32, #tpu.memory_space<hbm>>
      %dma_start3A_1644 = tpu.memref_squeeze %dma_start3A_1643 : memref<1x26x32xf32, #tpu.memory_space<hbm>> -> memref<26x32xf32, #tpu.memory_space<hbm>>
      %dma_start3A_1645 = arith.constant 520 : i32
      %dma_start3A_1646 = arith.constant 0 : i32
      %dma_start3A_1647 = tpu.memref_slice %arg10[%dma_start3A_1645, %dma_start3A_1646] : memref<832x32xf32, #tpu.memory_space<vmem>> -> memref<26x32xf32, #tpu.memory_space<vmem>>
      tpu.enqueue_dma source(%dma_start3A_1647 : memref<26x32xf32, #tpu.memory_space<vmem>>) target(%dma_start3A_1644 : memref<26x32xf32, #tpu.memory_space<hbm>>) target_semaphore(%arg16 : memref<!tpu.dma_semaphore, #tpu.memory_space<semaphore_mem>>)
      %add3A_1648 = arith.constant 21 : i32
      %add3A_1649 = arith.addi %add3A_209, %add3A_1648 : i32
      %dma_start3A_1650 = arith.constant 546 : i32
      %dma_start3A_1651 = arith.constant 0 : i32
      %dma_start3A_1652 = tpu.memref_slice %arg10[%dma_start3A_1650, %dma_start3A_1651] : memref<832x32xf32, #tpu.memory_space<vmem>> -> memref<26x32xf32, #tpu.memory_space<vmem>>
      %dma_start3A_1653 = arith.constant 0 : i32
      %dma_start3A_1654 = arith.constant 0 : i32
      %dma_start3A_1655 = tpu.memref_slice %arg6[%add3A_1649, %dma_start3A_1653, %dma_start3A_1654] : memref<16384x26x32xf32, #tpu.memory_space<hbm>> -> memref<1x26x32xf32, #tpu.memory_space<hbm>>
      %dma_start3A_1656 = tpu.memref_squeeze %dma_start3A_1655 : memref<1x26x32xf32, #tpu.memory_space<hbm>> -> memref<26x32xf32, #tpu.memory_space<hbm>>
      %dma_start3A_1657 = arith.constant 0 : i32
      %dma_start3A_1658 = arith.constant 0 : i32
      %dma_start3A_1659 = tpu.memref_slice %arg6[%add3A_1649, %dma_start3A_1657, %dma_start3A_1658] : memref<16384x26x32xf32, #tpu.memory_space<hbm>> -> memref<1x26x32xf32, #tpu.memory_space<hbm>>
      %dma_start3A_1660 = tpu.memref_squeeze %dma_start3A_1659 : memref<1x26x32xf32, #tpu.memory_space<hbm>> -> memref<26x32xf32, #tpu.memory_space<hbm>>
      %dma_start3A_1661 = arith.constant 546 : i32
      %dma_start3A_1662 = arith.constant 0 : i32
      %dma_start3A_1663 = tpu.memref_slice %arg10[%dma_start3A_1661, %dma_start3A_1662] : memref<832x32xf32, #tpu.memory_space<vmem>> -> memref<26x32xf32, #tpu.memory_space<vmem>>
      tpu.enqueue_dma source(%dma_start3A_1663 : memref<26x32xf32, #tpu.memory_space<vmem>>) target(%dma_start3A_1660 : memref<26x32xf32, #tpu.memory_space<hbm>>) target_semaphore(%arg16 : memref<!tpu.dma_semaphore, #tpu.memory_space<semaphore_mem>>)
      %add3A_1664 = arith.constant 22 : i32
      %add3A_1665 = arith.addi %add3A_209, %add3A_1664 : i32
      %dma_start3A_1666 = arith.constant 572 : i32
      %dma_start3A_1667 = arith.constant 0 : i32
      %dma_start3A_1668 = tpu.memref_slice %arg10[%dma_start3A_1666, %dma_start3A_1667] : memref<832x32xf32, #tpu.memory_space<vmem>> -> memref<26x32xf32, #tpu.memory_space<vmem>>
      %dma_start3A_1669 = arith.constant 0 : i32
      %dma_start3A_1670 = arith.constant 0 : i32
      %dma_start3A_1671 = tpu.memref_slice %arg6[%add3A_1665, %dma_start3A_1669, %dma_start3A_1670] : memref<16384x26x32xf32, #tpu.memory_space<hbm>> -> memref<1x26x32xf32, #tpu.memory_space<hbm>>
      %dma_start3A_1672 = tpu.memref_squeeze %dma_start3A_1671 : memref<1x26x32xf32, #tpu.memory_space<hbm>> -> memref<26x32xf32, #tpu.memory_space<hbm>>
      %dma_start3A_1673 = arith.constant 0 : i32
      %dma_start3A_1674 = arith.constant 0 : i32
      %dma_start3A_1675 = tpu.memref_slice %arg6[%add3A_1665, %dma_start3A_1673, %dma_start3A_1674] : memref<16384x26x32xf32, #tpu.memory_space<hbm>> -> memref<1x26x32xf32, #tpu.memory_space<hbm>>
      %dma_start3A_1676 = tpu.memref_squeeze %dma_start3A_1675 : memref<1x26x32xf32, #tpu.memory_space<hbm>> -> memref<26x32xf32, #tpu.memory_space<hbm>>
      %dma_start3A_1677 = arith.constant 572 : i32
      %dma_start3A_1678 = arith.constant 0 : i32
      %dma_start3A_1679 = tpu.memref_slice %arg10[%dma_start3A_1677, %dma_start3A_1678] : memref<832x32xf32, #tpu.memory_space<vmem>> -> memref<26x32xf32, #tpu.memory_space<vmem>>
      tpu.enqueue_dma source(%dma_start3A_1679 : memref<26x32xf32, #tpu.memory_space<vmem>>) target(%dma_start3A_1676 : memref<26x32xf32, #tpu.memory_space<hbm>>) target_semaphore(%arg16 : memref<!tpu.dma_semaphore, #tpu.memory_space<semaphore_mem>>)
      %add3A_1680 = arith.constant 23 : i32
      %add3A_1681 = arith.addi %add3A_209, %add3A_1680 : i32
      %dma_start3A_1682 = arith.constant 598 : i32
      %dma_start3A_1683 = arith.constant 0 : i32
      %dma_start3A_1684 = tpu.memref_slice %arg10[%dma_start3A_1682, %dma_start3A_1683] : memref<832x32xf32, #tpu.memory_space<vmem>> -> memref<26x32xf32, #tpu.memory_space<vmem>>
      %dma_start3A_1685 = arith.constant 0 : i32
      %dma_start3A_1686 = arith.constant 0 : i32
      %dma_start3A_1687 = tpu.memref_slice %arg6[%add3A_1681, %dma_start3A_1685, %dma_start3A_1686] : memref<16384x26x32xf32, #tpu.memory_space<hbm>> -> memref<1x26x32xf32, #tpu.memory_space<hbm>>
      %dma_start3A_1688 = tpu.memref_squeeze %dma_start3A_1687 : memref<1x26x32xf32, #tpu.memory_space<hbm>> -> memref<26x32xf32, #tpu.memory_space<hbm>>
      %dma_start3A_1689 = arith.constant 0 : i32
      %dma_start3A_1690 = arith.constant 0 : i32
      %dma_start3A_1691 = tpu.memref_slice %arg6[%add3A_1681, %dma_start3A_1689, %dma_start3A_1690] : memref<16384x26x32xf32, #tpu.memory_space<hbm>> -> memref<1x26x32xf32, #tpu.memory_space<hbm>>
      %dma_start3A_1692 = tpu.memref_squeeze %dma_start3A_1691 : memref<1x26x32xf32, #tpu.memory_space<hbm>> -> memref<26x32xf32, #tpu.memory_space<hbm>>
      %dma_start3A_1693 = arith.constant 598 : i32
      %dma_start3A_1694 = arith.constant 0 : i32
      %dma_start3A_1695 = tpu.memref_slice %arg10[%dma_start3A_1693, %dma_start3A_1694] : memref<832x32xf32, #tpu.memory_space<vmem>> -> memref<26x32xf32, #tpu.memory_space<vmem>>
      tpu.enqueue_dma source(%dma_start3A_1695 : memref<26x32xf32, #tpu.memory_space<vmem>>) target(%dma_start3A_1692 : memref<26x32xf32, #tpu.memory_space<hbm>>) target_semaphore(%arg16 : memref<!tpu.dma_semaphore, #tpu.memory_space<semaphore_mem>>)
      %add3A_1696 = arith.constant 24 : i32
      %add3A_1697 = arith.addi %add3A_209, %add3A_1696 : i32
      %dma_start3A_1698 = arith.constant 624 : i32
      %dma_start3A_1699 = arith.constant 0 : i32
      %dma_start3A_1700 = tpu.memref_slice %arg10[%dma_start3A_1698, %dma_start3A_1699] : memref<832x32xf32, #tpu.memory_space<vmem>> -> memref<26x32xf32, #tpu.memory_space<vmem>>
      %dma_start3A_1701 = arith.constant 0 : i32
      %dma_start3A_1702 = arith.constant 0 : i32
      %dma_start3A_1703 = tpu.memref_slice %arg6[%add3A_1697, %dma_start3A_1701, %dma_start3A_1702] : memref<16384x26x32xf32, #tpu.memory_space<hbm>> -> memref<1x26x32xf32, #tpu.memory_space<hbm>>
      %dma_start3A_1704 = tpu.memref_squeeze %dma_start3A_1703 : memref<1x26x32xf32, #tpu.memory_space<hbm>> -> memref<26x32xf32, #tpu.memory_space<hbm>>
      %dma_start3A_1705 = arith.constant 0 : i32
      %dma_start3A_1706 = arith.constant 0 : i32
      %dma_start3A_1707 = tpu.memref_slice %arg6[%add3A_1697, %dma_start3A_1705, %dma_start3A_1706] : memref<16384x26x32xf32, #tpu.memory_space<hbm>> -> memref<1x26x32xf32, #tpu.memory_space<hbm>>
      %dma_start3A_1708 = tpu.memref_squeeze %dma_start3A_1707 : memref<1x26x32xf32, #tpu.memory_space<hbm>> -> memref<26x32xf32, #tpu.memory_space<hbm>>
      %dma_start3A_1709 = arith.constant 624 : i32
      %dma_start3A_1710 = arith.constant 0 : i32
      %dma_start3A_1711 = tpu.memref_slice %arg10[%dma_start3A_1709, %dma_start3A_1710] : memref<832x32xf32, #tpu.memory_space<vmem>> -> memref<26x32xf32, #tpu.memory_space<vmem>>
      tpu.enqueue_dma source(%dma_start3A_1711 : memref<26x32xf32, #tpu.memory_space<vmem>>) target(%dma_start3A_1708 : memref<26x32xf32, #tpu.memory_space<hbm>>) target_semaphore(%arg16 : memref<!tpu.dma_semaphore, #tpu.memory_space<semaphore_mem>>)
      %add3A_1712 = arith.constant 25 : i32
      %add3A_1713 = arith.addi %add3A_209, %add3A_1712 : i32
      %dma_start3A_1714 = arith.constant 650 : i32
      %dma_start3A_1715 = arith.constant 0 : i32
      %dma_start3A_1716 = tpu.memref_slice %arg10[%dma_start3A_1714, %dma_start3A_1715] : memref<832x32xf32, #tpu.memory_space<vmem>> -> memref<26x32xf32, #tpu.memory_space<vmem>>
      %dma_start3A_1717 = arith.constant 0 : i32
      %dma_start3A_1718 = arith.constant 0 : i32
      %dma_start3A_1719 = tpu.memref_slice %arg6[%add3A_1713, %dma_start3A_1717, %dma_start3A_1718] : memref<16384x26x32xf32, #tpu.memory_space<hbm>> -> memref<1x26x32xf32, #tpu.memory_space<hbm>>
      %dma_start3A_1720 = tpu.memref_squeeze %dma_start3A_1719 : memref<1x26x32xf32, #tpu.memory_space<hbm>> -> memref<26x32xf32, #tpu.memory_space<hbm>>
      %dma_start3A_1721 = arith.constant 0 : i32
      %dma_start3A_1722 = arith.constant 0 : i32
      %dma_start3A_1723 = tpu.memref_slice %arg6[%add3A_1713, %dma_start3A_1721, %dma_start3A_1722] : memref<16384x26x32xf32, #tpu.memory_space<hbm>> -> memref<1x26x32xf32, #tpu.memory_space<hbm>>
      %dma_start3A_1724 = tpu.memref_squeeze %dma_start3A_1723 : memref<1x26x32xf32, #tpu.memory_space<hbm>> -> memref<26x32xf32, #tpu.memory_space<hbm>>
      %dma_start3A_1725 = arith.constant 650 : i32
      %dma_start3A_1726 = arith.constant 0 : i32
      %dma_start3A_1727 = tpu.memref_slice %arg10[%dma_start3A_1725, %dma_start3A_1726] : memref<832x32xf32, #tpu.memory_space<vmem>> -> memref<26x32xf32, #tpu.memory_space<vmem>>
      tpu.enqueue_dma source(%dma_start3A_1727 : memref<26x32xf32, #tpu.memory_space<vmem>>) target(%dma_start3A_1724 : memref<26x32xf32, #tpu.memory_space<hbm>>) target_semaphore(%arg16 : memref<!tpu.dma_semaphore, #tpu.memory_space<semaphore_mem>>)
      %add3A_1728 = arith.constant 26 : i32
      %add3A_1729 = arith.addi %add3A_209, %add3A_1728 : i32
      %dma_start3A_1730 = arith.constant 676 : i32
      %dma_start3A_1731 = arith.constant 0 : i32
      %dma_start3A_1732 = tpu.memref_slice %arg10[%dma_start3A_1730, %dma_start3A_1731] : memref<832x32xf32, #tpu.memory_space<vmem>> -> memref<26x32xf32, #tpu.memory_space<vmem>>
      %dma_start3A_1733 = arith.constant 0 : i32
      %dma_start3A_1734 = arith.constant 0 : i32
      %dma_start3A_1735 = tpu.memref_slice %arg6[%add3A_1729, %dma_start3A_1733, %dma_start3A_1734] : memref<16384x26x32xf32, #tpu.memory_space<hbm>> -> memref<1x26x32xf32, #tpu.memory_space<hbm>>
      %dma_start3A_1736 = tpu.memref_squeeze %dma_start3A_1735 : memref<1x26x32xf32, #tpu.memory_space<hbm>> -> memref<26x32xf32, #tpu.memory_space<hbm>>
      %dma_start3A_1737 = arith.constant 0 : i32
      %dma_start3A_1738 = arith.constant 0 : i32
      %dma_start3A_1739 = tpu.memref_slice %arg6[%add3A_1729, %dma_start3A_1737, %dma_start3A_1738] : memref<16384x26x32xf32, #tpu.memory_space<hbm>> -> memref<1x26x32xf32, #tpu.memory_space<hbm>>
      %dma_start3A_1740 = tpu.memref_squeeze %dma_start3A_1739 : memref<1x26x32xf32, #tpu.memory_space<hbm>> -> memref<26x32xf32, #tpu.memory_space<hbm>>
      %dma_start3A_1741 = arith.constant 676 : i32
      %dma_start3A_1742 = arith.constant 0 : i32
      %dma_start3A_1743 = tpu.memref_slice %arg10[%dma_start3A_1741, %dma_start3A_1742] : memref<832x32xf32, #tpu.memory_space<vmem>> -> memref<26x32xf32, #tpu.memory_space<vmem>>
      tpu.enqueue_dma source(%dma_start3A_1743 : memref<26x32xf32, #tpu.memory_space<vmem>>) target(%dma_start3A_1740 : memref<26x32xf32, #tpu.memory_space<hbm>>) target_semaphore(%arg16 : memref<!tpu.dma_semaphore, #tpu.memory_space<semaphore_mem>>)
      %add3A_1744 = arith.constant 27 : i32
      %add3A_1745 = arith.addi %add3A_209, %add3A_1744 : i32
      %dma_start3A_1746 = arith.constant 702 : i32
      %dma_start3A_1747 = arith.constant 0 : i32
      %dma_start3A_1748 = tpu.memref_slice %arg10[%dma_start3A_1746, %dma_start3A_1747] : memref<832x32xf32, #tpu.memory_space<vmem>> -> memref<26x32xf32, #tpu.memory_space<vmem>>
      %dma_start3A_1749 = arith.constant 0 : i32
      %dma_start3A_1750 = arith.constant 0 : i32
      %dma_start3A_1751 = tpu.memref_slice %arg6[%add3A_1745, %dma_start3A_1749, %dma_start3A_1750] : memref<16384x26x32xf32, #tpu.memory_space<hbm>> -> memref<1x26x32xf32, #tpu.memory_space<hbm>>
      %dma_start3A_1752 = tpu.memref_squeeze %dma_start3A_1751 : memref<1x26x32xf32, #tpu.memory_space<hbm>> -> memref<26x32xf32, #tpu.memory_space<hbm>>
      %dma_start3A_1753 = arith.constant 0 : i32
      %dma_start3A_1754 = arith.constant 0 : i32
      %dma_start3A_1755 = tpu.memref_slice %arg6[%add3A_1745, %dma_start3A_1753, %dma_start3A_1754] : memref<16384x26x32xf32, #tpu.memory_space<hbm>> -> memref<1x26x32xf32, #tpu.memory_space<hbm>>
      %dma_start3A_1756 = tpu.memref_squeeze %dma_start3A_1755 : memref<1x26x32xf32, #tpu.memory_space<hbm>> -> memref<26x32xf32, #tpu.memory_space<hbm>>
      %dma_start3A_1757 = arith.constant 702 : i32
      %dma_start3A_1758 = arith.constant 0 : i32
      %dma_start3A_1759 = tpu.memref_slice %arg10[%dma_start3A_1757, %dma_start3A_1758] : memref<832x32xf32, #tpu.memory_space<vmem>> -> memref<26x32xf32, #tpu.memory_space<vmem>>
      tpu.enqueue_dma source(%dma_start3A_1759 : memref<26x32xf32, #tpu.memory_space<vmem>>) target(%dma_start3A_1756 : memref<26x32xf32, #tpu.memory_space<hbm>>) target_semaphore(%arg16 : memref<!tpu.dma_semaphore, #tpu.memory_space<semaphore_mem>>)
      %add3A_1760 = arith.constant 28 : i32
      %add3A_1761 = arith.addi %add3A_209, %add3A_1760 : i32
      %dma_start3A_1762 = arith.constant 728 : i32
      %dma_start3A_1763 = arith.constant 0 : i32
      %dma_start3A_1764 = tpu.memref_slice %arg10[%dma_start3A_1762, %dma_start3A_1763] : memref<832x32xf32, #tpu.memory_space<vmem>> -> memref<26x32xf32, #tpu.memory_space<vmem>>
      %dma_start3A_1765 = arith.constant 0 : i32
      %dma_start3A_1766 = arith.constant 0 : i32
      %dma_start3A_1767 = tpu.memref_slice %arg6[%add3A_1761, %dma_start3A_1765, %dma_start3A_1766] : memref<16384x26x32xf32, #tpu.memory_space<hbm>> -> memref<1x26x32xf32, #tpu.memory_space<hbm>>
      %dma_start3A_1768 = tpu.memref_squeeze %dma_start3A_1767 : memref<1x26x32xf32, #tpu.memory_space<hbm>> -> memref<26x32xf32, #tpu.memory_space<hbm>>
      %dma_start3A_1769 = arith.constant 0 : i32
      %dma_start3A_1770 = arith.constant 0 : i32
      %dma_start3A_1771 = tpu.memref_slice %arg6[%add3A_1761, %dma_start3A_1769, %dma_start3A_1770] : memref<16384x26x32xf32, #tpu.memory_space<hbm>> -> memref<1x26x32xf32, #tpu.memory_space<hbm>>
      %dma_start3A_1772 = tpu.memref_squeeze %dma_start3A_1771 : memref<1x26x32xf32, #tpu.memory_space<hbm>> -> memref<26x32xf32, #tpu.memory_space<hbm>>
      %dma_start3A_1773 = arith.constant 728 : i32
      %dma_start3A_1774 = arith.constant 0 : i32
      %dma_start3A_1775 = tpu.memref_slice %arg10[%dma_start3A_1773, %dma_start3A_1774] : memref<832x32xf32, #tpu.memory_space<vmem>> -> memref<26x32xf32, #tpu.memory_space<vmem>>
      tpu.enqueue_dma source(%dma_start3A_1775 : memref<26x32xf32, #tpu.memory_space<vmem>>) target(%dma_start3A_1772 : memref<26x32xf32, #tpu.memory_space<hbm>>) target_semaphore(%arg16 : memref<!tpu.dma_semaphore, #tpu.memory_space<semaphore_mem>>)
      %add3A_1776 = arith.constant 29 : i32
      %add3A_1777 = arith.addi %add3A_209, %add3A_1776 : i32
      %dma_start3A_1778 = arith.constant 754 : i32
      %dma_start3A_1779 = arith.constant 0 : i32
      %dma_start3A_1780 = tpu.memref_slice %arg10[%dma_start3A_1778, %dma_start3A_1779] : memref<832x32xf32, #tpu.memory_space<vmem>> -> memref<26x32xf32, #tpu.memory_space<vmem>>
      %dma_start3A_1781 = arith.constant 0 : i32
      %dma_start3A_1782 = arith.constant 0 : i32
      %dma_start3A_1783 = tpu.memref_slice %arg6[%add3A_1777, %dma_start3A_1781, %dma_start3A_1782] : memref<16384x26x32xf32, #tpu.memory_space<hbm>> -> memref<1x26x32xf32, #tpu.memory_space<hbm>>
      %dma_start3A_1784 = tpu.memref_squeeze %dma_start3A_1783 : memref<1x26x32xf32, #tpu.memory_space<hbm>> -> memref<26x32xf32, #tpu.memory_space<hbm>>
      %dma_start3A_1785 = arith.constant 0 : i32
      %dma_start3A_1786 = arith.constant 0 : i32
      %dma_start3A_1787 = tpu.memref_slice %arg6[%add3A_1777, %dma_start3A_1785, %dma_start3A_1786] : memref<16384x26x32xf32, #tpu.memory_space<hbm>> -> memref<1x26x32xf32, #tpu.memory_space<hbm>>
      %dma_start3A_1788 = tpu.memref_squeeze %dma_start3A_1787 : memref<1x26x32xf32, #tpu.memory_space<hbm>> -> memref<26x32xf32, #tpu.memory_space<hbm>>
      %dma_start3A_1789 = arith.constant 754 : i32
      %dma_start3A_1790 = arith.constant 0 : i32
      %dma_start3A_1791 = tpu.memref_slice %arg10[%dma_start3A_1789, %dma_start3A_1790] : memref<832x32xf32, #tpu.memory_space<vmem>> -> memref<26x32xf32, #tpu.memory_space<vmem>>
      tpu.enqueue_dma source(%dma_start3A_1791 : memref<26x32xf32, #tpu.memory_space<vmem>>) target(%dma_start3A_1788 : memref<26x32xf32, #tpu.memory_space<hbm>>) target_semaphore(%arg16 : memref<!tpu.dma_semaphore, #tpu.memory_space<semaphore_mem>>)
      %add3A_1792 = arith.constant 30 : i32
      %add3A_1793 = arith.addi %add3A_209, %add3A_1792 : i32
      %dma_start3A_1794 = arith.constant 780 : i32
      %dma_start3A_1795 = arith.constant 0 : i32
      %dma_start3A_1796 = tpu.memref_slice %arg10[%dma_start3A_1794, %dma_start3A_1795] : memref<832x32xf32, #tpu.memory_space<vmem>> -> memref<26x32xf32, #tpu.memory_space<vmem>>
      %dma_start3A_1797 = arith.constant 0 : i32
      %dma_start3A_1798 = arith.constant 0 : i32
      %dma_start3A_1799 = tpu.memref_slice %arg6[%add3A_1793, %dma_start3A_1797, %dma_start3A_1798] : memref<16384x26x32xf32, #tpu.memory_space<hbm>> -> memref<1x26x32xf32, #tpu.memory_space<hbm>>
      %dma_start3A_1800 = tpu.memref_squeeze %dma_start3A_1799 : memref<1x26x32xf32, #tpu.memory_space<hbm>> -> memref<26x32xf32, #tpu.memory_space<hbm>>
      %dma_start3A_1801 = arith.constant 0 : i32
      %dma_start3A_1802 = arith.constant 0 : i32
      %dma_start3A_1803 = tpu.memref_slice %arg6[%add3A_1793, %dma_start3A_1801, %dma_start3A_1802] : memref<16384x26x32xf32, #tpu.memory_space<hbm>> -> memref<1x26x32xf32, #tpu.memory_space<hbm>>
      %dma_start3A_1804 = tpu.memref_squeeze %dma_start3A_1803 : memref<1x26x32xf32, #tpu.memory_space<hbm>> -> memref<26x32xf32, #tpu.memory_space<hbm>>
      %dma_start3A_1805 = arith.constant 780 : i32
      %dma_start3A_1806 = arith.constant 0 : i32
      %dma_start3A_1807 = tpu.memref_slice %arg10[%dma_start3A_1805, %dma_start3A_1806] : memref<832x32xf32, #tpu.memory_space<vmem>> -> memref<26x32xf32, #tpu.memory_space<vmem>>
      tpu.enqueue_dma source(%dma_start3A_1807 : memref<26x32xf32, #tpu.memory_space<vmem>>) target(%dma_start3A_1804 : memref<26x32xf32, #tpu.memory_space<hbm>>) target_semaphore(%arg16 : memref<!tpu.dma_semaphore, #tpu.memory_space<semaphore_mem>>)
      %add3A_1808 = arith.constant 31 : i32
      %add3A_1809 = arith.addi %add3A_209, %add3A_1808 : i32
      %dma_start3A_1810 = arith.constant 806 : i32
      %dma_start3A_1811 = arith.constant 0 : i32
      %dma_start3A_1812 = tpu.memref_slice %arg10[%dma_start3A_1810, %dma_start3A_1811] : memref<832x32xf32, #tpu.memory_space<vmem>> -> memref<26x32xf32, #tpu.memory_space<vmem>>
      %dma_start3A_1813 = arith.constant 0 : i32
      %dma_start3A_1814 = arith.constant 0 : i32
      %dma_start3A_1815 = tpu.memref_slice %arg6[%add3A_1809, %dma_start3A_1813, %dma_start3A_1814] : memref<16384x26x32xf32, #tpu.memory_space<hbm>> -> memref<1x26x32xf32, #tpu.memory_space<hbm>>
      %dma_start3A_1816 = tpu.memref_squeeze %dma_start3A_1815 : memref<1x26x32xf32, #tpu.memory_space<hbm>> -> memref<26x32xf32, #tpu.memory_space<hbm>>
      %dma_start3A_1817 = arith.constant 0 : i32
      %dma_start3A_1818 = arith.constant 0 : i32
      %dma_start3A_1819 = tpu.memref_slice %arg6[%add3A_1809, %dma_start3A_1817, %dma_start3A_1818] : memref<16384x26x32xf32, #tpu.memory_space<hbm>> -> memref<1x26x32xf32, #tpu.memory_space<hbm>>
      %dma_start3A_1820 = tpu.memref_squeeze %dma_start3A_1819 : memref<1x26x32xf32, #tpu.memory_space<hbm>> -> memref<26x32xf32, #tpu.memory_space<hbm>>
      %dma_start3A_1821 = arith.constant 806 : i32
      %dma_start3A_1822 = arith.constant 0 : i32
      %dma_start3A_1823 = tpu.memref_slice %arg10[%dma_start3A_1821, %dma_start3A_1822] : memref<832x32xf32, #tpu.memory_space<vmem>> -> memref<26x32xf32, #tpu.memory_space<vmem>>
      tpu.enqueue_dma source(%dma_start3A_1823 : memref<26x32xf32, #tpu.memory_space<vmem>>) target(%dma_start3A_1820 : memref<26x32xf32, #tpu.memory_space<hbm>>) target_semaphore(%arg16 : memref<!tpu.dma_semaphore, #tpu.memory_space<semaphore_mem>>)
      %dma_wait3A_1824 = arith.constant 0 : i32
      %dma_wait3A_1825 = arith.constant 0 : i32
      %dma_wait3A_1826 = tpu.memref_slice %arg10[%dma_wait3A_1824, %dma_wait3A_1825] : memref<832x32xf32, #tpu.memory_space<vmem>> -> memref<26x32xf32, #tpu.memory_space<vmem>>
      %dma_wait3A_1827 = arith.constant 0 : i32
      %dma_wait3A_1828 = arith.constant 0 : i32
      %dma_wait3A_1829 = tpu.memref_slice %arg6[%add3A_1313, %dma_wait3A_1827, %dma_wait3A_1828] : memref<16384x26x32xf32, #tpu.memory_space<hbm>> -> memref<1x26x32xf32, #tpu.memory_space<hbm>>
      %dma_wait3A_1830 = tpu.memref_squeeze %dma_wait3A_1829 : memref<1x26x32xf32, #tpu.memory_space<hbm>> -> memref<26x32xf32, #tpu.memory_space<hbm>>
      %dma_wait3A_1831 = arith.constant 0 : i32
      %dma_wait3A_1832 = arith.constant 0 : i32
      %dma_wait3A_1833 = tpu.memref_slice %arg6[%add3A_1313, %dma_wait3A_1831, %dma_wait3A_1832] : memref<16384x26x32xf32, #tpu.memory_space<hbm>> -> memref<1x26x32xf32, #tpu.memory_space<hbm>>
      %dma_wait3A_1834 = tpu.memref_squeeze %dma_wait3A_1833 : memref<1x26x32xf32, #tpu.memory_space<hbm>> -> memref<26x32xf32, #tpu.memory_space<hbm>>
      %dma_wait3A_1835 = arith.constant 0 : i32
      %dma_wait3A_1836 = arith.constant 0 : i32
      %dma_wait3A_1837 = tpu.memref_slice %arg10[%dma_wait3A_1835, %dma_wait3A_1836] : memref<832x32xf32, #tpu.memory_space<vmem>> -> memref<26x32xf32, #tpu.memory_space<vmem>>
      tpu.wait_dma2 semaphore(%arg16 : memref<!tpu.dma_semaphore, #tpu.memory_space<semaphore_mem>>) src(%dma_wait3A_1837 : memref<26x32xf32, #tpu.memory_space<vmem>>) dst(%dma_wait3A_1834 : memref<26x32xf32, #tpu.memory_space<hbm>>)
      %dma_wait3A_1838 = arith.constant 26 : i32
      %dma_wait3A_1839 = arith.constant 0 : i32
      %dma_wait3A_1840 = tpu.memref_slice %arg10[%dma_wait3A_1838, %dma_wait3A_1839] : memref<832x32xf32, #tpu.memory_space<vmem>> -> memref<26x32xf32, #tpu.memory_space<vmem>>
      %dma_wait3A_1841 = arith.constant 0 : i32
      %dma_wait3A_1842 = arith.constant 0 : i32
      %dma_wait3A_1843 = tpu.memref_slice %arg6[%add3A_1329, %dma_wait3A_1841, %dma_wait3A_1842] : memref<16384x26x32xf32, #tpu.memory_space<hbm>> -> memref<1x26x32xf32, #tpu.memory_space<hbm>>
      %dma_wait3A_1844 = tpu.memref_squeeze %dma_wait3A_1843 : memref<1x26x32xf32, #tpu.memory_space<hbm>> -> memref<26x32xf32, #tpu.memory_space<hbm>>
      %dma_wait3A_1845 = arith.constant 0 : i32
      %dma_wait3A_1846 = arith.constant 0 : i32
      %dma_wait3A_1847 = tpu.memref_slice %arg6[%add3A_1329, %dma_wait3A_1845, %dma_wait3A_1846] : memref<16384x26x32xf32, #tpu.memory_space<hbm>> -> memref<1x26x32xf32, #tpu.memory_space<hbm>>
      %dma_wait3A_1848 = tpu.memref_squeeze %dma_wait3A_1847 : memref<1x26x32xf32, #tpu.memory_space<hbm>> -> memref<26x32xf32, #tpu.memory_space<hbm>>
      %dma_wait3A_1849 = arith.constant 26 : i32
      %dma_wait3A_1850 = arith.constant 0 : i32
      %dma_wait3A_1851 = tpu.memref_slice %arg10[%dma_wait3A_1849, %dma_wait3A_1850] : memref<832x32xf32, #tpu.memory_space<vmem>> -> memref<26x32xf32, #tpu.memory_space<vmem>>
      tpu.wait_dma2 semaphore(%arg16 : memref<!tpu.dma_semaphore, #tpu.memory_space<semaphore_mem>>) src(%dma_wait3A_1851 : memref<26x32xf32, #tpu.memory_space<vmem>>) dst(%dma_wait3A_1848 : memref<26x32xf32, #tpu.memory_space<hbm>>)
      %dma_wait3A_1852 = arith.constant 52 : i32
      %dma_wait3A_1853 = arith.constant 0 : i32
      %dma_wait3A_1854 = tpu.memref_slice %arg10[%dma_wait3A_1852, %dma_wait3A_1853] : memref<832x32xf32, #tpu.memory_space<vmem>> -> memref<26x32xf32, #tpu.memory_space<vmem>>
      %dma_wait3A_1855 = arith.constant 0 : i32
      %dma_wait3A_1856 = arith.constant 0 : i32
      %dma_wait3A_1857 = tpu.memref_slice %arg6[%add3A_1345, %dma_wait3A_1855, %dma_wait3A_1856] : memref<16384x26x32xf32, #tpu.memory_space<hbm>> -> memref<1x26x32xf32, #tpu.memory_space<hbm>>
      %dma_wait3A_1858 = tpu.memref_squeeze %dma_wait3A_1857 : memref<1x26x32xf32, #tpu.memory_space<hbm>> -> memref<26x32xf32, #tpu.memory_space<hbm>>
      %dma_wait3A_1859 = arith.constant 0 : i32
      %dma_wait3A_1860 = arith.constant 0 : i32
      %dma_wait3A_1861 = tpu.memref_slice %arg6[%add3A_1345, %dma_wait3A_1859, %dma_wait3A_1860] : memref<16384x26x32xf32, #tpu.memory_space<hbm>> -> memref<1x26x32xf32, #tpu.memory_space<hbm>>
      %dma_wait3A_1862 = tpu.memref_squeeze %dma_wait3A_1861 : memref<1x26x32xf32, #tpu.memory_space<hbm>> -> memref<26x32xf32, #tpu.memory_space<hbm>>
      %dma_wait3A_1863 = arith.constant 52 : i32
      %dma_wait3A_1864 = arith.constant 0 : i32
      %dma_wait3A_1865 = tpu.memref_slice %arg10[%dma_wait3A_1863, %dma_wait3A_1864] : memref<832x32xf32, #tpu.memory_space<vmem>> -> memref<26x32xf32, #tpu.memory_space<vmem>>
      tpu.wait_dma2 semaphore(%arg16 : memref<!tpu.dma_semaphore, #tpu.memory_space<semaphore_mem>>) src(%dma_wait3A_1865 : memref<26x32xf32, #tpu.memory_space<vmem>>) dst(%dma_wait3A_1862 : memref<26x32xf32, #tpu.memory_space<hbm>>)
      %dma_wait3A_1866 = arith.constant 78 : i32
      %dma_wait3A_1867 = arith.constant 0 : i32
      %dma_wait3A_1868 = tpu.memref_slice %arg10[%dma_wait3A_1866, %dma_wait3A_1867] : memref<832x32xf32, #tpu.memory_space<vmem>> -> memref<26x32xf32, #tpu.memory_space<vmem>>
      %dma_wait3A_1869 = arith.constant 0 : i32
      %dma_wait3A_1870 = arith.constant 0 : i32
      %dma_wait3A_1871 = tpu.memref_slice %arg6[%add3A_1361, %dma_wait3A_1869, %dma_wait3A_1870] : memref<16384x26x32xf32, #tpu.memory_space<hbm>> -> memref<1x26x32xf32, #tpu.memory_space<hbm>>
      %dma_wait3A_1872 = tpu.memref_squeeze %dma_wait3A_1871 : memref<1x26x32xf32, #tpu.memory_space<hbm>> -> memref<26x32xf32, #tpu.memory_space<hbm>>
      %dma_wait3A_1873 = arith.constant 0 : i32
      %dma_wait3A_1874 = arith.constant 0 : i32
      %dma_wait3A_1875 = tpu.memref_slice %arg6[%add3A_1361, %dma_wait3A_1873, %dma_wait3A_1874] : memref<16384x26x32xf32, #tpu.memory_space<hbm>> -> memref<1x26x32xf32, #tpu.memory_space<hbm>>
      %dma_wait3A_1876 = tpu.memref_squeeze %dma_wait3A_1875 : memref<1x26x32xf32, #tpu.memory_space<hbm>> -> memref<26x32xf32, #tpu.memory_space<hbm>>
      %dma_wait3A_1877 = arith.constant 78 : i32
      %dma_wait3A_1878 = arith.constant 0 : i32
      %dma_wait3A_1879 = tpu.memref_slice %arg10[%dma_wait3A_1877, %dma_wait3A_1878] : memref<832x32xf32, #tpu.memory_space<vmem>> -> memref<26x32xf32, #tpu.memory_space<vmem>>
      tpu.wait_dma2 semaphore(%arg16 : memref<!tpu.dma_semaphore, #tpu.memory_space<semaphore_mem>>) src(%dma_wait3A_1879 : memref<26x32xf32, #tpu.memory_space<vmem>>) dst(%dma_wait3A_1876 : memref<26x32xf32, #tpu.memory_space<hbm>>)
      %dma_wait3A_1880 = arith.constant 104 : i32
      %dma_wait3A_1881 = arith.constant 0 : i32
      %dma_wait3A_1882 = tpu.memref_slice %arg10[%dma_wait3A_1880, %dma_wait3A_1881] : memref<832x32xf32, #tpu.memory_space<vmem>> -> memref<26x32xf32, #tpu.memory_space<vmem>>
      %dma_wait3A_1883 = arith.constant 0 : i32
      %dma_wait3A_1884 = arith.constant 0 : i32
      %dma_wait3A_1885 = tpu.memref_slice %arg6[%add3A_1377, %dma_wait3A_1883, %dma_wait3A_1884] : memref<16384x26x32xf32, #tpu.memory_space<hbm>> -> memref<1x26x32xf32, #tpu.memory_space<hbm>>
      %dma_wait3A_1886 = tpu.memref_squeeze %dma_wait3A_1885 : memref<1x26x32xf32, #tpu.memory_space<hbm>> -> memref<26x32xf32, #tpu.memory_space<hbm>>
      %dma_wait3A_1887 = arith.constant 0 : i32
      %dma_wait3A_1888 = arith.constant 0 : i32
      %dma_wait3A_1889 = tpu.memref_slice %arg6[%add3A_1377, %dma_wait3A_1887, %dma_wait3A_1888] : memref<16384x26x32xf32, #tpu.memory_space<hbm>> -> memref<1x26x32xf32, #tpu.memory_space<hbm>>
      %dma_wait3A_1890 = tpu.memref_squeeze %dma_wait3A_1889 : memref<1x26x32xf32, #tpu.memory_space<hbm>> -> memref<26x32xf32, #tpu.memory_space<hbm>>
      %dma_wait3A_1891 = arith.constant 104 : i32
      %dma_wait3A_1892 = arith.constant 0 : i32
      %dma_wait3A_1893 = tpu.memref_slice %arg10[%dma_wait3A_1891, %dma_wait3A_1892] : memref<832x32xf32, #tpu.memory_space<vmem>> -> memref<26x32xf32, #tpu.memory_space<vmem>>
      tpu.wait_dma2 semaphore(%arg16 : memref<!tpu.dma_semaphore, #tpu.memory_space<semaphore_mem>>) src(%dma_wait3A_1893 : memref<26x32xf32, #tpu.memory_space<vmem>>) dst(%dma_wait3A_1890 : memref<26x32xf32, #tpu.memory_space<hbm>>)
      %dma_wait3A_1894 = arith.constant 130 : i32
      %dma_wait3A_1895 = arith.constant 0 : i32
      %dma_wait3A_1896 = tpu.memref_slice %arg10[%dma_wait3A_1894, %dma_wait3A_1895] : memref<832x32xf32, #tpu.memory_space<vmem>> -> memref<26x32xf32, #tpu.memory_space<vmem>>
      %dma_wait3A_1897 = arith.constant 0 : i32
      %dma_wait3A_1898 = arith.constant 0 : i32
      %dma_wait3A_1899 = tpu.memref_slice %arg6[%add3A_1393, %dma_wait3A_1897, %dma_wait3A_1898] : memref<16384x26x32xf32, #tpu.memory_space<hbm>> -> memref<1x26x32xf32, #tpu.memory_space<hbm>>
      %dma_wait3A_1900 = tpu.memref_squeeze %dma_wait3A_1899 : memref<1x26x32xf32, #tpu.memory_space<hbm>> -> memref<26x32xf32, #tpu.memory_space<hbm>>
      %dma_wait3A_1901 = arith.constant 0 : i32
      %dma_wait3A_1902 = arith.constant 0 : i32
      %dma_wait3A_1903 = tpu.memref_slice %arg6[%add3A_1393, %dma_wait3A_1901, %dma_wait3A_1902] : memref<16384x26x32xf32, #tpu.memory_space<hbm>> -> memref<1x26x32xf32, #tpu.memory_space<hbm>>
      %dma_wait3A_1904 = tpu.memref_squeeze %dma_wait3A_1903 : memref<1x26x32xf32, #tpu.memory_space<hbm>> -> memref<26x32xf32, #tpu.memory_space<hbm>>
      %dma_wait3A_1905 = arith.constant 130 : i32
      %dma_wait3A_1906 = arith.constant 0 : i32
      %dma_wait3A_1907 = tpu.memref_slice %arg10[%dma_wait3A_1905, %dma_wait3A_1906] : memref<832x32xf32, #tpu.memory_space<vmem>> -> memref<26x32xf32, #tpu.memory_space<vmem>>
      tpu.wait_dma2 semaphore(%arg16 : memref<!tpu.dma_semaphore, #tpu.memory_space<semaphore_mem>>) src(%dma_wait3A_1907 : memref<26x32xf32, #tpu.memory_space<vmem>>) dst(%dma_wait3A_1904 : memref<26x32xf32, #tpu.memory_space<hbm>>)
      %dma_wait3A_1908 = arith.constant 156 : i32
      %dma_wait3A_1909 = arith.constant 0 : i32
      %dma_wait3A_1910 = tpu.memref_slice %arg10[%dma_wait3A_1908, %dma_wait3A_1909] : memref<832x32xf32, #tpu.memory_space<vmem>> -> memref<26x32xf32, #tpu.memory_space<vmem>>
      %dma_wait3A_1911 = arith.constant 0 : i32
      %dma_wait3A_1912 = arith.constant 0 : i32
      %dma_wait3A_1913 = tpu.memref_slice %arg6[%add3A_1409, %dma_wait3A_1911, %dma_wait3A_1912] : memref<16384x26x32xf32, #tpu.memory_space<hbm>> -> memref<1x26x32xf32, #tpu.memory_space<hbm>>
      %dma_wait3A_1914 = tpu.memref_squeeze %dma_wait3A_1913 : memref<1x26x32xf32, #tpu.memory_space<hbm>> -> memref<26x32xf32, #tpu.memory_space<hbm>>
      %dma_wait3A_1915 = arith.constant 0 : i32
      %dma_wait3A_1916 = arith.constant 0 : i32
      %dma_wait3A_1917 = tpu.memref_slice %arg6[%add3A_1409, %dma_wait3A_1915, %dma_wait3A_1916] : memref<16384x26x32xf32, #tpu.memory_space<hbm>> -> memref<1x26x32xf32, #tpu.memory_space<hbm>>
      %dma_wait3A_1918 = tpu.memref_squeeze %dma_wait3A_1917 : memref<1x26x32xf32, #tpu.memory_space<hbm>> -> memref<26x32xf32, #tpu.memory_space<hbm>>
      %dma_wait3A_1919 = arith.constant 156 : i32
      %dma_wait3A_1920 = arith.constant 0 : i32
      %dma_wait3A_1921 = tpu.memref_slice %arg10[%dma_wait3A_1919, %dma_wait3A_1920] : memref<832x32xf32, #tpu.memory_space<vmem>> -> memref<26x32xf32, #tpu.memory_space<vmem>>
      tpu.wait_dma2 semaphore(%arg16 : memref<!tpu.dma_semaphore, #tpu.memory_space<semaphore_mem>>) src(%dma_wait3A_1921 : memref<26x32xf32, #tpu.memory_space<vmem>>) dst(%dma_wait3A_1918 : memref<26x32xf32, #tpu.memory_space<hbm>>)
      %dma_wait3A_1922 = arith.constant 182 : i32
      %dma_wait3A_1923 = arith.constant 0 : i32
      %dma_wait3A_1924 = tpu.memref_slice %arg10[%dma_wait3A_1922, %dma_wait3A_1923] : memref<832x32xf32, #tpu.memory_space<vmem>> -> memref<26x32xf32, #tpu.memory_space<vmem>>
      %dma_wait3A_1925 = arith.constant 0 : i32
      %dma_wait3A_1926 = arith.constant 0 : i32
      %dma_wait3A_1927 = tpu.memref_slice %arg6[%add3A_1425, %dma_wait3A_1925, %dma_wait3A_1926] : memref<16384x26x32xf32, #tpu.memory_space<hbm>> -> memref<1x26x32xf32, #tpu.memory_space<hbm>>
      %dma_wait3A_1928 = tpu.memref_squeeze %dma_wait3A_1927 : memref<1x26x32xf32, #tpu.memory_space<hbm>> -> memref<26x32xf32, #tpu.memory_space<hbm>>
      %dma_wait3A_1929 = arith.constant 0 : i32
      %dma_wait3A_1930 = arith.constant 0 : i32
      %dma_wait3A_1931 = tpu.memref_slice %arg6[%add3A_1425, %dma_wait3A_1929, %dma_wait3A_1930] : memref<16384x26x32xf32, #tpu.memory_space<hbm>> -> memref<1x26x32xf32, #tpu.memory_space<hbm>>
      %dma_wait3A_1932 = tpu.memref_squeeze %dma_wait3A_1931 : memref<1x26x32xf32, #tpu.memory_space<hbm>> -> memref<26x32xf32, #tpu.memory_space<hbm>>
      %dma_wait3A_1933 = arith.constant 182 : i32
      %dma_wait3A_1934 = arith.constant 0 : i32
      %dma_wait3A_1935 = tpu.memref_slice %arg10[%dma_wait3A_1933, %dma_wait3A_1934] : memref<832x32xf32, #tpu.memory_space<vmem>> -> memref<26x32xf32, #tpu.memory_space<vmem>>
      tpu.wait_dma2 semaphore(%arg16 : memref<!tpu.dma_semaphore, #tpu.memory_space<semaphore_mem>>) src(%dma_wait3A_1935 : memref<26x32xf32, #tpu.memory_space<vmem>>) dst(%dma_wait3A_1932 : memref<26x32xf32, #tpu.memory_space<hbm>>)
      %dma_wait3A_1936 = arith.constant 208 : i32
      %dma_wait3A_1937 = arith.constant 0 : i32
      %dma_wait3A_1938 = tpu.memref_slice %arg10[%dma_wait3A_1936, %dma_wait3A_1937] : memref<832x32xf32, #tpu.memory_space<vmem>> -> memref<26x32xf32, #tpu.memory_space<vmem>>
      %dma_wait3A_1939 = arith.constant 0 : i32
      %dma_wait3A_1940 = arith.constant 0 : i32
      %dma_wait3A_1941 = tpu.memref_slice %arg6[%add3A_1441, %dma_wait3A_1939, %dma_wait3A_1940] : memref<16384x26x32xf32, #tpu.memory_space<hbm>> -> memref<1x26x32xf32, #tpu.memory_space<hbm>>
      %dma_wait3A_1942 = tpu.memref_squeeze %dma_wait3A_1941 : memref<1x26x32xf32, #tpu.memory_space<hbm>> -> memref<26x32xf32, #tpu.memory_space<hbm>>
      %dma_wait3A_1943 = arith.constant 0 : i32
      %dma_wait3A_1944 = arith.constant 0 : i32
      %dma_wait3A_1945 = tpu.memref_slice %arg6[%add3A_1441, %dma_wait3A_1943, %dma_wait3A_1944] : memref<16384x26x32xf32, #tpu.memory_space<hbm>> -> memref<1x26x32xf32, #tpu.memory_space<hbm>>
      %dma_wait3A_1946 = tpu.memref_squeeze %dma_wait3A_1945 : memref<1x26x32xf32, #tpu.memory_space<hbm>> -> memref<26x32xf32, #tpu.memory_space<hbm>>
      %dma_wait3A_1947 = arith.constant 208 : i32
      %dma_wait3A_1948 = arith.constant 0 : i32
      %dma_wait3A_1949 = tpu.memref_slice %arg10[%dma_wait3A_1947, %dma_wait3A_1948] : memref<832x32xf32, #tpu.memory_space<vmem>> -> memref<26x32xf32, #tpu.memory_space<vmem>>
      tpu.wait_dma2 semaphore(%arg16 : memref<!tpu.dma_semaphore, #tpu.memory_space<semaphore_mem>>) src(%dma_wait3A_1949 : memref<26x32xf32, #tpu.memory_space<vmem>>) dst(%dma_wait3A_1946 : memref<26x32xf32, #tpu.memory_space<hbm>>)
      %dma_wait3A_1950 = arith.constant 234 : i32
      %dma_wait3A_1951 = arith.constant 0 : i32
      %dma_wait3A_1952 = tpu.memref_slice %arg10[%dma_wait3A_1950, %dma_wait3A_1951] : memref<832x32xf32, #tpu.memory_space<vmem>> -> memref<26x32xf32, #tpu.memory_space<vmem>>
      %dma_wait3A_1953 = arith.constant 0 : i32
      %dma_wait3A_1954 = arith.constant 0 : i32
      %dma_wait3A_1955 = tpu.memref_slice %arg6[%add3A_1457, %dma_wait3A_1953, %dma_wait3A_1954] : memref<16384x26x32xf32, #tpu.memory_space<hbm>> -> memref<1x26x32xf32, #tpu.memory_space<hbm>>
      %dma_wait3A_1956 = tpu.memref_squeeze %dma_wait3A_1955 : memref<1x26x32xf32, #tpu.memory_space<hbm>> -> memref<26x32xf32, #tpu.memory_space<hbm>>
      %dma_wait3A_1957 = arith.constant 0 : i32
      %dma_wait3A_1958 = arith.constant 0 : i32
      %dma_wait3A_1959 = tpu.memref_slice %arg6[%add3A_1457, %dma_wait3A_1957, %dma_wait3A_1958] : memref<16384x26x32xf32, #tpu.memory_space<hbm>> -> memref<1x26x32xf32, #tpu.memory_space<hbm>>
      %dma_wait3A_1960 = tpu.memref_squeeze %dma_wait3A_1959 : memref<1x26x32xf32, #tpu.memory_space<hbm>> -> memref<26x32xf32, #tpu.memory_space<hbm>>
      %dma_wait3A_1961 = arith.constant 234 : i32
      %dma_wait3A_1962 = arith.constant 0 : i32
      %dma_wait3A_1963 = tpu.memref_slice %arg10[%dma_wait3A_1961, %dma_wait3A_1962] : memref<832x32xf32, #tpu.memory_space<vmem>> -> memref<26x32xf32, #tpu.memory_space<vmem>>
      tpu.wait_dma2 semaphore(%arg16 : memref<!tpu.dma_semaphore, #tpu.memory_space<semaphore_mem>>) src(%dma_wait3A_1963 : memref<26x32xf32, #tpu.memory_space<vmem>>) dst(%dma_wait3A_1960 : memref<26x32xf32, #tpu.memory_space<hbm>>)
      %dma_wait3A_1964 = arith.constant 260 : i32
      %dma_wait3A_1965 = arith.constant 0 : i32
      %dma_wait3A_1966 = tpu.memref_slice %arg10[%dma_wait3A_1964, %dma_wait3A_1965] : memref<832x32xf32, #tpu.memory_space<vmem>> -> memref<26x32xf32, #tpu.memory_space<vmem>>
      %dma_wait3A_1967 = arith.constant 0 : i32
      %dma_wait3A_1968 = arith.constant 0 : i32
      %dma_wait3A_1969 = tpu.memref_slice %arg6[%add3A_1473, %dma_wait3A_1967, %dma_wait3A_1968] : memref<16384x26x32xf32, #tpu.memory_space<hbm>> -> memref<1x26x32xf32, #tpu.memory_space<hbm>>
      %dma_wait3A_1970 = tpu.memref_squeeze %dma_wait3A_1969 : memref<1x26x32xf32, #tpu.memory_space<hbm>> -> memref<26x32xf32, #tpu.memory_space<hbm>>
      %dma_wait3A_1971 = arith.constant 0 : i32
      %dma_wait3A_1972 = arith.constant 0 : i32
      %dma_wait3A_1973 = tpu.memref_slice %arg6[%add3A_1473, %dma_wait3A_1971, %dma_wait3A_1972] : memref<16384x26x32xf32, #tpu.memory_space<hbm>> -> memref<1x26x32xf32, #tpu.memory_space<hbm>>
      %dma_wait3A_1974 = tpu.memref_squeeze %dma_wait3A_1973 : memref<1x26x32xf32, #tpu.memory_space<hbm>> -> memref<26x32xf32, #tpu.memory_space<hbm>>
      %dma_wait3A_1975 = arith.constant 260 : i32
      %dma_wait3A_1976 = arith.constant 0 : i32
      %dma_wait3A_1977 = tpu.memref_slice %arg10[%dma_wait3A_1975, %dma_wait3A_1976] : memref<832x32xf32, #tpu.memory_space<vmem>> -> memref<26x32xf32, #tpu.memory_space<vmem>>
      tpu.wait_dma2 semaphore(%arg16 : memref<!tpu.dma_semaphore, #tpu.memory_space<semaphore_mem>>) src(%dma_wait3A_1977 : memref<26x32xf32, #tpu.memory_space<vmem>>) dst(%dma_wait3A_1974 : memref<26x32xf32, #tpu.memory_space<hbm>>)
      %dma_wait3A_1978 = arith.constant 286 : i32
      %dma_wait3A_1979 = arith.constant 0 : i32
      %dma_wait3A_1980 = tpu.memref_slice %arg10[%dma_wait3A_1978, %dma_wait3A_1979] : memref<832x32xf32, #tpu.memory_space<vmem>> -> memref<26x32xf32, #tpu.memory_space<vmem>>
      %dma_wait3A_1981 = arith.constant 0 : i32
      %dma_wait3A_1982 = arith.constant 0 : i32
      %dma_wait3A_1983 = tpu.memref_slice %arg6[%add3A_1489, %dma_wait3A_1981, %dma_wait3A_1982] : memref<16384x26x32xf32, #tpu.memory_space<hbm>> -> memref<1x26x32xf32, #tpu.memory_space<hbm>>
      %dma_wait3A_1984 = tpu.memref_squeeze %dma_wait3A_1983 : memref<1x26x32xf32, #tpu.memory_space<hbm>> -> memref<26x32xf32, #tpu.memory_space<hbm>>
      %dma_wait3A_1985 = arith.constant 0 : i32
      %dma_wait3A_1986 = arith.constant 0 : i32
      %dma_wait3A_1987 = tpu.memref_slice %arg6[%add3A_1489, %dma_wait3A_1985, %dma_wait3A_1986] : memref<16384x26x32xf32, #tpu.memory_space<hbm>> -> memref<1x26x32xf32, #tpu.memory_space<hbm>>
      %dma_wait3A_1988 = tpu.memref_squeeze %dma_wait3A_1987 : memref<1x26x32xf32, #tpu.memory_space<hbm>> -> memref<26x32xf32, #tpu.memory_space<hbm>>
      %dma_wait3A_1989 = arith.constant 286 : i32
      %dma_wait3A_1990 = arith.constant 0 : i32
      %dma_wait3A_1991 = tpu.memref_slice %arg10[%dma_wait3A_1989, %dma_wait3A_1990] : memref<832x32xf32, #tpu.memory_space<vmem>> -> memref<26x32xf32, #tpu.memory_space<vmem>>
      tpu.wait_dma2 semaphore(%arg16 : memref<!tpu.dma_semaphore, #tpu.memory_space<semaphore_mem>>) src(%dma_wait3A_1991 : memref<26x32xf32, #tpu.memory_space<vmem>>) dst(%dma_wait3A_1988 : memref<26x32xf32, #tpu.memory_space<hbm>>)
      %dma_wait3A_1992 = arith.constant 312 : i32
      %dma_wait3A_1993 = arith.constant 0 : i32
      %dma_wait3A_1994 = tpu.memref_slice %arg10[%dma_wait3A_1992, %dma_wait3A_1993] : memref<832x32xf32, #tpu.memory_space<vmem>> -> memref<26x32xf32, #tpu.memory_space<vmem>>
      %dma_wait3A_1995 = arith.constant 0 : i32
      %dma_wait3A_1996 = arith.constant 0 : i32
      %dma_wait3A_1997 = tpu.memref_slice %arg6[%add3A_1505, %dma_wait3A_1995, %dma_wait3A_1996] : memref<16384x26x32xf32, #tpu.memory_space<hbm>> -> memref<1x26x32xf32, #tpu.memory_space<hbm>>
      %dma_wait3A_1998 = tpu.memref_squeeze %dma_wait3A_1997 : memref<1x26x32xf32, #tpu.memory_space<hbm>> -> memref<26x32xf32, #tpu.memory_space<hbm>>
      %dma_wait3A_1999 = arith.constant 0 : i32
      %dma_wait3A_2000 = arith.constant 0 : i32
      %dma_wait3A_2001 = tpu.memref_slice %arg6[%add3A_1505, %dma_wait3A_1999, %dma_wait3A_2000] : memref<16384x26x32xf32, #tpu.memory_space<hbm>> -> memref<1x26x32xf32, #tpu.memory_space<hbm>>
      %dma_wait3A_2002 = tpu.memref_squeeze %dma_wait3A_2001 : memref<1x26x32xf32, #tpu.memory_space<hbm>> -> memref<26x32xf32, #tpu.memory_space<hbm>>
      %dma_wait3A_2003 = arith.constant 312 : i32
      %dma_wait3A_2004 = arith.constant 0 : i32
      %dma_wait3A_2005 = tpu.memref_slice %arg10[%dma_wait3A_2003, %dma_wait3A_2004] : memref<832x32xf32, #tpu.memory_space<vmem>> -> memref<26x32xf32, #tpu.memory_space<vmem>>
      tpu.wait_dma2 semaphore(%arg16 : memref<!tpu.dma_semaphore, #tpu.memory_space<semaphore_mem>>) src(%dma_wait3A_2005 : memref<26x32xf32, #tpu.memory_space<vmem>>) dst(%dma_wait3A_2002 : memref<26x32xf32, #tpu.memory_space<hbm>>)
      %dma_wait3A_2006 = arith.constant 338 : i32
      %dma_wait3A_2007 = arith.constant 0 : i32
      %dma_wait3A_2008 = tpu.memref_slice %arg10[%dma_wait3A_2006, %dma_wait3A_2007] : memref<832x32xf32, #tpu.memory_space<vmem>> -> memref<26x32xf32, #tpu.memory_space<vmem>>
      %dma_wait3A_2009 = arith.constant 0 : i32
      %dma_wait3A_2010 = arith.constant 0 : i32
      %dma_wait3A_2011 = tpu.memref_slice %arg6[%add3A_1521, %dma_wait3A_2009, %dma_wait3A_2010] : memref<16384x26x32xf32, #tpu.memory_space<hbm>> -> memref<1x26x32xf32, #tpu.memory_space<hbm>>
      %dma_wait3A_2012 = tpu.memref_squeeze %dma_wait3A_2011 : memref<1x26x32xf32, #tpu.memory_space<hbm>> -> memref<26x32xf32, #tpu.memory_space<hbm>>
      %dma_wait3A_2013 = arith.constant 0 : i32
      %dma_wait3A_2014 = arith.constant 0 : i32
      %dma_wait3A_2015 = tpu.memref_slice %arg6[%add3A_1521, %dma_wait3A_2013, %dma_wait3A_2014] : memref<16384x26x32xf32, #tpu.memory_space<hbm>> -> memref<1x26x32xf32, #tpu.memory_space<hbm>>
      %dma_wait3A_2016 = tpu.memref_squeeze %dma_wait3A_2015 : memref<1x26x32xf32, #tpu.memory_space<hbm>> -> memref<26x32xf32, #tpu.memory_space<hbm>>
      %dma_wait3A_2017 = arith.constant 338 : i32
      %dma_wait3A_2018 = arith.constant 0 : i32
      %dma_wait3A_2019 = tpu.memref_slice %arg10[%dma_wait3A_2017, %dma_wait3A_2018] : memref<832x32xf32, #tpu.memory_space<vmem>> -> memref<26x32xf32, #tpu.memory_space<vmem>>
      tpu.wait_dma2 semaphore(%arg16 : memref<!tpu.dma_semaphore, #tpu.memory_space<semaphore_mem>>) src(%dma_wait3A_2019 : memref<26x32xf32, #tpu.memory_space<vmem>>) dst(%dma_wait3A_2016 : memref<26x32xf32, #tpu.memory_space<hbm>>)
      %dma_wait3A_2020 = arith.constant 364 : i32
      %dma_wait3A_2021 = arith.constant 0 : i32
      %dma_wait3A_2022 = tpu.memref_slice %arg10[%dma_wait3A_2020, %dma_wait3A_2021] : memref<832x32xf32, #tpu.memory_space<vmem>> -> memref<26x32xf32, #tpu.memory_space<vmem>>
      %dma_wait3A_2023 = arith.constant 0 : i32
      %dma_wait3A_2024 = arith.constant 0 : i32
      %dma_wait3A_2025 = tpu.memref_slice %arg6[%add3A_1537, %dma_wait3A_2023, %dma_wait3A_2024] : memref<16384x26x32xf32, #tpu.memory_space<hbm>> -> memref<1x26x32xf32, #tpu.memory_space<hbm>>
      %dma_wait3A_2026 = tpu.memref_squeeze %dma_wait3A_2025 : memref<1x26x32xf32, #tpu.memory_space<hbm>> -> memref<26x32xf32, #tpu.memory_space<hbm>>
      %dma_wait3A_2027 = arith.constant 0 : i32
      %dma_wait3A_2028 = arith.constant 0 : i32
      %dma_wait3A_2029 = tpu.memref_slice %arg6[%add3A_1537, %dma_wait3A_2027, %dma_wait3A_2028] : memref<16384x26x32xf32, #tpu.memory_space<hbm>> -> memref<1x26x32xf32, #tpu.memory_space<hbm>>
      %dma_wait3A_2030 = tpu.memref_squeeze %dma_wait3A_2029 : memref<1x26x32xf32, #tpu.memory_space<hbm>> -> memref<26x32xf32, #tpu.memory_space<hbm>>
      %dma_wait3A_2031 = arith.constant 364 : i32
      %dma_wait3A_2032 = arith.constant 0 : i32
      %dma_wait3A_2033 = tpu.memref_slice %arg10[%dma_wait3A_2031, %dma_wait3A_2032] : memref<832x32xf32, #tpu.memory_space<vmem>> -> memref<26x32xf32, #tpu.memory_space<vmem>>
      tpu.wait_dma2 semaphore(%arg16 : memref<!tpu.dma_semaphore, #tpu.memory_space<semaphore_mem>>) src(%dma_wait3A_2033 : memref<26x32xf32, #tpu.memory_space<vmem>>) dst(%dma_wait3A_2030 : memref<26x32xf32, #tpu.memory_space<hbm>>)
      %dma_wait3A_2034 = arith.constant 390 : i32
      %dma_wait3A_2035 = arith.constant 0 : i32
      %dma_wait3A_2036 = tpu.memref_slice %arg10[%dma_wait3A_2034, %dma_wait3A_2035] : memref<832x32xf32, #tpu.memory_space<vmem>> -> memref<26x32xf32, #tpu.memory_space<vmem>>
      %dma_wait3A_2037 = arith.constant 0 : i32
      %dma_wait3A_2038 = arith.constant 0 : i32
      %dma_wait3A_2039 = tpu.memref_slice %arg6[%add3A_1553, %dma_wait3A_2037, %dma_wait3A_2038] : memref<16384x26x32xf32, #tpu.memory_space<hbm>> -> memref<1x26x32xf32, #tpu.memory_space<hbm>>
      %dma_wait3A_2040 = tpu.memref_squeeze %dma_wait3A_2039 : memref<1x26x32xf32, #tpu.memory_space<hbm>> -> memref<26x32xf32, #tpu.memory_space<hbm>>
      %dma_wait3A_2041 = arith.constant 0 : i32
      %dma_wait3A_2042 = arith.constant 0 : i32
      %dma_wait3A_2043 = tpu.memref_slice %arg6[%add3A_1553, %dma_wait3A_2041, %dma_wait3A_2042] : memref<16384x26x32xf32, #tpu.memory_space<hbm>> -> memref<1x26x32xf32, #tpu.memory_space<hbm>>
      %dma_wait3A_2044 = tpu.memref_squeeze %dma_wait3A_2043 : memref<1x26x32xf32, #tpu.memory_space<hbm>> -> memref<26x32xf32, #tpu.memory_space<hbm>>
      %dma_wait3A_2045 = arith.constant 390 : i32
      %dma_wait3A_2046 = arith.constant 0 : i32
      %dma_wait3A_2047 = tpu.memref_slice %arg10[%dma_wait3A_2045, %dma_wait3A_2046] : memref<832x32xf32, #tpu.memory_space<vmem>> -> memref<26x32xf32, #tpu.memory_space<vmem>>
      tpu.wait_dma2 semaphore(%arg16 : memref<!tpu.dma_semaphore, #tpu.memory_space<semaphore_mem>>) src(%dma_wait3A_2047 : memref<26x32xf32, #tpu.memory_space<vmem>>) dst(%dma_wait3A_2044 : memref<26x32xf32, #tpu.memory_space<hbm>>)
      %dma_wait3A_2048 = arith.constant 416 : i32
      %dma_wait3A_2049 = arith.constant 0 : i32
      %dma_wait3A_2050 = tpu.memref_slice %arg10[%dma_wait3A_2048, %dma_wait3A_2049] : memref<832x32xf32, #tpu.memory_space<vmem>> -> memref<26x32xf32, #tpu.memory_space<vmem>>
      %dma_wait3A_2051 = arith.constant 0 : i32
      %dma_wait3A_2052 = arith.constant 0 : i32
      %dma_wait3A_2053 = tpu.memref_slice %arg6[%add3A_1569, %dma_wait3A_2051, %dma_wait3A_2052] : memref<16384x26x32xf32, #tpu.memory_space<hbm>> -> memref<1x26x32xf32, #tpu.memory_space<hbm>>
      %dma_wait3A_2054 = tpu.memref_squeeze %dma_wait3A_2053 : memref<1x26x32xf32, #tpu.memory_space<hbm>> -> memref<26x32xf32, #tpu.memory_space<hbm>>
      %dma_wait3A_2055 = arith.constant 0 : i32
      %dma_wait3A_2056 = arith.constant 0 : i32
      %dma_wait3A_2057 = tpu.memref_slice %arg6[%add3A_1569, %dma_wait3A_2055, %dma_wait3A_2056] : memref<16384x26x32xf32, #tpu.memory_space<hbm>> -> memref<1x26x32xf32, #tpu.memory_space<hbm>>
      %dma_wait3A_2058 = tpu.memref_squeeze %dma_wait3A_2057 : memref<1x26x32xf32, #tpu.memory_space<hbm>> -> memref<26x32xf32, #tpu.memory_space<hbm>>
      %dma_wait3A_2059 = arith.constant 416 : i32
      %dma_wait3A_2060 = arith.constant 0 : i32
      %dma_wait3A_2061 = tpu.memref_slice %arg10[%dma_wait3A_2059, %dma_wait3A_2060] : memref<832x32xf32, #tpu.memory_space<vmem>> -> memref<26x32xf32, #tpu.memory_space<vmem>>
      tpu.wait_dma2 semaphore(%arg16 : memref<!tpu.dma_semaphore, #tpu.memory_space<semaphore_mem>>) src(%dma_wait3A_2061 : memref<26x32xf32, #tpu.memory_space<vmem>>) dst(%dma_wait3A_2058 : memref<26x32xf32, #tpu.memory_space<hbm>>)
      %dma_wait3A_2062 = arith.constant 442 : i32
      %dma_wait3A_2063 = arith.constant 0 : i32
      %dma_wait3A_2064 = tpu.memref_slice %arg10[%dma_wait3A_2062, %dma_wait3A_2063] : memref<832x32xf32, #tpu.memory_space<vmem>> -> memref<26x32xf32, #tpu.memory_space<vmem>>
      %dma_wait3A_2065 = arith.constant 0 : i32
      %dma_wait3A_2066 = arith.constant 0 : i32
      %dma_wait3A_2067 = tpu.memref_slice %arg6[%add3A_1585, %dma_wait3A_2065, %dma_wait3A_2066] : memref<16384x26x32xf32, #tpu.memory_space<hbm>> -> memref<1x26x32xf32, #tpu.memory_space<hbm>>
      %dma_wait3A_2068 = tpu.memref_squeeze %dma_wait3A_2067 : memref<1x26x32xf32, #tpu.memory_space<hbm>> -> memref<26x32xf32, #tpu.memory_space<hbm>>
      %dma_wait3A_2069 = arith.constant 0 : i32
      %dma_wait3A_2070 = arith.constant 0 : i32
      %dma_wait3A_2071 = tpu.memref_slice %arg6[%add3A_1585, %dma_wait3A_2069, %dma_wait3A_2070] : memref<16384x26x32xf32, #tpu.memory_space<hbm>> -> memref<1x26x32xf32, #tpu.memory_space<hbm>>
      %dma_wait3A_2072 = tpu.memref_squeeze %dma_wait3A_2071 : memref<1x26x32xf32, #tpu.memory_space<hbm>> -> memref<26x32xf32, #tpu.memory_space<hbm>>
      %dma_wait3A_2073 = arith.constant 442 : i32
      %dma_wait3A_2074 = arith.constant 0 : i32
      %dma_wait3A_2075 = tpu.memref_slice %arg10[%dma_wait3A_2073, %dma_wait3A_2074] : memref<832x32xf32, #tpu.memory_space<vmem>> -> memref<26x32xf32, #tpu.memory_space<vmem>>
      tpu.wait_dma2 semaphore(%arg16 : memref<!tpu.dma_semaphore, #tpu.memory_space<semaphore_mem>>) src(%dma_wait3A_2075 : memref<26x32xf32, #tpu.memory_space<vmem>>) dst(%dma_wait3A_2072 : memref<26x32xf32, #tpu.memory_space<hbm>>)
      %dma_wait3A_2076 = arith.constant 468 : i32
      %dma_wait3A_2077 = arith.constant 0 : i32
      %dma_wait3A_2078 = tpu.memref_slice %arg10[%dma_wait3A_2076, %dma_wait3A_2077] : memref<832x32xf32, #tpu.memory_space<vmem>> -> memref<26x32xf32, #tpu.memory_space<vmem>>
      %dma_wait3A_2079 = arith.constant 0 : i32
      %dma_wait3A_2080 = arith.constant 0 : i32
      %dma_wait3A_2081 = tpu.memref_slice %arg6[%add3A_1601, %dma_wait3A_2079, %dma_wait3A_2080] : memref<16384x26x32xf32, #tpu.memory_space<hbm>> -> memref<1x26x32xf32, #tpu.memory_space<hbm>>
      %dma_wait3A_2082 = tpu.memref_squeeze %dma_wait3A_2081 : memref<1x26x32xf32, #tpu.memory_space<hbm>> -> memref<26x32xf32, #tpu.memory_space<hbm>>
      %dma_wait3A_2083 = arith.constant 0 : i32
      %dma_wait3A_2084 = arith.constant 0 : i32
      %dma_wait3A_2085 = tpu.memref_slice %arg6[%add3A_1601, %dma_wait3A_2083, %dma_wait3A_2084] : memref<16384x26x32xf32, #tpu.memory_space<hbm>> -> memref<1x26x32xf32, #tpu.memory_space<hbm>>
      %dma_wait3A_2086 = tpu.memref_squeeze %dma_wait3A_2085 : memref<1x26x32xf32, #tpu.memory_space<hbm>> -> memref<26x32xf32, #tpu.memory_space<hbm>>
      %dma_wait3A_2087 = arith.constant 468 : i32
      %dma_wait3A_2088 = arith.constant 0 : i32
      %dma_wait3A_2089 = tpu.memref_slice %arg10[%dma_wait3A_2087, %dma_wait3A_2088] : memref<832x32xf32, #tpu.memory_space<vmem>> -> memref<26x32xf32, #tpu.memory_space<vmem>>
      tpu.wait_dma2 semaphore(%arg16 : memref<!tpu.dma_semaphore, #tpu.memory_space<semaphore_mem>>) src(%dma_wait3A_2089 : memref<26x32xf32, #tpu.memory_space<vmem>>) dst(%dma_wait3A_2086 : memref<26x32xf32, #tpu.memory_space<hbm>>)
      %dma_wait3A_2090 = arith.constant 494 : i32
      %dma_wait3A_2091 = arith.constant 0 : i32
      %dma_wait3A_2092 = tpu.memref_slice %arg10[%dma_wait3A_2090, %dma_wait3A_2091] : memref<832x32xf32, #tpu.memory_space<vmem>> -> memref<26x32xf32, #tpu.memory_space<vmem>>
      %dma_wait3A_2093 = arith.constant 0 : i32
      %dma_wait3A_2094 = arith.constant 0 : i32
      %dma_wait3A_2095 = tpu.memref_slice %arg6[%add3A_1617, %dma_wait3A_2093, %dma_wait3A_2094] : memref<16384x26x32xf32, #tpu.memory_space<hbm>> -> memref<1x26x32xf32, #tpu.memory_space<hbm>>
      %dma_wait3A_2096 = tpu.memref_squeeze %dma_wait3A_2095 : memref<1x26x32xf32, #tpu.memory_space<hbm>> -> memref<26x32xf32, #tpu.memory_space<hbm>>
      %dma_wait3A_2097 = arith.constant 0 : i32
      %dma_wait3A_2098 = arith.constant 0 : i32
      %dma_wait3A_2099 = tpu.memref_slice %arg6[%add3A_1617, %dma_wait3A_2097, %dma_wait3A_2098] : memref<16384x26x32xf32, #tpu.memory_space<hbm>> -> memref<1x26x32xf32, #tpu.memory_space<hbm>>
      %dma_wait3A_2100 = tpu.memref_squeeze %dma_wait3A_2099 : memref<1x26x32xf32, #tpu.memory_space<hbm>> -> memref<26x32xf32, #tpu.memory_space<hbm>>
      %dma_wait3A_2101 = arith.constant 494 : i32
      %dma_wait3A_2102 = arith.constant 0 : i32
      %dma_wait3A_2103 = tpu.memref_slice %arg10[%dma_wait3A_2101, %dma_wait3A_2102] : memref<832x32xf32, #tpu.memory_space<vmem>> -> memref<26x32xf32, #tpu.memory_space<vmem>>
      tpu.wait_dma2 semaphore(%arg16 : memref<!tpu.dma_semaphore, #tpu.memory_space<semaphore_mem>>) src(%dma_wait3A_2103 : memref<26x32xf32, #tpu.memory_space<vmem>>) dst(%dma_wait3A_2100 : memref<26x32xf32, #tpu.memory_space<hbm>>)
      %dma_wait3A_2104 = arith.constant 520 : i32
      %dma_wait3A_2105 = arith.constant 0 : i32
      %dma_wait3A_2106 = tpu.memref_slice %arg10[%dma_wait3A_2104, %dma_wait3A_2105] : memref<832x32xf32, #tpu.memory_space<vmem>> -> memref<26x32xf32, #tpu.memory_space<vmem>>
      %dma_wait3A_2107 = arith.constant 0 : i32
      %dma_wait3A_2108 = arith.constant 0 : i32
      %dma_wait3A_2109 = tpu.memref_slice %arg6[%add3A_1633, %dma_wait3A_2107, %dma_wait3A_2108] : memref<16384x26x32xf32, #tpu.memory_space<hbm>> -> memref<1x26x32xf32, #tpu.memory_space<hbm>>
      %dma_wait3A_2110 = tpu.memref_squeeze %dma_wait3A_2109 : memref<1x26x32xf32, #tpu.memory_space<hbm>> -> memref<26x32xf32, #tpu.memory_space<hbm>>
      %dma_wait3A_2111 = arith.constant 0 : i32
      %dma_wait3A_2112 = arith.constant 0 : i32
      %dma_wait3A_2113 = tpu.memref_slice %arg6[%add3A_1633, %dma_wait3A_2111, %dma_wait3A_2112] : memref<16384x26x32xf32, #tpu.memory_space<hbm>> -> memref<1x26x32xf32, #tpu.memory_space<hbm>>
      %dma_wait3A_2114 = tpu.memref_squeeze %dma_wait3A_2113 : memref<1x26x32xf32, #tpu.memory_space<hbm>> -> memref<26x32xf32, #tpu.memory_space<hbm>>
      %dma_wait3A_2115 = arith.constant 520 : i32
      %dma_wait3A_2116 = arith.constant 0 : i32
      %dma_wait3A_2117 = tpu.memref_slice %arg10[%dma_wait3A_2115, %dma_wait3A_2116] : memref<832x32xf32, #tpu.memory_space<vmem>> -> memref<26x32xf32, #tpu.memory_space<vmem>>
      tpu.wait_dma2 semaphore(%arg16 : memref<!tpu.dma_semaphore, #tpu.memory_space<semaphore_mem>>) src(%dma_wait3A_2117 : memref<26x32xf32, #tpu.memory_space<vmem>>) dst(%dma_wait3A_2114 : memref<26x32xf32, #tpu.memory_space<hbm>>)
      %dma_wait3A_2118 = arith.constant 546 : i32
      %dma_wait3A_2119 = arith.constant 0 : i32
      %dma_wait3A_2120 = tpu.memref_slice %arg10[%dma_wait3A_2118, %dma_wait3A_2119] : memref<832x32xf32, #tpu.memory_space<vmem>> -> memref<26x32xf32, #tpu.memory_space<vmem>>
      %dma_wait3A_2121 = arith.constant 0 : i32
      %dma_wait3A_2122 = arith.constant 0 : i32
      %dma_wait3A_2123 = tpu.memref_slice %arg6[%add3A_1649, %dma_wait3A_2121, %dma_wait3A_2122] : memref<16384x26x32xf32, #tpu.memory_space<hbm>> -> memref<1x26x32xf32, #tpu.memory_space<hbm>>
      %dma_wait3A_2124 = tpu.memref_squeeze %dma_wait3A_2123 : memref<1x26x32xf32, #tpu.memory_space<hbm>> -> memref<26x32xf32, #tpu.memory_space<hbm>>
      %dma_wait3A_2125 = arith.constant 0 : i32
      %dma_wait3A_2126 = arith.constant 0 : i32
      %dma_wait3A_2127 = tpu.memref_slice %arg6[%add3A_1649, %dma_wait3A_2125, %dma_wait3A_2126] : memref<16384x26x32xf32, #tpu.memory_space<hbm>> -> memref<1x26x32xf32, #tpu.memory_space<hbm>>
      %dma_wait3A_2128 = tpu.memref_squeeze %dma_wait3A_2127 : memref<1x26x32xf32, #tpu.memory_space<hbm>> -> memref<26x32xf32, #tpu.memory_space<hbm>>
      %dma_wait3A_2129 = arith.constant 546 : i32
      %dma_wait3A_2130 = arith.constant 0 : i32
      %dma_wait3A_2131 = tpu.memref_slice %arg10[%dma_wait3A_2129, %dma_wait3A_2130] : memref<832x32xf32, #tpu.memory_space<vmem>> -> memref<26x32xf32, #tpu.memory_space<vmem>>
      tpu.wait_dma2 semaphore(%arg16 : memref<!tpu.dma_semaphore, #tpu.memory_space<semaphore_mem>>) src(%dma_wait3A_2131 : memref<26x32xf32, #tpu.memory_space<vmem>>) dst(%dma_wait3A_2128 : memref<26x32xf32, #tpu.memory_space<hbm>>)
      %dma_wait3A_2132 = arith.constant 572 : i32
      %dma_wait3A_2133 = arith.constant 0 : i32
      %dma_wait3A_2134 = tpu.memref_slice %arg10[%dma_wait3A_2132, %dma_wait3A_2133] : memref<832x32xf32, #tpu.memory_space<vmem>> -> memref<26x32xf32, #tpu.memory_space<vmem>>
      %dma_wait3A_2135 = arith.constant 0 : i32
      %dma_wait3A_2136 = arith.constant 0 : i32
      %dma_wait3A_2137 = tpu.memref_slice %arg6[%add3A_1665, %dma_wait3A_2135, %dma_wait3A_2136] : memref<16384x26x32xf32, #tpu.memory_space<hbm>> -> memref<1x26x32xf32, #tpu.memory_space<hbm>>
      %dma_wait3A_2138 = tpu.memref_squeeze %dma_wait3A_2137 : memref<1x26x32xf32, #tpu.memory_space<hbm>> -> memref<26x32xf32, #tpu.memory_space<hbm>>
      %dma_wait3A_2139 = arith.constant 0 : i32
      %dma_wait3A_2140 = arith.constant 0 : i32
      %dma_wait3A_2141 = tpu.memref_slice %arg6[%add3A_1665, %dma_wait3A_2139, %dma_wait3A_2140] : memref<16384x26x32xf32, #tpu.memory_space<hbm>> -> memref<1x26x32xf32, #tpu.memory_space<hbm>>
      %dma_wait3A_2142 = tpu.memref_squeeze %dma_wait3A_2141 : memref<1x26x32xf32, #tpu.memory_space<hbm>> -> memref<26x32xf32, #tpu.memory_space<hbm>>
      %dma_wait3A_2143 = arith.constant 572 : i32
      %dma_wait3A_2144 = arith.constant 0 : i32
      %dma_wait3A_2145 = tpu.memref_slice %arg10[%dma_wait3A_2143, %dma_wait3A_2144] : memref<832x32xf32, #tpu.memory_space<vmem>> -> memref<26x32xf32, #tpu.memory_space<vmem>>
      tpu.wait_dma2 semaphore(%arg16 : memref<!tpu.dma_semaphore, #tpu.memory_space<semaphore_mem>>) src(%dma_wait3A_2145 : memref<26x32xf32, #tpu.memory_space<vmem>>) dst(%dma_wait3A_2142 : memref<26x32xf32, #tpu.memory_space<hbm>>)
      %dma_wait3A_2146 = arith.constant 598 : i32
      %dma_wait3A_2147 = arith.constant 0 : i32
      %dma_wait3A_2148 = tpu.memref_slice %arg10[%dma_wait3A_2146, %dma_wait3A_2147] : memref<832x32xf32, #tpu.memory_space<vmem>> -> memref<26x32xf32, #tpu.memory_space<vmem>>
      %dma_wait3A_2149 = arith.constant 0 : i32
      %dma_wait3A_2150 = arith.constant 0 : i32
      %dma_wait3A_2151 = tpu.memref_slice %arg6[%add3A_1681, %dma_wait3A_2149, %dma_wait3A_2150] : memref<16384x26x32xf32, #tpu.memory_space<hbm>> -> memref<1x26x32xf32, #tpu.memory_space<hbm>>
      %dma_wait3A_2152 = tpu.memref_squeeze %dma_wait3A_2151 : memref<1x26x32xf32, #tpu.memory_space<hbm>> -> memref<26x32xf32, #tpu.memory_space<hbm>>
      %dma_wait3A_2153 = arith.constant 0 : i32
      %dma_wait3A_2154 = arith.constant 0 : i32
      %dma_wait3A_2155 = tpu.memref_slice %arg6[%add3A_1681, %dma_wait3A_2153, %dma_wait3A_2154] : memref<16384x26x32xf32, #tpu.memory_space<hbm>> -> memref<1x26x32xf32, #tpu.memory_space<hbm>>
      %dma_wait3A_2156 = tpu.memref_squeeze %dma_wait3A_2155 : memref<1x26x32xf32, #tpu.memory_space<hbm>> -> memref<26x32xf32, #tpu.memory_space<hbm>>
      %dma_wait3A_2157 = arith.constant 598 : i32
      %dma_wait3A_2158 = arith.constant 0 : i32
      %dma_wait3A_2159 = tpu.memref_slice %arg10[%dma_wait3A_2157, %dma_wait3A_2158] : memref<832x32xf32, #tpu.memory_space<vmem>> -> memref<26x32xf32, #tpu.memory_space<vmem>>
      tpu.wait_dma2 semaphore(%arg16 : memref<!tpu.dma_semaphore, #tpu.memory_space<semaphore_mem>>) src(%dma_wait3A_2159 : memref<26x32xf32, #tpu.memory_space<vmem>>) dst(%dma_wait3A_2156 : memref<26x32xf32, #tpu.memory_space<hbm>>)
      %dma_wait3A_2160 = arith.constant 624 : i32
      %dma_wait3A_2161 = arith.constant 0 : i32
      %dma_wait3A_2162 = tpu.memref_slice %arg10[%dma_wait3A_2160, %dma_wait3A_2161] : memref<832x32xf32, #tpu.memory_space<vmem>> -> memref<26x32xf32, #tpu.memory_space<vmem>>
      %dma_wait3A_2163 = arith.constant 0 : i32
      %dma_wait3A_2164 = arith.constant 0 : i32
      %dma_wait3A_2165 = tpu.memref_slice %arg6[%add3A_1697, %dma_wait3A_2163, %dma_wait3A_2164] : memref<16384x26x32xf32, #tpu.memory_space<hbm>> -> memref<1x26x32xf32, #tpu.memory_space<hbm>>
      %dma_wait3A_2166 = tpu.memref_squeeze %dma_wait3A_2165 : memref<1x26x32xf32, #tpu.memory_space<hbm>> -> memref<26x32xf32, #tpu.memory_space<hbm>>
      %dma_wait3A_2167 = arith.constant 0 : i32
      %dma_wait3A_2168 = arith.constant 0 : i32
      %dma_wait3A_2169 = tpu.memref_slice %arg6[%add3A_1697, %dma_wait3A_2167, %dma_wait3A_2168] : memref<16384x26x32xf32, #tpu.memory_space<hbm>> -> memref<1x26x32xf32, #tpu.memory_space<hbm>>
      %dma_wait3A_2170 = tpu.memref_squeeze %dma_wait3A_2169 : memref<1x26x32xf32, #tpu.memory_space<hbm>> -> memref<26x32xf32, #tpu.memory_space<hbm>>
      %dma_wait3A_2171 = arith.constant 624 : i32
      %dma_wait3A_2172 = arith.constant 0 : i32
      %dma_wait3A_2173 = tpu.memref_slice %arg10[%dma_wait3A_2171, %dma_wait3A_2172] : memref<832x32xf32, #tpu.memory_space<vmem>> -> memref<26x32xf32, #tpu.memory_space<vmem>>
      tpu.wait_dma2 semaphore(%arg16 : memref<!tpu.dma_semaphore, #tpu.memory_space<semaphore_mem>>) src(%dma_wait3A_2173 : memref<26x32xf32, #tpu.memory_space<vmem>>) dst(%dma_wait3A_2170 : memref<26x32xf32, #tpu.memory_space<hbm>>)
      %dma_wait3A_2174 = arith.constant 650 : i32
      %dma_wait3A_2175 = arith.constant 0 : i32
      %dma_wait3A_2176 = tpu.memref_slice %arg10[%dma_wait3A_2174, %dma_wait3A_2175] : memref<832x32xf32, #tpu.memory_space<vmem>> -> memref<26x32xf32, #tpu.memory_space<vmem>>
      %dma_wait3A_2177 = arith.constant 0 : i32
      %dma_wait3A_2178 = arith.constant 0 : i32
      %dma_wait3A_2179 = tpu.memref_slice %arg6[%add3A_1713, %dma_wait3A_2177, %dma_wait3A_2178] : memref<16384x26x32xf32, #tpu.memory_space<hbm>> -> memref<1x26x32xf32, #tpu.memory_space<hbm>>
      %dma_wait3A_2180 = tpu.memref_squeeze %dma_wait3A_2179 : memref<1x26x32xf32, #tpu.memory_space<hbm>> -> memref<26x32xf32, #tpu.memory_space<hbm>>
      %dma_wait3A_2181 = arith.constant 0 : i32
      %dma_wait3A_2182 = arith.constant 0 : i32
      %dma_wait3A_2183 = tpu.memref_slice %arg6[%add3A_1713, %dma_wait3A_2181, %dma_wait3A_2182] : memref<16384x26x32xf32, #tpu.memory_space<hbm>> -> memref<1x26x32xf32, #tpu.memory_space<hbm>>
      %dma_wait3A_2184 = tpu.memref_squeeze %dma_wait3A_2183 : memref<1x26x32xf32, #tpu.memory_space<hbm>> -> memref<26x32xf32, #tpu.memory_space<hbm>>
      %dma_wait3A_2185 = arith.constant 650 : i32
      %dma_wait3A_2186 = arith.constant 0 : i32
      %dma_wait3A_2187 = tpu.memref_slice %arg10[%dma_wait3A_2185, %dma_wait3A_2186] : memref<832x32xf32, #tpu.memory_space<vmem>> -> memref<26x32xf32, #tpu.memory_space<vmem>>
      tpu.wait_dma2 semaphore(%arg16 : memref<!tpu.dma_semaphore, #tpu.memory_space<semaphore_mem>>) src(%dma_wait3A_2187 : memref<26x32xf32, #tpu.memory_space<vmem>>) dst(%dma_wait3A_2184 : memref<26x32xf32, #tpu.memory_space<hbm>>)
      %dma_wait3A_2188 = arith.constant 676 : i32
      %dma_wait3A_2189 = arith.constant 0 : i32
      %dma_wait3A_2190 = tpu.memref_slice %arg10[%dma_wait3A_2188, %dma_wait3A_2189] : memref<832x32xf32, #tpu.memory_space<vmem>> -> memref<26x32xf32, #tpu.memory_space<vmem>>
      %dma_wait3A_2191 = arith.constant 0 : i32
      %dma_wait3A_2192 = arith.constant 0 : i32
      %dma_wait3A_2193 = tpu.memref_slice %arg6[%add3A_1729, %dma_wait3A_2191, %dma_wait3A_2192] : memref<16384x26x32xf32, #tpu.memory_space<hbm>> -> memref<1x26x32xf32, #tpu.memory_space<hbm>>
      %dma_wait3A_2194 = tpu.memref_squeeze %dma_wait3A_2193 : memref<1x26x32xf32, #tpu.memory_space<hbm>> -> memref<26x32xf32, #tpu.memory_space<hbm>>
      %dma_wait3A_2195 = arith.constant 0 : i32
      %dma_wait3A_2196 = arith.constant 0 : i32
      %dma_wait3A_2197 = tpu.memref_slice %arg6[%add3A_1729, %dma_wait3A_2195, %dma_wait3A_2196] : memref<16384x26x32xf32, #tpu.memory_space<hbm>> -> memref<1x26x32xf32, #tpu.memory_space<hbm>>
      %dma_wait3A_2198 = tpu.memref_squeeze %dma_wait3A_2197 : memref<1x26x32xf32, #tpu.memory_space<hbm>> -> memref<26x32xf32, #tpu.memory_space<hbm>>
      %dma_wait3A_2199 = arith.constant 676 : i32
      %dma_wait3A_2200 = arith.constant 0 : i32
      %dma_wait3A_2201 = tpu.memref_slice %arg10[%dma_wait3A_2199, %dma_wait3A_2200] : memref<832x32xf32, #tpu.memory_space<vmem>> -> memref<26x32xf32, #tpu.memory_space<vmem>>
      tpu.wait_dma2 semaphore(%arg16 : memref<!tpu.dma_semaphore, #tpu.memory_space<semaphore_mem>>) src(%dma_wait3A_2201 : memref<26x32xf32, #tpu.memory_space<vmem>>) dst(%dma_wait3A_2198 : memref<26x32xf32, #tpu.memory_space<hbm>>)
      %dma_wait3A_2202 = arith.constant 702 : i32
      %dma_wait3A_2203 = arith.constant 0 : i32
      %dma_wait3A_2204 = tpu.memref_slice %arg10[%dma_wait3A_2202, %dma_wait3A_2203] : memref<832x32xf32, #tpu.memory_space<vmem>> -> memref<26x32xf32, #tpu.memory_space<vmem>>
      %dma_wait3A_2205 = arith.constant 0 : i32
      %dma_wait3A_2206 = arith.constant 0 : i32
      %dma_wait3A_2207 = tpu.memref_slice %arg6[%add3A_1745, %dma_wait3A_2205, %dma_wait3A_2206] : memref<16384x26x32xf32, #tpu.memory_space<hbm>> -> memref<1x26x32xf32, #tpu.memory_space<hbm>>
      %dma_wait3A_2208 = tpu.memref_squeeze %dma_wait3A_2207 : memref<1x26x32xf32, #tpu.memory_space<hbm>> -> memref<26x32xf32, #tpu.memory_space<hbm>>
      %dma_wait3A_2209 = arith.constant 0 : i32
      %dma_wait3A_2210 = arith.constant 0 : i32
      %dma_wait3A_2211 = tpu.memref_slice %arg6[%add3A_1745, %dma_wait3A_2209, %dma_wait3A_2210] : memref<16384x26x32xf32, #tpu.memory_space<hbm>> -> memref<1x26x32xf32, #tpu.memory_space<hbm>>
      %dma_wait3A_2212 = tpu.memref_squeeze %dma_wait3A_2211 : memref<1x26x32xf32, #tpu.memory_space<hbm>> -> memref<26x32xf32, #tpu.memory_space<hbm>>
      %dma_wait3A_2213 = arith.constant 702 : i32
      %dma_wait3A_2214 = arith.constant 0 : i32
      %dma_wait3A_2215 = tpu.memref_slice %arg10[%dma_wait3A_2213, %dma_wait3A_2214] : memref<832x32xf32, #tpu.memory_space<vmem>> -> memref<26x32xf32, #tpu.memory_space<vmem>>
      tpu.wait_dma2 semaphore(%arg16 : memref<!tpu.dma_semaphore, #tpu.memory_space<semaphore_mem>>) src(%dma_wait3A_2215 : memref<26x32xf32, #tpu.memory_space<vmem>>) dst(%dma_wait3A_2212 : memref<26x32xf32, #tpu.memory_space<hbm>>)
      %dma_wait3A_2216 = arith.constant 728 : i32
      %dma_wait3A_2217 = arith.constant 0 : i32
      %dma_wait3A_2218 = tpu.memref_slice %arg10[%dma_wait3A_2216, %dma_wait3A_2217] : memref<832x32xf32, #tpu.memory_space<vmem>> -> memref<26x32xf32, #tpu.memory_space<vmem>>
      %dma_wait3A_2219 = arith.constant 0 : i32
      %dma_wait3A_2220 = arith.constant 0 : i32
      %dma_wait3A_2221 = tpu.memref_slice %arg6[%add3A_1761, %dma_wait3A_2219, %dma_wait3A_2220] : memref<16384x26x32xf32, #tpu.memory_space<hbm>> -> memref<1x26x32xf32, #tpu.memory_space<hbm>>
      %dma_wait3A_2222 = tpu.memref_squeeze %dma_wait3A_2221 : memref<1x26x32xf32, #tpu.memory_space<hbm>> -> memref<26x32xf32, #tpu.memory_space<hbm>>
      %dma_wait3A_2223 = arith.constant 0 : i32
      %dma_wait3A_2224 = arith.constant 0 : i32
      %dma_wait3A_2225 = tpu.memref_slice %arg6[%add3A_1761, %dma_wait3A_2223, %dma_wait3A_2224] : memref<16384x26x32xf32, #tpu.memory_space<hbm>> -> memref<1x26x32xf32, #tpu.memory_space<hbm>>
      %dma_wait3A_2226 = tpu.memref_squeeze %dma_wait3A_2225 : memref<1x26x32xf32, #tpu.memory_space<hbm>> -> memref<26x32xf32, #tpu.memory_space<hbm>>
      %dma_wait3A_2227 = arith.constant 728 : i32
      %dma_wait3A_2228 = arith.constant 0 : i32
      %dma_wait3A_2229 = tpu.memref_slice %arg10[%dma_wait3A_2227, %dma_wait3A_2228] : memref<832x32xf32, #tpu.memory_space<vmem>> -> memref<26x32xf32, #tpu.memory_space<vmem>>
      tpu.wait_dma2 semaphore(%arg16 : memref<!tpu.dma_semaphore, #tpu.memory_space<semaphore_mem>>) src(%dma_wait3A_2229 : memref<26x32xf32, #tpu.memory_space<vmem>>) dst(%dma_wait3A_2226 : memref<26x32xf32, #tpu.memory_space<hbm>>)
      %dma_wait3A_2230 = arith.constant 754 : i32
      %dma_wait3A_2231 = arith.constant 0 : i32
      %dma_wait3A_2232 = tpu.memref_slice %arg10[%dma_wait3A_2230, %dma_wait3A_2231] : memref<832x32xf32, #tpu.memory_space<vmem>> -> memref<26x32xf32, #tpu.memory_space<vmem>>
      %dma_wait3A_2233 = arith.constant 0 : i32
      %dma_wait3A_2234 = arith.constant 0 : i32
      %dma_wait3A_2235 = tpu.memref_slice %arg6[%add3A_1777, %dma_wait3A_2233, %dma_wait3A_2234] : memref<16384x26x32xf32, #tpu.memory_space<hbm>> -> memref<1x26x32xf32, #tpu.memory_space<hbm>>
      %dma_wait3A_2236 = tpu.memref_squeeze %dma_wait3A_2235 : memref<1x26x32xf32, #tpu.memory_space<hbm>> -> memref<26x32xf32, #tpu.memory_space<hbm>>
      %dma_wait3A_2237 = arith.constant 0 : i32
      %dma_wait3A_2238 = arith.constant 0 : i32
      %dma_wait3A_2239 = tpu.memref_slice %arg6[%add3A_1777, %dma_wait3A_2237, %dma_wait3A_2238] : memref<16384x26x32xf32, #tpu.memory_space<hbm>> -> memref<1x26x32xf32, #tpu.memory_space<hbm>>
      %dma_wait3A_2240 = tpu.memref_squeeze %dma_wait3A_2239 : memref<1x26x32xf32, #tpu.memory_space<hbm>> -> memref<26x32xf32, #tpu.memory_space<hbm>>
      %dma_wait3A_2241 = arith.constant 754 : i32
      %dma_wait3A_2242 = arith.constant 0 : i32
      %dma_wait3A_2243 = tpu.memref_slice %arg10[%dma_wait3A_2241, %dma_wait3A_2242] : memref<832x32xf32, #tpu.memory_space<vmem>> -> memref<26x32xf32, #tpu.memory_space<vmem>>
      tpu.wait_dma2 semaphore(%arg16 : memref<!tpu.dma_semaphore, #tpu.memory_space<semaphore_mem>>) src(%dma_wait3A_2243 : memref<26x32xf32, #tpu.memory_space<vmem>>) dst(%dma_wait3A_2240 : memref<26x32xf32, #tpu.memory_space<hbm>>)
      %dma_wait3A_2244 = arith.constant 780 : i32
      %dma_wait3A_2245 = arith.constant 0 : i32
      %dma_wait3A_2246 = tpu.memref_slice %arg10[%dma_wait3A_2244, %dma_wait3A_2245] : memref<832x32xf32, #tpu.memory_space<vmem>> -> memref<26x32xf32, #tpu.memory_space<vmem>>
      %dma_wait3A_2247 = arith.constant 0 : i32
      %dma_wait3A_2248 = arith.constant 0 : i32
      %dma_wait3A_2249 = tpu.memref_slice %arg6[%add3A_1793, %dma_wait3A_2247, %dma_wait3A_2248] : memref<16384x26x32xf32, #tpu.memory_space<hbm>> -> memref<1x26x32xf32, #tpu.memory_space<hbm>>
      %dma_wait3A_2250 = tpu.memref_squeeze %dma_wait3A_2249 : memref<1x26x32xf32, #tpu.memory_space<hbm>> -> memref<26x32xf32, #tpu.memory_space<hbm>>
      %dma_wait3A_2251 = arith.constant 0 : i32
      %dma_wait3A_2252 = arith.constant 0 : i32
      %dma_wait3A_2253 = tpu.memref_slice %arg6[%add3A_1793, %dma_wait3A_2251, %dma_wait3A_2252] : memref<16384x26x32xf32, #tpu.memory_space<hbm>> -> memref<1x26x32xf32, #tpu.memory_space<hbm>>
      %dma_wait3A_2254 = tpu.memref_squeeze %dma_wait3A_2253 : memref<1x26x32xf32, #tpu.memory_space<hbm>> -> memref<26x32xf32, #tpu.memory_space<hbm>>
      %dma_wait3A_2255 = arith.constant 780 : i32
      %dma_wait3A_2256 = arith.constant 0 : i32
      %dma_wait3A_2257 = tpu.memref_slice %arg10[%dma_wait3A_2255, %dma_wait3A_2256] : memref<832x32xf32, #tpu.memory_space<vmem>> -> memref<26x32xf32, #tpu.memory_space<vmem>>
      tpu.wait_dma2 semaphore(%arg16 : memref<!tpu.dma_semaphore, #tpu.memory_space<semaphore_mem>>) src(%dma_wait3A_2257 : memref<26x32xf32, #tpu.memory_space<vmem>>) dst(%dma_wait3A_2254 : memref<26x32xf32, #tpu.memory_space<hbm>>)
      %dma_wait3A_2258 = arith.constant 806 : i32
      %dma_wait3A_2259 = arith.constant 0 : i32
      %dma_wait3A_2260 = tpu.memref_slice %arg10[%dma_wait3A_2258, %dma_wait3A_2259] : memref<832x32xf32, #tpu.memory_space<vmem>> -> memref<26x32xf32, #tpu.memory_space<vmem>>
      %dma_wait3A_2261 = arith.constant 0 : i32
      %dma_wait3A_2262 = arith.constant 0 : i32
      %dma_wait3A_2263 = tpu.memref_slice %arg6[%add3A_1809, %dma_wait3A_2261, %dma_wait3A_2262] : memref<16384x26x32xf32, #tpu.memory_space<hbm>> -> memref<1x26x32xf32, #tpu.memory_space<hbm>>
      %dma_wait3A_2264 = tpu.memref_squeeze %dma_wait3A_2263 : memref<1x26x32xf32, #tpu.memory_space<hbm>> -> memref<26x32xf32, #tpu.memory_space<hbm>>
      %dma_wait3A_2265 = arith.constant 0 : i32
      %dma_wait3A_2266 = arith.constant 0 : i32
      %dma_wait3A_2267 = tpu.memref_slice %arg6[%add3A_1809, %dma_wait3A_2265, %dma_wait3A_2266] : memref<16384x26x32xf32, #tpu.memory_space<hbm>> -> memref<1x26x32xf32, #tpu.memory_space<hbm>>
      %dma_wait3A_2268 = tpu.memref_squeeze %dma_wait3A_2267 : memref<1x26x32xf32, #tpu.memory_space<hbm>> -> memref<26x32xf32, #tpu.memory_space<hbm>>
      %dma_wait3A_2269 = arith.constant 806 : i32
      %dma_wait3A_2270 = arith.constant 0 : i32
      %dma_wait3A_2271 = tpu.memref_slice %arg10[%dma_wait3A_2269, %dma_wait3A_2270] : memref<832x32xf32, #tpu.memory_space<vmem>> -> memref<26x32xf32, #tpu.memory_space<vmem>>
      tpu.wait_dma2 semaphore(%arg16 : memref<!tpu.dma_semaphore, #tpu.memory_space<semaphore_mem>>) src(%dma_wait3A_2271 : memref<26x32xf32, #tpu.memory_space<vmem>>) dst(%dma_wait3A_2268 : memref<26x32xf32, #tpu.memory_space<hbm>>)
    }
    %scan3A_203 = arith.constant 16 : i32
    return
  }
}

</mosaic_0001>

<sc_bundles>
// kernel: _run.3.cloned.1.call-start
scs
__scs_entry_jumppad:
0x0: {  	(pc) =	sbr.rel $0x88, $3  }
0x1: {  	(tag) =	ssettag $0x0;
	lr =	simm.s32 $0x1  }
0x2: {  	[smem:$0x3F9D] =	sst lr;
	_ =	strace $0xD0000000  }
0x3: {  	_ = 	snop  }
0x4: {  	_ = 	snop  }
0x5: {  	_ = 	snop  }
0x6: {  	_ = 	snop  }
0x7: {  	_ = 	snop  }
__scs_overlays_trampoline_lowered:
0x8: {  	[smem:$0x3FAC] =	sst s0  }
0x9: {  	[smem:$0x3FAD] =	sst s1  }
0xa: {  	[smem:$0x3FAE] =	sst s2  }
0xb: {  	[smem:$0x3FAF] =	sst s3  }
0xc: {  	[smem:$0x3FB0] =	sst s4  }
0xd: {  	[smem:$0x3FB1] =	sst s5  }
0xe: {  	[smem:$0x3FB2] =	sst s6  }
0xf: {  	[smem:$0x3FB3] =	sst s7  }
0x10: {  	[smem:$0x3FB4] =	sst s8  }
0x11: {  	[smem:$0x3FB5] =	sst s9;
	s0 =	simm.s32 @!p0 $0x0  }
0x12: {  	s1 =	sld [smem:$0x3F9B];
	s0 =	simm.s32 @p0 $0x1  }
0x13: {  	[smem:$0x3FB6] =	sst s0;
	s0 =	simm.s32 @!p1 $0x0  }
0x14: {  	s2 =	sld [smem:$0x3F9A];
	s0 =	simm.s32 @p1 $0x1  }
0x15: {  	[smem:$0x3FB7] =	sst s0;
	s0 =	simm.s32 @!p2 $0x0  }
0x16: {  	s3 =	sld [smem:$0x3FDB];
	s0 =	simm.s32 @p2 $0x1  }
0x17: {  	s4 =	simm.s32 $0x1BF5;
	[smem:$0x3FB9] =	sst s0  }
0x18: {  	s0 =	sld [smem:$0x3F9C];
	_ =	swait.ge [sflag:s4], $0x0  }
0x19: {  	s7 =	sld [smem:$0x3F9D]  }
0x1a: {  	s8 =	sadd.s32 $0xFFFFE003, lr  }
0x1b: {  	s9 =	sadd.s32 $0xFFFFFEF7, lr;
	s5 =	simm.s32 $0xFFFFFFFF;
	p2 =	slt.u32 s8, $0xFFFFF086  }
0x1c: {  	p1 =	slt.u32 s9, $0xF7A;
	s5 =	simm.s32 @!p2 $0x0  }
0x1d: {  	s5 =	simm.s32 @p1 $0x1;
	p0 =	seq.s32 s7, s2  }
0x1e: {  	s7 =	smul.u32 @!p0 $0xF7A, s2;
	p2 =	seq.s32 @!p0 s5, $0x0  }
0x1f: {  	s9 =	smul.u32 $0xF7A, s1;
	s8 =	simm.s32 @!p0 $0x1BF5;
	p2 =	por !p2, p0  }
0x20: {  	[sflag:s8] =	ssyncset.s32 @!p0 $0xFFFFF086;
	s6 =	sadd.s32 @!p0 s3, s7;
	s7 =	simm.s32 @!p0 $0x108  }
0x21: {  	s3 =	sadd.s32 s3, s9;
	s6 =	sadd.s32 @!p0 $0x88, s6;
	s7 =	simm.s32 @p2 $0x1082  }
0x22: {  	[simem:s7], [sflag:s8] =	dma.local @!p0 [hbm:s6], $0xF7A  }
0x23: {  	s9 =	sor.u32 $0xD0000000, s2;
	s6 =	simm.s32 $0x108;
	_ =	swait.ge @!p0 [sflag:s8], $0x0  }
0x24: {  	s3 =	sadd.s32 $0x88, s3;
	s6 =	simm.s32 @!p1 $0x1082;
	[sflag:s4] =	ssyncset.s32 $0xFFFFF086  }
0x25: {  	[simem:s6], [sflag:s4] =	dma.local [hbm:s3], $0xF7A  }
0x26: {  	[smem:$0x3F9D] =	sst s1;
	(tag) =	ssettag s2;
	_ =	strace s9  }
0x27: {  	s1 =	sld [smem:$0x3FAD]  }
0x28: {  	s2 =	sld [smem:$0x3FAE]  }
0x29: {  	s4 =	sld [smem:$0x3FB0]  }
0x2a: {  	p0 =	seq.s32 s5, $0x0;
	s5 =	sld [smem:$0x3FB1]  }
0x2b: {  	s6 =	sld [smem:$0x3FB2]  }
0x2c: {  	s7 =	sld [smem:$0x3FB3]  }
0x2d: {  	s3 =	simm.s32 $0x108;
	s8 =	sld [smem:$0x3FB4]  }
0x2e: {  	s3 =	simm.s32 @!p0 $0x1082;
	s9 =	sld [smem:$0x3FB5]  }
0x2f: {  	lr =	sadd.s32 s0, s3;
	s0 =	sld [smem:$0x3FAC]  }
0x30: {  	s3 =	sld [smem:$0x3FAF]  }
0x31: {  	[smem:$0x3FB8] =	sst s10  }
0x32: {  	s10 =	sld [smem:$0x3FB6];
	_ =	sdelay $0x3  }
0x33: {  	p0 =	seq.s32 s10, $0x1;
	s10 =	sld [smem:$0x3FB8];
	_ =	sdelay $0x3  }
0x34: {  	[smem:$0x3FB8] =	sst s10  }
0x35: {  	s10 =	sld [smem:$0x3FB7];
	_ =	sdelay $0x3  }
0x36: {  	p1 =	seq.s32 s10, $0x1;
	s10 =	sld [smem:$0x3FB8];
	_ =	sdelay $0x3  }
0x37: {  	[smem:$0x3FB8] =	sst s10  }
0x38: {  	s10 =	sld [smem:$0x3FB9]  }
0x39: {  	_ = 	snop;
	(pc) =	sbr.ind lr, $3  }
0x3a: {  	_ = 	snop  }
0x3b: {  	_ = 	snop  }
0x3c: {  	p2 =	seq.s32 s10, $0x1;
	s10 =	sld [smem:$0x3FB8]  }
0x3d: {  	_ =	shalt  }
0x3e: {  	_ =	shalt  }
0x3f: {  	_ =	shalt  }
0x40: {  	_ =	shalt  }
0x41: {  	_ =	shalt  }
0x42: {  	_ =	shalt  }
0x43: {  	_ =	shalt  }
0x44: {  	_ =	shalt  }
0x45: {  	_ =	shalt  }
0x46: {  	_ =	shalt  }
0x47: {  	_ =	shalt  }
0x48: {  	_ =	shalt  }
0x49: {  	_ =	shalt  }
0x4a: {  	_ =	shalt  }
0x4b: {  	_ =	shalt  }
0x4c: {  	_ =	shalt  }
0x4d: {  	_ =	shalt  }
0x4e: {  	_ =	shalt  }
0x4f: {  	_ =	shalt  }
0x50: {  	_ =	shalt  }
0x51: {  	_ =	shalt  }
0x52: {  	_ =	shalt  }
0x53: {  	_ =	shalt  }
0x54: {  	_ =	shalt  }
0x55: {  	_ =	shalt  }
0x56: {  	_ =	shalt  }
0x57: {  	_ =	shalt  }
0x58: {  	_ =	shalt  }
0x59: {  	_ =	shalt  }
0x5a: {  	_ =	shalt  }
0x5b: {  	_ =	shalt  }
0x5c: {  	_ =	shalt  }
0x5d: {  	_ =	shalt  }
0x5e: {  	_ =	shalt  }
0x5f: {  	_ =	shalt  }
0x60: {  	_ =	shalt  }
0x61: {  	_ =	shalt  }
0x62: {  	_ =	shalt  }
0x63: {  	_ =	shalt  }
0x64: {  	_ =	shalt  }
0x65: {  	_ =	shalt  }
0x66: {  	_ =	shalt  }
0x67: {  	_ =	shalt  }
0x68: {  	_ =	shalt  }
0x69: {  	_ =	shalt  }
0x6a: {  	_ =	shalt  }
0x6b: {  	_ =	shalt  }
0x6c: {  	_ =	shalt  }
0x6d: {  	_ =	shalt  }
0x6e: {  	_ =	shalt  }
0x6f: {  	_ =	shalt  }
0x70: {  	_ =	shalt  }
0x71: {  	_ =	shalt  }
0x72: {  	_ =	shalt  }
0x73: {  	_ =	shalt  }
0x74: {  	_ =	shalt  }
0x75: {  	_ =	shalt  }
0x76: {  	_ =	shalt  }
0x77: {  	_ =	shalt  }
0x78: {  	_ =	shalt  }
0x79: {  	_ =	shalt  }
0x7a: {  	_ =	shalt  }
0x7b: {  	_ =	shalt  }
0x7c: {  	_ =	shalt  }
0x7d: {  	_ =	shalt  }
0x7e: {  	_ =	shalt  }
0x7f: {  	_ =	shalt  }
0x80: {  	_ =	shalt  }
0x81: {  	_ =	shalt  }
0x82: {  	_ =	shalt  }
0x83: {  	_ =	shalt  }
0x84: {  	_ =	shalt  }
0x85: {  	_ =	shalt  }
0x86: {  	_ =	shalt  }
0x87: {  	_ =	shalt  }
.Lfunc_end0:
.L_simem_size_0:
called_computation.1_lowered:
.L_overlay_start_0:
0x88: {  	s2 =	sld [smem:$0x3FD9]  }
0x89: {  	s3 =	sld [smem:$0x3FFE];
	_ =	sdelay $0x1  }
0x8a: {  	s1 =	srdreg.scid  }
0x8b: {  	s0 =	sand.u32 $0x1, s1  }
0x8c: {  	s17 =	sshll.u32 s0, $0xA;
	s2 =	sadd.s32 s3, s2  }
0x8d: {  	s2 =	sadd.s32 s2, s17  }
0x8e: {  	[smem:$0x3FC4] =	sst s2  }
0x8f: {  	_ = 	snop  }
0x90: {  	s2 =	sld [smem:$0x3FC9]  }
0x91: {  	s18 =	sld [smem:$0x3FC8]  }
0x92: {  	s4 =	sld [smem:$0x3FC7]  }
0x93: {  	s5 =	sld [smem:$0x3FD0];
	(tm) =	ssettm $0x1  }
0x94: {  	s6 =	sld [smem:$0x3FFB];
	_ =	sdelay $0x3  }
0x95: {  	_ =	strace s6  }
0x96: {  	s6 =	sld [smem:$0x3FFC];
	_ =	sdelay $0x3  }
0x97: {  	_ =	strace s6  }
0x98: {  	s6 =	sld [smem:$0x3FFD];
	_ =	sdelay $0x3  }
0x99: {  	_ =	strace s6  }
0x9a: {  	_ =	strace $0x8FFFFFFF  }
0x9b: {  	s19 =	sld [smem:$0x3FDB];
	_ =	sdelay $0x1  }
0x9c: {  	s7 =	simm.s32 $_scs_section_size  }
0x9d: {  	s8 =	simm.s32 $_size__tile_overlayer_lowered;
	s9 =	simm.s32 $_tile_overlayer_lowered  }
0x9e: {  	s22 =	simm.s32 $0x1BFF;
	s21 =	sshll.u32 s9, $0x1;
	s6 =	sadd.s32 s7, s19  }
0x9f: {  	s10 =	simm.s32 $0x0;
	s20 =	sshll.u32 s8, $0x1;
	s8 =	sadd.s32 s21, s6  }
0xa0: {  	[timem:s10], [sflag:s22] =	dma.local [hbm:s8], s20  }
0xa1: {  	_ =	swait.ge [sflag:s22], s20  }
0xa2: {  	s7 =	ssub.s32 $0x0, s20;
	[sflag:s22] =	ssyncset.done $0x0  }
0xa3: {  	[sflag:s22] =	ssyncadd.s32 s7;
	_ =	sdelay $0x1  }
0xa4: {  	s23 =	simm.s32 $0x1B8B  }
0xa5: {  	_ =	swait.ge [sflag:s23], $0x1  }
0xa6: {  	[sflag:s23] =	ssyncset.done $0x0  }
0xa7: {  	s25 =	simm.s32 $0x1B8E;
	s24 =	sld [smem:$0x3FFE];
	[sflag:s23] =	ssyncadd.s32 $0xFFFFFFFF  }
0xa8: {  	s26 =	simm.s32 $execute0_lowered;
	[smem:$0x3FD2] =	sst s25  }
0xa9: {  	s8 =	sshll.u32 s26, $0x1;
	_ =	strace $0x80000046;
	[dreg:$0x1] =	wrdreg $0xFFFFFFFF  }
0xaa: {  	s28 =	simm.s32 $_size_execute0_lowered;
	s6 =	sadd.s32 s6, s8;
	[dreg:$0x0] =	wrdreg $0x0  }
0xab: {  	s8 =	sshll.u32 s28, $0x1;
	[dreg:$0x2] =	wrdreg s6  }
0xac: {  	[dreg:$0x3] =	wrdreg s8  }
0xad: {  	[dreg:$0x4] =	wrdreg $0xC0  }
0xae: {  	_ =	task [dreg:s10], $0x5FFFF  }
0xaf: {  	[dreg:$0x1] =	wrdreg $0xFFFFFFFF  }
0xb0: {  	[dreg:$0x0] =	wrdreg $0x60  }
0xb1: {  	[dreg:$0x2] =	wrdreg s2  }
0xb2: {  	[dreg:$0x3] =	wrdreg s18  }
0xb3: {  	[dreg:$0x4] =	wrdreg s4  }
0xb4: {  	[dreg:$0x5] =	wrdreg s24  }
0xb5: {  	[dreg:$0x6] =	wrdreg s5  }
0xb6: {  	[dreg:$0x7] =	wrdreg $0xB0B00  }
0xb7: {  	[dreg:$0x8] =	wrdreg $0x9  }
0xb8: {  	_ =	task.clear_ibuf [dreg:s10], $0x9FFFF;
	_ =	strace $0x90000046  }
0xb9: {  	s29 =	simm.s32 $0x9;
	_ =	strace $0x80000048  }
0xba: {  	_ =	swait.ge [sflag:s29], $0x1  }
0xbb: {  	[sflag:s29] =	ssyncadd.s32 $0xFFFFFFFF  }
0xbc: {  	_ =	strace $0x90000048  }
0xbd: {  	_ =	sfence  }
0xbe: {  	s30 =	sld [smem:$0x0];
	_ =	sdelay $0x2  }
0xbf: {  	s31 =	sshll.u32 s1, $0xD;
	s1 =	sshrl.u32 s1, $0x2  }
0xc0: {  	s3 =	sand.u32 $0x4000, s31;
	s1 =	sadd.s32 s1, s30  }
0xc1: {  	s0 =	sor.u32 s3, s0;
	s1 =	sshll.u32 s1, $0x11  }
0xc2: {  	s0 =	sor.u32 s1, s0  }
0xc3: {  	s0 =	sadd.s32 $0x8F2B, s0  }
0xc4: {  	[sflag:s0] =	ssyncadd.remote.s32 $0x1  }
0xc5: {  	_ =	sfence.sel $0xFFFF  }
0xc6: {  	[dreg:$0x0] =	wrdreg $0xFFFFFFFF;
	(pc) =	sbr.abs _section_cstart, $3  }
0xc7: {  	[dreg:$0x1] =	wrdreg $0xFFFFFFFF  }
0xc8: {  	_ =	task.clear_ibuf [dreg:s10], $0x2FFFF;
	_ =	strace $0x9FFFFFFF  }
0xc9: {  	(tm) =	ssettm $0x7FFFFFFF  }
tec
execute0_lowered:
.L_overlay_start_1:
0x0: {  	(tag) =	ssettag $0x1  }
0x1: {  	s9 =	rddreg [dreg:$0x0]  }
0x2: {  	s0 =	rddreg [dreg:$0x1]  }
0x3: {  	s1 =	rddreg [dreg:$0x3]  }
0x4: {  	s3 =	rddreg [dreg:$0x4]  }
0x5: {  	s10 =	rddreg [dreg:$0x5];
	s2 =	srdreg.scid;
	s5 =	simm.s32 $0x0  }
0x6: {  	s11 =	stileid.u32;
	s15 =	simm.s32 $0x43C0;
	s28 =	simm.s32 $0xAB40  }
0x7: {  	s29 =	simm.s32 $0x2;
	s30 =	simm.s32 $0x0;
	s2 =	sand.u32 $0x1, s2  }
0x8: {  	[smem:$0x7FF] =	sst s5;
	s7 =	sadd.s32 $0x27ACC00, s1;
	s17 =	sshll.u32 s11, $0xB  }
0x9: {  	s18 =	sshll.u32 s11, $0x4;
	s19 =	sor.u32 $0x10, s11;
	s8 =	smul.u32 $0x1A0000, s11  }
0xa: {  	s23 =	sshll.u32 s11, $0xA;
	s26 =	smul.u32 $0x6800, s11;
	s13 =	sadd.s32 $0x68, s3  }
0xb: {  	s14 =	sadd.s32 $0xD0, s3;
	p0 =	sgt.u32 s11, $0x9;
	s11 =	simm.s32 $0x4340  }
0xc: {  	s4 =	ssub.s32 $0x2, s2;
	_ =	strace $0x80000047;
	s20 =	sshll.u32 s19, $0xB  }
0xd: {  	s21 =	sshll.u32 s19, $0x4;
	s22 =	smul.u32 $0xD0000, s2;
	s24 =	sshll.u32 s2, $0x9  }
0xe: {  	s2 =	smul.u32 $0x3400, s2;
	s19 =	simm.s32 $0x3;
	s6 =	sshrl.u32 s4, $0x1  }
0xf: {  	s12 =	sor.u32 s24, s23;
	s23 =	simm.s32 $0x80;
	s24 =	simm.s32 $0xA4C0  }
0x10: {  	s16 =	ssub.s32 s4, s6;
	s4 =	sadd.s32 s0, s17;
	s0 =	sadd.s32 s0, s20  }
0x11: {  	s25 =	sadd.s32 s22, s8;
	s31 =	sadd.s32 s2, s26;
	s20 =	simm.s32 $0x1  }
0x12: {  	s17 =	simm.s32 $0x9B00;
	s22 =	simm.s32 $0xA180;
	[dreg:$0x7] =	wrdreg s4  }
0x13: {  	s26 =	simm.s32 $0xA800;
	s2 =	simm.s32 $0x0;
	[dreg:$0x9] =	wrdreg s0  }
.Ltmp0:
0x14: {  	s4 =	sadd.s32 s18, s10;
	[dreg:$0xd] =	wrdreg s31;
	(pc) =	sbr.rel .LBB2_1-.Ltmp0, $4  }
0x15: {  	s0 =	sadd.s32 s21, s10;
	s1 =	smax.u32 s16, $0x1;
	[dreg:$0x8] =	wrdreg s4  }
0x16: {  	s10 =	simm.s32 $0x4000;
	[dreg:$0xa] =	wrdreg s0;
	s0 =	sshrl.u32 s25, $0x2  }
0x17: {  	s16 =	simm.s32 $0x97C0;
	[dreg:$0xb] =	wrdreg s1;
	s0 =	sadd.s32 $0xAEB0, s0  }
0x18: {  	v0 =	vlaneseq.u32;
	s25 =	simm.s32 $0x4680;
	[dreg:$0xc] =	wrdreg s0;
	s0 =	simm.s32 $0x9E40  }
.LBB2_13:
0x19: {  	s2 =	rddreg [dreg:$0xe]  }
0x1a: {  	s1 =	rddreg [dreg:$0xb];
	s2 =	sadd.s32 $0x1, s2  }
0x1b: {  	p1 =	sne.s32 s2, s1  }
.Ltmp1:
0x1c: {  	_ = 	snop;
	(pc) =	sbr.rel @!p1 .LBB2_14-.Ltmp1, $1  }
0x1d: {  	_ =	sdelay $0x3  }
.LBB2_1:
0x1e: {  	[dreg:$0xe] =	wrdreg s2  }
0x1f: {  	s1 =	rddreg [dreg:$0x2];
	s8 =	simm.s32 $0xAE80  }
0x20: {  	[tilespmem:s8], [sflag:$0x3] =	stream.linear.gather [hbm4b:s1+s5], $0x20, $0x38;
	[tilespmem:$0xB0D0] =	vst v63  }
0x21: {  	_ =	swait.ge [sflag:s19], $0x20  }
0x22: {  	[sflag:s19] =	ssyncset.done $0x0  }
0x23: {  	[sflag:s19] =	ssyncadd.s32 $0xFFFFFFE0  }
0x24: {  	s18 =	rddreg [dreg:$0x7];
	v1 =	vld [tilespmem:$0xAE80]  }
0x25: {  	v2 =	vld [tilespmem:$0xAE90];
	[tilespmem:s5], [sflag:$0x3] =	stream.linear.gather [hbm4b:s18+s5], $0x4000, $0x38  }
0x26: {  	s21 =	sand.u32 $0xFE00, s5;
	_ =	swait.ge [sflag:s19], $0x4000  }
0x27: {  	s31 =	sand.u32 $0x70, s5;
	s1 =	sshrl.u32 s21, $0x2;
	[sflag:s19] =	ssyncset.done $0x0  }
0x28: {  	s2 =	sor.u32 s31, s1;
	[sflag:s19] =	ssyncadd.s32 $0xFFFFC000  }
0x29: {  	v4 =	vld [tilespmem:s2+$0x0];
	_ =	sdelay $0x1  }
0x2a: {  	v3 =	vimm.s32 $0x0;
	s1 =	simm.s32 $0x40;
	s2 =	simm.s32 $0x10  }
.LBB2_2:
0x2b: {  	s4 =	sand.u32 $0xFE00, s1;
	p1 =	sne.s32 s1, $0xFFC0;
	s1 =	sadd.s32 $0x40, s1  }
.Ltmp2:
0x2c: {  	s6 =	sand.u32 $0x70, s2;
	s4 =	sshrl.u32 s4, $0x2;
	(pc) =	sbr.rel @p1 .LBB2_2-.Ltmp2, $3  }
0x2d: {  	s4 =	sor.u32 s6, s4;
	v3 =	vadd.s32 v3, v4  }
0x2e: {  	v4 =	vld [tilespmem:s4+$0x0];
	_ =	sdelay $0x1  }
0x2f: {  	s2 =	sadd.s32 $0x10, s2  }
0x30: {  	_ =	sdelay $0x1  }
0x31: {  	v3 =	vadd.s32 v3, v4  }
0x32: {  	(v2sf) =	vpush v3, $0x0  }
0x33: {  	(v2sf) =	vpush v3, $0x1  }
0x34: {  	(v2sf) =	vpush v3, $0x2  }
0x35: {  	(v2sf) =	vpush v3, $0x3  }
0x36: {  	(v2sf) =	vpush v3, $0x4  }
0x37: {  	(v2sf) =	vpush v3, $0x5  }
0x38: {  	(v2sf) =	vpush v3, $0x6  }
0x39: {  	(v2sf) =	vpush v3, $0x7  }
0x3a: {  	(v2sf) =	vpush v3, $0x8  }
0x3b: {  	(v2sf) =	vpush v3, $0x9  }
0x3c: {  	(v2sf) =	vpush v3, $0xA  }
0x3d: {  	(v2sf) =	vpush v3, $0xB  }
0x3e: {  	(v2sf) =	vpush v3, $0xC  }
0x3f: {  	(v2sf) =	vpush v3, $0xD  }
0x40: {  	(v2sf) =	vpush v3, $0xE  }
0x41: {  	s1 =	spop (v2sf);
	(v2sf) =	vpush v3, $0xF  }
0x42: {  	s2 =	spop (v2sf)  }
0x43: {  	s1 =	sor.u32 s2, s1;
	s8 =	spop (v2sf)  }
0x44: {  	s1 =	sor.u32 s8, s1;
	s18 =	spop (v2sf)  }
0x45: {  	s1 =	sor.u32 s18, s1;
	s21 =	spop (v2sf)  }
0x46: {  	s1 =	sor.u32 s21, s1;
	s31 =	spop (v2sf)  }
0x47: {  	s1 =	sor.u32 s31, s1;
	s4 =	spop (v2sf)  }
0x48: {  	s1 =	sor.u32 s4, s1;
	s6 =	spop (v2sf)  }
0x49: {  	s1 =	sor.u32 s6, s1;
	s8 =	spop (v2sf)  }
0x4a: {  	s1 =	sor.u32 s8, s1;
	s18 =	spop (v2sf)  }
0x4b: {  	s1 =	sor.u32 s18, s1;
	s21 =	spop (v2sf)  }
0x4c: {  	s1 =	sor.u32 s21, s1;
	s31 =	spop (v2sf)  }
0x4d: {  	s1 =	sor.u32 s31, s1;
	s4 =	spop (v2sf)  }
0x4e: {  	s1 =	sor.u32 s4, s1;
	s6 =	spop (v2sf)  }
0x4f: {  	s1 =	sor.u32 s6, s1;
	s8 =	spop (v2sf)  }
0x50: {  	s1 =	sor.u32 s8, s1;
	s18 =	spop (v2sf)  }
0x51: {  	s1 =	sor.u32 s18, s1  }
0x52: {  	v3 =	vmov s1  }
.Ltmp3:
0x53: {  	s21 =	rddreg [dreg:$0x8];
	s31 =	simm.s32 $0xAEA0;
	[tilespmem:$0xAEA0] =	vst v3;
	(pc) =	sbr.rel @p0 .LBB2_7-.Ltmp3, $4  }
0x54: {  	[spmem:s21] =	stream.linear.scatter [tilespmem:s31], [sflag:$0x3], $0x10, $0x38;
	[tilespmem:$0xB0D0] =	vst v63  }
0x55: {  	_ =	swait.ge [sflag:s19], $0x10  }
0x56: {  	[sflag:s19] =	ssyncset.done $0x0  }
0x57: {  	[sflag:s19] =	ssyncadd.s32 $0xFFFFFFF0  }
0x58: {  	s1 =	simm.s32 $0x0;
	s2 =	rddreg [dreg:$0x9]  }
0x59: {  	[tilespmem:s1], [sflag:$0x3] =	stream.linear.gather [hbm4b:s2+s1], $0x4000, $0x38;
	[tilespmem:$0xB0D0] =	vst v63  }
0x5a: {  	s31 =	sand.u32 $0xFE00, s1;
	_ =	swait.ge [sflag:s19], $0x4000  }
0x5b: {  	s1 =	sand.u32 $0x70, s1;
	s2 =	sshrl.u32 s31, $0x2;
	[sflag:s19] =	ssyncset.done $0x0  }
0x5c: {  	s2 =	sor.u32 s1, s2;
	[sflag:s19] =	ssyncadd.s32 $0xFFFFC000  }
0x5d: {  	v4 =	vld [tilespmem:s2+$0x0];
	_ =	sdelay $0x1  }
0x5e: {  	v3 =	vimm.s32 $0x0;
	s1 =	simm.s32 $0x40;
	s2 =	simm.s32 $0x10  }
.LBB2_5:
0x5f: {  	s4 =	sand.u32 $0xFE00, s1;
	p1 =	sne.s32 s1, $0xFFC0;
	s1 =	sadd.s32 $0x40, s1  }
.Ltmp4:
0x60: {  	s6 =	sand.u32 $0x70, s2;
	s4 =	sshrl.u32 s4, $0x2;
	(pc) =	sbr.rel @p1 .LBB2_5-.Ltmp4, $3  }
0x61: {  	s4 =	sor.u32 s6, s4;
	v3 =	vadd.s32 v3, v4  }
0x62: {  	v4 =	vld [tilespmem:s4+$0x0];
	_ =	sdelay $0x1  }
0x63: {  	s2 =	sadd.s32 $0x10, s2  }
0x64: {  	_ =	sdelay $0x1  }
0x65: {  	v3 =	vadd.s32 v3, v4  }
0x66: {  	(v2sf) =	vpush v3, $0x0  }
0x67: {  	(v2sf) =	vpush v3, $0x1  }
0x68: {  	(v2sf) =	vpush v3, $0x2  }
0x69: {  	(v2sf) =	vpush v3, $0x3  }
0x6a: {  	(v2sf) =	vpush v3, $0x4  }
0x6b: {  	(v2sf) =	vpush v3, $0x5  }
0x6c: {  	(v2sf) =	vpush v3, $0x6  }
0x6d: {  	(v2sf) =	vpush v3, $0x7  }
0x6e: {  	(v2sf) =	vpush v3, $0x8  }
0x6f: {  	(v2sf) =	vpush v3, $0x9  }
0x70: {  	(v2sf) =	vpush v3, $0xA  }
0x71: {  	(v2sf) =	vpush v3, $0xB  }
0x72: {  	(v2sf) =	vpush v3, $0xC  }
0x73: {  	(v2sf) =	vpush v3, $0xD  }
0x74: {  	(v2sf) =	vpush v3, $0xE  }
0x75: {  	s1 =	spop (v2sf);
	(v2sf) =	vpush v3, $0xF  }
0x76: {  	s2 =	spop (v2sf)  }
0x77: {  	s1 =	sor.u32 s2, s1;
	s8 =	spop (v2sf)  }
0x78: {  	s1 =	sor.u32 s8, s1;
	s18 =	spop (v2sf)  }
0x79: {  	s1 =	sor.u32 s18, s1;
	s21 =	spop (v2sf)  }
0x7a: {  	s1 =	sor.u32 s21, s1;
	s31 =	spop (v2sf)  }
0x7b: {  	s1 =	sor.u32 s31, s1;
	s4 =	spop (v2sf)  }
0x7c: {  	s1 =	sor.u32 s4, s1;
	s6 =	spop (v2sf)  }
0x7d: {  	s1 =	sor.u32 s6, s1;
	s8 =	spop (v2sf)  }
0x7e: {  	s1 =	sor.u32 s8, s1;
	s18 =	spop (v2sf)  }
0x7f: {  	s1 =	sor.u32 s18, s1;
	s21 =	spop (v2sf)  }
0x80: {  	s1 =	sor.u32 s21, s1;
	s31 =	spop (v2sf)  }
0x81: {  	s1 =	sor.u32 s31, s1;
	s4 =	spop (v2sf)  }
0x82: {  	s1 =	sor.u32 s4, s1;
	s6 =	spop (v2sf)  }
0x83: {  	s1 =	sor.u32 s6, s1;
	s8 =	spop (v2sf)  }
0x84: {  	s1 =	sor.u32 s8, s1;
	s18 =	spop (v2sf)  }
0x85: {  	s1 =	sor.u32 s18, s1  }
0x86: {  	v3 =	vmov s1  }
0x87: {  	s21 =	rddreg [dreg:$0xa];
	s31 =	simm.s32 $0xAEA0;
	[tilespmem:$0xAEA0] =	vst v3  }
0x88: {  	[spmem:s21] =	stream.linear.scatter [tilespmem:s31], [sflag:$0x3], $0x10, $0x38;
	[tilespmem:$0xB0D0] =	vst v63  }
0x89: {  	_ =	swait.ge [sflag:s19], $0x10  }
0x8a: {  	[sflag:s19] =	ssyncset.done $0x0  }
0x8b: {  	[sflag:s19] =	ssyncadd.s32 $0xFFFFFFF0  }
.LBB2_7:
0x8c: {  	[bflag:$0x0] =	sbarrier.arrive $0xFFFF  }
0x8d: {  	s2 =	simm.s32 $0xAEB0;
	s1 =	rddreg [dreg:$0x5]  }
0x8e: {  	[tilespmem:s2], [sflag:$0x3] =	stream.linear.gather [spmem:s1], $0x200, $0x38;
	[tilespmem:$0xB0D0] =	vst v63  }
0x8f: {  	_ =	swait.ge [sflag:s19], $0x200  }
0x90: {  	[sflag:s19] =	ssyncset.done $0x0  }
0x91: {  	[sflag:s19] =	ssyncadd.s32 $0xFFFFFE00  }
0x92: {  	v3 =	vld [tilespmem:$0xAEC0]  }
0x93: {  	v4 =	vld [tilespmem:$0xAEB0]  }
0x94: {  	v5 =	vld [tilespmem:$0xAED0];
	_ =	sdelay $0x1  }
0x95: {  	v6 =	vld [tilespmem:$0xAEE0]  }
0x96: {  	v7 =	vsub.s32 $0x0, v3  }
0x97: {  	v47 =	vld [tilespmem:$0xAEF0];
	v3 =	vmin.u32 v3, v7  }
0x98: {  	v8 =	vsub.s32 $0x0, v5;
	vm0 =	vlt.s32 v4, v3  }
0x99: {  	v49 =	vld [tilespmem:$0xAF00];
	v48 =	vmin.u32 v5, v8;
	v3 =	vsel vm0, v4, v3  }
0x9a: {  	v50 =	vsub.s32 $0x0, v6;
	vm0 =	vlt.s32 v3, v48  }
0x9b: {  	v52 =	vld [tilespmem:$0xAF10];
	v51 =	vmin.u32 v6, v50;
	v3 =	vsel vm0, v3, v48  }
0x9c: {  	v53 =	vsub.s32 $0x0, v47;
	vm0 =	vlt.s32 v3, v51  }
0x9d: {  	v55 =	vld [tilespmem:$0xAF20];
	v54 =	vmin.u32 v47, v53;
	v3 =	vsel vm0, v3, v51  }
0x9e: {  	v56 =	vsub.s32 $0x0, v49;
	vm0 =	vlt.s32 v3, v54  }
0x9f: {  	v58 =	vld [tilespmem:$0xAF30];
	v57 =	vmin.u32 v49, v56;
	v3 =	vsel vm0, v3, v54  }
0xa0: {  	v59 =	vsub.s32 $0x0, v52;
	vm0 =	vlt.s32 v3, v57  }
0xa1: {  	v61 =	vld [tilespmem:$0xAF40];
	v60 =	vmin.u32 v52, v59;
	v3 =	vsel vm0, v3, v57  }
0xa2: {  	v62 =	vsub.s32 $0x0, v55;
	vm0 =	vlt.s32 v3, v60  }
0xa3: {  	v12 =	vld [tilespmem:$0xAF50];
	v63 =	vmin.u32 v55, v62;
	v3 =	vsel vm0, v3, v60  }
0xa4: {  	v13 =	vsub.s32 $0x0, v58;
	vm0 =	vlt.s32 v3, v63  }
0xa5: {  	v15 =	vld [tilespmem:$0xAF60];
	v14 =	vmin.u32 v58, v13;
	v3 =	vsel vm0, v3, v63  }
0xa6: {  	v16 =	vsub.s32 $0x0, v61;
	vm0 =	vlt.s32 v3, v14  }
0xa7: {  	v18 =	vld [tilespmem:$0xAF70];
	v17 =	vmin.u32 v61, v16;
	v3 =	vsel vm0, v3, v14  }
0xa8: {  	v19 =	vsub.s32 $0x0, v12;
	vm0 =	vlt.s32 v3, v17  }
0xa9: {  	v21 =	vld [tilespmem:$0xAF80];
	v20 =	vmin.u32 v12, v19;
	v3 =	vsel vm0, v3, v17  }
0xaa: {  	v22 =	vsub.s32 $0x0, v15;
	vm0 =	vlt.s32 v3, v20  }
0xab: {  	v24 =	vld [tilespmem:$0xAF90];
	v23 =	vmin.u32 v15, v22;
	v3 =	vsel vm0, v3, v20  }
0xac: {  	v25 =	vsub.s32 $0x0, v18;
	vm0 =	vlt.s32 v3, v23  }
0xad: {  	v27 =	vld [tilespmem:$0xAFA0];
	v26 =	vmin.u32 v18, v25;
	v3 =	vsel vm0, v3, v23  }
0xae: {  	v28 =	vsub.s32 $0x0, v21;
	vm0 =	vlt.s32 v3, v26  }
0xaf: {  	v30 =	vld [tilespmem:$0xAFB0];
	v29 =	vmin.u32 v21, v28;
	v3 =	vsel vm0, v3, v26  }
0xb0: {  	v31 =	vsub.s32 $0x0, v24;
	vm0 =	vlt.s32 v3, v29  }
0xb1: {  	v33 =	vld [tilespmem:$0xAFC0];
	v32 =	vmin.u32 v24, v31;
	v3 =	vsel vm0, v3, v29  }
0xb2: {  	v34 =	vsub.s32 $0x0, v27;
	vm0 =	vlt.s32 v3, v32  }
0xb3: {  	v36 =	vld [tilespmem:$0xAFD0];
	v35 =	vmin.u32 v27, v34;
	v3 =	vsel vm0, v3, v32  }
0xb4: {  	v37 =	vsub.s32 $0x0, v30;
	vm0 =	vlt.s32 v3, v35  }
0xb5: {  	v39 =	vld [tilespmem:$0xAFE0];
	v38 =	vmin.u32 v30, v37;
	v3 =	vsel vm0, v3, v35  }
0xb6: {  	v40 =	vsub.s32 $0x0, v33;
	vm0 =	vlt.s32 v3, v38  }
0xb7: {  	v42 =	vld [tilespmem:$0xAFF0];
	v41 =	vmin.u32 v33, v40;
	v3 =	vsel vm0, v3, v38  }
0xb8: {  	v43 =	vsub.s32 $0x0, v36;
	vm0 =	vlt.s32 v3, v41  }
0xb9: {  	v45 =	vld [tilespmem:$0xB000];
	v44 =	vmin.u32 v36, v43;
	v3 =	vsel vm0, v3, v41  }
0xba: {  	v46 =	vsub.s32 $0x0, v39;
	vm0 =	vlt.s32 v3, v44  }
0xbb: {  	v47 =	vmin.u32 v39, v46;
	v48 =	vld [tilespmem:$0xB010];
	v3 =	vsel vm0, v3, v44  }
0xbc: {  	v49 =	vsub.s32 $0x0, v42;
	vm0 =	vlt.s32 v3, v47  }
0xbd: {  	v50 =	vmin.u32 v42, v49;
	v51 =	vld [tilespmem:$0xB020];
	v3 =	vsel vm0, v3, v47  }
0xbe: {  	v52 =	vsub.s32 $0x0, v45;
	vm0 =	vlt.s32 v3, v50  }
0xbf: {  	v53 =	vmin.u32 v45, v52;
	v54 =	vld [tilespmem:$0xB030];
	v3 =	vsel vm0, v3, v50  }
0xc0: {  	v55 =	vsub.s32 $0x0, v48;
	vm0 =	vlt.s32 v3, v53  }
0xc1: {  	v56 =	vmin.u32 v48, v55;
	v57 =	vld [tilespmem:$0xB040];
	v3 =	vsel vm0, v3, v53  }
0xc2: {  	v58 =	vsub.s32 $0x0, v51;
	vm0 =	vlt.s32 v3, v56  }
0xc3: {  	v59 =	vmin.u32 v51, v58;
	v3 =	vsel vm0, v3, v56  }
0xc4: {  	v60 =	vsub.s32 $0x0, v54;
	vm0 =	vlt.s32 v3, v59  }
0xc5: {  	v61 =	vmin.u32 v54, v60;
	v3 =	vsel vm0, v3, v59  }
0xc6: {  	v62 =	vsub.s32 $0x0, v57;
	vm0 =	vlt.s32 v3, v61  }
0xc7: {  	v63 =	vmin.u32 v57, v62;
	v3 =	vsel vm0, v3, v61  }
0xc8: {  	vm0 =	vlt.s32 v3, v63  }
0xc9: {  	v3 =	vsel vm0, v3, v63  }
0xca: {  	(v2sf) =	vpush v3, $0x0;
	_ =	sdelay $0xb  }
.Ltmp5:
0xcb: {  	_ = 	snop;
	(pc) =	sbr.rel .LBB2_8-.Ltmp5, $3  }
0xcc: {  	_ =	sdelay $0x1  }
0xcd: {  	s31 =	rddreg [dreg:$0xd];
	s21 =	spop (v2sf)  }
0xce: {  	s6 =	simm.s32 $0x0;
	p1 =	sne.s32 s21, $0x0;
	s21 =	rddreg [dreg:$0xc]  }
.LBB2_12:
0xcf: {  	s1 =	smul.u32 $0x68, s2;
	_ =	sdelay $0x1  }
0xd0: {  	s4 =	sadd.s32 s3, s1  }
0xd1: {  	[hbm4b:s4+s5] =	stream.linear.scatter [tilespmem:s25], [sflag:$0x2], $0x340, $0x38;
	[tilespmem:$0xB0D0] =	vst v63  }
0xd2: {  	s8 =	simm.s32 $0x49C0;
	s18 =	sadd.s32 s1, s13  }
0xd3: {  	[hbm4b:s18+s5] =	stream.linear.scatter [tilespmem:s8], [sflag:$0x2], $0x340, $0x38;
	[tilespmem:$0xB0D0] =	vst v63  }
0xd4: {  	s1 =	sadd.s32 s1, s14;
	s8 =	smul.u32 $0x340, s2;
	s18 =	simm.s32 $0x4D00  }
0xd5: {  	[hbm4b:s1+s5] =	stream.linear.scatter [tilespmem:s18], [sflag:$0x2], $0x340, $0x38;
	[tilespmem:$0xB0D0] =	vst v63  }
0xd6: {  	s4 =	sshrl.u32 s8, $0x3  }
0xd7: {  	s1 =	sadd.s32 s3, s4  }
0xd8: {  	s18 =	simm.s32 $0x5040;
	s8 =	sadd.s32 $0x138, s1  }
0xd9: {  	[hbm4b:s8+s5] =	stream.linear.scatter [tilespmem:s18], [sflag:$0x2], $0x340, $0x38;
	[tilespmem:$0xB0D0] =	vst v63  }
0xda: {  	s8 =	sadd.s32 $0x1A0, s1;
	s18 =	simm.s32 $0x5380  }
0xdb: {  	[hbm4b:s8+s5] =	stream.linear.scatter [tilespmem:s18], [sflag:$0x2], $0x340, $0x38;
	[tilespmem:$0xB0D0] =	vst v63  }
0xdc: {  	s8 =	sadd.s32 $0x208, s1;
	s18 =	simm.s32 $0x56C0  }
0xdd: {  	[hbm4b:s8+s5] =	stream.linear.scatter [tilespmem:s18], [sflag:$0x2], $0x340, $0x38;
	[tilespmem:$0xB0D0] =	vst v63  }
0xde: {  	s8 =	sadd.s32 $0x270, s1;
	s18 =	simm.s32 $0x5A00  }
0xdf: {  	[hbm4b:s8+s5] =	stream.linear.scatter [tilespmem:s18], [sflag:$0x2], $0x340, $0x38;
	[tilespmem:$0xB0D0] =	vst v63  }
0xe0: {  	s8 =	sadd.s32 $0x2D8, s1;
	s18 =	simm.s32 $0x5D40  }
0xe1: {  	[hbm4b:s8+s5] =	stream.linear.scatter [tilespmem:s18], [sflag:$0x2], $0x340, $0x38;
	[tilespmem:$0xB0D0] =	vst v63  }
0xe2: {  	s8 =	sadd.s32 $0x340, s1;
	s18 =	simm.s32 $0x6080  }
0xe3: {  	[hbm4b:s8+s5] =	stream.linear.scatter [tilespmem:s18], [sflag:$0x2], $0x340, $0x38;
	[tilespmem:$0xB0D0] =	vst v63  }
0xe4: {  	s8 =	sadd.s32 $0x3A8, s1;
	s18 =	simm.s32 $0x63C0  }
0xe5: {  	[hbm4b:s8+s5] =	stream.linear.scatter [tilespmem:s18], [sflag:$0x2], $0x340, $0x38;
	[tilespmem:$0xB0D0] =	vst v63  }
0xe6: {  	s8 =	sadd.s32 $0x410, s1;
	s18 =	simm.s32 $0x6700  }
0xe7: {  	[hbm4b:s8+s5] =	stream.linear.scatter [tilespmem:s18], [sflag:$0x2], $0x340, $0x38;
	[tilespmem:$0xB0D0] =	vst v63  }
0xe8: {  	s8 =	sadd.s32 $0x478, s1;
	s18 =	simm.s32 $0x6A40  }
0xe9: {  	[hbm4b:s8+s5] =	stream.linear.scatter [tilespmem:s18], [sflag:$0x2], $0x340, $0x38;
	[tilespmem:$0xB0D0] =	vst v63  }
0xea: {  	s8 =	sadd.s32 $0x4E0, s1;
	s18 =	simm.s32 $0x6D80  }
0xeb: {  	[hbm4b:s8+s5] =	stream.linear.scatter [tilespmem:s18], [sflag:$0x2], $0x340, $0x38;
	[tilespmem:$0xB0D0] =	vst v63  }
0xec: {  	s8 =	sadd.s32 $0x548, s1;
	s18 =	simm.s32 $0x70C0  }
0xed: {  	[hbm4b:s8+s5] =	stream.linear.scatter [tilespmem:s18], [sflag:$0x2], $0x340, $0x38;
	[tilespmem:$0xB0D0] =	vst v63  }
0xee: {  	s8 =	sadd.s32 $0x5B0, s1;
	s18 =	simm.s32 $0x7400  }
0xef: {  	[hbm4b:s8+s5] =	stream.linear.scatter [tilespmem:s18], [sflag:$0x2], $0x340, $0x38;
	[tilespmem:$0xB0D0] =	vst v63  }
0xf0: {  	s8 =	sadd.s32 $0x618, s1;
	s18 =	simm.s32 $0x7740  }
0xf1: {  	[hbm4b:s8+s5] =	stream.linear.scatter [tilespmem:s18], [sflag:$0x2], $0x340, $0x38;
	[tilespmem:$0xB0D0] =	vst v63  }
0xf2: {  	s8 =	sadd.s32 $0x680, s1;
	s18 =	simm.s32 $0x7A80  }
0xf3: {  	[hbm4b:s8+s5] =	stream.linear.scatter [tilespmem:s18], [sflag:$0x2], $0x340, $0x38;
	[tilespmem:$0xB0D0] =	vst v63  }
0xf4: {  	s8 =	sadd.s32 $0x6E8, s1;
	s18 =	simm.s32 $0x7DC0  }
0xf5: {  	[hbm4b:s8+s5] =	stream.linear.scatter [tilespmem:s18], [sflag:$0x2], $0x340, $0x38;
	[tilespmem:$0xB0D0] =	vst v63  }
0xf6: {  	s8 =	sadd.s32 $0x750, s1;
	s18 =	simm.s32 $0x8100  }
0xf7: {  	[hbm4b:s8+s5] =	stream.linear.scatter [tilespmem:s18], [sflag:$0x2], $0x340, $0x38;
	[tilespmem:$0xB0D0] =	vst v63  }
0xf8: {  	s8 =	sadd.s32 $0x7B8, s1;
	s18 =	simm.s32 $0x8440  }
0xf9: {  	[hbm4b:s8+s5] =	stream.linear.scatter [tilespmem:s18], [sflag:$0x2], $0x340, $0x38;
	[tilespmem:$0xB0D0] =	vst v63  }
0xfa: {  	s8 =	sadd.s32 $0x820, s1;
	s18 =	simm.s32 $0x8780  }
0xfb: {  	[hbm4b:s8+s5] =	stream.linear.scatter [tilespmem:s18], [sflag:$0x2], $0x340, $0x38;
	[tilespmem:$0xB0D0] =	vst v63  }
0xfc: {  	s8 =	sadd.s32 $0x888, s1;
	s18 =	simm.s32 $0x8AC0  }
0xfd: {  	[hbm4b:s8+s5] =	stream.linear.scatter [tilespmem:s18], [sflag:$0x2], $0x340, $0x38;
	[tilespmem:$0xB0D0] =	vst v63  }
0xfe: {  	s8 =	sadd.s32 $0x8F0, s1;
	s18 =	simm.s32 $0x8E00  }
0xff: {  	[hbm4b:s8+s5] =	stream.linear.scatter [tilespmem:s18], [sflag:$0x2], $0x340, $0x38;
	[tilespmem:$0xB0D0] =	vst v63  }
0x100: {  	s8 =	sadd.s32 $0x958, s1;
	s18 =	simm.s32 $0x9140  }
0x101: {  	[hbm4b:s8+s5] =	stream.linear.scatter [tilespmem:s18], [sflag:$0x2], $0x340, $0x38;
	[tilespmem:$0xB0D0] =	vst v63  }
0x102: {  	s8 =	sadd.s32 $0x9C0, s1;
	s18 =	simm.s32 $0x9480  }
0x103: {  	[hbm4b:s8+s5] =	stream.linear.scatter [tilespmem:s18], [sflag:$0x2], $0x340, $0x38;
	[tilespmem:$0xB0D0] =	vst v63  }
0x104: {  	s4 =	sadd.s32 $0xA28, s1  }
0x105: {  	[hbm4b:s4+s5] =	stream.linear.scatter [tilespmem:s16], [sflag:$0x2], $0x340, $0x38;
	[tilespmem:$0xB0D0] =	vst v63  }
0x106: {  	s8 =	sadd.s32 $0xA90, s1  }
0x107: {  	[hbm4b:s8+s5] =	stream.linear.scatter [tilespmem:s17], [sflag:$0x2], $0x340, $0x38;
	[tilespmem:$0xB0D0] =	vst v63  }
0x108: {  	s18 =	sadd.s32 $0xAF8, s1  }
0x109: {  	[hbm4b:s18+s5] =	stream.linear.scatter [tilespmem:s0], [sflag:$0x2], $0x340, $0x38;
	[tilespmem:$0xB0D0] =	vst v63  }
0x10a: {  	s4 =	sadd.s32 $0xB60, s1  }
0x10b: {  	[hbm4b:s4+s5] =	stream.linear.scatter [tilespmem:s22], [sflag:$0x2], $0x340, $0x38;
	[tilespmem:$0xB0D0] =	vst v63  }
0x10c: {  	s8 =	sadd.s32 $0xBC8, s1  }
0x10d: {  	[hbm4b:s8+s5] =	stream.linear.scatter [tilespmem:s24], [sflag:$0x2], $0x340, $0x38;
	[tilespmem:$0xB0D0] =	vst v63  }
0x10e: {  	s18 =	sadd.s32 $0xC30, s1  }
0x10f: {  	[hbm4b:s18+s5] =	stream.linear.scatter [tilespmem:s26], [sflag:$0x2], $0x340, $0x38;
	[tilespmem:$0xB0D0] =	vst v63  }
0x110: {  	s1 =	sadd.s32 $0xC98, s1  }
0x111: {  	[hbm4b:s1+s5] =	stream.linear.scatter [tilespmem:s28], [sflag:$0x2], $0x340, $0x38;
	[tilespmem:$0xB0D0] =	vst v63  }
0x112: {  	_ =	swait.ge [sflag:s29], $0x340  }
0x113: {  	[sflag:s29] =	ssyncset.done $0x0  }
0x114: {  	[sflag:s29] =	ssyncadd.s32 $0xFFFFFCC0  }
0x115: {  	_ =	swait.ge [sflag:s29], $0x340  }
0x116: {  	[sflag:s29] =	ssyncset.done $0x0  }
0x117: {  	[sflag:s29] =	ssyncadd.s32 $0xFFFFFCC0  }
0x118: {  	_ =	swait.ge [sflag:s29], $0x340  }
0x119: {  	[sflag:s29] =	ssyncset.done $0x0  }
0x11a: {  	[sflag:s29] =	ssyncadd.s32 $0xFFFFFCC0  }
0x11b: {  	_ =	swait.ge [sflag:s29], $0x340  }
0x11c: {  	[sflag:s29] =	ssyncset.done $0x0  }
0x11d: {  	[sflag:s29] =	ssyncadd.s32 $0xFFFFFCC0  }
0x11e: {  	_ =	swait.ge [sflag:s29], $0x340  }
0x11f: {  	[sflag:s29] =	ssyncset.done $0x0  }
0x120: {  	[sflag:s29] =	ssyncadd.s32 $0xFFFFFCC0  }
0x121: {  	_ =	swait.ge [sflag:s29], $0x340  }
0x122: {  	[sflag:s29] =	ssyncset.done $0x0  }
0x123: {  	[sflag:s29] =	ssyncadd.s32 $0xFFFFFCC0  }
0x124: {  	_ =	swait.ge [sflag:s29], $0x340  }
0x125: {  	[sflag:s29] =	ssyncset.done $0x0  }
0x126: {  	[sflag:s29] =	ssyncadd.s32 $0xFFFFFCC0  }
0x127: {  	_ =	swait.ge [sflag:s29], $0x340  }
0x128: {  	[sflag:s29] =	ssyncset.done $0x0  }
0x129: {  	[sflag:s29] =	ssyncadd.s32 $0xFFFFFCC0  }
0x12a: {  	_ =	swait.ge [sflag:s29], $0x340  }
0x12b: {  	[sflag:s29] =	ssyncset.done $0x0  }
0x12c: {  	[sflag:s29] =	ssyncadd.s32 $0xFFFFFCC0  }
0x12d: {  	_ =	swait.ge [sflag:s29], $0x340  }
0x12e: {  	[sflag:s29] =	ssyncset.done $0x0  }
0x12f: {  	[sflag:s29] =	ssyncadd.s32 $0xFFFFFCC0  }
0x130: {  	_ =	swait.ge [sflag:s29], $0x340  }
0x131: {  	[sflag:s29] =	ssyncset.done $0x0  }
0x132: {  	[sflag:s29] =	ssyncadd.s32 $0xFFFFFCC0  }
0x133: {  	_ =	swait.ge [sflag:s29], $0x340  }
0x134: {  	[sflag:s29] =	ssyncset.done $0x0  }
0x135: {  	[sflag:s29] =	ssyncadd.s32 $0xFFFFFCC0  }
0x136: {  	_ =	swait.ge [sflag:s29], $0x340  }
0x137: {  	[sflag:s29] =	ssyncset.done $0x0  }
0x138: {  	[sflag:s29] =	ssyncadd.s32 $0xFFFFFCC0  }
0x139: {  	_ =	swait.ge [sflag:s29], $0x340  }
0x13a: {  	[sflag:s29] =	ssyncset.done $0x0  }
0x13b: {  	[sflag:s29] =	ssyncadd.s32 $0xFFFFFCC0  }
0x13c: {  	_ =	swait.ge [sflag:s29], $0x340  }
0x13d: {  	[sflag:s29] =	ssyncset.done $0x0  }
0x13e: {  	[sflag:s29] =	ssyncadd.s32 $0xFFFFFCC0  }
0x13f: {  	_ =	swait.ge [sflag:s29], $0x340  }
0x140: {  	[sflag:s29] =	ssyncset.done $0x0  }
0x141: {  	[sflag:s29] =	ssyncadd.s32 $0xFFFFFCC0  }
0x142: {  	_ =	swait.ge [sflag:s29], $0x340  }
0x143: {  	[sflag:s29] =	ssyncset.done $0x0  }
0x144: {  	[sflag:s29] =	ssyncadd.s32 $0xFFFFFCC0  }
0x145: {  	_ =	swait.ge [sflag:s29], $0x340  }
0x146: {  	[sflag:s29] =	ssyncset.done $0x0  }
0x147: {  	[sflag:s29] =	ssyncadd.s32 $0xFFFFFCC0  }
0x148: {  	_ =	swait.ge [sflag:s29], $0x340  }
0x149: {  	[sflag:s29] =	ssyncset.done $0x0  }
0x14a: {  	[sflag:s29] =	ssyncadd.s32 $0xFFFFFCC0  }
0x14b: {  	_ =	swait.ge [sflag:s29], $0x340  }
0x14c: {  	[sflag:s29] =	ssyncset.done $0x0  }
0x14d: {  	[sflag:s29] =	ssyncadd.s32 $0xFFFFFCC0  }
0x14e: {  	_ =	swait.ge [sflag:s29], $0x340  }
0x14f: {  	[sflag:s29] =	ssyncset.done $0x0  }
0x150: {  	[sflag:s29] =	ssyncadd.s32 $0xFFFFFCC0  }
0x151: {  	_ =	swait.ge [sflag:s29], $0x340  }
0x152: {  	[sflag:s29] =	ssyncset.done $0x0  }
0x153: {  	[sflag:s29] =	ssyncadd.s32 $0xFFFFFCC0  }
0x154: {  	_ =	swait.ge [sflag:s29], $0x340  }
0x155: {  	[sflag:s29] =	ssyncset.done $0x0  }
0x156: {  	[sflag:s29] =	ssyncadd.s32 $0xFFFFFCC0  }
0x157: {  	_ =	swait.ge [sflag:s29], $0x340  }
0x158: {  	[sflag:s29] =	ssyncset.done $0x0  }
0x159: {  	[sflag:s29] =	ssyncadd.s32 $0xFFFFFCC0  }
0x15a: {  	_ =	swait.ge [sflag:s29], $0x340  }
0x15b: {  	[sflag:s29] =	ssyncset.done $0x0  }
0x15c: {  	[sflag:s29] =	ssyncadd.s32 $0xFFFFFCC0  }
0x15d: {  	_ =	swait.ge [sflag:s29], $0x340  }
0x15e: {  	[sflag:s29] =	ssyncset.done $0x0  }
0x15f: {  	[sflag:s29] =	ssyncadd.s32 $0xFFFFFCC0  }
0x160: {  	_ =	swait.ge [sflag:s29], $0x340  }
0x161: {  	[sflag:s29] =	ssyncset.done $0x0  }
0x162: {  	[sflag:s29] =	ssyncadd.s32 $0xFFFFFCC0  }
0x163: {  	_ =	swait.ge [sflag:s29], $0x340  }
0x164: {  	[sflag:s29] =	ssyncset.done $0x0  }
0x165: {  	[sflag:s29] =	ssyncadd.s32 $0xFFFFFCC0  }
0x166: {  	_ =	swait.ge [sflag:s29], $0x340  }
0x167: {  	[sflag:s29] =	ssyncset.done $0x0  }
0x168: {  	[sflag:s29] =	ssyncadd.s32 $0xFFFFFCC0  }
0x169: {  	_ =	swait.ge [sflag:s29], $0x340  }
0x16a: {  	[sflag:s29] =	ssyncset.done $0x0  }
0x16b: {  	s6 =	sadd.s32 $0x1, s6;
	[sflag:s29] =	ssyncadd.s32 $0xFFFFFCC0  }
0x16c: {  	p2 =	sne.s32 s6, $0x10;
	_ =	swait.ge [sflag:s29], $0x340  }
.Ltmp6:
0x16d: {  	[sflag:s29] =	ssyncset.done $0x0;
	(pc) =	sbr.rel @!p2 .LBB2_13-.Ltmp6, $4  }
0x16e: {  	[sflag:s29] =	ssyncadd.s32 $0xFFFFFCC0  }
0x16f: {  	_ =	swait.ge [sflag:s29], $0x340  }
0x170: {  	[sflag:s29] =	ssyncset.done $0x0  }
0x171: {  	s21 =	sadd.s32 $0x3400, s21;
	s31 =	sadd.s32 $0x340, s31;
	[sflag:s29] =	ssyncadd.s32 $0xFFFFFCC0  }
.LBB2_8:
0x172: {  	s1 =	sshll.u32 s6, $0x5  }
0x173: {  	s2 =	sadd.s32 s12, s1  }
0x174: {  	s18 =	smul.u32 $0x1A, s2;
	_ =	sdelay $0x1  }
0x175: {  	s4 =	sshrl.u32 s18, $0x3;
	s8 =	sor.u32 $0x10, s18  }
0x176: {  	v5 =	vor.u32 s18, v0;
	s1 =	sadd.s32 s9, s4;
	v41 =	vor.u32 s8, v0;
	s4 =	sor.u32 $0x30, s18;
	s8 =	sadd.s32 $0x40, s18  }
0x177: {  	v3 =	vmulhi.u32 $0x4EC4EC4F, v5;
	[tilespmem:s10], [sflag:$0x3] =	stream.linear.gather [hbm4b:s1+s30], $0x340, $0x38;
	[tilespmem:$0xB0D0] =	vst v63  }
0x178: {  	s1 =	sor.u32 $0x20, s18;
	v51 =	vor.u32 s4, v0;
	v47 =	vor.u32 s8, v0;
	s4 =	sadd.s32 $0x60, s18;
	v4 =	vmulhi.u32 $0x4EC4EC4F, v41  }
0x179: {  	s8 =	sadd.s32 $0x70, s18;
	v45 =	vor.u32 s1, v0;
	v46 =	vor.u32 s4, v0;
	v59 =	vmulhi.u32 $0x4EC4EC4F, v51  }
0x17a: {  	s1 =	sadd.s32 $0x50, s18;
	v54 =	vor.u32 s8, v0;
	s4 =	sadd.s32 $0x90, s18;
	s8 =	sadd.s32 $0xA0, s18;
	v3 =	vshrl.u32 v3, $0x3;
	v63 =	vmulhi.u32 $0x4EC4EC4F, v47  }
0x17b: {  	v48 =	vor.u32 s1, v0;
	v53 =	vor.u32 s4, v0;
	v49 =	vor.u32 s8, v0  }
0x17c: {  	s1 =	sadd.s32 $0x80, s18;
	s4 =	sadd.s32 $0xC0, s18;
	s8 =	sadd.s32 $0xD0, s18;
	v42 =	vmul.u32 $0x1A, v3;
	v3 =	vshrl.u32 v4, $0x3;
	v58 =	vmulhi.u32 $0x4EC4EC4F, v45  }
0x17d: {  	v52 =	vor.u32 s1, v0;
	v43 =	vor.u32 s4, v0;
	v44 =	vor.u32 s8, v0  }
0x17e: {  	s1 =	sadd.s32 $0xB0, s18;
	s4 =	sadd.s32 $0xF0, s18;
	s8 =	sadd.s32 $0x100, s18;
	v56 =	vmul.u32 $0x1A, v3;
	v60 =	vshrl.u32 v59, $0x3;
	v61 =	vmulhi.u32 $0x4EC4EC4F, v48  }
0x17f: {  	_ =	swait.ge [sflag:s19], $0x340;
	v50 =	vor.u32 s1, v0;
	s1 =	sadd.s32 $0xE0, s18;
	v38 =	vor.u32 s4, v0;
	v39 =	vor.u32 s8, v0  }
0x180: {  	[sflag:s19] =	ssyncset.done $0x0;
	s4 =	sadd.s32 $0x120, s18;
	s8 =	sadd.s32 $0x130, s18;
	v5 =	vsub.s32 v5, v42;
	v62 =	vshrl.u32 v58, $0x3;
	v40 =	vor.u32 s1, v0  }
0x181: {  	[sflag:s19] =	ssyncadd.s32 $0xFFFFFCC0;
	s1 =	sadd.s32 $0x110, s18;
	v36 =	vor.u32 s4, v0;
	v34 =	vor.u32 s8, v0;
	v41 =	vsub.s32 v41, v56  }
0x182: {  	v55 =	vld [tilespmem:$0x4000];
	s4 =	sadd.s32 $0x150, s18;
	s8 =	sadd.s32 $0x160, s18;
	v42 =	vmul.u32 $0x186A0, v5;
	v56 =	vmul.u32 $0x1A, v62;
	v37 =	vor.u32 s1, v0  }
0x183: {  	v57 =	vld [tilespmem:$0x4010];
	s1 =	sadd.s32 $0x140, s18;
	v33 =	vor.u32 s4, v0;
	v32 =	vor.u32 s8, v0;
	s4 =	sadd.s32 $0x180, s18;
	s8 =	sadd.s32 $0x190, s18;
	v41 =	vmul.u32 $0x186A0, v41  }
0x184: {  	v35 =	vor.u32 s1, v0;
	v30 =	vor.u32 s4, v0;
	v28 =	vor.u32 s8, v0  }
0x185: {  	s1 =	sadd.s32 $0x170, s18;
	s4 =	sadd.s32 $0x1B0, s18;
	s8 =	sadd.s32 $0x1C0, s18;
	v45 =	vsub.s32 v45, v56;
	v56 =	vmul.u32 $0x1A, v60;
	v60 =	vmulhi.u32 $0x4EC4EC4F, v46  }
0x186: {  	v31 =	vor.u32 s1, v0;
	s1 =	sadd.s32 $0x1A0, s18;
	v26 =	vor.u32 s4, v0;
	v27 =	vor.u32 s8, v0;
	s4 =	sadd.s32 $0x1E0, s18  }
0x187: {  	v58 =	vld [tilespmem:$0x4020];
	s8 =	sadd.s32 $0x1F0, s18;
	v45 =	vmul.u32 $0x186A0, v45;
	v29 =	vor.u32 s1, v0;
	v23 =	vor.u32 s4, v0  }
0x188: {  	v24 =	vor.u32 s8, v0;
	v42 =	vadd.s32 v42, v55;
	v41 =	vadd.s32 v41, v57  }
0x189: {  	s1 =	sadd.s32 $0x1D0, s18;
	v55 =	vshrl.u32 v63, $0x3;
	v57 =	vshrl.u32 v61, $0x3;
	v51 =	vsub.s32 v51, v56  }
0x18a: {  	s4 =	sadd.s32 $0x210, s18;
	s8 =	sadd.s32 $0x220, s18;
	v62 =	vshrl.u32 v60, $0x3;
	v61 =	vmulhi.u32 $0x4EC4EC4F, v54;
	v25 =	vor.u32 s1, v0  }
0x18b: {  	v59 =	vld [tilespmem:$0x4030];
	v21 =	vor.u32 s4, v0;
	v19 =	vor.u32 s8, v0;
	v55 =	vmul.u32 $0x1A, v55  }
0x18c: {  	s1 =	sadd.s32 $0x200, s18;
	s4 =	sadd.s32 $0x240, s18;
	s8 =	sadd.s32 $0x250, s18;
	v45 =	vadd.s32 v45, v58;
	v57 =	vmul.u32 $0x1A, v57;
	v51 =	vmul.u32 $0x186A0, v51  }
0x18d: {  	v22 =	vor.u32 s1, v0;
	s1 =	sadd.s32 $0x230, s18;
	v18 =	vor.u32 s4, v0;
	v17 =	vor.u32 s8, v0;
	s4 =	sadd.s32 $0x260, s18  }
0x18e: {  	s8 =	sadd.s32 $0x270, s18;
	v61 =	vshrl.u32 v61, $0x3;
	v20 =	vor.u32 s1, v0;
	v16 =	vor.u32 s4, v0  }
0x18f: {  	v15 =	vor.u32 s8, v0;
	v55 =	vsub.s32 v47, v55;
	v48 =	vsub.s32 v48, v57  }
0x190: {  	v56 =	vld [tilespmem:$0x4040];
	s4 =	sadd.s32 $0x280, s18;
	s8 =	sadd.s32 $0x290, s18;
	v57 =	vmul.u32 $0x1A, v62;
	v47 =	vadd.s32 v51, v59;
	v62 =	vmulhi.u32 $0x4EC4EC4F, v52  }
0x191: {  	v58 =	vld [tilespmem:$0x4050];
	v59 =	vmulhi.u32 $0x4EC4EC4F, v49;
	v14 =	vor.u32 s4, v0;
	v13 =	vor.u32 s8, v0  }
0x192: {  	s4 =	sadd.s32 $0x2A0, s18;
	s8 =	sadd.s32 $0x2B0, s18;
	v63 =	vmul.u32 $0x186A0, v55;
	v48 =	vmul.u32 $0x186A0, v48;
	v55 =	vmul.u32 $0x1A, v61  }
0x193: {  	v11 =	vor.u32 s4, v0;
	v12 =	vor.u32 s8, v0;
	s4 =	sadd.s32 $0x2C0, s18;
	v46 =	vsub.s32 v46, v57  }
0x194: {  	s8 =	sadd.s32 $0x2D0, s18;
	v57 =	vshrl.u32 v62, $0x3;
	v62 =	vshrl.u32 v59, $0x3;
	v9 =	vor.u32 s4, v0  }
0x195: {  	v60 =	vld [tilespmem:$0x4060];
	v8 =	vor.u32 s8, v0;
	v51 =	vadd.s32 v63, v56;
	v46 =	vmul.u32 $0x186A0, v46  }
0x196: {  	s4 =	sadd.s32 $0x2E0, s18;
	s8 =	sadd.s32 $0x2F0, s18;
	v56 =	vld [tilespmem:$0x4070];
	v48 =	vadd.s32 v48, v58;
	v63 =	vmulhi.u32 $0x4EC4EC4F, v53;
	v54 =	vsub.s32 v54, v55  }
0x197: {  	v61 =	vmul.u32 $0x1A, v57;
	v10 =	vor.u32 s4, v0;
	v7 =	vor.u32 s8, v0;
	s4 =	sadd.s32 $0x300, s18  }
0x198: {  	v54 =	vmul.u32 $0x186A0, v54;
	[tilespmem:$0x4380] =	vst v51;
	v51 =	vmulhi.u32 $0x4EC4EC4F, v19;
	v6 =	vor.u32 s4, v0  }
0x199: {  	v57 =	vld [tilespmem:$0x4080];
	s8 =	sadd.s32 $0x310, s18;
	v58 =	vshrl.u32 v63, $0x3;
	v55 =	vsub.s32 v52, v61;
	v61 =	vmulhi.u32 $0x4EC4EC4F, v50  }
0x19a: {  	v4 =	vor.u32 s8, v0;
	v46 =	vadd.s32 v46, v60;
	v58 =	vmul.u32 $0x1A, v58  }
0x19b: {  	v60 =	vld [tilespmem:$0x4090];
	[tilespmem:$0x43A0] =	vst v46;
	v46 =	vmulhi.u32 $0x4EC4EC4F, v22;
	v63 =	vshrl.u32 v61, $0x3;
	v52 =	vadd.s32 v54, v56  }
0x19c: {  	v54 =	vmul.u32 $0x186A0, v55;
	v55 =	vmul.u32 $0x1A, v62;
	v62 =	vmulhi.u32 $0x4EC4EC4F, v43  }
0x19d: {  	v53 =	vsub.s32 v53, v58;
	v58 =	vmul.u32 $0x1A, v63;
	v63 =	vmulhi.u32 $0x4EC4EC4F, v44  }
0x19e: {  	v56 =	vld [tilespmem:$0x40A0];
	v59 =	vmul.u32 $0x186A0, v53;
	v53 =	vadd.s32 v54, v57;
	v57 =	vsub.s32 v49, v55  }
0x19f: {  	v61 =	vld [tilespmem:$0x40B0];
	v50 =	vsub.s32 v50, v58;
	v55 =	vshrl.u32 v63, $0x3;
	v63 =	vmulhi.u32 $0x4EC4EC4F, v37  }
0x1a0: {  	v49 =	vadd.s32 v59, v60;
	v54 =	vmul.u32 $0x186A0, v57;
	v59 =	vmulhi.u32 $0x4EC4EC4F, v40  }
0x1a1: {  	v50 =	vmul.u32 $0x186A0, v50;
	v60 =	vshrl.u32 v62, $0x3;
	[tilespmem:$0x43C0] =	vst v53;
	v53 =	vmulhi.u32 $0x4EC4EC4F, v20  }
0x1a2: {  	s8 =	sadd.s32 $0x320, s18;
	v55 =	vmul.u32 $0x1A, v55;
	v57 =	vmul.u32 $0x1A, v60;
	v60 =	vmulhi.u32 $0x4EC4EC4F, v38  }
0x1a3: {  	v3 =	vor.u32 s8, v0;
	v58 =	vld [tilespmem:$0x40C0];
	[tilespmem:$0x43D0] =	vst v49;
	v49 =	vmulhi.u32 $0x4EC4EC4F, v21;
	v54 =	vadd.s32 v54, v56  }
0x1a4: {  	v50 =	vadd.s32 v50, v61;
	v44 =	vsub.s32 v44, v55;
	v55 =	vmulhi.u32 $0x4EC4EC4F, v39  }
0x1a5: {  	v62 =	vshrl.u32 v59, $0x3;
	v43 =	vsub.s32 v43, v57;
	v57 =	vmul.u32 $0x186A0, v44  }
0x1a6: {  	v56 =	vld [tilespmem:$0x40D0];
	v61 =	vmul.u32 $0x1A, v62;
	v60 =	vshrl.u32 v60, $0x3;
	v43 =	vmul.u32 $0x186A0, v43  }
0x1a7: {  	[tilespmem:$0x43B0] =	vst v52;
	v62 =	vld [tilespmem:$0x40F0];
	v52 =	vshrl.u32 v49, $0x3;
	v49 =	vmulhi.u32 $0x4EC4EC4F, v15;
	v55 =	vshrl.u32 v55, $0x3  }
0x1a8: {  	s18 =	sadd.s32 $0x330, s18;
	v55 =	vmul.u32 $0x1A, v55;
	v44 =	vadd.s32 v43, v58;
	v58 =	vmul.u32 $0x1A, v60;
	v60 =	vld [tilespmem:$0x4100]  }
0x1a9: {  	v5 =	vor.u32 s18, v0;
	v40 =	vsub.s32 v40, v61;
	v61 =	vmulhi.u32 $0x4EC4EC4F, v36  }
0x1aa: {  	v59 =	vld [tilespmem:$0x40E0];
	v40 =	vmul.u32 $0x186A0, v40;
	v39 =	vsub.s32 v39, v55;
	v38 =	vsub.s32 v38, v58  }
0x1ab: {  	v55 =	vmul.u32 $0x186A0, v39;
	v58 =	vshrl.u32 v63, $0x3;
	v38 =	vmul.u32 $0x186A0, v38  }
0x1ac: {  	v43 =	vadd.s32 v57, v56;
	v57 =	vld [tilespmem:$0x4110];
	v63 =	vshrl.u32 v61, $0x3;
	v56 =	vmul.u32 $0x1A, v58  }
0x1ad: {  	v39 =	vadd.s32 v38, v62;
	v38 =	vadd.s32 v55, v60;
	v62 =	vmulhi.u32 $0x4EC4EC4F, v34  }
0x1ae: {  	v37 =	vsub.s32 v37, v56;
	v60 =	vmulhi.u32 $0x4EC4EC4F, v35;
	v56 =	vmul.u32 $0x1A, v63  }
0x1af: {  	v40 =	vadd.s32 v40, v59;
	v59 =	vld [tilespmem:$0x4120];
	v37 =	vmul.u32 $0x186A0, v37;
	v55 =	vshrl.u32 v62, $0x3  }
0x1b0: {  	v58 =	vshrl.u32 v60, $0x3;
	v60 =	vmulhi.u32 $0x4EC4EC4F, v33;
	v36 =	vsub.s32 v36, v56  }
0x1b1: {  	v55 =	vmul.u32 $0x1A, v55;
	v37 =	vadd.s32 v37, v57;
	v61 =	vmul.u32 $0x1A, v58  }
0x1b2: {  	v56 =	vld [tilespmem:$0x4130];
	v36 =	vmul.u32 $0x186A0, v36;
	v62 =	vshrl.u32 v60, $0x3;
	v60 =	vmulhi.u32 $0x4EC4EC4F, v32  }
0x1b3: {  	[tilespmem:$0x4450] =	vst v37;
	v37 =	vmulhi.u32 $0x4EC4EC4F, v10;
	v34 =	vsub.s32 v34, v55;
	v35 =	vsub.s32 v35, v61  }
0x1b4: {  	v57 =	vmul.u32 $0x1A, v62;
	v36 =	vadd.s32 v36, v59;
	v59 =	vmulhi.u32 $0x4EC4EC4F, v28  }
0x1b5: {  	v55 =	vld [tilespmem:$0x4140];
	v34 =	vmul.u32 $0x186A0, v34;
	v63 =	vshrl.u32 v60, $0x3;
	v60 =	vmulhi.u32 $0x4EC4EC4F, v31  }
0x1b6: {  	v58 =	vld [tilespmem:$0x4150];
	v35 =	vmul.u32 $0x186A0, v35;
	[tilespmem:$0x4460] =	vst v36;
	v36 =	vmulhi.u32 $0x4EC4EC4F, v8;
	v61 =	vmul.u32 $0x1A, v63  }
0x1b7: {  	v33 =	vsub.s32 v33, v57;
	v63 =	vmulhi.u32 $0x4EC4EC4F, v30;
	v34 =	vadd.s32 v34, v56  }
0x1b8: {  	v57 =	vld [tilespmem:$0x4160];
	v33 =	vmul.u32 $0x186A0, v33;
	v62 =	vshrl.u32 v60, $0x3;
	v32 =	vsub.s32 v32, v61  }
0x1b9: {  	v60 =	vshrl.u32 v63, $0x3;
	v61 =	vshrl.u32 v59, $0x3;
	[tilespmem:$0x4470] =	vst v34;
	v34 =	vmulhi.u32 $0x4EC4EC4F, v9  }
0x1ba: {  	v63 =	vmulhi.u32 $0x4EC4EC4F, v27;
	v35 =	vadd.s32 v35, v55;
	v55 =	vmul.u32 $0x1A, v62  }
0x1bb: {  	[tilespmem:$0x4440] =	vst v38;
	v56 =	vld [tilespmem:$0x4170];
	v33 =	vadd.s32 v33, v58;
	v32 =	vmul.u32 $0x186A0, v32;
	v38 =	vshrl.u32 v34, $0x3  }
0x1bc: {  	v31 =	vsub.s32 v31, v55;
	v55 =	vmul.u32 $0x1A, v60;
	v60 =	vmulhi.u32 $0x4EC4EC4F, v29  }
0x1bd: {  	[tilespmem:$0x4420] =	vst v40;
	v58 =	vld [tilespmem:$0x4180];
	v32 =	vadd.s32 v32, v57;
	v40 =	vmul.u32 $0x1A, v38;
	v31 =	vmul.u32 $0x186A0, v31  }
0x1be: {  	v30 =	vsub.s32 v30, v55;
	v55 =	vmul.u32 $0x1A, v61;
	v62 =	vshrl.u32 v60, $0x3  }
0x1bf: {  	[tilespmem:$0x4430] =	vst v39;
	v39 =	vld [tilespmem:$0x42C0];
	v61 =	vmulhi.u32 $0x4EC4EC4F, v26;
	v9 =	vsub.s32 v9, v40;
	v30 =	vmul.u32 $0x186A0, v30  }
0x1c0: {  	v57 =	vld [tilespmem:$0x4190];
	v59 =	vmul.u32 $0x1A, v62;
	v31 =	vadd.s32 v31, v56;
	v9 =	vmul.u32 $0x186A0, v9  }
0x1c1: {  	v28 =	vsub.s32 v28, v55;
	v62 =	vshrl.u32 v61, $0x3;
	v55 =	vshrl.u32 v63, $0x3  }
0x1c2: {  	v60 =	vld [tilespmem:$0x41A0];
	v61 =	vmulhi.u32 $0x4EC4EC4F, v25;
	v30 =	vadd.s32 v30, v58;
	v28 =	vmul.u32 $0x186A0, v28  }
0x1c3: {  	v29 =	vsub.s32 v29, v59;
	v63 =	vmul.u32 $0x1A, v62;
	v55 =	vmul.u32 $0x1A, v55  }
0x1c4: {  	v62 =	vmulhi.u32 $0x4EC4EC4F, v23;
	v9 =	vadd.s32 v9, v39;
	v29 =	vmul.u32 $0x186A0, v29  }
0x1c5: {  	[tilespmem:$0x4350] =	vst v41;
	v56 =	vld [tilespmem:$0x41B0];
	v58 =	vshrl.u32 v61, $0x3;
	v28 =	vadd.s32 v28, v57;
	v26 =	vsub.s32 v26, v63  }
0x1c6: {  	v41 =	vld [tilespmem:$0x41C0];
	[tilespmem:$0x4360] =	vst v45;
	v27 =	vsub.s32 v27, v55;
	v63 =	vmulhi.u32 $0x4EC4EC4F, v24;
	v45 =	vmul.u32 $0x1A, v58  }
0x1c7: {  	[tilespmem:$0x4340] =	vst v42;
	v29 =	vadd.s32 v29, v60;
	v26 =	vmul.u32 $0x186A0, v26;
	v27 =	vmul.u32 $0x186A0, v27  }
0x1c8: {  	v60 =	vshrl.u32 v62, $0x3;
	[tilespmem:$0x44D0] =	vst v28;
	v28 =	vmulhi.u32 $0x4EC4EC4F, v12;
	v42 =	vshrl.u32 v63, $0x3  }
0x1c9: {  	v62 =	vmul.u32 $0x1A, v60;
	v25 =	vsub.s32 v25, v45;
	v45 =	vshrl.u32 v53, $0x3  }
0x1ca: {  	v59 =	vld [tilespmem:$0x41D0];
	v53 =	vmulhi.u32 $0x4EC4EC4F, v14;
	v26 =	vadd.s32 v26, v56;
	v42 =	vmul.u32 $0x1A, v42  }
0x1cb: {  	v27 =	vadd.s32 v27, v41;
	v25 =	vmul.u32 $0x186A0, v25;
	v41 =	vshrl.u32 v46, $0x3  }
0x1cc: {  	v46 =	vshrl.u32 v51, $0x3;
	v56 =	vmulhi.u32 $0x4EC4EC4F, v18;
	v58 =	vmul.u32 $0x1A, v45  }
0x1cd: {  	v45 =	vmulhi.u32 $0x4EC4EC4F, v16;
	v23 =	vsub.s32 v23, v62;
	v41 =	vmul.u32 $0x1A, v41  }
0x1ce: {  	v61 =	vld [tilespmem:$0x41E0];
	v55 =	vmul.u32 $0x1A, v46;
	[tilespmem:$0x44F0] =	vst v26;
	v26 =	vshrl.u32 v28, $0x3;
	v24 =	vsub.s32 v24, v42  }
0x1cf: {  	[tilespmem:$0x4370] =	vst v47;
	v23 =	vmul.u32 $0x186A0, v23;
	v25 =	vadd.s32 v25, v59;
	v60 =	vshrl.u32 v56, $0x3  }
0x1d0: {  	[tilespmem:$0x4390] =	vst v48;
	v63 =	vld [tilespmem:$0x41F0];
	v20 =	vsub.s32 v20, v58;
	v56 =	vmulhi.u32 $0x4EC4EC4F, v13;
	v26 =	vmul.u32 $0x1A, v26  }
0x1d1: {  	[tilespmem:$0x43E0] =	vst v54;
	v24 =	vmul.u32 $0x186A0, v24;
	v22 =	vsub.s32 v22, v41;
	v41 =	vmul.u32 $0x1A, v52  }
0x1d2: {  	v48 =	vld [tilespmem:$0x4200];
	[tilespmem:$0x43F0] =	vst v50;
	v19 =	vsub.s32 v19, v55;
	v20 =	vmul.u32 $0x186A0, v20;
	v52 =	vshrl.u32 v49, $0x3  }
0x1d3: {  	[tilespmem:$0x4400] =	vst v44;
	v57 =	vld [tilespmem:$0x4220];
	v49 =	vmulhi.u32 $0x4EC4EC4F, v6;
	v23 =	vadd.s32 v23, v61;
	v22 =	vmul.u32 $0x186A0, v22  }
0x1d4: {  	[tilespmem:$0x4410] =	vst v43;
	v61 =	vmul.u32 $0x1A, v60;
	v19 =	vmul.u32 $0x186A0, v19;
	v60 =	vshrl.u32 v56, $0x3  }
0x1d5: {  	[tilespmem:$0x4480] =	vst v35;
	v12 =	vsub.s32 v12, v26;
	v56 =	vmulhi.u32 $0x4EC4EC4F, v5;
	v24 =	vadd.s32 v24, v63  }
0x1d6: {  	[tilespmem:$0x4490] =	vst v33;
	v59 =	vld [tilespmem:$0x4230];
	v21 =	vsub.s32 v21, v41;
	v63 =	vmulhi.u32 $0x4EC4EC4F, v17;
	v12 =	vmul.u32 $0x186A0, v12  }
0x1d7: {  	v35 =	vld [tilespmem:$0x42B0];
	[tilespmem:$0x44A0] =	vst v32;
	v41 =	vshrl.u32 v36, $0x3;
	v22 =	vadd.s32 v22, v48;
	v21 =	vmul.u32 $0x186A0, v21  }
0x1d8: {  	v54 =	vld [tilespmem:$0x4210];
	[tilespmem:$0x44B0] =	vst v31;
	v18 =	vsub.s32 v18, v61;
	v19 =	vadd.s32 v19, v57;
	v48 =	vshrl.u32 v45, $0x3  }
0x1d9: {  	[tilespmem:$0x44C0] =	vst v30;
	v57 =	vshrl.u32 v53, $0x3;
	v61 =	vmul.u32 $0x1A, v60;
	v43 =	vmul.u32 $0x1A, v41  }
0x1da: {  	[tilespmem:$0x4600] =	vst v9;
	v62 =	vld [tilespmem:$0x4240];
	v53 =	vmulhi.u32 $0x4EC4EC4F, v3;
	v44 =	vshrl.u32 v63, $0x3;
	v18 =	vmul.u32 $0x186A0, v18  }
0x1db: {  	[tilespmem:$0x44E0] =	vst v29;
	v20 =	vadd.s32 v20, v59;
	v50 =	vmul.u32 $0x1A, v48;
	v58 =	vmul.u32 $0x1A, v57  }
0x1dc: {  	v63 =	vmulhi.u32 $0x4EC4EC4F, v11;
	[tilespmem:$0x4540] =	vst v22;
	v22 =	vshrl.u32 v37, $0x3;
	v12 =	vadd.s32 v12, v35  }
0x1dd: {  	[tilespmem:$0x4500] =	vst v27;
	v21 =	vadd.s32 v21, v54;
	v46 =	vmul.u32 $0x1A, v44;
	v54 =	vmul.u32 $0x1A, v52  }
0x1de: {  	v47 =	vld [tilespmem:$0x4250];
	[tilespmem:$0x4510] =	vst v25;
	v13 =	vsub.s32 v13, v61;
	v44 =	vmul.u32 $0x1A, v22;
	v8 =	vsub.s32 v8, v43  }
0x1df: {  	v51 =	vld [tilespmem:$0x4260];
	[tilespmem:$0x4520] =	vst v23;
	v52 =	vshrl.u32 v49, $0x3;
	v61 =	vshrl.u32 v56, $0x3;
	v18 =	vadd.s32 v18, v62  }
0x1e0: {  	v42 =	vld [tilespmem:$0x42D0];
	[tilespmem:$0x4530] =	vst v24;
	v16 =	vsub.s32 v16, v50;
	v14 =	vsub.s32 v14, v58;
	v13 =	vmul.u32 $0x186A0, v13  }
0x1e1: {  	v59 =	vld [tilespmem:$0x4280];
	[tilespmem:$0x4560] =	vst v19;
	v29 =	vshrl.u32 v63, $0x3;
	v8 =	vmul.u32 $0x186A0, v8;
	v50 =	vmulhi.u32 $0x4EC4EC4F, v4  }
0x1e2: {  	v55 =	vld [tilespmem:$0x4270];
	[tilespmem:$0x4570] =	vst v20;
	v17 =	vsub.s32 v17, v46;
	v16 =	vmul.u32 $0x186A0, v16;
	v15 =	vsub.s32 v15, v54  }
0x1e3: {  	v45 =	vld [tilespmem:$0x42E0];
	[tilespmem:$0x45F0] =	vst v12;
	v14 =	vmul.u32 $0x186A0, v14;
	v32 =	vmul.u32 $0x1A, v29;
	v46 =	vmulhi.u32 $0x4EC4EC4F, v7  }
0x1e4: {  	[tilespmem:$0x4550] =	vst v21;
	v10 =	vsub.s32 v10, v44;
	v54 =	vmul.u32 $0x1A, v52;
	v17 =	vmul.u32 $0x186A0, v17  }
0x1e5: {  	v62 =	vld [tilespmem:$0x4290];
	[tilespmem:$0x4580] =	vst v18;
	v15 =	vmul.u32 $0x186A0, v15;
	v10 =	vmul.u32 $0x186A0, v10;
	v8 =	vadd.s32 v8, v42  }
0x1e6: {  	v16 =	vadd.s32 v16, v51;
	v14 =	vadd.s32 v14, v59;
	v11 =	vsub.s32 v11, v32;
	[tilespmem:$0x4610] =	vst v8  }
0x1e7: {  	v33 =	vld [tilespmem:$0x42A0];
	v6 =	vsub.s32 v6, v54;
	v17 =	vadd.s32 v17, v47;
	v15 =	vadd.s32 v15, v55;
	[tilespmem:$0x45A0] =	vst v16  }
0x1e8: {  	v11 =	vmul.u32 $0x186A0, v11;
	v47 =	vshrl.u32 v46, $0x3;
	[tilespmem:$0x45C0] =	vst v14;
	v10 =	vadd.s32 v10, v45;
	v55 =	vld [tilespmem:$0x4300]  }
0x1e9: {  	v51 =	vld [tilespmem:$0x42F0];
	v14 =	vshrl.u32 v50, $0x3;
	v16 =	vshrl.u32 v53, $0x3;
	[tilespmem:$0x4590] =	vst v17;
	v48 =	vmul.u32 $0x1A, v47  }
0x1ea: {  	v58 =	vld [tilespmem:$0x4310];
	v6 =	vmul.u32 $0x186A0, v6;
	v13 =	vadd.s32 v13, v62;
	[tilespmem:$0x45B0] =	vst v15;
	v57 =	vmul.u32 $0x1A, v14  }
0x1eb: {  	v60 =	vld [tilespmem:$0x4320];
	v59 =	vmul.u32 $0x1A, v16;
	v62 =	vmul.u32 $0x1A, v61;
	[tilespmem:$0x4620] =	vst v10;
	v7 =	vsub.s32 v7, v48  }
0x1ec: {  	v63 =	vld [tilespmem:$0x4330];
	v11 =	vadd.s32 v11, v33;
	[tilespmem:$0x45D0] =	vst v13;
	v4 =	vsub.s32 v4, v57;
	v7 =	vmul.u32 $0x186A0, v7  }
0x1ed: {  	[tilespmem:$0x45E0] =	vst v11;
	v3 =	vsub.s32 v3, v59;
	v4 =	vmul.u32 $0x186A0, v4;
	v6 =	vadd.s32 v6, v55  }
0x1ee: {  	v5 =	vsub.s32 v5, v62;
	v3 =	vmul.u32 $0x186A0, v3;
	v7 =	vadd.s32 v7, v51;
	[tilespmem:$0x4640] =	vst v6  }
0x1ef: {  	v5 =	vmul.u32 $0x186A0, v5;
	v4 =	vadd.s32 v4, v58;
	[tilespmem:$0x4630] =	vst v7  }
0x1f0: {  	v3 =	vadd.s32 v3, v60;
	[tilespmem:$0x4650] =	vst v4  }
0x1f1: {  	[tilespmem:$0x4660] =	vst v3;
	v3 =	vadd.s32 v5, v63  }
0x1f2: {  	[tilespmem:$0x4670] =	vst v3  }
0x1f3: {  	[tilespmem:s25], [sflag:$0x1] =	stream.indirect.gather [hbm4b:s7+s23], $0x20, s11, s23, $0xb8;
	[tilespmem:$0xB0D0] =	vst v63  }
0x1f4: {  	s4 =	simm.s32 $0x5680  }
0x1f5: {  	[tilespmem:s4], [sflag:$0x1] =	stream.indirect.gather [hbm4b:s7+s23], $0x20, s15, s23, $0xb8;
	[tilespmem:$0xB0D0] =	vst v63  }
0x1f6: {  	s8 =	simm.s32 $0x4440;
	s18 =	simm.s32 $0x6680  }
0x1f7: {  	[tilespmem:s18], [sflag:$0x1] =	stream.indirect.gather [hbm4b:s7+s23], $0x20, s8, s23, $0xb8;
	[tilespmem:$0xB0D0] =	vst v63  }
0x1f8: {  	s8 =	simm.s32 $0x44C0;
	s18 =	simm.s32 $0x7680  }
0x1f9: {  	[tilespmem:s18], [sflag:$0x1] =	stream.indirect.gather [hbm4b:s7+s23], $0x20, s8, s23, $0xb8;
	[tilespmem:$0xB0D0] =	vst v63  }
0x1fa: {  	s8 =	simm.s32 $0x4540;
	s18 =	simm.s32 $0x8680  }
0x1fb: {  	[tilespmem:s18], [sflag:$0x1] =	stream.indirect.gather [hbm4b:s7+s23], $0x20, s8, s23, $0xb8;
	[tilespmem:$0xB0D0] =	vst v63  }
0x1fc: {  	s8 =	simm.s32 $0x45C0;
	s18 =	simm.s32 $0x9680  }
0x1fd: {  	[tilespmem:s18], [sflag:$0x1] =	stream.indirect.gather [hbm4b:s7+s23], $0x20, s8, s23, $0xb8;
	[tilespmem:$0xB0D0] =	vst v63  }
0x1fe: {  	s4 =	simm.s32 $0x40;
	s8 =	simm.s32 $0x4640;
	s18 =	simm.s32 $0xA680  }
0x1ff: {  	[tilespmem:s18], [sflag:$0x1] =	stream.indirect.gather [hbm4b:s7+s4], $0x20, s8, s4, $0xb8;
	[tilespmem:$0xB0D0] =	vst v63  }
0x200: {  	_ =	swait.ge [sflag:s20], $0x1000  }
0x201: {  	[sflag:s20] =	ssyncset.done $0x0  }
0x202: {  	[sflag:s20] =	ssyncadd.s32 $0xFFFFF000  }
0x203: {  	_ =	swait.ge [sflag:s20], $0x1000  }
0x204: {  	[sflag:s20] =	ssyncset.done $0x0  }
0x205: {  	[sflag:s20] =	ssyncadd.s32 $0xFFFFF000  }
0x206: {  	_ =	swait.ge [sflag:s20], $0x1000  }
0x207: {  	[sflag:s20] =	ssyncset.done $0x0  }
0x208: {  	[sflag:s20] =	ssyncadd.s32 $0xFFFFF000  }
0x209: {  	_ =	swait.ge [sflag:s20], $0x1000  }
0x20a: {  	[sflag:s20] =	ssyncset.done $0x0  }
0x20b: {  	[sflag:s20] =	ssyncadd.s32 $0xFFFFF000  }
0x20c: {  	_ =	swait.ge [sflag:s20], $0x1000  }
0x20d: {  	[sflag:s20] =	ssyncset.done $0x0  }
0x20e: {  	[sflag:s20] =	ssyncadd.s32 $0xFFFFF000  }
0x20f: {  	_ =	swait.ge [sflag:s20], $0x1000  }
.Ltmp7:
0x210: {  	[sflag:s20] =	ssyncset.done $0x0;
	(pc) =	sbr.rel @p1 .LBB2_12-.Ltmp7, $4  }
0x211: {  	[sflag:s20] =	ssyncadd.s32 $0xFFFFF000  }
0x212: {  	_ =	swait.ge [sflag:s20], $0x800  }
0x213: {  	[sflag:s20] =	ssyncset.done $0x0  }
0x214: {  	[sflag:s20] =	ssyncadd.s32 $0xFFFFF800  }
0x215: {  	s1 =	smulhi.u32 $0x4EC4EC4F, s31;
	_ =	sdelay $0x1  }
0x216: {  	s1 =	sshrl.u32 s1, $0x3  }
0x217: {  	s1 =	smul.u32 $0xFFFFF980, s1;
	_ =	sdelay $0x1  }
0x218: {  	s1 =	sshra.s32 s1, $0x2  }
0x219: {  	s1 =	sadd.s32 s1, s21  }
0x21a: {  	v4 =	vld [tilespmem:s1+$0x0];
	_ =	sdelay $0x4  }
0x21b: {  	(v2sf) =	vpush v4, $0x0;
	_ =	sdelay $0x9  }
0x21c: {  	s4 =	simm.s32 $0x0  }
0x21d: {  	v3 =	vld [tilespmem:s4+$0x4690]  }
0x21e: {  	s15 =	smov.u32 s9;
	s10 =	sadd.s32 $0x1, s31;
	s18 =	simm.s32 $0x80;
	v4 =	vld [tilespmem:s4+$0x4680]  }
0x21f: {  	s11 =	simm.s32 $0x100;
	s8 =	smulhi.u32 $0x4EC4EC4F, s10;
	s1 =	smov.u32 s21  }
.LBB2_10:
0x220: {  	p2 =	sne.s32 s11, $0x19F80  }
0x221: {  	s8 =	sshrl.u32 s8, $0x3;
	s9 =	spop (v2sf)  }
0x222: {  	s8 =	smul.u32 $0xFFFFF980, s8;
	p3 =	seq.s32 s9, $0x0  }
0x223: {  	v4 =	vpsel p3, v1, v4;
	v3 =	vpsel p3, v2, v3  }
0x224: {  	s1 =	sadd.s32 $0x10, s1;
	s8 =	sshra.s32 s8, $0x2;
	[tilespmem:s4+$0x4680] =	vst v4  }
0x225: {  	s8 =	sadd.s32 s8, s1;
	[tilespmem:s4+$0x4690] =	vst v3  }
0x226: {  	v3 =	vld [tilespmem:s8+$0x0];
	_ =	sdelay $0x4  }
0x227: {  	(v2sf) =	vpush v3, $0x0;
	_ =	sdelay $0x8  }
.Ltmp8:
0x228: {  	(pc) =	sbr.rel @p2 .LBB2_10-.Ltmp8, $4  }
0x229: {  	s4 =	sshra.s32 s18, $0x2;
	s18 =	smov.u32 s11  }
0x22a: {  	v3 =	vld [tilespmem:s4+$0x4690]  }
0x22b: {  	s10 =	sadd.s32 $0x1, s10;
	v4 =	vld [tilespmem:s4+$0x4680]  }
0x22c: {  	s11 =	sadd.s32 $0x80, s11;
	s8 =	smulhi.u32 $0x4EC4EC4F, s10  }
0x22d: {  	_ = 	snop  }
0x22e: {  	s8 =	sshrl.u32 s8, $0x3;
	s9 =	spop (v2sf)  }
0x22f: {  	s8 =	smul.u32 $0xFFFFF980, s8;
	p2 =	seq.s32 s9, $0x0  }
0x230: {  	v4 =	vpsel p2, v1, v4  }
0x231: {  	s1 =	sadd.s32 $0x10, s1;
	v3 =	vpsel p2, v2, v3;
	s8 =	sshra.s32 s8, $0x2;
	[tilespmem:s4+$0x4680] =	vst v4  }
0x232: {  	[tilespmem:s4+$0x4690] =	vst v3;
	s1 =	sadd.s32 s8, s1  }
0x233: {  	v3 =	vld [tilespmem:s1+$0x0];
	_ =	sdelay $0x4  }
0x234: {  	(v2sf) =	vpush v3, $0x0;
	_ =	sdelay $0xa  }
0x235: {  	s11 =	sshra.s32 s18, $0x2  }
0x236: {  	v3 =	vld [tilespmem:s11+$0x4680]  }
0x237: {  	v4 =	vld [tilespmem:s11+$0x4690];
	_ =	sdelay $0x1  }
.Ltmp9:
0x238: {  	s18 =	spop (v2sf);
	(pc) =	sbr.rel .LBB2_12-.Ltmp9, $4  }
0x239: {  	p6 =	seq.s32 s18, $0x0  }
0x23a: {  	v3 =	vpsel p6, v1, v3  }
0x23b: {  	s10 =	simm.s32 $0x4000;
	v4 =	vpsel p6, v2, v4;
	[tilespmem:s11+$0x4680] =	vst v3  }
0x23c: {  	s9 =	smov.u32 s15;
	s15 =	simm.s32 $0x43C0;
	[tilespmem:s11+$0x4690] =	vst v4;
	s11 =	simm.s32 $0x4340  }
.LBB2_14:
0x23d: {  	_ =	sfence.sel $0x180000  }
0x23e: {  	[bflag:$0x0] =	sbarrier.arrive $0xFFFF  }
0x23f: {  	_ =	strace $0x90000047  }
0x240: {  	s0 =	stileid.u32;
	[bflag:$0x2] =	sbarrier.arrive $0xFFFF  }
0x241: {  	p0 =	sne.s32 s0, $0x0;
	s0 =	rddreg [dreg:$0x6]  }
0x242: {  	s0 =	sadd.s32 @!p0 $0x100000, s0  }
0x243: {  	[sflag:s0] =	ssyncadd.tile.s32 @!p0 $0x1;
	_ =	shalt  }
.Lfunc_end2:
_tile_overlayer_lowered:
.L_overlay_start_2:
0x244: {  	(tag) =	ssettag $0x2  }
0x245: {  	s0 =	rddreg [dreg:$0x0];
	s2 =	stileid.u32  }
0x246: {  	s1 =	rddreg [dreg:$0x1];
	p0 =	sne.s32 s2, $0x0  }
0x247: {  	s3 =	rddreg [dreg:$0x2];
	[bflag:$0x3] =	sbarrier.arrive $0xFFFF;
	s2 =	simm.s32 @!p0 $0x1C03  }
0x248: {  	[timem:s3], [sflag:s2] =	dma.local @!p0 [hbm:s0], s1  }
0x249: {  	s0 =	simm.s32 @!p0 $0x3  }
0x24a: {  	_ =	swait.ge @!p0 [sflag:s0], s1  }
0x24b: {  	s1 =	ssub.s32 @!p0 $0x0, s1;
	[sflag:s0] =	ssyncset.done @!p0 $0x0  }
0x24c: {  	[sflag:s0] =	ssyncadd.s32 @!p0 s1  }
0x24d: {  	[bflag:$0x3] =	sbarrier.arrive $0xFFFF  }
0x24e: {  	_ =	shalt  }

// kernel: sparse-core-data-format-call.cloned.1.call-start
scs
called_computation_lowered:
.L_overlay_start_0:
0x0: {  	s2 =	sld [smem:$0x3FD9]  }
0x1: {  	s3 =	sld [smem:$0x3FFE];
	_ =	sdelay $0x1  }
0x2: {  	s1 =	srdreg.scid  }
0x3: {  	s0 =	sand.u32 $0x1, s1  }
0x4: {  	s18 =	sshll.u32 s0, $0xA;
	s2 =	sadd.s32 s3, s2  }
0x5: {  	s2 =	sadd.s32 s2, s18  }
0x6: {  	[smem:$0x3FC4] =	sst s2  }
0x7: {  	_ = 	snop  }
0x8: {  	s2 =	sld [smem:$0x3FD0];
	(tm) =	ssettm $0x1  }
0x9: {  	s19 =	sld [smem:$0x3FFB];
	_ =	sdelay $0x3  }
0xa: {  	_ =	strace s19  }
0xb: {  	s3 =	sld [smem:$0x3FFC];
	_ =	sdelay $0x3  }
0xc: {  	_ =	strace s3  }
0xd: {  	s3 =	sld [smem:$0x3FFD];
	_ =	sdelay $0x3  }
0xe: {  	_ =	strace s3  }
0xf: {  	_ =	strace $0x8FFFFFFF  }
0x10: {  	s20 =	sld [smem:$0x3FDB];
	_ =	sdelay $0x1  }
0x11: {  	s4 =	simm.s32 $_scs_section_size  }
0x12: {  	s5 =	simm.s32 $_size__tile_overlayer_lowered;
	s6 =	simm.s32 $_tile_overlayer_lowered  }
0x13: {  	s23 =	simm.s32 $0x1BFF;
	s22 =	sshll.u32 s6, $0x1;
	s3 =	sadd.s32 s4, s20  }
0x14: {  	s7 =	simm.s32 $0x0;
	s21 =	sshll.u32 s5, $0x1;
	s5 =	sadd.s32 s22, s3  }
0x15: {  	[timem:s7], [sflag:s23] =	dma.local [hbm:s5], s21  }
0x16: {  	_ =	swait.ge [sflag:s23], s21  }
0x17: {  	s4 =	ssub.s32 $0x0, s21;
	[sflag:s23] =	ssyncset.done $0x0  }
0x18: {  	[sflag:s23] =	ssyncadd.s32 s4;
	_ =	sdelay $0x1  }
0x19: {  	s24 =	simm.s32 $0x1B8B  }
0x1a: {  	_ =	swait.ge [sflag:s24], $0x1  }
0x1b: {  	[sflag:s24] =	ssyncset.done $0x0  }
0x1c: {  	s26 =	simm.s32 $0x1B8E;
	s25 =	sld [smem:$0x3FFE];
	[sflag:s24] =	ssyncadd.s32 $0xFFFFFFFF  }
0x1d: {  	s27 =	simm.s32 $execute0_lowered;
	[smem:$0x3FD2] =	sst s26  }
0x1e: {  	s5 =	sshll.u32 s27, $0x1;
	_ =	strace $0x80000049;
	[dreg:$0x1] =	wrdreg $0xFFFFFFFF  }
0x1f: {  	s28 =	simm.s32 $_size_execute0_lowered;
	s3 =	sadd.s32 s3, s5;
	[dreg:$0x0] =	wrdreg $0x0  }
0x20: {  	s5 =	sshll.u32 s28, $0x1;
	[dreg:$0x2] =	wrdreg s3  }
0x21: {  	[dreg:$0x3] =	wrdreg s5  }
0x22: {  	[dreg:$0x4] =	wrdreg $0xC0  }
0x23: {  	_ =	task [dreg:s7], $0x5FFFF  }
0x24: {  	[dreg:$0x1] =	wrdreg $0xFFFFFFFF  }
0x25: {  	[dreg:$0x0] =	wrdreg $0x60  }
0x26: {  	[dreg:$0x2] =	wrdreg s25  }
0x27: {  	[dreg:$0x3] =	wrdreg s2  }
0x28: {  	[dreg:$0x4] =	wrdreg $0x9  }
0x29: {  	_ =	task.clear_ibuf [dreg:s7], $0x5FFFF;
	_ =	strace $0x90000049  }
0x2a: {  	s29 =	simm.s32 $0x9;
	_ =	strace $0x8000004B  }
0x2b: {  	_ =	swait.ge [sflag:s29], $0x1  }
0x2c: {  	[sflag:s29] =	ssyncadd.s32 $0xFFFFFFFF  }
0x2d: {  	_ =	strace $0x9000004B  }
0x2e: {  	_ =	sfence  }
0x2f: {  	s30 =	sld [smem:$0x0];
	_ =	sdelay $0x2  }
0x30: {  	s31 =	sshll.u32 s1, $0xD;
	s1 =	sshrl.u32 s1, $0x2  }
0x31: {  	s3 =	sand.u32 $0x4000, s31;
	s1 =	sadd.s32 s1, s30  }
0x32: {  	s0 =	sor.u32 s3, s0;
	s1 =	sshll.u32 s1, $0x11  }
0x33: {  	s0 =	sor.u32 s1, s0  }
0x34: {  	s0 =	sadd.s32 $0x8F2B, s0  }
0x35: {  	[sflag:s0] =	ssyncadd.remote.s32 $0x1  }
0x36: {  	_ =	sfence.sel $0xFFFF  }
0x37: {  	[dreg:$0x0] =	wrdreg $0xFFFFFFFF;
	(pc) =	sbr.abs _section_cstart, $3  }
0x38: {  	[dreg:$0x1] =	wrdreg $0xFFFFFFFF  }
0x39: {  	_ =	task.clear_ibuf [dreg:s7], $0x2FFFF;
	_ =	strace $0x9FFFFFFF  }
0x3a: {  	(tm) =	ssettm $0x7FFFFFFF  }
0x3b: {  	_ =	shalt  }
tec
execute0_lowered:
.L_overlay_start_1:
0x0: {  	(tag) =	ssettag $0x1  }
0x1: {  	s0 =	srdreg.scid  }
0x2: {  	s1 =	sshll.u32 s0, $0x4  }
0x3: {  	s0 =	stileid.u32;
	s1 =	sand.u32 $0x10, s1  }
0x4: {  	s1 =	sor.u32 s0, s1  }
0x5: {  	s6 =	rddreg [dreg:$0x0];
	s4 =	simm.s32 $0x1;
	s2 =	sshll.u32 s1, $0x7  }
0x6: {  	s7 =	simm.s32 $0x2;
	s12 =	simm.s32 $0x0;
	s1 =	ssub.s32 $0x4000, s2  }
0x7: {  	s8 =	simm.s32 $0x20000;
	s13 =	simm.s32 $0x0;
	s3 =	sand.u32 $0xF80, s1  }
0x8: {  	s9 =	simm.s32 $0x0;
	s5 =	sshrl.u32 s1, $0xC;
	p0 =	sne.s32 s3, $0x0  }
.Ltmp0:
0x9: {  	s1 =	rddreg [dreg:$0x2];
	s4 =	simm.s32 @!p0 $0x0;
	(pc) =	sbr.rel .LBB1_1-.Ltmp0, $4  }
0xa: {  	s11 =	simm.s32 $0x0;
	s3 =	rddreg [dreg:$0x1];
	s5 =	sadd.s32 s4, s5  }
0xb: {  	_ =	strace $0x8000004A;
	s4 =	simm.s32 $0x1;
	s5 =	smul.u32 $0x1A, s5  }
0xc: {  	s6 =	sadd.s32 $0x800, s6;
	s10 =	smov.u32 s2;
	[sflag:s4] =	ssyncpa.u1 $0x0  }
0xd: {  	p0 =	por $0x0, $0x0;
	[sflag:s7] =	ssyncpa.u1 $0x0;
	s7 =	sor.u32 $0x1, s5  }
.LBB1_4:
0xe: {  	s16 =	sshll.u32 s13, $0x3;
	s17 =	sand.u32 $0x78, s13  }
0xf: {  	s30 =	sand.u32 $0xF800, s13;
	s12 =	sshll.u32 s12, $0x10;
	s16 =	sand.u32 $0x3C00, s16  }
0x10: {  	s31 =	sand.u32 $0x7, s13;
	s16 =	sor.u32 s17, s16;
	s17 =	sadd.s32 s3, s30  }
0x11: {  	s13 =	sshll.u32 s31, $0x12;
	s16 =	sshrl.u32 s16, $0x3;
	s12 =	sadd.s32 s12, s17  }
0x12: {  	[tilespmem:s15+$0x0 ss:$0x81] =	vst.msk $0xffff, v0;
	s13 =	sor.u32 $0x400, s13;
	s12 =	sadd.s32 s16, s12  }
0x13: {  	[hbm4b:s12+s13] =	stream.strided.scatter [tilespmem:s14], [sflag:$0x2], $0x1000, s8, s13, $0x20;
	[tilespmem:$0x4040] =	vst v63  }
.LBB1_5:
0x14: {  	s14 =	sadd.s32 $0x1, s9  }
0x15: {  	s12 =	sadd.s32 $0x1000, s10;
	s16 =	smov.u32 s10;
	p2 =	sgt.s32 s14, $0x19  }
0x16: {  	s16 =	smov.u32 @p2 s12  }
0x17: {  	s14 =	simm.s32 @p2 $0x0;
	p2 =	sgt.s32 s16, $0x3FFF  }
0x18: {  	s16 =	smov.u32 @p2 s2;
	p2 =	sne.s32 s11, s7  }
.Ltmp1:
0x19: {  	p1 =	slt.u32 s11, $0x2;
	(pc) =	sbr.rel @!p2 .LBB1_6-.Ltmp1, $4  }
0x1a: {  	s15 =	simm.s32 @!p1 $0x2  }
0x1b: {  	s13 =	smov.u32 s10;
	p0 =	por !p0, !p0;
	_ =	swait.ge @!p1 [sflag:s15], $0x1000  }
0x1c: {  	s12 =	smov.u32 s9;
	[sflag:s15] =	ssyncset.done @!p1 $0x0;
	s9 =	smov.u32 s14  }
0x1d: {  	s11 =	sadd.s32 $0x1, s11;
	[sflag:s15] =	ssyncadd.s32 @!p1 $0xFFFFF000;
	s10 =	smov.u32 s16  }
.LBB1_1:
0x1e: {  	p1 =	sge.u32 s11, s5  }
0x1f: {  	s31 =	sadd.s32 $0xFFFFFFFF, s11;
	s14 =	sxor.u32 @!p1 $0xFFFFFFFF, s11  }
0x20: {  	s15 =	sshll.u32 @!p1 s10, $0x9;
	s16 =	sshll.u32 @!p1 s9, $0x4;
	s17 =	simm.s32 @!p1 $0x1000  }
0x21: {  	s14 =	sshll.u32 @!p1 s14, $0xC;
	s16 =	sand.u32 @!p1 $0x1F0, s16;
	s15 =	sadd.s32 @!p1 s6, s15  }
0x22: {  	s14 =	sand.u32 @!p1 $0x1000, s14;
	s15 =	sadd.s32 @!p1 s16, s15;
	s16 =	simm.s32 @!p1 $0x20  }
0x23: {  	[tilespmem:s14], [sflag:$0x1] =	stream.strided.gather @!p1 [hbm4b:s15+s16], $0x1000, s17, s16, $0x38;
	[tilespmem:$0x4040] =	vst v63  }
0x24: {  	p1 =	sge.u32 s31, s5  }
.Ltmp2:
0x25: {  	_ = 	snop;
	(pc) =	sbr.rel @p1 .LBB1_5-.Ltmp2, $1  }
0x26: {  	_ =	sdelay $0x3  }
0x27: {  	s14 =	simm.s32 $0x1  }
0x28: {  	_ =	swait.ge [sflag:s4], $0x1000;
	s14 =	simm.s32 @!p0 $0x0  }
0x29: {  	[sflag:s4] =	ssyncset.done $0x0;
	s15 =	sshll.u32 s14, $0xC  }
0x2a: {  	[sflag:s4] =	ssyncadd.s32 $0xFFFFF000;
	s18 =	sor.u32 $0x10, s15  }
0x2b: {  	s14 =	smul.u32 $0x4080, s14;
	v1 =	vld [tilespmem:s18+$0x0]  }
0x2c: {  	s30 =	sand.u32 $0x1, s11;
	v0 =	vld [tilespmem:s18+$0xFFFFFFF0]  }
0x2d: {  	s15 =	smul.u32 $0x4080, s30;
	s14 =	sshrl.u32 s14, $0x2  }
0x2e: {  	s16 =	sor.u32 $0x2000, s14  }
0x2f: {  	s31 =	sshrl.u32 s15, $0x2;
	s15 =	sadd.s32 $0x0, s16  }
0x30: {  	s17 =	simm.s32 $0x4;
	s18 =	sadd.s32 $0x20, s18;
	s14 =	sor.u32 $0x2000, s31;
	[tilespmem:s15+$0x810 ss:$0x81] =	vst.msk $0xffff, v1  }
.LBB1_3:
0x31: {  	v1 =	vld [tilespmem:s18+$0x0];
	p1 =	sne.s32 s17, $0x1FC;
	[tilespmem:s15+$0x0 ss:$0x81] =	vst.msk $0xffff, v0;
	s15 =	smov.u32 s17;
	s17 =	sadd.s32 $0x4, s17  }
.Ltmp3:
0x32: {  	v0 =	vld [tilespmem:s18+$0xFFFFFFF0];
	(pc) =	sbr.rel @p1 .LBB1_3-.Ltmp3, $4  }
0x33: {  	_ = 	snop  }
0x34: {  	s15 =	sshra.s32 s15, $0x2  }
0x35: {  	s15 =	sadd.s32 s15, s16  }
0x36: {  	s18 =	sadd.s32 $0x20, s18;
	[tilespmem:s15+$0x810 ss:$0x81] =	vst.msk $0xffff, v1  }
.Ltmp4:
0x37: {  	_ = 	snop;
	(pc) =	sbr.rel .LBB1_4-.Ltmp4, $1  }
0x38: {  	_ =	sdelay $0x3  }
.LBB1_6:
0x39: {  	_ =	sfence.sel $0x180000  }
0x3a: {  	s2 =	simm.s32 $0x1;
	[bflag:$0x0] =	sbarrier.arrive $0xFFFF  }
0x3b: {  	s31 =	simm.s32 $0x2;
	[sflag:s2] =	ssyncpa.u1 $0x1  }
0x3c: {  	[sflag:s31] =	ssyncpa.u1 $0x1  }
0x3d: {  	p0 =	sne.s32 s0, $0x0;
	_ =	strace $0x9000004A  }
0x3e: {  	s0 =	sadd.s32 @!p0 $0x100000, s1;
	[bflag:$0x2] =	sbarrier.arrive $0xFFFF  }
0x3f: {  	[sflag:s0] =	ssyncadd.tile.s32 @!p0 $0x1;
	_ =	shalt  }
.Lfunc_end1:
_tile_overlayer_lowered:
.L_overlay_start_2:
0x40: {  	(tag) =	ssettag $0x2  }
0x41: {  	s0 =	rddreg [dreg:$0x0];
	s2 =	stileid.u32  }
0x42: {  	s1 =	rddreg [dreg:$0x1];
	p0 =	sne.s32 s2, $0x0  }
0x43: {  	s3 =	rddreg [dreg:$0x2];
	[bflag:$0x3] =	sbarrier.arrive $0xFFFF;
	s2 =	simm.s32 @!p0 $0x1C01  }
0x44: {  	[timem:s3], [sflag:s2] =	dma.local @!p0 [hbm:s0], s1  }
0x45: {  	s0 =	simm.s32 @!p0 $0x1  }
0x46: {  	_ =	swait.ge @!p0 [sflag:s0], s1  }
0x47: {  	s1 =	ssub.s32 @!p0 $0x0, s1;
	[sflag:s0] =	ssyncset.done @!p0 $0x0  }
0x48: {  	[sflag:s0] =	ssyncadd.s32 @!p0 s1  }
0x49: {  	[bflag:$0x3] =	sbarrier.arrive $0xFFFF  }
0x4a: {  	_ =	shalt  }

</sc_bundles>
